<compile_context>
chip_gen: v7x
topology: tpu7x:2x2x1
jax: 0.10.2.dev20260603
libtpu: 0.0.44.dev20260713+nightly
codegen_flags: <defaults>
</compile_context>

<pallas_src>
import jax
import jax.numpy as jnp
from jax import lax
from jax.experimental import pallas as pl
from jax.experimental.pallas import tpu as pltpu
from jax.experimental.pallas import tpu_sc as plsc

NC = 2
NS = 16
L = 16
NW = NC * NS
BATCH = 16384
BPW = BATCH // NW
D = 32
CHUNK = 128
NCHUNK = BPW // CHUNK
GPC = CHUNK // L


def _body(x_hbm, w_hbm, h_hbm, out_hbm,
          xv, ub, vb, res, sem_u, sem_v):
    cid = lax.axis_index("c")
    sid = lax.axis_index("s")
    wid = sid * NC + cid
    base = wid * BPW

    pltpu.sync_copy(x_hbm.at[pl.ds(base * 2, BPW * 2)], xv)

    def fire(k, s):
        def issue16(j, _):
            i0 = k * CHUNK + j * L
            a = xv[pl.ds(2 * i0, L)]
            b = xv[pl.ds(2 * i0 + L, L)]
            for t in range(L // 2):
                r = j * L + t
                pltpu.async_copy(w_hbm.at[pl.ds(a[2 * t], 1)],
                                 ub.at[s, pl.ds(r, 1)], sem_u)
                pltpu.async_copy(h_hbm.at[pl.ds(a[2 * t + 1], 1)],
                                 vb.at[s, pl.ds(r, 1)], sem_v)
            for t in range(L // 2):
                r = j * L + L // 2 + t
                pltpu.async_copy(w_hbm.at[pl.ds(b[2 * t], 1)],
                                 ub.at[s, pl.ds(r, 1)], sem_u)
                pltpu.async_copy(h_hbm.at[pl.ds(b[2 * t + 1], 1)],
                                 vb.at[s, pl.ds(r, 1)], sem_v)
            return 0

        lax.fori_loop(0, CHUNK // L, issue16, 0)

    def drain(s):
        pltpu.make_async_copy(w_hbm.at[pl.ds(0, CHUNK)], ub.at[s],
                              sem_u).wait()
        pltpu.make_async_copy(h_hbm.at[pl.ds(0, CHUNK)], vb.at[s],
                              sem_v).wait()

    lanes = lax.iota(jnp.int32, L)

    def compute(k, s):
        def group(g, _):
            row = jnp.full((L,), g * L, jnp.int32) + lanes

            def col(c, acc):
                cv = (jnp.full((L,), c, jnp.int32) + lanes) & (D - 1)
                u = plsc.load_gather(ub.at[s], [row, cv])
                v = plsc.load_gather(vb.at[s], [row, cv])
                return acc + u * v

            acc = lax.fori_loop(0, D, col, jnp.zeros((L,), jnp.float32),
                                unroll=4)
            res[pl.ds((k * GPC + g) * L, L)] = 1.0 / (1.0 + jnp.exp(-acc))
            return 0

        lax.fori_loop(0, GPC, group, 0)

    fire(0, 0)
    for k in range(NCHUNK):
        s = k % 2
        drain(s)
        if k + 1 < NCHUNK:
            fire(k + 1, (k + 1) % 2)
        compute(k, s)

    pltpu.sync_copy(res, out_hbm.at[pl.ds(base, BPW)])


@jax.jit
def kernel(x, W, H):
    mesh = plsc.VectorSubcoreMesh(
        core_axis_name="c", subcore_axis_name="s",
        num_cores=NC, num_subcores=NS)
    run = pl.kernel(
        _body,
        out_type=jax.ShapeDtypeStruct((BATCH,), jnp.float32),
        mesh=mesh,
        compiler_params=pltpu.CompilerParams(
            needs_layout_passes=False, use_tc_tiling_on_sc=True),
        scratch_types=[
            pltpu.VMEM((BPW * 2,), jnp.int32),
            pltpu.VMEM((2, CHUNK, D), jnp.float32),
            pltpu.VMEM((2, CHUNK, D), jnp.float32),
            pltpu.VMEM((BPW,), jnp.float32),
            pltpu.SemaphoreType.DMA,
            pltpu.SemaphoreType.DMA,
        ],
    )
    return run(x.reshape(-1), W, H)

# --- scband reference (transcript-rebuilt; emitter-appended) ---
"""Pipeline reference for scband-mf-ips-v2-17652315586952 (READ-ONLY COPY).

The authoritative reference and input builder live on the scoring server;
editing this copy changes nothing except your own understanding.
"""

import jax, jax.numpy as jnp
import numpy as np

NUM_USERS = 1000000
NUM_ITEMS = 1000000
EMBED_K = 32
BATCH = 16384

def setup_inputs(seed: int = 0) -> dict:
    key = jax.random.key(seed)
    k_x, k_w, k_h = jax.random.split(key, 3)
    x = jax.random.randint(k_x, (BATCH, 2), 0, NUM_USERS, dtype=jnp.int64) if jax.config.read('jax_enable_x64') else jax.random.randint(k_x, (BATCH, 2), 0, NUM_USERS, dtype=jnp.int32)
    W = jax.random.normal(k_w, (NUM_USERS, EMBED_K), dtype=jnp.float32)
    H = jax.random.normal(k_h, (NUM_ITEMS, EMBED_K), dtype=jnp.float32)
    return {"x": x, "W": W, "H": H}

def reference(x, W, H):
    # MF_IPS_V2.predict -> MF_BaseModel.forward:
    #   U_emb = W[user_idx]; V_emb = H[item_idx]
    #   out = sigmoid(sum(U_emb * V_emb, dim=1))
    user_idx = x[:, 0]
    item_idx = x[:, 1]
    U_emb = jnp.take(W, user_idx, axis=0)
    V_emb = jnp.take(H, item_idx, axis=0)
    out = jax.nn.sigmoid(jnp.sum(U_emb * V_emb, axis=1))
    return out

if __name__ == "__main__":
    import jax
    _d = setup_inputs()
    print(jax.jit(kernel)(*tuple(_d.values())))

</pallas_src>

<mosaic_0001>
#map = affine_map<(d0, d1) -> (0)>
#map1 = affine_map<(d0, d1) -> (0, 0)>
module attributes {stable_mosaic.version = 14 : i64} {
  func.func @_body(%arg0: i32, %arg1: i32, %arg2: memref<32768xi32, #tpu.memory_space<hbm>>, %arg3: memref<1000000x32xf32, #tpu.memory_space<hbm>>, %arg4: memref<1000000x32xf32, #tpu.memory_space<hbm>>, %arg5: memref<16384xf32, #tpu.memory_space<hbm>>, %arg6: memref<1024xi32, #tpu.memory_space<vmem>>, %arg7: memref<2x128x32xf32, #tpu.memory_space<vmem>>, %arg8: memref<2x128x32xf32, #tpu.memory_space<vmem>>, %arg9: memref<512xf32, #tpu.memory_space<vmem>>, %arg10: memref<!tpu.dma_semaphore, #tpu.memory_space<semaphore_mem>>, %arg11: memref<!tpu.dma_semaphore, #tpu.memory_space<semaphore_mem>>) attributes {dimension_semantics = [#tpu.dimension_semantics<core_parallel>, #tpu.dimension_semantics<subcore_parallel>], iteration_bounds = array<i64: 2, 16>, scalar_prefetch = 0 : i64, scratch_operands = 6 : i64, tpu.core_type = #tpu.core_type<sc_vector_subcore>, window_params = [{transform_indices = #map}, {transform_indices = #map1}, {transform_indices = #map1}, {transform_indices = #map}]} {
    %mul3A = arith.constant 2 : i32
    %mul3A_0 = arith.muli %arg1, %mul3A : i32
    %add3A = arith.addi %mul3A_0, %arg0 : i32
    %mul3A_1 = arith.constant 512 : i32
    %mul3A_2 = arith.muli %add3A, %mul3A_1 : i32
    %mul3A_3 = arith.constant 2 : i32
    %mul3A_4 = arith.muli %mul3A_2, %mul3A_3 : i32
    "tpu.region"() ({
      %run_scoped3A = tpu.sem_alloc : memref<!tpu.dma_semaphore, #tpu.memory_space<semaphore_mem>>
      %dma_start3A = tpu.memref_slice %arg2[%mul3A_4] : memref<32768xi32, #tpu.memory_space<hbm>> -> memref<1024xi32, #tpu.memory_space<hbm>>
      %dma_start3A_179 = tpu.memref_slice %arg2[%mul3A_4] : memref<32768xi32, #tpu.memory_space<hbm>> -> memref<1024xi32, #tpu.memory_space<hbm>>
      tpu.enqueue_dma source(%dma_start3A_179 : memref<1024xi32, #tpu.memory_space<hbm>>) target(%arg6 : memref<1024xi32, #tpu.memory_space<vmem>>) target_semaphore(%run_scoped3A : memref<!tpu.dma_semaphore, #tpu.memory_space<semaphore_mem>>)
      %dma_wait3A_180 = tpu.memref_slice %arg2[%mul3A_4] : memref<32768xi32, #tpu.memory_space<hbm>> -> memref<1024xi32, #tpu.memory_space<hbm>>
      %dma_wait3A_181 = tpu.memref_slice %arg2[%mul3A_4] : memref<32768xi32, #tpu.memory_space<hbm>> -> memref<1024xi32, #tpu.memory_space<hbm>>
      tpu.wait_dma2 semaphore(%run_scoped3A : memref<!tpu.dma_semaphore, #tpu.memory_space<semaphore_mem>>) src(%dma_wait3A_181 : memref<1024xi32, #tpu.memory_space<hbm>>) dst(%arg6 : memref<1024xi32, #tpu.memory_space<vmem>>)
      tpu.yield
    }) : () -> ()
    %iota3A = tpu.iota {dimensions = array<i32: 0>} : vector<16xi32>
    %scan3A = arith.constant 0 : i32
    %scan3A_5 = arith.constant 0 : i32
    %scan3A_6 = arith.constant 8 : i32
    %scan3A_7 = arith.addi %scan3A_5, %scan3A_6 : i32
    %scan3A_8 = arith.constant 1 : i32
    %scan3A_9 = scf.for %scan3A_179 = %scan3A_5 to %scan3A_7 step %scan3A_8 iter_args(%scan3A_180 = %scan3A) -> (i32)  : i32 {
      %mul3A_181 = arith.constant 16 : i32
      %mul3A_182 = arith.muli %scan3A_179, %mul3A_181 : i32
      %add3A_183 = arith.constant 0 : i32
      %add3A_184 = arith.addi %add3A_183, %mul3A_182 : i32
      %mul3A_185 = arith.constant 2 : i32
      %mul3A_186 = arith.muli %mul3A_185, %add3A_184 : i32
      %get3A = arith.index_cast %mul3A_186 : i32 to index
      %get3A_187 = tpu.vector_load %arg6[%get3A] {strides = array<i32>} : memref<1024xi32, #tpu.memory_space<vmem>>, vector<16xi32>,
      %mul3A_188 = arith.constant 2 : i32
      %mul3A_189 = arith.muli %mul3A_188, %add3A_184 : i32
      %add3A_190 = arith.constant 16 : i32
      %add3A_191 = arith.addi %mul3A_189, %add3A_190 : i32
      %get3A_192 = arith.index_cast %add3A_191 : i32 to index
      %get3A_193 = tpu.vector_load %arg6[%get3A_192] {strides = array<i32>} : memref<1024xi32, #tpu.memory_space<vmem>>, vector<16xi32>,
      %mul3A_194 = arith.constant 16 : i32
      %mul3A_195 = arith.muli %scan3A_179, %mul3A_194 : i32
      %add3A_196 = arith.constant 0 : i32
      %add3A_197 = arith.addi %mul3A_195, %add3A_196 : i32
      %slice3A = vector.extract_strided_slice %get3A_187 {offsets = [0], sizes = [1], strides = [1]} : vector<16xi32> to vector<1xi32>
      %squeeze3A = vector.extract %slice3A[0] : i32 from vector<1xi32>
      %dma_start3A = arith.constant 0 : i32
      %dma_start3A_198 = arith.constant 0 : i32
      %dma_start3A_199 = tpu.memref_slice %arg7[%dma_start3A, %add3A_197, %dma_start3A_198] : memref<2x128x32xf32, #tpu.memory_space<vmem>> -> memref<1x1x32xf32, #tpu.memory_space<vmem>>
      %dma_start3A_200 = tpu.memref_squeeze %dma_start3A_199 : memref<1x1x32xf32, #tpu.memory_space<vmem>> -> memref<1x32xf32, #tpu.memory_space<vmem>>
      %dma_start3A_201 = arith.constant 0 : i32
      %dma_start3A_202 = tpu.memref_slice %arg3[%squeeze3A, %dma_start3A_201] : memref<1000000x32xf32, #tpu.memory_space<hbm>> -> memref<1x32xf32, #tpu.memory_space<hbm>>
      %dma_start3A_203 = arith.constant 0 : i32
      %dma_start3A_204 = tpu.memref_slice %arg7[%dma_start3A, %add3A_197, %dma_start3A_203] : memref<2x128x32xf32, #tpu.memory_space<vmem>> -> memref<1x1x32xf32, #tpu.memory_space<vmem>>
      %dma_start3A_205 = tpu.memref_squeeze %dma_start3A_204 : memref<1x1x32xf32, #tpu.memory_space<vmem>> -> memref<1x32xf32, #tpu.memory_space<vmem>>
      %dma_start3A_206 = arith.constant 0 : i32
      %dma_start3A_207 = tpu.memref_slice %arg3[%squeeze3A, %dma_start3A_206] : memref<1000000x32xf32, #tpu.memory_space<hbm>> -> memref<1x32xf32, #tpu.memory_space<hbm>>
      tpu.enqueue_dma source(%dma_start3A_207 : memref<1x32xf32, #tpu.memory_space<hbm>>) target(%dma_start3A_205 : memref<1x32xf32, #tpu.memory_space<vmem>>) target_semaphore(%arg10 : memref<!tpu.dma_semaphore, #tpu.memory_space<semaphore_mem>>)
      %slice3A_208 = vector.extract_strided_slice %get3A_187 {offsets = [1], sizes = [1], strides = [1]} : vector<16xi32> to vector<1xi32>
      %squeeze3A_209 = vector.extract %slice3A_208[0] : i32 from vector<1xi32>
      %dma_start3A_210 = arith.constant 0 : i32
      %dma_start3A_211 = arith.constant 0 : i32
      %dma_start3A_212 = tpu.memref_slice %arg8[%dma_start3A_210, %add3A_197, %dma_start3A_211] : memref<2x128x32xf32, #tpu.memory_space<vmem>> -> memref<1x1x32xf32, #tpu.memory_space<vmem>>
      %dma_start3A_213 = tpu.memref_squeeze %dma_start3A_212 : memref<1x1x32xf32, #tpu.memory_space<vmem>> -> memref<1x32xf32, #tpu.memory_space<vmem>>
      %dma_start3A_214 = arith.constant 0 : i32
      %dma_start3A_215 = tpu.memref_slice %arg4[%squeeze3A_209, %dma_start3A_214] : memref<1000000x32xf32, #tpu.memory_space<hbm>> -> memref<1x32xf32, #tpu.memory_space<hbm>>
      %dma_start3A_216 = arith.constant 0 : i32
      %dma_start3A_217 = tpu.memref_slice %arg8[%dma_start3A_210, %add3A_197, %dma_start3A_216] : memref<2x128x32xf32, #tpu.memory_space<vmem>> -> memref<1x1x32xf32, #tpu.memory_space<vmem>>
      %dma_start3A_218 = tpu.memref_squeeze %dma_start3A_217 : memref<1x1x32xf32, #tpu.memory_space<vmem>> -> memref<1x32xf32, #tpu.memory_space<vmem>>
      %dma_start3A_219 = arith.constant 0 : i32
      %dma_start3A_220 = tpu.memref_slice %arg4[%squeeze3A_209, %dma_start3A_219] : memref<1000000x32xf32, #tpu.memory_space<hbm>> -> memref<1x32xf32, #tpu.memory_space<hbm>>
      tpu.enqueue_dma source(%dma_start3A_220 : memref<1x32xf32, #tpu.memory_space<hbm>>) target(%dma_start3A_218 : memref<1x32xf32, #tpu.memory_space<vmem>>) target_semaphore(%arg11 : memref<!tpu.dma_semaphore, #tpu.memory_space<semaphore_mem>>)
      %mul3A_221 = arith.constant 16 : i32
      %mul3A_222 = arith.muli %scan3A_179, %mul3A_221 : i32
      %add3A_223 = arith.constant 1 : i32
      %add3A_224 = arith.addi %mul3A_222, %add3A_223 : i32
      %slice3A_225 = vector.extract_strided_slice %get3A_187 {offsets = [2], sizes = [1], strides = [1]} : vector<16xi32> to vector<1xi32>
      %squeeze3A_226 = vector.extract %slice3A_225[0] : i32 from vector<1xi32>
      %dma_start3A_227 = arith.constant 0 : i32
      %dma_start3A_228 = arith.constant 0 : i32
      %dma_start3A_229 = tpu.memref_slice %arg7[%dma_start3A_227, %add3A_224, %dma_start3A_228] : memref<2x128x32xf32, #tpu.memory_space<vmem>> -> memref<1x1x32xf32, #tpu.memory_space<vmem>>
      %dma_start3A_230 = tpu.memref_squeeze %dma_start3A_229 : memref<1x1x32xf32, #tpu.memory_space<vmem>> -> memref<1x32xf32, #tpu.memory_space<vmem>>
      %dma_start3A_231 = arith.constant 0 : i32
      %dma_start3A_232 = tpu.memref_slice %arg3[%squeeze3A_226, %dma_start3A_231] : memref<1000000x32xf32, #tpu.memory_space<hbm>> -> memref<1x32xf32, #tpu.memory_space<hbm>>
      %dma_start3A_233 = arith.constant 0 : i32
      %dma_start3A_234 = tpu.memref_slice %arg7[%dma_start3A_227, %add3A_224, %dma_start3A_233] : memref<2x128x32xf32, #tpu.memory_space<vmem>> -> memref<1x1x32xf32, #tpu.memory_space<vmem>>
      %dma_start3A_235 = tpu.memref_squeeze %dma_start3A_234 : memref<1x1x32xf32, #tpu.memory_space<vmem>> -> memref<1x32xf32, #tpu.memory_space<vmem>>
      %dma_start3A_236 = arith.constant 0 : i32
      %dma_start3A_237 = tpu.memref_slice %arg3[%squeeze3A_226, %dma_start3A_236] : memref<1000000x32xf32, #tpu.memory_space<hbm>> -> memref<1x32xf32, #tpu.memory_space<hbm>>
      tpu.enqueue_dma source(%dma_start3A_237 : memref<1x32xf32, #tpu.memory_space<hbm>>) target(%dma_start3A_235 : memref<1x32xf32, #tpu.memory_space<vmem>>) target_semaphore(%arg10 : memref<!tpu.dma_semaphore, #tpu.memory_space<semaphore_mem>>)
      %slice3A_238 = vector.extract_strided_slice %get3A_187 {offsets = [3], sizes = [1], strides = [1]} : vector<16xi32> to vector<1xi32>
      %squeeze3A_239 = vector.extract %slice3A_238[0] : i32 from vector<1xi32>
      %dma_start3A_240 = arith.constant 0 : i32
      %dma_start3A_241 = arith.constant 0 : i32
      %dma_start3A_242 = tpu.memref_slice %arg8[%dma_start3A_240, %add3A_224, %dma_start3A_241] : memref<2x128x32xf32, #tpu.memory_space<vmem>> -> memref<1x1x32xf32, #tpu.memory_space<vmem>>
      %dma_start3A_243 = tpu.memref_squeeze %dma_start3A_242 : memref<1x1x32xf32, #tpu.memory_space<vmem>> -> memref<1x32xf32, #tpu.memory_space<vmem>>
      %dma_start3A_244 = arith.constant 0 : i32
      %dma_start3A_245 = tpu.memref_slice %arg4[%squeeze3A_239, %dma_start3A_244] : memref<1000000x32xf32, #tpu.memory_space<hbm>> -> memref<1x32xf32, #tpu.memory_space<hbm>>
      %dma_start3A_246 = arith.constant 0 : i32
      %dma_start3A_247 = tpu.memref_slice %arg8[%dma_start3A_240, %add3A_224, %dma_start3A_246] : memref<2x128x32xf32, #tpu.memory_space<vmem>> -> memref<1x1x32xf32, #tpu.memory_space<vmem>>
      %dma_start3A_248 = tpu.memref_squeeze %dma_start3A_247 : memref<1x1x32xf32, #tpu.memory_space<vmem>> -> memref<1x32xf32, #tpu.memory_space<vmem>>
      %dma_start3A_249 = arith.constant 0 : i32
      %dma_start3A_250 = tpu.memref_slice %arg4[%squeeze3A_239, %dma_start3A_249] : memref<1000000x32xf32, #tpu.memory_space<hbm>> -> memref<1x32xf32, #tpu.memory_space<hbm>>
      tpu.enqueue_dma source(%dma_start3A_250 : memref<1x32xf32, #tpu.memory_space<hbm>>) target(%dma_start3A_248 : memref<1x32xf32, #tpu.memory_space<vmem>>) target_semaphore(%arg11 : memref<!tpu.dma_semaphore, #tpu.memory_space<semaphore_mem>>)
      %mul3A_251 = arith.constant 16 : i32
      %mul3A_252 = arith.muli %scan3A_179, %mul3A_251 : i32
      %add3A_253 = arith.constant 2 : i32
      %add3A_254 = arith.addi %mul3A_252, %add3A_253 : i32
      %slice3A_255 = vector.extract_strided_slice %get3A_187 {offsets = [4], sizes = [1], strides = [1]} : vector<16xi32> to vector<1xi32>
      %squeeze3A_256 = vector.extract %slice3A_255[0] : i32 from vector<1xi32>
      %dma_start3A_257 = arith.constant 0 : i32
      %dma_start3A_258 = arith.constant 0 : i32
      %dma_start3A_259 = tpu.memref_slice %arg7[%dma_start3A_257, %add3A_254, %dma_start3A_258] : memref<2x128x32xf32, #tpu.memory_space<vmem>> -> memref<1x1x32xf32, #tpu.memory_space<vmem>>
      %dma_start3A_260 = tpu.memref_squeeze %dma_start3A_259 : memref<1x1x32xf32, #tpu.memory_space<vmem>> -> memref<1x32xf32, #tpu.memory_space<vmem>>
      %dma_start3A_261 = arith.constant 0 : i32
      %dma_start3A_262 = tpu.memref_slice %arg3[%squeeze3A_256, %dma_start3A_261] : memref<1000000x32xf32, #tpu.memory_space<hbm>> -> memref<1x32xf32, #tpu.memory_space<hbm>>
      %dma_start3A_263 = arith.constant 0 : i32
      %dma_start3A_264 = tpu.memref_slice %arg7[%dma_start3A_257, %add3A_254, %dma_start3A_263] : memref<2x128x32xf32, #tpu.memory_space<vmem>> -> memref<1x1x32xf32, #tpu.memory_space<vmem>>
      %dma_start3A_265 = tpu.memref_squeeze %dma_start3A_264 : memref<1x1x32xf32, #tpu.memory_space<vmem>> -> memref<1x32xf32, #tpu.memory_space<vmem>>
      %dma_start3A_266 = arith.constant 0 : i32
      %dma_start3A_267 = tpu.memref_slice %arg3[%squeeze3A_256, %dma_start3A_266] : memref<1000000x32xf32, #tpu.memory_space<hbm>> -> memref<1x32xf32, #tpu.memory_space<hbm>>
      tpu.enqueue_dma source(%dma_start3A_267 : memref<1x32xf32, #tpu.memory_space<hbm>>) target(%dma_start3A_265 : memref<1x32xf32, #tpu.memory_space<vmem>>) target_semaphore(%arg10 : memref<!tpu.dma_semaphore, #tpu.memory_space<semaphore_mem>>)
      %slice3A_268 = vector.extract_strided_slice %get3A_187 {offsets = [5], sizes = [1], strides = [1]} : vector<16xi32> to vector<1xi32>
      %squeeze3A_269 = vector.extract %slice3A_268[0] : i32 from vector<1xi32>
      %dma_start3A_270 = arith.constant 0 : i32
      %dma_start3A_271 = arith.constant 0 : i32
      %dma_start3A_272 = tpu.memref_slice %arg8[%dma_start3A_270, %add3A_254, %dma_start3A_271] : memref<2x128x32xf32, #tpu.memory_space<vmem>> -> memref<1x1x32xf32, #tpu.memory_space<vmem>>
      %dma_start3A_273 = tpu.memref_squeeze %dma_start3A_272 : memref<1x1x32xf32, #tpu.memory_space<vmem>> -> memref<1x32xf32, #tpu.memory_space<vmem>>
      %dma_start3A_274 = arith.constant 0 : i32
      %dma_start3A_275 = tpu.memref_slice %arg4[%squeeze3A_269, %dma_start3A_274] : memref<1000000x32xf32, #tpu.memory_space<hbm>> -> memref<1x32xf32, #tpu.memory_space<hbm>>
      %dma_start3A_276 = arith.constant 0 : i32
      %dma_start3A_277 = tpu.memref_slice %arg8[%dma_start3A_270, %add3A_254, %dma_start3A_276] : memref<2x128x32xf32, #tpu.memory_space<vmem>> -> memref<1x1x32xf32, #tpu.memory_space<vmem>>
      %dma_start3A_278 = tpu.memref_squeeze %dma_start3A_277 : memref<1x1x32xf32, #tpu.memory_space<vmem>> -> memref<1x32xf32, #tpu.memory_space<vmem>>
      %dma_start3A_279 = arith.constant 0 : i32
      %dma_start3A_280 = tpu.memref_slice %arg4[%squeeze3A_269, %dma_start3A_279] : memref<1000000x32xf32, #tpu.memory_space<hbm>> -> memref<1x32xf32, #tpu.memory_space<hbm>>
      tpu.enqueue_dma source(%dma_start3A_280 : memref<1x32xf32, #tpu.memory_space<hbm>>) target(%dma_start3A_278 : memref<1x32xf32, #tpu.memory_space<vmem>>) target_semaphore(%arg11 : memref<!tpu.dma_semaphore, #tpu.memory_space<semaphore_mem>>)
      %mul3A_281 = arith.constant 16 : i32
      %mul3A_282 = arith.muli %scan3A_179, %mul3A_281 : i32
      %add3A_283 = arith.constant 3 : i32
      %add3A_284 = arith.addi %mul3A_282, %add3A_283 : i32
      %slice3A_285 = vector.extract_strided_slice %get3A_187 {offsets = [6], sizes = [1], strides = [1]} : vector<16xi32> to vector<1xi32>
      %squeeze3A_286 = vector.extract %slice3A_285[0] : i32 from vector<1xi32>
      %dma_start3A_287 = arith.constant 0 : i32
      %dma_start3A_288 = arith.constant 0 : i32
      %dma_start3A_289 = tpu.memref_slice %arg7[%dma_start3A_287, %add3A_284, %dma_start3A_288] : memref<2x128x32xf32, #tpu.memory_space<vmem>> -> memref<1x1x32xf32, #tpu.memory_space<vmem>>
      %dma_start3A_290 = tpu.memref_squeeze %dma_start3A_289 : memref<1x1x32xf32, #tpu.memory_space<vmem>> -> memref<1x32xf32, #tpu.memory_space<vmem>>
      %dma_start3A_291 = arith.constant 0 : i32
      %dma_start3A_292 = tpu.memref_slice %arg3[%squeeze3A_286, %dma_start3A_291] : memref<1000000x32xf32, #tpu.memory_space<hbm>> -> memref<1x32xf32, #tpu.memory_space<hbm>>
      %dma_start3A_293 = arith.constant 0 : i32
      %dma_start3A_294 = tpu.memref_slice %arg7[%dma_start3A_287, %add3A_284, %dma_start3A_293] : memref<2x128x32xf32, #tpu.memory_space<vmem>> -> memref<1x1x32xf32, #tpu.memory_space<vmem>>
      %dma_start3A_295 = tpu.memref_squeeze %dma_start3A_294 : memref<1x1x32xf32, #tpu.memory_space<vmem>> -> memref<1x32xf32, #tpu.memory_space<vmem>>
      %dma_start3A_296 = arith.constant 0 : i32
      %dma_start3A_297 = tpu.memref_slice %arg3[%squeeze3A_286, %dma_start3A_296] : memref<1000000x32xf32, #tpu.memory_space<hbm>> -> memref<1x32xf32, #tpu.memory_space<hbm>>
      tpu.enqueue_dma source(%dma_start3A_297 : memref<1x32xf32, #tpu.memory_space<hbm>>) target(%dma_start3A_295 : memref<1x32xf32, #tpu.memory_space<vmem>>) target_semaphore(%arg10 : memref<!tpu.dma_semaphore, #tpu.memory_space<semaphore_mem>>)
      %slice3A_298 = vector.extract_strided_slice %get3A_187 {offsets = [7], sizes = [1], strides = [1]} : vector<16xi32> to vector<1xi32>
      %squeeze3A_299 = vector.extract %slice3A_298[0] : i32 from vector<1xi32>
      %dma_start3A_300 = arith.constant 0 : i32
      %dma_start3A_301 = arith.constant 0 : i32
      %dma_start3A_302 = tpu.memref_slice %arg8[%dma_start3A_300, %add3A_284, %dma_start3A_301] : memref<2x128x32xf32, #tpu.memory_space<vmem>> -> memref<1x1x32xf32, #tpu.memory_space<vmem>>
      %dma_start3A_303 = tpu.memref_squeeze %dma_start3A_302 : memref<1x1x32xf32, #tpu.memory_space<vmem>> -> memref<1x32xf32, #tpu.memory_space<vmem>>
      %dma_start3A_304 = arith.constant 0 : i32
      %dma_start3A_305 = tpu.memref_slice %arg4[%squeeze3A_299, %dma_start3A_304] : memref<1000000x32xf32, #tpu.memory_space<hbm>> -> memref<1x32xf32, #tpu.memory_space<hbm>>
      %dma_start3A_306 = arith.constant 0 : i32
      %dma_start3A_307 = tpu.memref_slice %arg8[%dma_start3A_300, %add3A_284, %dma_start3A_306] : memref<2x128x32xf32, #tpu.memory_space<vmem>> -> memref<1x1x32xf32, #tpu.memory_space<vmem>>
      %dma_start3A_308 = tpu.memref_squeeze %dma_start3A_307 : memref<1x1x32xf32, #tpu.memory_space<vmem>> -> memref<1x32xf32, #tpu.memory_space<vmem>>
      %dma_start3A_309 = arith.constant 0 : i32
      %dma_start3A_310 = tpu.memref_slice %arg4[%squeeze3A_299, %dma_start3A_309] : memref<1000000x32xf32, #tpu.memory_space<hbm>> -> memref<1x32xf32, #tpu.memory_space<hbm>>
      tpu.enqueue_dma source(%dma_start3A_310 : memref<1x32xf32, #tpu.memory_space<hbm>>) target(%dma_start3A_308 : memref<1x32xf32, #tpu.memory_space<vmem>>) target_semaphore(%arg11 : memref<!tpu.dma_semaphore, #tpu.memory_space<semaphore_mem>>)
      %mul3A_311 = arith.constant 16 : i32
      %mul3A_312 = arith.muli %scan3A_179, %mul3A_311 : i32
      %add3A_313 = arith.constant 4 : i32
      %add3A_314 = arith.addi %mul3A_312, %add3A_313 : i32
      %slice3A_315 = vector.extract_strided_slice %get3A_187 {offsets = [8], sizes = [1], strides = [1]} : vector<16xi32> to vector<1xi32>
      %squeeze3A_316 = vector.extract %slice3A_315[0] : i32 from vector<1xi32>
      %dma_start3A_317 = arith.constant 0 : i32
      %dma_start3A_318 = arith.constant 0 : i32
      %dma_start3A_319 = tpu.memref_slice %arg7[%dma_start3A_317, %add3A_314, %dma_start3A_318] : memref<2x128x32xf32, #tpu.memory_space<vmem>> -> memref<1x1x32xf32, #tpu.memory_space<vmem>>
      %dma_start3A_320 = tpu.memref_squeeze %dma_start3A_319 : memref<1x1x32xf32, #tpu.memory_space<vmem>> -> memref<1x32xf32, #tpu.memory_space<vmem>>
      %dma_start3A_321 = arith.constant 0 : i32
      %dma_start3A_322 = tpu.memref_slice %arg3[%squeeze3A_316, %dma_start3A_321] : memref<1000000x32xf32, #tpu.memory_space<hbm>> -> memref<1x32xf32, #tpu.memory_space<hbm>>
      %dma_start3A_323 = arith.constant 0 : i32
      %dma_start3A_324 = tpu.memref_slice %arg7[%dma_start3A_317, %add3A_314, %dma_start3A_323] : memref<2x128x32xf32, #tpu.memory_space<vmem>> -> memref<1x1x32xf32, #tpu.memory_space<vmem>>
      %dma_start3A_325 = tpu.memref_squeeze %dma_start3A_324 : memref<1x1x32xf32, #tpu.memory_space<vmem>> -> memref<1x32xf32, #tpu.memory_space<vmem>>
      %dma_start3A_326 = arith.constant 0 : i32
      %dma_start3A_327 = tpu.memref_slice %arg3[%squeeze3A_316, %dma_start3A_326] : memref<1000000x32xf32, #tpu.memory_space<hbm>> -> memref<1x32xf32, #tpu.memory_space<hbm>>
      tpu.enqueue_dma source(%dma_start3A_327 : memref<1x32xf32, #tpu.memory_space<hbm>>) target(%dma_start3A_325 : memref<1x32xf32, #tpu.memory_space<vmem>>) target_semaphore(%arg10 : memref<!tpu.dma_semaphore, #tpu.memory_space<semaphore_mem>>)
      %slice3A_328 = vector.extract_strided_slice %get3A_187 {offsets = [9], sizes = [1], strides = [1]} : vector<16xi32> to vector<1xi32>
      %squeeze3A_329 = vector.extract %slice3A_328[0] : i32 from vector<1xi32>
      %dma_start3A_330 = arith.constant 0 : i32
      %dma_start3A_331 = arith.constant 0 : i32
      %dma_start3A_332 = tpu.memref_slice %arg8[%dma_start3A_330, %add3A_314, %dma_start3A_331] : memref<2x128x32xf32, #tpu.memory_space<vmem>> -> memref<1x1x32xf32, #tpu.memory_space<vmem>>
      %dma_start3A_333 = tpu.memref_squeeze %dma_start3A_332 : memref<1x1x32xf32, #tpu.memory_space<vmem>> -> memref<1x32xf32, #tpu.memory_space<vmem>>
      %dma_start3A_334 = arith.constant 0 : i32
      %dma_start3A_335 = tpu.memref_slice %arg4[%squeeze3A_329, %dma_start3A_334] : memref<1000000x32xf32, #tpu.memory_space<hbm>> -> memref<1x32xf32, #tpu.memory_space<hbm>>
      %dma_start3A_336 = arith.constant 0 : i32
      %dma_start3A_337 = tpu.memref_slice %arg8[%dma_start3A_330, %add3A_314, %dma_start3A_336] : memref<2x128x32xf32, #tpu.memory_space<vmem>> -> memref<1x1x32xf32, #tpu.memory_space<vmem>>
      %dma_start3A_338 = tpu.memref_squeeze %dma_start3A_337 : memref<1x1x32xf32, #tpu.memory_space<vmem>> -> memref<1x32xf32, #tpu.memory_space<vmem>>
      %dma_start3A_339 = arith.constant 0 : i32
      %dma_start3A_340 = tpu.memref_slice %arg4[%squeeze3A_329, %dma_start3A_339] : memref<1000000x32xf32, #tpu.memory_space<hbm>> -> memref<1x32xf32, #tpu.memory_space<hbm>>
      tpu.enqueue_dma source(%dma_start3A_340 : memref<1x32xf32, #tpu.memory_space<hbm>>) target(%dma_start3A_338 : memref<1x32xf32, #tpu.memory_space<vmem>>) target_semaphore(%arg11 : memref<!tpu.dma_semaphore, #tpu.memory_space<semaphore_mem>>)
      %mul3A_341 = arith.constant 16 : i32
      %mul3A_342 = arith.muli %scan3A_179, %mul3A_341 : i32
      %add3A_343 = arith.constant 5 : i32
      %add3A_344 = arith.addi %mul3A_342, %add3A_343 : i32
      %slice3A_345 = vector.extract_strided_slice %get3A_187 {offsets = [10], sizes = [1], strides = [1]} : vector<16xi32> to vector<1xi32>
      %squeeze3A_346 = vector.extract %slice3A_345[0] : i32 from vector<1xi32>
      %dma_start3A_347 = arith.constant 0 : i32
      %dma_start3A_348 = arith.constant 0 : i32
      %dma_start3A_349 = tpu.memref_slice %arg7[%dma_start3A_347, %add3A_344, %dma_start3A_348] : memref<2x128x32xf32, #tpu.memory_space<vmem>> -> memref<1x1x32xf32, #tpu.memory_space<vmem>>
      %dma_start3A_350 = tpu.memref_squeeze %dma_start3A_349 : memref<1x1x32xf32, #tpu.memory_space<vmem>> -> memref<1x32xf32, #tpu.memory_space<vmem>>
      %dma_start3A_351 = arith.constant 0 : i32
      %dma_start3A_352 = tpu.memref_slice %arg3[%squeeze3A_346, %dma_start3A_351] : memref<1000000x32xf32, #tpu.memory_space<hbm>> -> memref<1x32xf32, #tpu.memory_space<hbm>>
      %dma_start3A_353 = arith.constant 0 : i32
      %dma_start3A_354 = tpu.memref_slice %arg7[%dma_start3A_347, %add3A_344, %dma_start3A_353] : memref<2x128x32xf32, #tpu.memory_space<vmem>> -> memref<1x1x32xf32, #tpu.memory_space<vmem>>
      %dma_start3A_355 = tpu.memref_squeeze %dma_start3A_354 : memref<1x1x32xf32, #tpu.memory_space<vmem>> -> memref<1x32xf32, #tpu.memory_space<vmem>>
      %dma_start3A_356 = arith.constant 0 : i32
      %dma_start3A_357 = tpu.memref_slice %arg3[%squeeze3A_346, %dma_start3A_356] : memref<1000000x32xf32, #tpu.memory_space<hbm>> -> memref<1x32xf32, #tpu.memory_space<hbm>>
      tpu.enqueue_dma source(%dma_start3A_357 : memref<1x32xf32, #tpu.memory_space<hbm>>) target(%dma_start3A_355 : memref<1x32xf32, #tpu.memory_space<vmem>>) target_semaphore(%arg10 : memref<!tpu.dma_semaphore, #tpu.memory_space<semaphore_mem>>)
      %slice3A_358 = vector.extract_strided_slice %get3A_187 {offsets = [11], sizes = [1], strides = [1]} : vector<16xi32> to vector<1xi32>
      %squeeze3A_359 = vector.extract %slice3A_358[0] : i32 from vector<1xi32>
      %dma_start3A_360 = arith.constant 0 : i32
      %dma_start3A_361 = arith.constant 0 : i32
      %dma_start3A_362 = tpu.memref_slice %arg8[%dma_start3A_360, %add3A_344, %dma_start3A_361] : memref<2x128x32xf32, #tpu.memory_space<vmem>> -> memref<1x1x32xf32, #tpu.memory_space<vmem>>
      %dma_start3A_363 = tpu.memref_squeeze %dma_start3A_362 : memref<1x1x32xf32, #tpu.memory_space<vmem>> -> memref<1x32xf32, #tpu.memory_space<vmem>>
      %dma_start3A_364 = arith.constant 0 : i32
      %dma_start3A_365 = tpu.memref_slice %arg4[%squeeze3A_359, %dma_start3A_364] : memref<1000000x32xf32, #tpu.memory_space<hbm>> -> memref<1x32xf32, #tpu.memory_space<hbm>>
      %dma_start3A_366 = arith.constant 0 : i32
      %dma_start3A_367 = tpu.memref_slice %arg8[%dma_start3A_360, %add3A_344, %dma_start3A_366] : memref<2x128x32xf32, #tpu.memory_space<vmem>> -> memref<1x1x32xf32, #tpu.memory_space<vmem>>
      %dma_start3A_368 = tpu.memref_squeeze %dma_start3A_367 : memref<1x1x32xf32, #tpu.memory_space<vmem>> -> memref<1x32xf32, #tpu.memory_space<vmem>>
      %dma_start3A_369 = arith.constant 0 : i32
      %dma_start3A_370 = tpu.memref_slice %arg4[%squeeze3A_359, %dma_start3A_369] : memref<1000000x32xf32, #tpu.memory_space<hbm>> -> memref<1x32xf32, #tpu.memory_space<hbm>>
      tpu.enqueue_dma source(%dma_start3A_370 : memref<1x32xf32, #tpu.memory_space<hbm>>) target(%dma_start3A_368 : memref<1x32xf32, #tpu.memory_space<vmem>>) target_semaphore(%arg11 : memref<!tpu.dma_semaphore, #tpu.memory_space<semaphore_mem>>)
      %mul3A_371 = arith.constant 16 : i32
      %mul3A_372 = arith.muli %scan3A_179, %mul3A_371 : i32
      %add3A_373 = arith.constant 6 : i32
      %add3A_374 = arith.addi %mul3A_372, %add3A_373 : i32
      %slice3A_375 = vector.extract_strided_slice %get3A_187 {offsets = [12], sizes = [1], strides = [1]} : vector<16xi32> to vector<1xi32>
      %squeeze3A_376 = vector.extract %slice3A_375[0] : i32 from vector<1xi32>
      %dma_start3A_377 = arith.constant 0 : i32
      %dma_start3A_378 = arith.constant 0 : i32
      %dma_start3A_379 = tpu.memref_slice %arg7[%dma_start3A_377, %add3A_374, %dma_start3A_378] : memref<2x128x32xf32, #tpu.memory_space<vmem>> -> memref<1x1x32xf32, #tpu.memory_space<vmem>>
      %dma_start3A_380 = tpu.memref_squeeze %dma_start3A_379 : memref<1x1x32xf32, #tpu.memory_space<vmem>> -> memref<1x32xf32, #tpu.memory_space<vmem>>
      %dma_start3A_381 = arith.constant 0 : i32
      %dma_start3A_382 = tpu.memref_slice %arg3[%squeeze3A_376, %dma_start3A_381] : memref<1000000x32xf32, #tpu.memory_space<hbm>> -> memref<1x32xf32, #tpu.memory_space<hbm>>
      %dma_start3A_383 = arith.constant 0 : i32
      %dma_start3A_384 = tpu.memref_slice %arg7[%dma_start3A_377, %add3A_374, %dma_start3A_383] : memref<2x128x32xf32, #tpu.memory_space<vmem>> -> memref<1x1x32xf32, #tpu.memory_space<vmem>>
      %dma_start3A_385 = tpu.memref_squeeze %dma_start3A_384 : memref<1x1x32xf32, #tpu.memory_space<vmem>> -> memref<1x32xf32, #tpu.memory_space<vmem>>
      %dma_start3A_386 = arith.constant 0 : i32
      %dma_start3A_387 = tpu.memref_slice %arg3[%squeeze3A_376, %dma_start3A_386] : memref<1000000x32xf32, #tpu.memory_space<hbm>> -> memref<1x32xf32, #tpu.memory_space<hbm>>
      tpu.enqueue_dma source(%dma_start3A_387 : memref<1x32xf32, #tpu.memory_space<hbm>>) target(%dma_start3A_385 : memref<1x32xf32, #tpu.memory_space<vmem>>) target_semaphore(%arg10 : memref<!tpu.dma_semaphore, #tpu.memory_space<semaphore_mem>>)
      %slice3A_388 = vector.extract_strided_slice %get3A_187 {offsets = [13], sizes = [1], strides = [1]} : vector<16xi32> to vector<1xi32>
      %squeeze3A_389 = vector.extract %slice3A_388[0] : i32 from vector<1xi32>
      %dma_start3A_390 = arith.constant 0 : i32
      %dma_start3A_391 = arith.constant 0 : i32
      %dma_start3A_392 = tpu.memref_slice %arg8[%dma_start3A_390, %add3A_374, %dma_start3A_391] : memref<2x128x32xf32, #tpu.memory_space<vmem>> -> memref<1x1x32xf32, #tpu.memory_space<vmem>>
      %dma_start3A_393 = tpu.memref_squeeze %dma_start3A_392 : memref<1x1x32xf32, #tpu.memory_space<vmem>> -> memref<1x32xf32, #tpu.memory_space<vmem>>
      %dma_start3A_394 = arith.constant 0 : i32
      %dma_start3A_395 = tpu.memref_slice %arg4[%squeeze3A_389, %dma_start3A_394] : memref<1000000x32xf32, #tpu.memory_space<hbm>> -> memref<1x32xf32, #tpu.memory_space<hbm>>
      %dma_start3A_396 = arith.constant 0 : i32
      %dma_start3A_397 = tpu.memref_slice %arg8[%dma_start3A_390, %add3A_374, %dma_start3A_396] : memref<2x128x32xf32, #tpu.memory_space<vmem>> -> memref<1x1x32xf32, #tpu.memory_space<vmem>>
      %dma_start3A_398 = tpu.memref_squeeze %dma_start3A_397 : memref<1x1x32xf32, #tpu.memory_space<vmem>> -> memref<1x32xf32, #tpu.memory_space<vmem>>
      %dma_start3A_399 = arith.constant 0 : i32
      %dma_start3A_400 = tpu.memref_slice %arg4[%squeeze3A_389, %dma_start3A_399] : memref<1000000x32xf32, #tpu.memory_space<hbm>> -> memref<1x32xf32, #tpu.memory_space<hbm>>
      tpu.enqueue_dma source(%dma_start3A_400 : memref<1x32xf32, #tpu.memory_space<hbm>>) target(%dma_start3A_398 : memref<1x32xf32, #tpu.memory_space<vmem>>) target_semaphore(%arg11 : memref<!tpu.dma_semaphore, #tpu.memory_space<semaphore_mem>>)
      %mul3A_401 = arith.constant 16 : i32
      %mul3A_402 = arith.muli %scan3A_179, %mul3A_401 : i32
      %add3A_403 = arith.constant 7 : i32
      %add3A_404 = arith.addi %mul3A_402, %add3A_403 : i32
      %slice3A_405 = vector.extract_strided_slice %get3A_187 {offsets = [14], sizes = [1], strides = [1]} : vector<16xi32> to vector<1xi32>
      %squeeze3A_406 = vector.extract %slice3A_405[0] : i32 from vector<1xi32>
      %dma_start3A_407 = arith.constant 0 : i32
      %dma_start3A_408 = arith.constant 0 : i32
      %dma_start3A_409 = tpu.memref_slice %arg7[%dma_start3A_407, %add3A_404, %dma_start3A_408] : memref<2x128x32xf32, #tpu.memory_space<vmem>> -> memref<1x1x32xf32, #tpu.memory_space<vmem>>
      %dma_start3A_410 = tpu.memref_squeeze %dma_start3A_409 : memref<1x1x32xf32, #tpu.memory_space<vmem>> -> memref<1x32xf32, #tpu.memory_space<vmem>>
      %dma_start3A_411 = arith.constant 0 : i32
      %dma_start3A_412 = tpu.memref_slice %arg3[%squeeze3A_406, %dma_start3A_411] : memref<1000000x32xf32, #tpu.memory_space<hbm>> -> memref<1x32xf32, #tpu.memory_space<hbm>>
      %dma_start3A_413 = arith.constant 0 : i32
      %dma_start3A_414 = tpu.memref_slice %arg7[%dma_start3A_407, %add3A_404, %dma_start3A_413] : memref<2x128x32xf32, #tpu.memory_space<vmem>> -> memref<1x1x32xf32, #tpu.memory_space<vmem>>
      %dma_start3A_415 = tpu.memref_squeeze %dma_start3A_414 : memref<1x1x32xf32, #tpu.memory_space<vmem>> -> memref<1x32xf32, #tpu.memory_space<vmem>>
      %dma_start3A_416 = arith.constant 0 : i32
      %dma_start3A_417 = tpu.memref_slice %arg3[%squeeze3A_406, %dma_start3A_416] : memref<1000000x32xf32, #tpu.memory_space<hbm>> -> memref<1x32xf32, #tpu.memory_space<hbm>>
      tpu.enqueue_dma source(%dma_start3A_417 : memref<1x32xf32, #tpu.memory_space<hbm>>) target(%dma_start3A_415 : memref<1x32xf32, #tpu.memory_space<vmem>>) target_semaphore(%arg10 : memref<!tpu.dma_semaphore, #tpu.memory_space<semaphore_mem>>)
      %slice3A_418 = vector.extract_strided_slice %get3A_187 {offsets = [15], sizes = [1], strides = [1]} : vector<16xi32> to vector<1xi32>
      %squeeze3A_419 = vector.extract %slice3A_418[0] : i32 from vector<1xi32>
      %dma_start3A_420 = arith.constant 0 : i32
      %dma_start3A_421 = arith.constant 0 : i32
      %dma_start3A_422 = tpu.memref_slice %arg8[%dma_start3A_420, %add3A_404, %dma_start3A_421] : memref<2x128x32xf32, #tpu.memory_space<vmem>> -> memref<1x1x32xf32, #tpu.memory_space<vmem>>
      %dma_start3A_423 = tpu.memref_squeeze %dma_start3A_422 : memref<1x1x32xf32, #tpu.memory_space<vmem>> -> memref<1x32xf32, #tpu.memory_space<vmem>>
      %dma_start3A_424 = arith.constant 0 : i32
      %dma_start3A_425 = tpu.memref_slice %arg4[%squeeze3A_419, %dma_start3A_424] : memref<1000000x32xf32, #tpu.memory_space<hbm>> -> memref<1x32xf32, #tpu.memory_space<hbm>>
      %dma_start3A_426 = arith.constant 0 : i32
      %dma_start3A_427 = tpu.memref_slice %arg8[%dma_start3A_420, %add3A_404, %dma_start3A_426] : memref<2x128x32xf32, #tpu.memory_space<vmem>> -> memref<1x1x32xf32, #tpu.memory_space<vmem>>
      %dma_start3A_428 = tpu.memref_squeeze %dma_start3A_427 : memref<1x1x32xf32, #tpu.memory_space<vmem>> -> memref<1x32xf32, #tpu.memory_space<vmem>>
      %dma_start3A_429 = arith.constant 0 : i32
      %dma_start3A_430 = tpu.memref_slice %arg4[%squeeze3A_419, %dma_start3A_429] : memref<1000000x32xf32, #tpu.memory_space<hbm>> -> memref<1x32xf32, #tpu.memory_space<hbm>>
      tpu.enqueue_dma source(%dma_start3A_430 : memref<1x32xf32, #tpu.memory_space<hbm>>) target(%dma_start3A_428 : memref<1x32xf32, #tpu.memory_space<vmem>>) target_semaphore(%arg11 : memref<!tpu.dma_semaphore, #tpu.memory_space<semaphore_mem>>)
      %mul3A_431 = arith.constant 16 : i32
      %mul3A_432 = arith.muli %scan3A_179, %mul3A_431 : i32
      %add3A_433 = arith.constant 8 : i32
      %add3A_434 = arith.addi %mul3A_432, %add3A_433 : i32
      %add3A_435 = arith.constant 0 : i32
      %add3A_436 = arith.addi %add3A_434, %add3A_435 : i32
      %slice3A_437 = vector.extract_strided_slice %get3A_193 {offsets = [0], sizes = [1], strides = [1]} : vector<16xi32> to vector<1xi32>
      %squeeze3A_438 = vector.extract %slice3A_437[0] : i32 from vector<1xi32>
      %dma_start3A_439 = arith.constant 0 : i32
      %dma_start3A_440 = arith.constant 0 : i32
      %dma_start3A_441 = tpu.memref_slice %arg7[%dma_start3A_439, %add3A_436, %dma_start3A_440] : memref<2x128x32xf32, #tpu.memory_space<vmem>> -> memref<1x1x32xf32, #tpu.memory_space<vmem>>
      %dma_start3A_442 = tpu.memref_squeeze %dma_start3A_441 : memref<1x1x32xf32, #tpu.memory_space<vmem>> -> memref<1x32xf32, #tpu.memory_space<vmem>>
      %dma_start3A_443 = arith.constant 0 : i32
      %dma_start3A_444 = tpu.memref_slice %arg3[%squeeze3A_438, %dma_start3A_443] : memref<1000000x32xf32, #tpu.memory_space<hbm>> -> memref<1x32xf32, #tpu.memory_space<hbm>>
      %dma_start3A_445 = arith.constant 0 : i32
      %dma_start3A_446 = tpu.memref_slice %arg7[%dma_start3A_439, %add3A_436, %dma_start3A_445] : memref<2x128x32xf32, #tpu.memory_space<vmem>> -> memref<1x1x32xf32, #tpu.memory_space<vmem>>
      %dma_start3A_447 = tpu.memref_squeeze %dma_start3A_446 : memref<1x1x32xf32, #tpu.memory_space<vmem>> -> memref<1x32xf32, #tpu.memory_space<vmem>>
      %dma_start3A_448 = arith.constant 0 : i32
      %dma_start3A_449 = tpu.memref_slice %arg3[%squeeze3A_438, %dma_start3A_448] : memref<1000000x32xf32, #tpu.memory_space<hbm>> -> memref<1x32xf32, #tpu.memory_space<hbm>>
      tpu.enqueue_dma source(%dma_start3A_449 : memref<1x32xf32, #tpu.memory_space<hbm>>) target(%dma_start3A_447 : memref<1x32xf32, #tpu.memory_space<vmem>>) target_semaphore(%arg10 : memref<!tpu.dma_semaphore, #tpu.memory_space<semaphore_mem>>)
      %slice3A_450 = vector.extract_strided_slice %get3A_193 {offsets = [1], sizes = [1], strides = [1]} : vector<16xi32> to vector<1xi32>
      %squeeze3A_451 = vector.extract %slice3A_450[0] : i32 from vector<1xi32>
      %dma_start3A_452 = arith.constant 0 : i32
      %dma_start3A_453 = arith.constant 0 : i32
      %dma_start3A_454 = tpu.memref_slice %arg8[%dma_start3A_452, %add3A_436, %dma_start3A_453] : memref<2x128x32xf32, #tpu.memory_space<vmem>> -> memref<1x1x32xf32, #tpu.memory_space<vmem>>
      %dma_start3A_455 = tpu.memref_squeeze %dma_start3A_454 : memref<1x1x32xf32, #tpu.memory_space<vmem>> -> memref<1x32xf32, #tpu.memory_space<vmem>>
      %dma_start3A_456 = arith.constant 0 : i32
      %dma_start3A_457 = tpu.memref_slice %arg4[%squeeze3A_451, %dma_start3A_456] : memref<1000000x32xf32, #tpu.memory_space<hbm>> -> memref<1x32xf32, #tpu.memory_space<hbm>>
      %dma_start3A_458 = arith.constant 0 : i32
      %dma_start3A_459 = tpu.memref_slice %arg8[%dma_start3A_452, %add3A_436, %dma_start3A_458] : memref<2x128x32xf32, #tpu.memory_space<vmem>> -> memref<1x1x32xf32, #tpu.memory_space<vmem>>
      %dma_start3A_460 = tpu.memref_squeeze %dma_start3A_459 : memref<1x1x32xf32, #tpu.memory_space<vmem>> -> memref<1x32xf32, #tpu.memory_space<vmem>>
      %dma_start3A_461 = arith.constant 0 : i32
      %dma_start3A_462 = tpu.memref_slice %arg4[%squeeze3A_451, %dma_start3A_461] : memref<1000000x32xf32, #tpu.memory_space<hbm>> -> memref<1x32xf32, #tpu.memory_space<hbm>>
      tpu.enqueue_dma source(%dma_start3A_462 : memref<1x32xf32, #tpu.memory_space<hbm>>) target(%dma_start3A_460 : memref<1x32xf32, #tpu.memory_space<vmem>>) target_semaphore(%arg11 : memref<!tpu.dma_semaphore, #tpu.memory_space<semaphore_mem>>)
      %mul3A_463 = arith.constant 16 : i32
      %mul3A_464 = arith.muli %scan3A_179, %mul3A_463 : i32
      %add3A_465 = arith.constant 8 : i32
      %add3A_466 = arith.addi %mul3A_464, %add3A_465 : i32
      %add3A_467 = arith.constant 1 : i32
      %add3A_468 = arith.addi %add3A_466, %add3A_467 : i32
      %slice3A_469 = vector.extract_strided_slice %get3A_193 {offsets = [2], sizes = [1], strides = [1]} : vector<16xi32> to vector<1xi32>
      %squeeze3A_470 = vector.extract %slice3A_469[0] : i32 from vector<1xi32>
      %dma_start3A_471 = arith.constant 0 : i32
      %dma_start3A_472 = arith.constant 0 : i32
      %dma_start3A_473 = tpu.memref_slice %arg7[%dma_start3A_471, %add3A_468, %dma_start3A_472] : memref<2x128x32xf32, #tpu.memory_space<vmem>> -> memref<1x1x32xf32, #tpu.memory_space<vmem>>
      %dma_start3A_474 = tpu.memref_squeeze %dma_start3A_473 : memref<1x1x32xf32, #tpu.memory_space<vmem>> -> memref<1x32xf32, #tpu.memory_space<vmem>>
      %dma_start3A_475 = arith.constant 0 : i32
      %dma_start3A_476 = tpu.memref_slice %arg3[%squeeze3A_470, %dma_start3A_475] : memref<1000000x32xf32, #tpu.memory_space<hbm>> -> memref<1x32xf32, #tpu.memory_space<hbm>>
      %dma_start3A_477 = arith.constant 0 : i32
      %dma_start3A_478 = tpu.memref_slice %arg7[%dma_start3A_471, %add3A_468, %dma_start3A_477] : memref<2x128x32xf32, #tpu.memory_space<vmem>> -> memref<1x1x32xf32, #tpu.memory_space<vmem>>
      %dma_start3A_479 = tpu.memref_squeeze %dma_start3A_478 : memref<1x1x32xf32, #tpu.memory_space<vmem>> -> memref<1x32xf32, #tpu.memory_space<vmem>>
      %dma_start3A_480 = arith.constant 0 : i32
      %dma_start3A_481 = tpu.memref_slice %arg3[%squeeze3A_470, %dma_start3A_480] : memref<1000000x32xf32, #tpu.memory_space<hbm>> -> memref<1x32xf32, #tpu.memory_space<hbm>>
      tpu.enqueue_dma source(%dma_start3A_481 : memref<1x32xf32, #tpu.memory_space<hbm>>) target(%dma_start3A_479 : memref<1x32xf32, #tpu.memory_space<vmem>>) target_semaphore(%arg10 : memref<!tpu.dma_semaphore, #tpu.memory_space<semaphore_mem>>)
      %slice3A_482 = vector.extract_strided_slice %get3A_193 {offsets = [3], sizes = [1], strides = [1]} : vector<16xi32> to vector<1xi32>
      %squeeze3A_483 = vector.extract %slice3A_482[0] : i32 from vector<1xi32>
      %dma_start3A_484 = arith.constant 0 : i32
      %dma_start3A_485 = arith.constant 0 : i32
      %dma_start3A_486 = tpu.memref_slice %arg8[%dma_start3A_484, %add3A_468, %dma_start3A_485] : memref<2x128x32xf32, #tpu.memory_space<vmem>> -> memref<1x1x32xf32, #tpu.memory_space<vmem>>
      %dma_start3A_487 = tpu.memref_squeeze %dma_start3A_486 : memref<1x1x32xf32, #tpu.memory_space<vmem>> -> memref<1x32xf32, #tpu.memory_space<vmem>>
      %dma_start3A_488 = arith.constant 0 : i32
      %dma_start3A_489 = tpu.memref_slice %arg4[%squeeze3A_483, %dma_start3A_488] : memref<1000000x32xf32, #tpu.memory_space<hbm>> -> memref<1x32xf32, #tpu.memory_space<hbm>>
      %dma_start3A_490 = arith.constant 0 : i32
      %dma_start3A_491 = tpu.memref_slice %arg8[%dma_start3A_484, %add3A_468, %dma_start3A_490] : memref<2x128x32xf32, #tpu.memory_space<vmem>> -> memref<1x1x32xf32, #tpu.memory_space<vmem>>
      %dma_start3A_492 = tpu.memref_squeeze %dma_start3A_491 : memref<1x1x32xf32, #tpu.memory_space<vmem>> -> memref<1x32xf32, #tpu.memory_space<vmem>>
      %dma_start3A_493 = arith.constant 0 : i32
      %dma_start3A_494 = tpu.memref_slice %arg4[%squeeze3A_483, %dma_start3A_493] : memref<1000000x32xf32, #tpu.memory_space<hbm>> -> memref<1x32xf32, #tpu.memory_space<hbm>>
      tpu.enqueue_dma source(%dma_start3A_494 : memref<1x32xf32, #tpu.memory_space<hbm>>) target(%dma_start3A_492 : memref<1x32xf32, #tpu.memory_space<vmem>>) target_semaphore(%arg11 : memref<!tpu.dma_semaphore, #tpu.memory_space<semaphore_mem>>)
      %mul3A_495 = arith.constant 16 : i32
      %mul3A_496 = arith.muli %scan3A_179, %mul3A_495 : i32
      %add3A_497 = arith.constant 8 : i32
      %add3A_498 = arith.addi %mul3A_496, %add3A_497 : i32
      %add3A_499 = arith.constant 2 : i32
      %add3A_500 = arith.addi %add3A_498, %add3A_499 : i32
      %slice3A_501 = vector.extract_strided_slice %get3A_193 {offsets = [4], sizes = [1], strides = [1]} : vector<16xi32> to vector<1xi32>
      %squeeze3A_502 = vector.extract %slice3A_501[0] : i32 from vector<1xi32>
      %dma_start3A_503 = arith.constant 0 : i32
      %dma_start3A_504 = arith.constant 0 : i32
      %dma_start3A_505 = tpu.memref_slice %arg7[%dma_start3A_503, %add3A_500, %dma_start3A_504] : memref<2x128x32xf32, #tpu.memory_space<vmem>> -> memref<1x1x32xf32, #tpu.memory_space<vmem>>
      %dma_start3A_506 = tpu.memref_squeeze %dma_start3A_505 : memref<1x1x32xf32, #tpu.memory_space<vmem>> -> memref<1x32xf32, #tpu.memory_space<vmem>>
      %dma_start3A_507 = arith.constant 0 : i32
      %dma_start3A_508 = tpu.memref_slice %arg3[%squeeze3A_502, %dma_start3A_507] : memref<1000000x32xf32, #tpu.memory_space<hbm>> -> memref<1x32xf32, #tpu.memory_space<hbm>>
      %dma_start3A_509 = arith.constant 0 : i32
      %dma_start3A_510 = tpu.memref_slice %arg7[%dma_start3A_503, %add3A_500, %dma_start3A_509] : memref<2x128x32xf32, #tpu.memory_space<vmem>> -> memref<1x1x32xf32, #tpu.memory_space<vmem>>
      %dma_start3A_511 = tpu.memref_squeeze %dma_start3A_510 : memref<1x1x32xf32, #tpu.memory_space<vmem>> -> memref<1x32xf32, #tpu.memory_space<vmem>>
      %dma_start3A_512 = arith.constant 0 : i32
      %dma_start3A_513 = tpu.memref_slice %arg3[%squeeze3A_502, %dma_start3A_512] : memref<1000000x32xf32, #tpu.memory_space<hbm>> -> memref<1x32xf32, #tpu.memory_space<hbm>>
      tpu.enqueue_dma source(%dma_start3A_513 : memref<1x32xf32, #tpu.memory_space<hbm>>) target(%dma_start3A_511 : memref<1x32xf32, #tpu.memory_space<vmem>>) target_semaphore(%arg10 : memref<!tpu.dma_semaphore, #tpu.memory_space<semaphore_mem>>)
      %slice3A_514 = vector.extract_strided_slice %get3A_193 {offsets = [5], sizes = [1], strides = [1]} : vector<16xi32> to vector<1xi32>
      %squeeze3A_515 = vector.extract %slice3A_514[0] : i32 from vector<1xi32>
      %dma_start3A_516 = arith.constant 0 : i32
      %dma_start3A_517 = arith.constant 0 : i32
      %dma_start3A_518 = tpu.memref_slice %arg8[%dma_start3A_516, %add3A_500, %dma_start3A_517] : memref<2x128x32xf32, #tpu.memory_space<vmem>> -> memref<1x1x32xf32, #tpu.memory_space<vmem>>
      %dma_start3A_519 = tpu.memref_squeeze %dma_start3A_518 : memref<1x1x32xf32, #tpu.memory_space<vmem>> -> memref<1x32xf32, #tpu.memory_space<vmem>>
      %dma_start3A_520 = arith.constant 0 : i32
      %dma_start3A_521 = tpu.memref_slice %arg4[%squeeze3A_515, %dma_start3A_520] : memref<1000000x32xf32, #tpu.memory_space<hbm>> -> memref<1x32xf32, #tpu.memory_space<hbm>>
      %dma_start3A_522 = arith.constant 0 : i32
      %dma_start3A_523 = tpu.memref_slice %arg8[%dma_start3A_516, %add3A_500, %dma_start3A_522] : memref<2x128x32xf32, #tpu.memory_space<vmem>> -> memref<1x1x32xf32, #tpu.memory_space<vmem>>
      %dma_start3A_524 = tpu.memref_squeeze %dma_start3A_523 : memref<1x1x32xf32, #tpu.memory_space<vmem>> -> memref<1x32xf32, #tpu.memory_space<vmem>>
      %dma_start3A_525 = arith.constant 0 : i32
      %dma_start3A_526 = tpu.memref_slice %arg4[%squeeze3A_515, %dma_start3A_525] : memref<1000000x32xf32, #tpu.memory_space<hbm>> -> memref<1x32xf32, #tpu.memory_space<hbm>>
      tpu.enqueue_dma source(%dma_start3A_526 : memref<1x32xf32, #tpu.memory_space<hbm>>) target(%dma_start3A_524 : memref<1x32xf32, #tpu.memory_space<vmem>>) target_semaphore(%arg11 : memref<!tpu.dma_semaphore, #tpu.memory_space<semaphore_mem>>)
      %mul3A_527 = arith.constant 16 : i32
      %mul3A_528 = arith.muli %scan3A_179, %mul3A_527 : i32
      %add3A_529 = arith.constant 8 : i32
      %add3A_530 = arith.addi %mul3A_528, %add3A_529 : i32
      %add3A_531 = arith.constant 3 : i32
      %add3A_532 = arith.addi %add3A_530, %add3A_531 : i32
      %slice3A_533 = vector.extract_strided_slice %get3A_193 {offsets = [6], sizes = [1], strides = [1]} : vector<16xi32> to vector<1xi32>
      %squeeze3A_534 = vector.extract %slice3A_533[0] : i32 from vector<1xi32>
      %dma_start3A_535 = arith.constant 0 : i32
      %dma_start3A_536 = arith.constant 0 : i32
      %dma_start3A_537 = tpu.memref_slice %arg7[%dma_start3A_535, %add3A_532, %dma_start3A_536] : memref<2x128x32xf32, #tpu.memory_space<vmem>> -> memref<1x1x32xf32, #tpu.memory_space<vmem>>
      %dma_start3A_538 = tpu.memref_squeeze %dma_start3A_537 : memref<1x1x32xf32, #tpu.memory_space<vmem>> -> memref<1x32xf32, #tpu.memory_space<vmem>>
      %dma_start3A_539 = arith.constant 0 : i32
      %dma_start3A_540 = tpu.memref_slice %arg3[%squeeze3A_534, %dma_start3A_539] : memref<1000000x32xf32, #tpu.memory_space<hbm>> -> memref<1x32xf32, #tpu.memory_space<hbm>>
      %dma_start3A_541 = arith.constant 0 : i32
      %dma_start3A_542 = tpu.memref_slice %arg7[%dma_start3A_535, %add3A_532, %dma_start3A_541] : memref<2x128x32xf32, #tpu.memory_space<vmem>> -> memref<1x1x32xf32, #tpu.memory_space<vmem>>
      %dma_start3A_543 = tpu.memref_squeeze %dma_start3A_542 : memref<1x1x32xf32, #tpu.memory_space<vmem>> -> memref<1x32xf32, #tpu.memory_space<vmem>>
      %dma_start3A_544 = arith.constant 0 : i32
      %dma_start3A_545 = tpu.memref_slice %arg3[%squeeze3A_534, %dma_start3A_544] : memref<1000000x32xf32, #tpu.memory_space<hbm>> -> memref<1x32xf32, #tpu.memory_space<hbm>>
      tpu.enqueue_dma source(%dma_start3A_545 : memref<1x32xf32, #tpu.memory_space<hbm>>) target(%dma_start3A_543 : memref<1x32xf32, #tpu.memory_space<vmem>>) target_semaphore(%arg10 : memref<!tpu.dma_semaphore, #tpu.memory_space<semaphore_mem>>)
      %slice3A_546 = vector.extract_strided_slice %get3A_193 {offsets = [7], sizes = [1], strides = [1]} : vector<16xi32> to vector<1xi32>
      %squeeze3A_547 = vector.extract %slice3A_546[0] : i32 from vector<1xi32>
      %dma_start3A_548 = arith.constant 0 : i32
      %dma_start3A_549 = arith.constant 0 : i32
      %dma_start3A_550 = tpu.memref_slice %arg8[%dma_start3A_548, %add3A_532, %dma_start3A_549] : memref<2x128x32xf32, #tpu.memory_space<vmem>> -> memref<1x1x32xf32, #tpu.memory_space<vmem>>
      %dma_start3A_551 = tpu.memref_squeeze %dma_start3A_550 : memref<1x1x32xf32, #tpu.memory_space<vmem>> -> memref<1x32xf32, #tpu.memory_space<vmem>>
      %dma_start3A_552 = arith.constant 0 : i32
      %dma_start3A_553 = tpu.memref_slice %arg4[%squeeze3A_547, %dma_start3A_552] : memref<1000000x32xf32, #tpu.memory_space<hbm>> -> memref<1x32xf32, #tpu.memory_space<hbm>>
      %dma_start3A_554 = arith.constant 0 : i32
      %dma_start3A_555 = tpu.memref_slice %arg8[%dma_start3A_548, %add3A_532, %dma_start3A_554] : memref<2x128x32xf32, #tpu.memory_space<vmem>> -> memref<1x1x32xf32, #tpu.memory_space<vmem>>
      %dma_start3A_556 = tpu.memref_squeeze %dma_start3A_555 : memref<1x1x32xf32, #tpu.memory_space<vmem>> -> memref<1x32xf32, #tpu.memory_space<vmem>>
      %dma_start3A_557 = arith.constant 0 : i32
      %dma_start3A_558 = tpu.memref_slice %arg4[%squeeze3A_547, %dma_start3A_557] : memref<1000000x32xf32, #tpu.memory_space<hbm>> -> memref<1x32xf32, #tpu.memory_space<hbm>>
      tpu.enqueue_dma source(%dma_start3A_558 : memref<1x32xf32, #tpu.memory_space<hbm>>) target(%dma_start3A_556 : memref<1x32xf32, #tpu.memory_space<vmem>>) target_semaphore(%arg11 : memref<!tpu.dma_semaphore, #tpu.memory_space<semaphore_mem>>)
      %mul3A_559 = arith.constant 16 : i32
      %mul3A_560 = arith.muli %scan3A_179, %mul3A_559 : i32
      %add3A_561 = arith.constant 8 : i32
      %add3A_562 = arith.addi %mul3A_560, %add3A_561 : i32
      %add3A_563 = arith.constant 4 : i32
      %add3A_564 = arith.addi %add3A_562, %add3A_563 : i32
      %slice3A_565 = vector.extract_strided_slice %get3A_193 {offsets = [8], sizes = [1], strides = [1]} : vector<16xi32> to vector<1xi32>
      %squeeze3A_566 = vector.extract %slice3A_565[0] : i32 from vector<1xi32>
      %dma_start3A_567 = arith.constant 0 : i32
      %dma_start3A_568 = arith.constant 0 : i32
      %dma_start3A_569 = tpu.memref_slice %arg7[%dma_start3A_567, %add3A_564, %dma_start3A_568] : memref<2x128x32xf32, #tpu.memory_space<vmem>> -> memref<1x1x32xf32, #tpu.memory_space<vmem>>
      %dma_start3A_570 = tpu.memref_squeeze %dma_start3A_569 : memref<1x1x32xf32, #tpu.memory_space<vmem>> -> memref<1x32xf32, #tpu.memory_space<vmem>>
      %dma_start3A_571 = arith.constant 0 : i32
      %dma_start3A_572 = tpu.memref_slice %arg3[%squeeze3A_566, %dma_start3A_571] : memref<1000000x32xf32, #tpu.memory_space<hbm>> -> memref<1x32xf32, #tpu.memory_space<hbm>>
      %dma_start3A_573 = arith.constant 0 : i32
      %dma_start3A_574 = tpu.memref_slice %arg7[%dma_start3A_567, %add3A_564, %dma_start3A_573] : memref<2x128x32xf32, #tpu.memory_space<vmem>> -> memref<1x1x32xf32, #tpu.memory_space<vmem>>
      %dma_start3A_575 = tpu.memref_squeeze %dma_start3A_574 : memref<1x1x32xf32, #tpu.memory_space<vmem>> -> memref<1x32xf32, #tpu.memory_space<vmem>>
      %dma_start3A_576 = arith.constant 0 : i32
      %dma_start3A_577 = tpu.memref_slice %arg3[%squeeze3A_566, %dma_start3A_576] : memref<1000000x32xf32, #tpu.memory_space<hbm>> -> memref<1x32xf32, #tpu.memory_space<hbm>>
      tpu.enqueue_dma source(%dma_start3A_577 : memref<1x32xf32, #tpu.memory_space<hbm>>) target(%dma_start3A_575 : memref<1x32xf32, #tpu.memory_space<vmem>>) target_semaphore(%arg10 : memref<!tpu.dma_semaphore, #tpu.memory_space<semaphore_mem>>)
      %slice3A_578 = vector.extract_strided_slice %get3A_193 {offsets = [9], sizes = [1], strides = [1]} : vector<16xi32> to vector<1xi32>
      %squeeze3A_579 = vector.extract %slice3A_578[0] : i32 from vector<1xi32>
      %dma_start3A_580 = arith.constant 0 : i32
      %dma_start3A_581 = arith.constant 0 : i32
      %dma_start3A_582 = tpu.memref_slice %arg8[%dma_start3A_580, %add3A_564, %dma_start3A_581] : memref<2x128x32xf32, #tpu.memory_space<vmem>> -> memref<1x1x32xf32, #tpu.memory_space<vmem>>
      %dma_start3A_583 = tpu.memref_squeeze %dma_start3A_582 : memref<1x1x32xf32, #tpu.memory_space<vmem>> -> memref<1x32xf32, #tpu.memory_space<vmem>>
      %dma_start3A_584 = arith.constant 0 : i32
      %dma_start3A_585 = tpu.memref_slice %arg4[%squeeze3A_579, %dma_start3A_584] : memref<1000000x32xf32, #tpu.memory_space<hbm>> -> memref<1x32xf32, #tpu.memory_space<hbm>>
      %dma_start3A_586 = arith.constant 0 : i32
      %dma_start3A_587 = tpu.memref_slice %arg8[%dma_start3A_580, %add3A_564, %dma_start3A_586] : memref<2x128x32xf32, #tpu.memory_space<vmem>> -> memref<1x1x32xf32, #tpu.memory_space<vmem>>
      %dma_start3A_588 = tpu.memref_squeeze %dma_start3A_587 : memref<1x1x32xf32, #tpu.memory_space<vmem>> -> memref<1x32xf32, #tpu.memory_space<vmem>>
      %dma_start3A_589 = arith.constant 0 : i32
      %dma_start3A_590 = tpu.memref_slice %arg4[%squeeze3A_579, %dma_start3A_589] : memref<1000000x32xf32, #tpu.memory_space<hbm>> -> memref<1x32xf32, #tpu.memory_space<hbm>>
      tpu.enqueue_dma source(%dma_start3A_590 : memref<1x32xf32, #tpu.memory_space<hbm>>) target(%dma_start3A_588 : memref<1x32xf32, #tpu.memory_space<vmem>>) target_semaphore(%arg11 : memref<!tpu.dma_semaphore, #tpu.memory_space<semaphore_mem>>)
      %mul3A_591 = arith.constant 16 : i32
      %mul3A_592 = arith.muli %scan3A_179, %mul3A_591 : i32
      %add3A_593 = arith.constant 8 : i32
      %add3A_594 = arith.addi %mul3A_592, %add3A_593 : i32
      %add3A_595 = arith.constant 5 : i32
      %add3A_596 = arith.addi %add3A_594, %add3A_595 : i32
      %slice3A_597 = vector.extract_strided_slice %get3A_193 {offsets = [10], sizes = [1], strides = [1]} : vector<16xi32> to vector<1xi32>
      %squeeze3A_598 = vector.extract %slice3A_597[0] : i32 from vector<1xi32>
      %dma_start3A_599 = arith.constant 0 : i32
      %dma_start3A_600 = arith.constant 0 : i32
      %dma_start3A_601 = tpu.memref_slice %arg7[%dma_start3A_599, %add3A_596, %dma_start3A_600] : memref<2x128x32xf32, #tpu.memory_space<vmem>> -> memref<1x1x32xf32, #tpu.memory_space<vmem>>
      %dma_start3A_602 = tpu.memref_squeeze %dma_start3A_601 : memref<1x1x32xf32, #tpu.memory_space<vmem>> -> memref<1x32xf32, #tpu.memory_space<vmem>>
      %dma_start3A_603 = arith.constant 0 : i32
      %dma_start3A_604 = tpu.memref_slice %arg3[%squeeze3A_598, %dma_start3A_603] : memref<1000000x32xf32, #tpu.memory_space<hbm>> -> memref<1x32xf32, #tpu.memory_space<hbm>>
      %dma_start3A_605 = arith.constant 0 : i32
      %dma_start3A_606 = tpu.memref_slice %arg7[%dma_start3A_599, %add3A_596, %dma_start3A_605] : memref<2x128x32xf32, #tpu.memory_space<vmem>> -> memref<1x1x32xf32, #tpu.memory_space<vmem>>
      %dma_start3A_607 = tpu.memref_squeeze %dma_start3A_606 : memref<1x1x32xf32, #tpu.memory_space<vmem>> -> memref<1x32xf32, #tpu.memory_space<vmem>>
      %dma_start3A_608 = arith.constant 0 : i32
      %dma_start3A_609 = tpu.memref_slice %arg3[%squeeze3A_598, %dma_start3A_608] : memref<1000000x32xf32, #tpu.memory_space<hbm>> -> memref<1x32xf32, #tpu.memory_space<hbm>>
      tpu.enqueue_dma source(%dma_start3A_609 : memref<1x32xf32, #tpu.memory_space<hbm>>) target(%dma_start3A_607 : memref<1x32xf32, #tpu.memory_space<vmem>>) target_semaphore(%arg10 : memref<!tpu.dma_semaphore, #tpu.memory_space<semaphore_mem>>)
      %slice3A_610 = vector.extract_strided_slice %get3A_193 {offsets = [11], sizes = [1], strides = [1]} : vector<16xi32> to vector<1xi32>
      %squeeze3A_611 = vector.extract %slice3A_610[0] : i32 from vector<1xi32>
      %dma_start3A_612 = arith.constant 0 : i32
      %dma_start3A_613 = arith.constant 0 : i32
      %dma_start3A_614 = tpu.memref_slice %arg8[%dma_start3A_612, %add3A_596, %dma_start3A_613] : memref<2x128x32xf32, #tpu.memory_space<vmem>> -> memref<1x1x32xf32, #tpu.memory_space<vmem>>
      %dma_start3A_615 = tpu.memref_squeeze %dma_start3A_614 : memref<1x1x32xf32, #tpu.memory_space<vmem>> -> memref<1x32xf32, #tpu.memory_space<vmem>>
      %dma_start3A_616 = arith.constant 0 : i32
      %dma_start3A_617 = tpu.memref_slice %arg4[%squeeze3A_611, %dma_start3A_616] : memref<1000000x32xf32, #tpu.memory_space<hbm>> -> memref<1x32xf32, #tpu.memory_space<hbm>>
      %dma_start3A_618 = arith.constant 0 : i32
      %dma_start3A_619 = tpu.memref_slice %arg8[%dma_start3A_612, %add3A_596, %dma_start3A_618] : memref<2x128x32xf32, #tpu.memory_space<vmem>> -> memref<1x1x32xf32, #tpu.memory_space<vmem>>
      %dma_start3A_620 = tpu.memref_squeeze %dma_start3A_619 : memref<1x1x32xf32, #tpu.memory_space<vmem>> -> memref<1x32xf32, #tpu.memory_space<vmem>>
      %dma_start3A_621 = arith.constant 0 : i32
      %dma_start3A_622 = tpu.memref_slice %arg4[%squeeze3A_611, %dma_start3A_621] : memref<1000000x32xf32, #tpu.memory_space<hbm>> -> memref<1x32xf32, #tpu.memory_space<hbm>>
      tpu.enqueue_dma source(%dma_start3A_622 : memref<1x32xf32, #tpu.memory_space<hbm>>) target(%dma_start3A_620 : memref<1x32xf32, #tpu.memory_space<vmem>>) target_semaphore(%arg11 : memref<!tpu.dma_semaphore, #tpu.memory_space<semaphore_mem>>)
      %mul3A_623 = arith.constant 16 : i32
      %mul3A_624 = arith.muli %scan3A_179, %mul3A_623 : i32
      %add3A_625 = arith.constant 8 : i32
      %add3A_626 = arith.addi %mul3A_624, %add3A_625 : i32
      %add3A_627 = arith.constant 6 : i32
      %add3A_628 = arith.addi %add3A_626, %add3A_627 : i32
      %slice3A_629 = vector.extract_strided_slice %get3A_193 {offsets = [12], sizes = [1], strides = [1]} : vector<16xi32> to vector<1xi32>
      %squeeze3A_630 = vector.extract %slice3A_629[0] : i32 from vector<1xi32>
      %dma_start3A_631 = arith.constant 0 : i32
      %dma_start3A_632 = arith.constant 0 : i32
      %dma_start3A_633 = tpu.memref_slice %arg7[%dma_start3A_631, %add3A_628, %dma_start3A_632] : memref<2x128x32xf32, #tpu.memory_space<vmem>> -> memref<1x1x32xf32, #tpu.memory_space<vmem>>
      %dma_start3A_634 = tpu.memref_squeeze %dma_start3A_633 : memref<1x1x32xf32, #tpu.memory_space<vmem>> -> memref<1x32xf32, #tpu.memory_space<vmem>>
      %dma_start3A_635 = arith.constant 0 : i32
      %dma_start3A_636 = tpu.memref_slice %arg3[%squeeze3A_630, %dma_start3A_635] : memref<1000000x32xf32, #tpu.memory_space<hbm>> -> memref<1x32xf32, #tpu.memory_space<hbm>>
      %dma_start3A_637 = arith.constant 0 : i32
      %dma_start3A_638 = tpu.memref_slice %arg7[%dma_start3A_631, %add3A_628, %dma_start3A_637] : memref<2x128x32xf32, #tpu.memory_space<vmem>> -> memref<1x1x32xf32, #tpu.memory_space<vmem>>
      %dma_start3A_639 = tpu.memref_squeeze %dma_start3A_638 : memref<1x1x32xf32, #tpu.memory_space<vmem>> -> memref<1x32xf32, #tpu.memory_space<vmem>>
      %dma_start3A_640 = arith.constant 0 : i32
      %dma_start3A_641 = tpu.memref_slice %arg3[%squeeze3A_630, %dma_start3A_640] : memref<1000000x32xf32, #tpu.memory_space<hbm>> -> memref<1x32xf32, #tpu.memory_space<hbm>>
      tpu.enqueue_dma source(%dma_start3A_641 : memref<1x32xf32, #tpu.memory_space<hbm>>) target(%dma_start3A_639 : memref<1x32xf32, #tpu.memory_space<vmem>>) target_semaphore(%arg10 : memref<!tpu.dma_semaphore, #tpu.memory_space<semaphore_mem>>)
      %slice3A_642 = vector.extract_strided_slice %get3A_193 {offsets = [13], sizes = [1], strides = [1]} : vector<16xi32> to vector<1xi32>
      %squeeze3A_643 = vector.extract %slice3A_642[0] : i32 from vector<1xi32>
      %dma_start3A_644 = arith.constant 0 : i32
      %dma_start3A_645 = arith.constant 0 : i32
      %dma_start3A_646 = tpu.memref_slice %arg8[%dma_start3A_644, %add3A_628, %dma_start3A_645] : memref<2x128x32xf32, #tpu.memory_space<vmem>> -> memref<1x1x32xf32, #tpu.memory_space<vmem>>
      %dma_start3A_647 = tpu.memref_squeeze %dma_start3A_646 : memref<1x1x32xf32, #tpu.memory_space<vmem>> -> memref<1x32xf32, #tpu.memory_space<vmem>>
      %dma_start3A_648 = arith.constant 0 : i32
      %dma_start3A_649 = tpu.memref_slice %arg4[%squeeze3A_643, %dma_start3A_648] : memref<1000000x32xf32, #tpu.memory_space<hbm>> -> memref<1x32xf32, #tpu.memory_space<hbm>>
      %dma_start3A_650 = arith.constant 0 : i32
      %dma_start3A_651 = tpu.memref_slice %arg8[%dma_start3A_644, %add3A_628, %dma_start3A_650] : memref<2x128x32xf32, #tpu.memory_space<vmem>> -> memref<1x1x32xf32, #tpu.memory_space<vmem>>
      %dma_start3A_652 = tpu.memref_squeeze %dma_start3A_651 : memref<1x1x32xf32, #tpu.memory_space<vmem>> -> memref<1x32xf32, #tpu.memory_space<vmem>>
      %dma_start3A_653 = arith.constant 0 : i32
      %dma_start3A_654 = tpu.memref_slice %arg4[%squeeze3A_643, %dma_start3A_653] : memref<1000000x32xf32, #tpu.memory_space<hbm>> -> memref<1x32xf32, #tpu.memory_space<hbm>>
      tpu.enqueue_dma source(%dma_start3A_654 : memref<1x32xf32, #tpu.memory_space<hbm>>) target(%dma_start3A_652 : memref<1x32xf32, #tpu.memory_space<vmem>>) target_semaphore(%arg11 : memref<!tpu.dma_semaphore, #tpu.memory_space<semaphore_mem>>)
      %mul3A_655 = arith.constant 16 : i32
      %mul3A_656 = arith.muli %scan3A_179, %mul3A_655 : i32
      %add3A_657 = arith.constant 8 : i32
      %add3A_658 = arith.addi %mul3A_656, %add3A_657 : i32
      %add3A_659 = arith.constant 7 : i32
      %add3A_660 = arith.addi %add3A_658, %add3A_659 : i32
      %slice3A_661 = vector.extract_strided_slice %get3A_193 {offsets = [14], sizes = [1], strides = [1]} : vector<16xi32> to vector<1xi32>
      %squeeze3A_662 = vector.extract %slice3A_661[0] : i32 from vector<1xi32>
      %dma_start3A_663 = arith.constant 0 : i32
      %dma_start3A_664 = arith.constant 0 : i32
      %dma_start3A_665 = tpu.memref_slice %arg7[%dma_start3A_663, %add3A_660, %dma_start3A_664] : memref<2x128x32xf32, #tpu.memory_space<vmem>> -> memref<1x1x32xf32, #tpu.memory_space<vmem>>
      %dma_start3A_666 = tpu.memref_squeeze %dma_start3A_665 : memref<1x1x32xf32, #tpu.memory_space<vmem>> -> memref<1x32xf32, #tpu.memory_space<vmem>>
      %dma_start3A_667 = arith.constant 0 : i32
      %dma_start3A_668 = tpu.memref_slice %arg3[%squeeze3A_662, %dma_start3A_667] : memref<1000000x32xf32, #tpu.memory_space<hbm>> -> memref<1x32xf32, #tpu.memory_space<hbm>>
      %dma_start3A_669 = arith.constant 0 : i32
      %dma_start3A_670 = tpu.memref_slice %arg7[%dma_start3A_663, %add3A_660, %dma_start3A_669] : memref<2x128x32xf32, #tpu.memory_space<vmem>> -> memref<1x1x32xf32, #tpu.memory_space<vmem>>
      %dma_start3A_671 = tpu.memref_squeeze %dma_start3A_670 : memref<1x1x32xf32, #tpu.memory_space<vmem>> -> memref<1x32xf32, #tpu.memory_space<vmem>>
      %dma_start3A_672 = arith.constant 0 : i32
      %dma_start3A_673 = tpu.memref_slice %arg3[%squeeze3A_662, %dma_start3A_672] : memref<1000000x32xf32, #tpu.memory_space<hbm>> -> memref<1x32xf32, #tpu.memory_space<hbm>>
      tpu.enqueue_dma source(%dma_start3A_673 : memref<1x32xf32, #tpu.memory_space<hbm>>) target(%dma_start3A_671 : memref<1x32xf32, #tpu.memory_space<vmem>>) target_semaphore(%arg10 : memref<!tpu.dma_semaphore, #tpu.memory_space<semaphore_mem>>)
      %slice3A_674 = vector.extract_strided_slice %get3A_193 {offsets = [15], sizes = [1], strides = [1]} : vector<16xi32> to vector<1xi32>
      %squeeze3A_675 = vector.extract %slice3A_674[0] : i32 from vector<1xi32>
      %dma_start3A_676 = arith.constant 0 : i32
      %dma_start3A_677 = arith.constant 0 : i32
      %dma_start3A_678 = tpu.memref_slice %arg8[%dma_start3A_676, %add3A_660, %dma_start3A_677] : memref<2x128x32xf32, #tpu.memory_space<vmem>> -> memref<1x1x32xf32, #tpu.memory_space<vmem>>
      %dma_start3A_679 = tpu.memref_squeeze %dma_start3A_678 : memref<1x1x32xf32, #tpu.memory_space<vmem>> -> memref<1x32xf32, #tpu.memory_space<vmem>>
      %dma_start3A_680 = arith.constant 0 : i32
      %dma_start3A_681 = tpu.memref_slice %arg4[%squeeze3A_675, %dma_start3A_680] : memref<1000000x32xf32, #tpu.memory_space<hbm>> -> memref<1x32xf32, #tpu.memory_space<hbm>>
      %dma_start3A_682 = arith.constant 0 : i32
      %dma_start3A_683 = tpu.memref_slice %arg8[%dma_start3A_676, %add3A_660, %dma_start3A_682] : memref<2x128x32xf32, #tpu.memory_space<vmem>> -> memref<1x1x32xf32, #tpu.memory_space<vmem>>
      %dma_start3A_684 = tpu.memref_squeeze %dma_start3A_683 : memref<1x1x32xf32, #tpu.memory_space<vmem>> -> memref<1x32xf32, #tpu.memory_space<vmem>>
      %dma_start3A_685 = arith.constant 0 : i32
      %dma_start3A_686 = tpu.memref_slice %arg4[%squeeze3A_675, %dma_start3A_685] : memref<1000000x32xf32, #tpu.memory_space<hbm>> -> memref<1x32xf32, #tpu.memory_space<hbm>>
      tpu.enqueue_dma source(%dma_start3A_686 : memref<1x32xf32, #tpu.memory_space<hbm>>) target(%dma_start3A_684 : memref<1x32xf32, #tpu.memory_space<vmem>>) target_semaphore(%arg11 : memref<!tpu.dma_semaphore, #tpu.memory_space<semaphore_mem>>)
      %scan3A_687 = arith.constant 0 : i32
      scf.yield %scan3A_687 : i32
    }
    %scan3A_10 = arith.constant 8 : i32
    %dma_wait3A = arith.constant 0 : i32
    %dma_wait3A_11 = arith.constant 0 : i32
    %dma_wait3A_12 = arith.constant 0 : i32
    %dma_wait3A_13 = tpu.memref_slice %arg7[%dma_wait3A, %dma_wait3A_11, %dma_wait3A_12] : memref<2x128x32xf32, #tpu.memory_space<vmem>> -> memref<1x128x32xf32, #tpu.memory_space<vmem>>
    %dma_wait3A_14 = tpu.memref_squeeze %dma_wait3A_13 : memref<1x128x32xf32, #tpu.memory_space<vmem>> -> memref<128x32xf32, #tpu.memory_space<vmem>>
    %dma_wait3A_15 = arith.constant 0 : i32
    %dma_wait3A_16 = arith.constant 0 : i32
    %dma_wait3A_17 = tpu.memref_slice %arg3[%dma_wait3A_15, %dma_wait3A_16] : memref<1000000x32xf32, #tpu.memory_space<hbm>> -> memref<128x32xf32, #tpu.memory_space<hbm>>
    %dma_wait3A_18 = arith.constant 0 : i32
    %dma_wait3A_19 = arith.constant 0 : i32
    %dma_wait3A_20 = tpu.memref_slice %arg7[%dma_wait3A, %dma_wait3A_18, %dma_wait3A_19] : memref<2x128x32xf32, #tpu.memory_space<vmem>> -> memref<1x128x32xf32, #tpu.memory_space<vmem>>
    %dma_wait3A_21 = tpu.memref_squeeze %dma_wait3A_20 : memref<1x128x32xf32, #tpu.memory_space<vmem>> -> memref<128x32xf32, #tpu.memory_space<vmem>>
    %dma_wait3A_22 = arith.constant 0 : i32
    %dma_wait3A_23 = arith.constant 0 : i32
    %dma_wait3A_24 = tpu.memref_slice %arg3[%dma_wait3A_22, %dma_wait3A_23] : memref<1000000x32xf32, #tpu.memory_space<hbm>> -> memref<128x32xf32, #tpu.memory_space<hbm>>
    tpu.wait_dma2 semaphore(%arg10 : memref<!tpu.dma_semaphore, #tpu.memory_space<semaphore_mem>>) src(%dma_wait3A_24 : memref<128x32xf32, #tpu.memory_space<hbm>>) dst(%dma_wait3A_21 : memref<128x32xf32, #tpu.memory_space<vmem>>)
    %dma_wait3A_25 = arith.constant 0 : i32
    %dma_wait3A_26 = arith.constant 0 : i32
    %dma_wait3A_27 = arith.constant 0 : i32
    %dma_wait3A_28 = tpu.memref_slice %arg8[%dma_wait3A_25, %dma_wait3A_26, %dma_wait3A_27] : memref<2x128x32xf32, #tpu.memory_space<vmem>> -> memref<1x128x32xf32, #tpu.memory_space<vmem>>
    %dma_wait3A_29 = tpu.memref_squeeze %dma_wait3A_28 : memref<1x128x32xf32, #tpu.memory_space<vmem>> -> memref<128x32xf32, #tpu.memory_space<vmem>>
    %dma_wait3A_30 = arith.constant 0 : i32
    %dma_wait3A_31 = arith.constant 0 : i32
    %dma_wait3A_32 = tpu.memref_slice %arg4[%dma_wait3A_30, %dma_wait3A_31] : memref<1000000x32xf32, #tpu.memory_space<hbm>> -> memref<128x32xf32, #tpu.memory_space<hbm>>
    %dma_wait3A_33 = arith.constant 0 : i32
    %dma_wait3A_34 = arith.constant 0 : i32
    %dma_wait3A_35 = tpu.memref_slice %arg8[%dma_wait3A_25, %dma_wait3A_33, %dma_wait3A_34] : memref<2x128x32xf32, #tpu.memory_space<vmem>> -> memref<1x128x32xf32, #tpu.memory_space<vmem>>
    %dma_wait3A_36 = tpu.memref_squeeze %dma_wait3A_35 : memref<1x128x32xf32, #tpu.memory_space<vmem>> -> memref<128x32xf32, #tpu.memory_space<vmem>>
    %dma_wait3A_37 = arith.constant 0 : i32
    %dma_wait3A_38 = arith.constant 0 : i32
    %dma_wait3A_39 = tpu.memref_slice %arg4[%dma_wait3A_37, %dma_wait3A_38] : memref<1000000x32xf32, #tpu.memory_space<hbm>> -> memref<128x32xf32, #tpu.memory_space<hbm>>
    tpu.wait_dma2 semaphore(%arg11 : memref<!tpu.dma_semaphore, #tpu.memory_space<semaphore_mem>>) src(%dma_wait3A_39 : memref<128x32xf32, #tpu.memory_space<hbm>>) dst(%dma_wait3A_36 : memref<128x32xf32, #tpu.memory_space<vmem>>)
    %scan3A_40 = arith.constant 0 : i32
    %scan3A_41 = arith.constant 0 : i32
    %scan3A_42 = arith.constant 8 : i32
    %scan3A_43 = arith.addi %scan3A_41, %scan3A_42 : i32
    %scan3A_44 = arith.constant 1 : i32
    %scan3A_45 = scf.for %scan3A_179 = %scan3A_41 to %scan3A_43 step %scan3A_44 iter_args(%scan3A_180 = %scan3A_40) -> (i32)  : i32 {
      %mul3A_181 = arith.constant 16 : i32
      %mul3A_182 = arith.muli %scan3A_179, %mul3A_181 : i32
      %add3A_183 = arith.constant 128 : i32
      %add3A_184 = arith.addi %add3A_183, %mul3A_182 : i32
      %mul3A_185 = arith.constant 2 : i32
      %mul3A_186 = arith.muli %mul3A_185, %add3A_184 : i32
      %get3A = arith.index_cast %mul3A_186 : i32 to index
      %get3A_187 = tpu.vector_load %arg6[%get3A] {strides = array<i32>} : memref<1024xi32, #tpu.memory_space<vmem>>, vector<16xi32>,
      %mul3A_188 = arith.constant 2 : i32
      %mul3A_189 = arith.muli %mul3A_188, %add3A_184 : i32
      %add3A_190 = arith.constant 16 : i32
      %add3A_191 = arith.addi %mul3A_189, %add3A_190 : i32
      %get3A_192 = arith.index_cast %add3A_191 : i32 to index
      %get3A_193 = tpu.vector_load %arg6[%get3A_192] {strides = array<i32>} : memref<1024xi32, #tpu.memory_space<vmem>>, vector<16xi32>,
      %mul3A_194 = arith.constant 16 : i32
      %mul3A_195 = arith.muli %scan3A_179, %mul3A_194 : i32
      %add3A_196 = arith.constant 0 : i32
      %add3A_197 = arith.addi %mul3A_195, %add3A_196 : i32
      %slice3A = vector.extract_strided_slice %get3A_187 {offsets = [0], sizes = [1], strides = [1]} : vector<16xi32> to vector<1xi32>
      %squeeze3A = vector.extract %slice3A[0] : i32 from vector<1xi32>
      %dma_start3A = arith.constant 1 : i32
      %dma_start3A_198 = arith.constant 0 : i32
      %dma_start3A_199 = tpu.memref_slice %arg7[%dma_start3A, %add3A_197, %dma_start3A_198] : memref<2x128x32xf32, #tpu.memory_space<vmem>> -> memref<1x1x32xf32, #tpu.memory_space<vmem>>
      %dma_start3A_200 = tpu.memref_squeeze %dma_start3A_199 : memref<1x1x32xf32, #tpu.memory_space<vmem>> -> memref<1x32xf32, #tpu.memory_space<vmem>>
      %dma_start3A_201 = arith.constant 0 : i32
      %dma_start3A_202 = tpu.memref_slice %arg3[%squeeze3A, %dma_start3A_201] : memref<1000000x32xf32, #tpu.memory_space<hbm>> -> memref<1x32xf32, #tpu.memory_space<hbm>>
      %dma_start3A_203 = arith.constant 0 : i32
      %dma_start3A_204 = tpu.memref_slice %arg7[%dma_start3A, %add3A_197, %dma_start3A_203] : memref<2x128x32xf32, #tpu.memory_space<vmem>> -> memref<1x1x32xf32, #tpu.memory_space<vmem>>
      %dma_start3A_205 = tpu.memref_squeeze %dma_start3A_204 : memref<1x1x32xf32, #tpu.memory_space<vmem>> -> memref<1x32xf32, #tpu.memory_space<vmem>>
      %dma_start3A_206 = arith.constant 0 : i32
      %dma_start3A_207 = tpu.memref_slice %arg3[%squeeze3A, %dma_start3A_206] : memref<1000000x32xf32, #tpu.memory_space<hbm>> -> memref<1x32xf32, #tpu.memory_space<hbm>>
      tpu.enqueue_dma source(%dma_start3A_207 : memref<1x32xf32, #tpu.memory_space<hbm>>) target(%dma_start3A_205 : memref<1x32xf32, #tpu.memory_space<vmem>>) target_semaphore(%arg10 : memref<!tpu.dma_semaphore, #tpu.memory_space<semaphore_mem>>)
      %slice3A_208 = vector.extract_strided_slice %get3A_187 {offsets = [1], sizes = [1], strides = [1]} : vector<16xi32> to vector<1xi32>
      %squeeze3A_209 = vector.extract %slice3A_208[0] : i32 from vector<1xi32>
      %dma_start3A_210 = arith.constant 1 : i32
      %dma_start3A_211 = arith.constant 0 : i32
      %dma_start3A_212 = tpu.memref_slice %arg8[%dma_start3A_210, %add3A_197, %dma_start3A_211] : memref<2x128x32xf32, #tpu.memory_space<vmem>> -> memref<1x1x32xf32, #tpu.memory_space<vmem>>
      %dma_start3A_213 = tpu.memref_squeeze %dma_start3A_212 : memref<1x1x32xf32, #tpu.memory_space<vmem>> -> memref<1x32xf32, #tpu.memory_space<vmem>>
      %dma_start3A_214 = arith.constant 0 : i32
      %dma_start3A_215 = tpu.memref_slice %arg4[%squeeze3A_209, %dma_start3A_214] : memref<1000000x32xf32, #tpu.memory_space<hbm>> -> memref<1x32xf32, #tpu.memory_space<hbm>>
      %dma_start3A_216 = arith.constant 0 : i32
      %dma_start3A_217 = tpu.memref_slice %arg8[%dma_start3A_210, %add3A_197, %dma_start3A_216] : memref<2x128x32xf32, #tpu.memory_space<vmem>> -> memref<1x1x32xf32, #tpu.memory_space<vmem>>
      %dma_start3A_218 = tpu.memref_squeeze %dma_start3A_217 : memref<1x1x32xf32, #tpu.memory_space<vmem>> -> memref<1x32xf32, #tpu.memory_space<vmem>>
      %dma_start3A_219 = arith.constant 0 : i32
      %dma_start3A_220 = tpu.memref_slice %arg4[%squeeze3A_209, %dma_start3A_219] : memref<1000000x32xf32, #tpu.memory_space<hbm>> -> memref<1x32xf32, #tpu.memory_space<hbm>>
      tpu.enqueue_dma source(%dma_start3A_220 : memref<1x32xf32, #tpu.memory_space<hbm>>) target(%dma_start3A_218 : memref<1x32xf32, #tpu.memory_space<vmem>>) target_semaphore(%arg11 : memref<!tpu.dma_semaphore, #tpu.memory_space<semaphore_mem>>)
      %mul3A_221 = arith.constant 16 : i32
      %mul3A_222 = arith.muli %scan3A_179, %mul3A_221 : i32
      %add3A_223 = arith.constant 1 : i32
      %add3A_224 = arith.addi %mul3A_222, %add3A_223 : i32
      %slice3A_225 = vector.extract_strided_slice %get3A_187 {offsets = [2], sizes = [1], strides = [1]} : vector<16xi32> to vector<1xi32>
      %squeeze3A_226 = vector.extract %slice3A_225[0] : i32 from vector<1xi32>
      %dma_start3A_227 = arith.constant 1 : i32
      %dma_start3A_228 = arith.constant 0 : i32
      %dma_start3A_229 = tpu.memref_slice %arg7[%dma_start3A_227, %add3A_224, %dma_start3A_228] : memref<2x128x32xf32, #tpu.memory_space<vmem>> -> memref<1x1x32xf32, #tpu.memory_space<vmem>>
      %dma_start3A_230 = tpu.memref_squeeze %dma_start3A_229 : memref<1x1x32xf32, #tpu.memory_space<vmem>> -> memref<1x32xf32, #tpu.memory_space<vmem>>
      %dma_start3A_231 = arith.constant 0 : i32
      %dma_start3A_232 = tpu.memref_slice %arg3[%squeeze3A_226, %dma_start3A_231] : memref<1000000x32xf32, #tpu.memory_space<hbm>> -> memref<1x32xf32, #tpu.memory_space<hbm>>
      %dma_start3A_233 = arith.constant 0 : i32
      %dma_start3A_234 = tpu.memref_slice %arg7[%dma_start3A_227, %add3A_224, %dma_start3A_233] : memref<2x128x32xf32, #tpu.memory_space<vmem>> -> memref<1x1x32xf32, #tpu.memory_space<vmem>>
      %dma_start3A_235 = tpu.memref_squeeze %dma_start3A_234 : memref<1x1x32xf32, #tpu.memory_space<vmem>> -> memref<1x32xf32, #tpu.memory_space<vmem>>
      %dma_start3A_236 = arith.constant 0 : i32
      %dma_start3A_237 = tpu.memref_slice %arg3[%squeeze3A_226, %dma_start3A_236] : memref<1000000x32xf32, #tpu.memory_space<hbm>> -> memref<1x32xf32, #tpu.memory_space<hbm>>
      tpu.enqueue_dma source(%dma_start3A_237 : memref<1x32xf32, #tpu.memory_space<hbm>>) target(%dma_start3A_235 : memref<1x32xf32, #tpu.memory_space<vmem>>) target_semaphore(%arg10 : memref<!tpu.dma_semaphore, #tpu.memory_space<semaphore_mem>>)
      %slice3A_238 = vector.extract_strided_slice %get3A_187 {offsets = [3], sizes = [1], strides = [1]} : vector<16xi32> to vector<1xi32>
      %squeeze3A_239 = vector.extract %slice3A_238[0] : i32 from vector<1xi32>
      %dma_start3A_240 = arith.constant 1 : i32
      %dma_start3A_241 = arith.constant 0 : i32
      %dma_start3A_242 = tpu.memref_slice %arg8[%dma_start3A_240, %add3A_224, %dma_start3A_241] : memref<2x128x32xf32, #tpu.memory_space<vmem>> -> memref<1x1x32xf32, #tpu.memory_space<vmem>>
      %dma_start3A_243 = tpu.memref_squeeze %dma_start3A_242 : memref<1x1x32xf32, #tpu.memory_space<vmem>> -> memref<1x32xf32, #tpu.memory_space<vmem>>
      %dma_start3A_244 = arith.constant 0 : i32
      %dma_start3A_245 = tpu.memref_slice %arg4[%squeeze3A_239, %dma_start3A_244] : memref<1000000x32xf32, #tpu.memory_space<hbm>> -> memref<1x32xf32, #tpu.memory_space<hbm>>
      %dma_start3A_246 = arith.constant 0 : i32
      %dma_start3A_247 = tpu.memref_slice %arg8[%dma_start3A_240, %add3A_224, %dma_start3A_246] : memref<2x128x32xf32, #tpu.memory_space<vmem>> -> memref<1x1x32xf32, #tpu.memory_space<vmem>>
      %dma_start3A_248 = tpu.memref_squeeze %dma_start3A_247 : memref<1x1x32xf32, #tpu.memory_space<vmem>> -> memref<1x32xf32, #tpu.memory_space<vmem>>
      %dma_start3A_249 = arith.constant 0 : i32
      %dma_start3A_250 = tpu.memref_slice %arg4[%squeeze3A_239, %dma_start3A_249] : memref<1000000x32xf32, #tpu.memory_space<hbm>> -> memref<1x32xf32, #tpu.memory_space<hbm>>
      tpu.enqueue_dma source(%dma_start3A_250 : memref<1x32xf32, #tpu.memory_space<hbm>>) target(%dma_start3A_248 : memref<1x32xf32, #tpu.memory_space<vmem>>) target_semaphore(%arg11 : memref<!tpu.dma_semaphore, #tpu.memory_space<semaphore_mem>>)
      %mul3A_251 = arith.constant 16 : i32
      %mul3A_252 = arith.muli %scan3A_179, %mul3A_251 : i32
      %add3A_253 = arith.constant 2 : i32
      %add3A_254 = arith.addi %mul3A_252, %add3A_253 : i32
      %slice3A_255 = vector.extract_strided_slice %get3A_187 {offsets = [4], sizes = [1], strides = [1]} : vector<16xi32> to vector<1xi32>
      %squeeze3A_256 = vector.extract %slice3A_255[0] : i32 from vector<1xi32>
      %dma_start3A_257 = arith.constant 1 : i32
      %dma_start3A_258 = arith.constant 0 : i32
      %dma_start3A_259 = tpu.memref_slice %arg7[%dma_start3A_257, %add3A_254, %dma_start3A_258] : memref<2x128x32xf32, #tpu.memory_space<vmem>> -> memref<1x1x32xf32, #tpu.memory_space<vmem>>
      %dma_start3A_260 = tpu.memref_squeeze %dma_start3A_259 : memref<1x1x32xf32, #tpu.memory_space<vmem>> -> memref<1x32xf32, #tpu.memory_space<vmem>>
      %dma_start3A_261 = arith.constant 0 : i32
      %dma_start3A_262 = tpu.memref_slice %arg3[%squeeze3A_256, %dma_start3A_261] : memref<1000000x32xf32, #tpu.memory_space<hbm>> -> memref<1x32xf32, #tpu.memory_space<hbm>>
      %dma_start3A_263 = arith.constant 0 : i32
      %dma_start3A_264 = tpu.memref_slice %arg7[%dma_start3A_257, %add3A_254, %dma_start3A_263] : memref<2x128x32xf32, #tpu.memory_space<vmem>> -> memref<1x1x32xf32, #tpu.memory_space<vmem>>
      %dma_start3A_265 = tpu.memref_squeeze %dma_start3A_264 : memref<1x1x32xf32, #tpu.memory_space<vmem>> -> memref<1x32xf32, #tpu.memory_space<vmem>>
      %dma_start3A_266 = arith.constant 0 : i32
      %dma_start3A_267 = tpu.memref_slice %arg3[%squeeze3A_256, %dma_start3A_266] : memref<1000000x32xf32, #tpu.memory_space<hbm>> -> memref<1x32xf32, #tpu.memory_space<hbm>>
      tpu.enqueue_dma source(%dma_start3A_267 : memref<1x32xf32, #tpu.memory_space<hbm>>) target(%dma_start3A_265 : memref<1x32xf32, #tpu.memory_space<vmem>>) target_semaphore(%arg10 : memref<!tpu.dma_semaphore, #tpu.memory_space<semaphore_mem>>)
      %slice3A_268 = vector.extract_strided_slice %get3A_187 {offsets = [5], sizes = [1], strides = [1]} : vector<16xi32> to vector<1xi32>
      %squeeze3A_269 = vector.extract %slice3A_268[0] : i32 from vector<1xi32>
      %dma_start3A_270 = arith.constant 1 : i32
      %dma_start3A_271 = arith.constant 0 : i32
      %dma_start3A_272 = tpu.memref_slice %arg8[%dma_start3A_270, %add3A_254, %dma_start3A_271] : memref<2x128x32xf32, #tpu.memory_space<vmem>> -> memref<1x1x32xf32, #tpu.memory_space<vmem>>
      %dma_start3A_273 = tpu.memref_squeeze %dma_start3A_272 : memref<1x1x32xf32, #tpu.memory_space<vmem>> -> memref<1x32xf32, #tpu.memory_space<vmem>>
      %dma_start3A_274 = arith.constant 0 : i32
      %dma_start3A_275 = tpu.memref_slice %arg4[%squeeze3A_269, %dma_start3A_274] : memref<1000000x32xf32, #tpu.memory_space<hbm>> -> memref<1x32xf32, #tpu.memory_space<hbm>>
      %dma_start3A_276 = arith.constant 0 : i32
      %dma_start3A_277 = tpu.memref_slice %arg8[%dma_start3A_270, %add3A_254, %dma_start3A_276] : memref<2x128x32xf32, #tpu.memory_space<vmem>> -> memref<1x1x32xf32, #tpu.memory_space<vmem>>
      %dma_start3A_278 = tpu.memref_squeeze %dma_start3A_277 : memref<1x1x32xf32, #tpu.memory_space<vmem>> -> memref<1x32xf32, #tpu.memory_space<vmem>>
      %dma_start3A_279 = arith.constant 0 : i32
      %dma_start3A_280 = tpu.memref_slice %arg4[%squeeze3A_269, %dma_start3A_279] : memref<1000000x32xf32, #tpu.memory_space<hbm>> -> memref<1x32xf32, #tpu.memory_space<hbm>>
      tpu.enqueue_dma source(%dma_start3A_280 : memref<1x32xf32, #tpu.memory_space<hbm>>) target(%dma_start3A_278 : memref<1x32xf32, #tpu.memory_space<vmem>>) target_semaphore(%arg11 : memref<!tpu.dma_semaphore, #tpu.memory_space<semaphore_mem>>)
      %mul3A_281 = arith.constant 16 : i32
      %mul3A_282 = arith.muli %scan3A_179, %mul3A_281 : i32
      %add3A_283 = arith.constant 3 : i32
      %add3A_284 = arith.addi %mul3A_282, %add3A_283 : i32
      %slice3A_285 = vector.extract_strided_slice %get3A_187 {offsets = [6], sizes = [1], strides = [1]} : vector<16xi32> to vector<1xi32>
      %squeeze3A_286 = vector.extract %slice3A_285[0] : i32 from vector<1xi32>
      %dma_start3A_287 = arith.constant 1 : i32
      %dma_start3A_288 = arith.constant 0 : i32
      %dma_start3A_289 = tpu.memref_slice %arg7[%dma_start3A_287, %add3A_284, %dma_start3A_288] : memref<2x128x32xf32, #tpu.memory_space<vmem>> -> memref<1x1x32xf32, #tpu.memory_space<vmem>>
      %dma_start3A_290 = tpu.memref_squeeze %dma_start3A_289 : memref<1x1x32xf32, #tpu.memory_space<vmem>> -> memref<1x32xf32, #tpu.memory_space<vmem>>
      %dma_start3A_291 = arith.constant 0 : i32
      %dma_start3A_292 = tpu.memref_slice %arg3[%squeeze3A_286, %dma_start3A_291] : memref<1000000x32xf32, #tpu.memory_space<hbm>> -> memref<1x32xf32, #tpu.memory_space<hbm>>
      %dma_start3A_293 = arith.constant 0 : i32
      %dma_start3A_294 = tpu.memref_slice %arg7[%dma_start3A_287, %add3A_284, %dma_start3A_293] : memref<2x128x32xf32, #tpu.memory_space<vmem>> -> memref<1x1x32xf32, #tpu.memory_space<vmem>>
      %dma_start3A_295 = tpu.memref_squeeze %dma_start3A_294 : memref<1x1x32xf32, #tpu.memory_space<vmem>> -> memref<1x32xf32, #tpu.memory_space<vmem>>
      %dma_start3A_296 = arith.constant 0 : i32
      %dma_start3A_297 = tpu.memref_slice %arg3[%squeeze3A_286, %dma_start3A_296] : memref<1000000x32xf32, #tpu.memory_space<hbm>> -> memref<1x32xf32, #tpu.memory_space<hbm>>
      tpu.enqueue_dma source(%dma_start3A_297 : memref<1x32xf32, #tpu.memory_space<hbm>>) target(%dma_start3A_295 : memref<1x32xf32, #tpu.memory_space<vmem>>) target_semaphore(%arg10 : memref<!tpu.dma_semaphore, #tpu.memory_space<semaphore_mem>>)
      %slice3A_298 = vector.extract_strided_slice %get3A_187 {offsets = [7], sizes = [1], strides = [1]} : vector<16xi32> to vector<1xi32>
      %squeeze3A_299 = vector.extract %slice3A_298[0] : i32 from vector<1xi32>
      %dma_start3A_300 = arith.constant 1 : i32
      %dma_start3A_301 = arith.constant 0 : i32
      %dma_start3A_302 = tpu.memref_slice %arg8[%dma_start3A_300, %add3A_284, %dma_start3A_301] : memref<2x128x32xf32, #tpu.memory_space<vmem>> -> memref<1x1x32xf32, #tpu.memory_space<vmem>>
      %dma_start3A_303 = tpu.memref_squeeze %dma_start3A_302 : memref<1x1x32xf32, #tpu.memory_space<vmem>> -> memref<1x32xf32, #tpu.memory_space<vmem>>
      %dma_start3A_304 = arith.constant 0 : i32
      %dma_start3A_305 = tpu.memref_slice %arg4[%squeeze3A_299, %dma_start3A_304] : memref<1000000x32xf32, #tpu.memory_space<hbm>> -> memref<1x32xf32, #tpu.memory_space<hbm>>
      %dma_start3A_306 = arith.constant 0 : i32
      %dma_start3A_307 = tpu.memref_slice %arg8[%dma_start3A_300, %add3A_284, %dma_start3A_306] : memref<2x128x32xf32, #tpu.memory_space<vmem>> -> memref<1x1x32xf32, #tpu.memory_space<vmem>>
      %dma_start3A_308 = tpu.memref_squeeze %dma_start3A_307 : memref<1x1x32xf32, #tpu.memory_space<vmem>> -> memref<1x32xf32, #tpu.memory_space<vmem>>
      %dma_start3A_309 = arith.constant 0 : i32
      %dma_start3A_310 = tpu.memref_slice %arg4[%squeeze3A_299, %dma_start3A_309] : memref<1000000x32xf32, #tpu.memory_space<hbm>> -> memref<1x32xf32, #tpu.memory_space<hbm>>
      tpu.enqueue_dma source(%dma_start3A_310 : memref<1x32xf32, #tpu.memory_space<hbm>>) target(%dma_start3A_308 : memref<1x32xf32, #tpu.memory_space<vmem>>) target_semaphore(%arg11 : memref<!tpu.dma_semaphore, #tpu.memory_space<semaphore_mem>>)
      %mul3A_311 = arith.constant 16 : i32
      %mul3A_312 = arith.muli %scan3A_179, %mul3A_311 : i32
      %add3A_313 = arith.constant 4 : i32
      %add3A_314 = arith.addi %mul3A_312, %add3A_313 : i32
      %slice3A_315 = vector.extract_strided_slice %get3A_187 {offsets = [8], sizes = [1], strides = [1]} : vector<16xi32> to vector<1xi32>
      %squeeze3A_316 = vector.extract %slice3A_315[0] : i32 from vector<1xi32>
      %dma_start3A_317 = arith.constant 1 : i32
      %dma_start3A_318 = arith.constant 0 : i32
      %dma_start3A_319 = tpu.memref_slice %arg7[%dma_start3A_317, %add3A_314, %dma_start3A_318] : memref<2x128x32xf32, #tpu.memory_space<vmem>> -> memref<1x1x32xf32, #tpu.memory_space<vmem>>
      %dma_start3A_320 = tpu.memref_squeeze %dma_start3A_319 : memref<1x1x32xf32, #tpu.memory_space<vmem>> -> memref<1x32xf32, #tpu.memory_space<vmem>>
      %dma_start3A_321 = arith.constant 0 : i32
      %dma_start3A_322 = tpu.memref_slice %arg3[%squeeze3A_316, %dma_start3A_321] : memref<1000000x32xf32, #tpu.memory_space<hbm>> -> memref<1x32xf32, #tpu.memory_space<hbm>>
      %dma_start3A_323 = arith.constant 0 : i32
      %dma_start3A_324 = tpu.memref_slice %arg7[%dma_start3A_317, %add3A_314, %dma_start3A_323] : memref<2x128x32xf32, #tpu.memory_space<vmem>> -> memref<1x1x32xf32, #tpu.memory_space<vmem>>
      %dma_start3A_325 = tpu.memref_squeeze %dma_start3A_324 : memref<1x1x32xf32, #tpu.memory_space<vmem>> -> memref<1x32xf32, #tpu.memory_space<vmem>>
      %dma_start3A_326 = arith.constant 0 : i32
      %dma_start3A_327 = tpu.memref_slice %arg3[%squeeze3A_316, %dma_start3A_326] : memref<1000000x32xf32, #tpu.memory_space<hbm>> -> memref<1x32xf32, #tpu.memory_space<hbm>>
      tpu.enqueue_dma source(%dma_start3A_327 : memref<1x32xf32, #tpu.memory_space<hbm>>) target(%dma_start3A_325 : memref<1x32xf32, #tpu.memory_space<vmem>>) target_semaphore(%arg10 : memref<!tpu.dma_semaphore, #tpu.memory_space<semaphore_mem>>)
      %slice3A_328 = vector.extract_strided_slice %get3A_187 {offsets = [9], sizes = [1], strides = [1]} : vector<16xi32> to vector<1xi32>
      %squeeze3A_329 = vector.extract %slice3A_328[0] : i32 from vector<1xi32>
      %dma_start3A_330 = arith.constant 1 : i32
      %dma_start3A_331 = arith.constant 0 : i32
      %dma_start3A_332 = tpu.memref_slice %arg8[%dma_start3A_330, %add3A_314, %dma_start3A_331] : memref<2x128x32xf32, #tpu.memory_space<vmem>> -> memref<1x1x32xf32, #tpu.memory_space<vmem>>
      %dma_start3A_333 = tpu.memref_squeeze %dma_start3A_332 : memref<1x1x32xf32, #tpu.memory_space<vmem>> -> memref<1x32xf32, #tpu.memory_space<vmem>>
      %dma_start3A_334 = arith.constant 0 : i32
      %dma_start3A_335 = tpu.memref_slice %arg4[%squeeze3A_329, %dma_start3A_334] : memref<1000000x32xf32, #tpu.memory_space<hbm>> -> memref<1x32xf32, #tpu.memory_space<hbm>>
      %dma_start3A_336 = arith.constant 0 : i32
      %dma_start3A_337 = tpu.memref_slice %arg8[%dma_start3A_330, %add3A_314, %dma_start3A_336] : memref<2x128x32xf32, #tpu.memory_space<vmem>> -> memref<1x1x32xf32, #tpu.memory_space<vmem>>
      %dma_start3A_338 = tpu.memref_squeeze %dma_start3A_337 : memref<1x1x32xf32, #tpu.memory_space<vmem>> -> memref<1x32xf32, #tpu.memory_space<vmem>>
      %dma_start3A_339 = arith.constant 0 : i32
      %dma_start3A_340 = tpu.memref_slice %arg4[%squeeze3A_329, %dma_start3A_339] : memref<1000000x32xf32, #tpu.memory_space<hbm>> -> memref<1x32xf32, #tpu.memory_space<hbm>>
      tpu.enqueue_dma source(%dma_start3A_340 : memref<1x32xf32, #tpu.memory_space<hbm>>) target(%dma_start3A_338 : memref<1x32xf32, #tpu.memory_space<vmem>>) target_semaphore(%arg11 : memref<!tpu.dma_semaphore, #tpu.memory_space<semaphore_mem>>)
      %mul3A_341 = arith.constant 16 : i32
      %mul3A_342 = arith.muli %scan3A_179, %mul3A_341 : i32
      %add3A_343 = arith.constant 5 : i32
      %add3A_344 = arith.addi %mul3A_342, %add3A_343 : i32
      %slice3A_345 = vector.extract_strided_slice %get3A_187 {offsets = [10], sizes = [1], strides = [1]} : vector<16xi32> to vector<1xi32>
      %squeeze3A_346 = vector.extract %slice3A_345[0] : i32 from vector<1xi32>
      %dma_start3A_347 = arith.constant 1 : i32
      %dma_start3A_348 = arith.constant 0 : i32
      %dma_start3A_349 = tpu.memref_slice %arg7[%dma_start3A_347, %add3A_344, %dma_start3A_348] : memref<2x128x32xf32, #tpu.memory_space<vmem>> -> memref<1x1x32xf32, #tpu.memory_space<vmem>>
      %dma_start3A_350 = tpu.memref_squeeze %dma_start3A_349 : memref<1x1x32xf32, #tpu.memory_space<vmem>> -> memref<1x32xf32, #tpu.memory_space<vmem>>
      %dma_start3A_351 = arith.constant 0 : i32
      %dma_start3A_352 = tpu.memref_slice %arg3[%squeeze3A_346, %dma_start3A_351] : memref<1000000x32xf32, #tpu.memory_space<hbm>> -> memref<1x32xf32, #tpu.memory_space<hbm>>
      %dma_start3A_353 = arith.constant 0 : i32
      %dma_start3A_354 = tpu.memref_slice %arg7[%dma_start3A_347, %add3A_344, %dma_start3A_353] : memref<2x128x32xf32, #tpu.memory_space<vmem>> -> memref<1x1x32xf32, #tpu.memory_space<vmem>>
      %dma_start3A_355 = tpu.memref_squeeze %dma_start3A_354 : memref<1x1x32xf32, #tpu.memory_space<vmem>> -> memref<1x32xf32, #tpu.memory_space<vmem>>
      %dma_start3A_356 = arith.constant 0 : i32
      %dma_start3A_357 = tpu.memref_slice %arg3[%squeeze3A_346, %dma_start3A_356] : memref<1000000x32xf32, #tpu.memory_space<hbm>> -> memref<1x32xf32, #tpu.memory_space<hbm>>
      tpu.enqueue_dma source(%dma_start3A_357 : memref<1x32xf32, #tpu.memory_space<hbm>>) target(%dma_start3A_355 : memref<1x32xf32, #tpu.memory_space<vmem>>) target_semaphore(%arg10 : memref<!tpu.dma_semaphore, #tpu.memory_space<semaphore_mem>>)
      %slice3A_358 = vector.extract_strided_slice %get3A_187 {offsets = [11], sizes = [1], strides = [1]} : vector<16xi32> to vector<1xi32>
      %squeeze3A_359 = vector.extract %slice3A_358[0] : i32 from vector<1xi32>
      %dma_start3A_360 = arith.constant 1 : i32
      %dma_start3A_361 = arith.constant 0 : i32
      %dma_start3A_362 = tpu.memref_slice %arg8[%dma_start3A_360, %add3A_344, %dma_start3A_361] : memref<2x128x32xf32, #tpu.memory_space<vmem>> -> memref<1x1x32xf32, #tpu.memory_space<vmem>>
      %dma_start3A_363 = tpu.memref_squeeze %dma_start3A_362 : memref<1x1x32xf32, #tpu.memory_space<vmem>> -> memref<1x32xf32, #tpu.memory_space<vmem>>
      %dma_start3A_364 = arith.constant 0 : i32
      %dma_start3A_365 = tpu.memref_slice %arg4[%squeeze3A_359, %dma_start3A_364] : memref<1000000x32xf32, #tpu.memory_space<hbm>> -> memref<1x32xf32, #tpu.memory_space<hbm>>
      %dma_start3A_366 = arith.constant 0 : i32
      %dma_start3A_367 = tpu.memref_slice %arg8[%dma_start3A_360, %add3A_344, %dma_start3A_366] : memref<2x128x32xf32, #tpu.memory_space<vmem>> -> memref<1x1x32xf32, #tpu.memory_space<vmem>>
      %dma_start3A_368 = tpu.memref_squeeze %dma_start3A_367 : memref<1x1x32xf32, #tpu.memory_space<vmem>> -> memref<1x32xf32, #tpu.memory_space<vmem>>
      %dma_start3A_369 = arith.constant 0 : i32
      %dma_start3A_370 = tpu.memref_slice %arg4[%squeeze3A_359, %dma_start3A_369] : memref<1000000x32xf32, #tpu.memory_space<hbm>> -> memref<1x32xf32, #tpu.memory_space<hbm>>
      tpu.enqueue_dma source(%dma_start3A_370 : memref<1x32xf32, #tpu.memory_space<hbm>>) target(%dma_start3A_368 : memref<1x32xf32, #tpu.memory_space<vmem>>) target_semaphore(%arg11 : memref<!tpu.dma_semaphore, #tpu.memory_space<semaphore_mem>>)
      %mul3A_371 = arith.constant 16 : i32
      %mul3A_372 = arith.muli %scan3A_179, %mul3A_371 : i32
      %add3A_373 = arith.constant 6 : i32
      %add3A_374 = arith.addi %mul3A_372, %add3A_373 : i32
      %slice3A_375 = vector.extract_strided_slice %get3A_187 {offsets = [12], sizes = [1], strides = [1]} : vector<16xi32> to vector<1xi32>
      %squeeze3A_376 = vector.extract %slice3A_375[0] : i32 from vector<1xi32>
      %dma_start3A_377 = arith.constant 1 : i32
      %dma_start3A_378 = arith.constant 0 : i32
      %dma_start3A_379 = tpu.memref_slice %arg7[%dma_start3A_377, %add3A_374, %dma_start3A_378] : memref<2x128x32xf32, #tpu.memory_space<vmem>> -> memref<1x1x32xf32, #tpu.memory_space<vmem>>
      %dma_start3A_380 = tpu.memref_squeeze %dma_start3A_379 : memref<1x1x32xf32, #tpu.memory_space<vmem>> -> memref<1x32xf32, #tpu.memory_space<vmem>>
      %dma_start3A_381 = arith.constant 0 : i32
      %dma_start3A_382 = tpu.memref_slice %arg3[%squeeze3A_376, %dma_start3A_381] : memref<1000000x32xf32, #tpu.memory_space<hbm>> -> memref<1x32xf32, #tpu.memory_space<hbm>>
      %dma_start3A_383 = arith.constant 0 : i32
      %dma_start3A_384 = tpu.memref_slice %arg7[%dma_start3A_377, %add3A_374, %dma_start3A_383] : memref<2x128x32xf32, #tpu.memory_space<vmem>> -> memref<1x1x32xf32, #tpu.memory_space<vmem>>
      %dma_start3A_385 = tpu.memref_squeeze %dma_start3A_384 : memref<1x1x32xf32, #tpu.memory_space<vmem>> -> memref<1x32xf32, #tpu.memory_space<vmem>>
      %dma_start3A_386 = arith.constant 0 : i32
      %dma_start3A_387 = tpu.memref_slice %arg3[%squeeze3A_376, %dma_start3A_386] : memref<1000000x32xf32, #tpu.memory_space<hbm>> -> memref<1x32xf32, #tpu.memory_space<hbm>>
      tpu.enqueue_dma source(%dma_start3A_387 : memref<1x32xf32, #tpu.memory_space<hbm>>) target(%dma_start3A_385 : memref<1x32xf32, #tpu.memory_space<vmem>>) target_semaphore(%arg10 : memref<!tpu.dma_semaphore, #tpu.memory_space<semaphore_mem>>)
      %slice3A_388 = vector.extract_strided_slice %get3A_187 {offsets = [13], sizes = [1], strides = [1]} : vector<16xi32> to vector<1xi32>
      %squeeze3A_389 = vector.extract %slice3A_388[0] : i32 from vector<1xi32>
      %dma_start3A_390 = arith.constant 1 : i32
      %dma_start3A_391 = arith.constant 0 : i32
      %dma_start3A_392 = tpu.memref_slice %arg8[%dma_start3A_390, %add3A_374, %dma_start3A_391] : memref<2x128x32xf32, #tpu.memory_space<vmem>> -> memref<1x1x32xf32, #tpu.memory_space<vmem>>
      %dma_start3A_393 = tpu.memref_squeeze %dma_start3A_392 : memref<1x1x32xf32, #tpu.memory_space<vmem>> -> memref<1x32xf32, #tpu.memory_space<vmem>>
      %dma_start3A_394 = arith.constant 0 : i32
      %dma_start3A_395 = tpu.memref_slice %arg4[%squeeze3A_389, %dma_start3A_394] : memref<1000000x32xf32, #tpu.memory_space<hbm>> -> memref<1x32xf32, #tpu.memory_space<hbm>>
      %dma_start3A_396 = arith.constant 0 : i32
      %dma_start3A_397 = tpu.memref_slice %arg8[%dma_start3A_390, %add3A_374, %dma_start3A_396] : memref<2x128x32xf32, #tpu.memory_space<vmem>> -> memref<1x1x32xf32, #tpu.memory_space<vmem>>
      %dma_start3A_398 = tpu.memref_squeeze %dma_start3A_397 : memref<1x1x32xf32, #tpu.memory_space<vmem>> -> memref<1x32xf32, #tpu.memory_space<vmem>>
      %dma_start3A_399 = arith.constant 0 : i32
      %dma_start3A_400 = tpu.memref_slice %arg4[%squeeze3A_389, %dma_start3A_399] : memref<1000000x32xf32, #tpu.memory_space<hbm>> -> memref<1x32xf32, #tpu.memory_space<hbm>>
      tpu.enqueue_dma source(%dma_start3A_400 : memref<1x32xf32, #tpu.memory_space<hbm>>) target(%dma_start3A_398 : memref<1x32xf32, #tpu.memory_space<vmem>>) target_semaphore(%arg11 : memref<!tpu.dma_semaphore, #tpu.memory_space<semaphore_mem>>)
      %mul3A_401 = arith.constant 16 : i32
      %mul3A_402 = arith.muli %scan3A_179, %mul3A_401 : i32
      %add3A_403 = arith.constant 7 : i32
      %add3A_404 = arith.addi %mul3A_402, %add3A_403 : i32
      %slice3A_405 = vector.extract_strided_slice %get3A_187 {offsets = [14], sizes = [1], strides = [1]} : vector<16xi32> to vector<1xi32>
      %squeeze3A_406 = vector.extract %slice3A_405[0] : i32 from vector<1xi32>
      %dma_start3A_407 = arith.constant 1 : i32
      %dma_start3A_408 = arith.constant 0 : i32
      %dma_start3A_409 = tpu.memref_slice %arg7[%dma_start3A_407, %add3A_404, %dma_start3A_408] : memref<2x128x32xf32, #tpu.memory_space<vmem>> -> memref<1x1x32xf32, #tpu.memory_space<vmem>>
      %dma_start3A_410 = tpu.memref_squeeze %dma_start3A_409 : memref<1x1x32xf32, #tpu.memory_space<vmem>> -> memref<1x32xf32, #tpu.memory_space<vmem>>
      %dma_start3A_411 = arith.constant 0 : i32
      %dma_start3A_412 = tpu.memref_slice %arg3[%squeeze3A_406, %dma_start3A_411] : memref<1000000x32xf32, #tpu.memory_space<hbm>> -> memref<1x32xf32, #tpu.memory_space<hbm>>
      %dma_start3A_413 = arith.constant 0 : i32
      %dma_start3A_414 = tpu.memref_slice %arg7[%dma_start3A_407, %add3A_404, %dma_start3A_413] : memref<2x128x32xf32, #tpu.memory_space<vmem>> -> memref<1x1x32xf32, #tpu.memory_space<vmem>>
      %dma_start3A_415 = tpu.memref_squeeze %dma_start3A_414 : memref<1x1x32xf32, #tpu.memory_space<vmem>> -> memref<1x32xf32, #tpu.memory_space<vmem>>
      %dma_start3A_416 = arith.constant 0 : i32
      %dma_start3A_417 = tpu.memref_slice %arg3[%squeeze3A_406, %dma_start3A_416] : memref<1000000x32xf32, #tpu.memory_space<hbm>> -> memref<1x32xf32, #tpu.memory_space<hbm>>
      tpu.enqueue_dma source(%dma_start3A_417 : memref<1x32xf32, #tpu.memory_space<hbm>>) target(%dma_start3A_415 : memref<1x32xf32, #tpu.memory_space<vmem>>) target_semaphore(%arg10 : memref<!tpu.dma_semaphore, #tpu.memory_space<semaphore_mem>>)
      %slice3A_418 = vector.extract_strided_slice %get3A_187 {offsets = [15], sizes = [1], strides = [1]} : vector<16xi32> to vector<1xi32>
      %squeeze3A_419 = vector.extract %slice3A_418[0] : i32 from vector<1xi32>
      %dma_start3A_420 = arith.constant 1 : i32
      %dma_start3A_421 = arith.constant 0 : i32
      %dma_start3A_422 = tpu.memref_slice %arg8[%dma_start3A_420, %add3A_404, %dma_start3A_421] : memref<2x128x32xf32, #tpu.memory_space<vmem>> -> memref<1x1x32xf32, #tpu.memory_space<vmem>>
      %dma_start3A_423 = tpu.memref_squeeze %dma_start3A_422 : memref<1x1x32xf32, #tpu.memory_space<vmem>> -> memref<1x32xf32, #tpu.memory_space<vmem>>
      %dma_start3A_424 = arith.constant 0 : i32
      %dma_start3A_425 = tpu.memref_slice %arg4[%squeeze3A_419, %dma_start3A_424] : memref<1000000x32xf32, #tpu.memory_space<hbm>> -> memref<1x32xf32, #tpu.memory_space<hbm>>
      %dma_start3A_426 = arith.constant 0 : i32
      %dma_start3A_427 = tpu.memref_slice %arg8[%dma_start3A_420, %add3A_404, %dma_start3A_426] : memref<2x128x32xf32, #tpu.memory_space<vmem>> -> memref<1x1x32xf32, #tpu.memory_space<vmem>>
      %dma_start3A_428 = tpu.memref_squeeze %dma_start3A_427 : memref<1x1x32xf32, #tpu.memory_space<vmem>> -> memref<1x32xf32, #tpu.memory_space<vmem>>
      %dma_start3A_429 = arith.constant 0 : i32
      %dma_start3A_430 = tpu.memref_slice %arg4[%squeeze3A_419, %dma_start3A_429] : memref<1000000x32xf32, #tpu.memory_space<hbm>> -> memref<1x32xf32, #tpu.memory_space<hbm>>
      tpu.enqueue_dma source(%dma_start3A_430 : memref<1x32xf32, #tpu.memory_space<hbm>>) target(%dma_start3A_428 : memref<1x32xf32, #tpu.memory_space<vmem>>) target_semaphore(%arg11 : memref<!tpu.dma_semaphore, #tpu.memory_space<semaphore_mem>>)
      %mul3A_431 = arith.constant 16 : i32
      %mul3A_432 = arith.muli %scan3A_179, %mul3A_431 : i32
      %add3A_433 = arith.constant 8 : i32
      %add3A_434 = arith.addi %mul3A_432, %add3A_433 : i32
      %add3A_435 = arith.constant 0 : i32
      %add3A_436 = arith.addi %add3A_434, %add3A_435 : i32
      %slice3A_437 = vector.extract_strided_slice %get3A_193 {offsets = [0], sizes = [1], strides = [1]} : vector<16xi32> to vector<1xi32>
      %squeeze3A_438 = vector.extract %slice3A_437[0] : i32 from vector<1xi32>
      %dma_start3A_439 = arith.constant 1 : i32
      %dma_start3A_440 = arith.constant 0 : i32
      %dma_start3A_441 = tpu.memref_slice %arg7[%dma_start3A_439, %add3A_436, %dma_start3A_440] : memref<2x128x32xf32, #tpu.memory_space<vmem>> -> memref<1x1x32xf32, #tpu.memory_space<vmem>>
      %dma_start3A_442 = tpu.memref_squeeze %dma_start3A_441 : memref<1x1x32xf32, #tpu.memory_space<vmem>> -> memref<1x32xf32, #tpu.memory_space<vmem>>
      %dma_start3A_443 = arith.constant 0 : i32
      %dma_start3A_444 = tpu.memref_slice %arg3[%squeeze3A_438, %dma_start3A_443] : memref<1000000x32xf32, #tpu.memory_space<hbm>> -> memref<1x32xf32, #tpu.memory_space<hbm>>
      %dma_start3A_445 = arith.constant 0 : i32
      %dma_start3A_446 = tpu.memref_slice %arg7[%dma_start3A_439, %add3A_436, %dma_start3A_445] : memref<2x128x32xf32, #tpu.memory_space<vmem>> -> memref<1x1x32xf32, #tpu.memory_space<vmem>>
      %dma_start3A_447 = tpu.memref_squeeze %dma_start3A_446 : memref<1x1x32xf32, #tpu.memory_space<vmem>> -> memref<1x32xf32, #tpu.memory_space<vmem>>
      %dma_start3A_448 = arith.constant 0 : i32
      %dma_start3A_449 = tpu.memref_slice %arg3[%squeeze3A_438, %dma_start3A_448] : memref<1000000x32xf32, #tpu.memory_space<hbm>> -> memref<1x32xf32, #tpu.memory_space<hbm>>
      tpu.enqueue_dma source(%dma_start3A_449 : memref<1x32xf32, #tpu.memory_space<hbm>>) target(%dma_start3A_447 : memref<1x32xf32, #tpu.memory_space<vmem>>) target_semaphore(%arg10 : memref<!tpu.dma_semaphore, #tpu.memory_space<semaphore_mem>>)
      %slice3A_450 = vector.extract_strided_slice %get3A_193 {offsets = [1], sizes = [1], strides = [1]} : vector<16xi32> to vector<1xi32>
      %squeeze3A_451 = vector.extract %slice3A_450[0] : i32 from vector<1xi32>
      %dma_start3A_452 = arith.constant 1 : i32
      %dma_start3A_453 = arith.constant 0 : i32
      %dma_start3A_454 = tpu.memref_slice %arg8[%dma_start3A_452, %add3A_436, %dma_start3A_453] : memref<2x128x32xf32, #tpu.memory_space<vmem>> -> memref<1x1x32xf32, #tpu.memory_space<vmem>>
      %dma_start3A_455 = tpu.memref_squeeze %dma_start3A_454 : memref<1x1x32xf32, #tpu.memory_space<vmem>> -> memref<1x32xf32, #tpu.memory_space<vmem>>
      %dma_start3A_456 = arith.constant 0 : i32
      %dma_start3A_457 = tpu.memref_slice %arg4[%squeeze3A_451, %dma_start3A_456] : memref<1000000x32xf32, #tpu.memory_space<hbm>> -> memref<1x32xf32, #tpu.memory_space<hbm>>
      %dma_start3A_458 = arith.constant 0 : i32
      %dma_start3A_459 = tpu.memref_slice %arg8[%dma_start3A_452, %add3A_436, %dma_start3A_458] : memref<2x128x32xf32, #tpu.memory_space<vmem>> -> memref<1x1x32xf32, #tpu.memory_space<vmem>>
      %dma_start3A_460 = tpu.memref_squeeze %dma_start3A_459 : memref<1x1x32xf32, #tpu.memory_space<vmem>> -> memref<1x32xf32, #tpu.memory_space<vmem>>
      %dma_start3A_461 = arith.constant 0 : i32
      %dma_start3A_462 = tpu.memref_slice %arg4[%squeeze3A_451, %dma_start3A_461] : memref<1000000x32xf32, #tpu.memory_space<hbm>> -> memref<1x32xf32, #tpu.memory_space<hbm>>
      tpu.enqueue_dma source(%dma_start3A_462 : memref<1x32xf32, #tpu.memory_space<hbm>>) target(%dma_start3A_460 : memref<1x32xf32, #tpu.memory_space<vmem>>) target_semaphore(%arg11 : memref<!tpu.dma_semaphore, #tpu.memory_space<semaphore_mem>>)
      %mul3A_463 = arith.constant 16 : i32
      %mul3A_464 = arith.muli %scan3A_179, %mul3A_463 : i32
      %add3A_465 = arith.constant 8 : i32
      %add3A_466 = arith.addi %mul3A_464, %add3A_465 : i32
      %add3A_467 = arith.constant 1 : i32
      %add3A_468 = arith.addi %add3A_466, %add3A_467 : i32
      %slice3A_469 = vector.extract_strided_slice %get3A_193 {offsets = [2], sizes = [1], strides = [1]} : vector<16xi32> to vector<1xi32>
      %squeeze3A_470 = vector.extract %slice3A_469[0] : i32 from vector<1xi32>
      %dma_start3A_471 = arith.constant 1 : i32
      %dma_start3A_472 = arith.constant 0 : i32
      %dma_start3A_473 = tpu.memref_slice %arg7[%dma_start3A_471, %add3A_468, %dma_start3A_472] : memref<2x128x32xf32, #tpu.memory_space<vmem>> -> memref<1x1x32xf32, #tpu.memory_space<vmem>>
      %dma_start3A_474 = tpu.memref_squeeze %dma_start3A_473 : memref<1x1x32xf32, #tpu.memory_space<vmem>> -> memref<1x32xf32, #tpu.memory_space<vmem>>
      %dma_start3A_475 = arith.constant 0 : i32
      %dma_start3A_476 = tpu.memref_slice %arg3[%squeeze3A_470, %dma_start3A_475] : memref<1000000x32xf32, #tpu.memory_space<hbm>> -> memref<1x32xf32, #tpu.memory_space<hbm>>
      %dma_start3A_477 = arith.constant 0 : i32
      %dma_start3A_478 = tpu.memref_slice %arg7[%dma_start3A_471, %add3A_468, %dma_start3A_477] : memref<2x128x32xf32, #tpu.memory_space<vmem>> -> memref<1x1x32xf32, #tpu.memory_space<vmem>>
      %dma_start3A_479 = tpu.memref_squeeze %dma_start3A_478 : memref<1x1x32xf32, #tpu.memory_space<vmem>> -> memref<1x32xf32, #tpu.memory_space<vmem>>
      %dma_start3A_480 = arith.constant 0 : i32
      %dma_start3A_481 = tpu.memref_slice %arg3[%squeeze3A_470, %dma_start3A_480] : memref<1000000x32xf32, #tpu.memory_space<hbm>> -> memref<1x32xf32, #tpu.memory_space<hbm>>
      tpu.enqueue_dma source(%dma_start3A_481 : memref<1x32xf32, #tpu.memory_space<hbm>>) target(%dma_start3A_479 : memref<1x32xf32, #tpu.memory_space<vmem>>) target_semaphore(%arg10 : memref<!tpu.dma_semaphore, #tpu.memory_space<semaphore_mem>>)
      %slice3A_482 = vector.extract_strided_slice %get3A_193 {offsets = [3], sizes = [1], strides = [1]} : vector<16xi32> to vector<1xi32>
      %squeeze3A_483 = vector.extract %slice3A_482[0] : i32 from vector<1xi32>
      %dma_start3A_484 = arith.constant 1 : i32
      %dma_start3A_485 = arith.constant 0 : i32
      %dma_start3A_486 = tpu.memref_slice %arg8[%dma_start3A_484, %add3A_468, %dma_start3A_485] : memref<2x128x32xf32, #tpu.memory_space<vmem>> -> memref<1x1x32xf32, #tpu.memory_space<vmem>>
      %dma_start3A_487 = tpu.memref_squeeze %dma_start3A_486 : memref<1x1x32xf32, #tpu.memory_space<vmem>> -> memref<1x32xf32, #tpu.memory_space<vmem>>
      %dma_start3A_488 = arith.constant 0 : i32
      %dma_start3A_489 = tpu.memref_slice %arg4[%squeeze3A_483, %dma_start3A_488] : memref<1000000x32xf32, #tpu.memory_space<hbm>> -> memref<1x32xf32, #tpu.memory_space<hbm>>
      %dma_start3A_490 = arith.constant 0 : i32
      %dma_start3A_491 = tpu.memref_slice %arg8[%dma_start3A_484, %add3A_468, %dma_start3A_490] : memref<2x128x32xf32, #tpu.memory_space<vmem>> -> memref<1x1x32xf32, #tpu.memory_space<vmem>>
      %dma_start3A_492 = tpu.memref_squeeze %dma_start3A_491 : memref<1x1x32xf32, #tpu.memory_space<vmem>> -> memref<1x32xf32, #tpu.memory_space<vmem>>
      %dma_start3A_493 = arith.constant 0 : i32
      %dma_start3A_494 = tpu.memref_slice %arg4[%squeeze3A_483, %dma_start3A_493] : memref<1000000x32xf32, #tpu.memory_space<hbm>> -> memref<1x32xf32, #tpu.memory_space<hbm>>
      tpu.enqueue_dma source(%dma_start3A_494 : memref<1x32xf32, #tpu.memory_space<hbm>>) target(%dma_start3A_492 : memref<1x32xf32, #tpu.memory_space<vmem>>) target_semaphore(%arg11 : memref<!tpu.dma_semaphore, #tpu.memory_space<semaphore_mem>>)
      %mul3A_495 = arith.constant 16 : i32
      %mul3A_496 = arith.muli %scan3A_179, %mul3A_495 : i32
      %add3A_497 = arith.constant 8 : i32
      %add3A_498 = arith.addi %mul3A_496, %add3A_497 : i32
      %add3A_499 = arith.constant 2 : i32
      %add3A_500 = arith.addi %add3A_498, %add3A_499 : i32
      %slice3A_501 = vector.extract_strided_slice %get3A_193 {offsets = [4], sizes = [1], strides = [1]} : vector<16xi32> to vector<1xi32>
      %squeeze3A_502 = vector.extract %slice3A_501[0] : i32 from vector<1xi32>
      %dma_start3A_503 = arith.constant 1 : i32
      %dma_start3A_504 = arith.constant 0 : i32
      %dma_start3A_505 = tpu.memref_slice %arg7[%dma_start3A_503, %add3A_500, %dma_start3A_504] : memref<2x128x32xf32, #tpu.memory_space<vmem>> -> memref<1x1x32xf32, #tpu.memory_space<vmem>>
      %dma_start3A_506 = tpu.memref_squeeze %dma_start3A_505 : memref<1x1x32xf32, #tpu.memory_space<vmem>> -> memref<1x32xf32, #tpu.memory_space<vmem>>
      %dma_start3A_507 = arith.constant 0 : i32
      %dma_start3A_508 = tpu.memref_slice %arg3[%squeeze3A_502, %dma_start3A_507] : memref<1000000x32xf32, #tpu.memory_space<hbm>> -> memref<1x32xf32, #tpu.memory_space<hbm>>
      %dma_start3A_509 = arith.constant 0 : i32
      %dma_start3A_510 = tpu.memref_slice %arg7[%dma_start3A_503, %add3A_500, %dma_start3A_509] : memref<2x128x32xf32, #tpu.memory_space<vmem>> -> memref<1x1x32xf32, #tpu.memory_space<vmem>>
      %dma_start3A_511 = tpu.memref_squeeze %dma_start3A_510 : memref<1x1x32xf32, #tpu.memory_space<vmem>> -> memref<1x32xf32, #tpu.memory_space<vmem>>
      %dma_start3A_512 = arith.constant 0 : i32
      %dma_start3A_513 = tpu.memref_slice %arg3[%squeeze3A_502, %dma_start3A_512] : memref<1000000x32xf32, #tpu.memory_space<hbm>> -> memref<1x32xf32, #tpu.memory_space<hbm>>
      tpu.enqueue_dma source(%dma_start3A_513 : memref<1x32xf32, #tpu.memory_space<hbm>>) target(%dma_start3A_511 : memref<1x32xf32, #tpu.memory_space<vmem>>) target_semaphore(%arg10 : memref<!tpu.dma_semaphore, #tpu.memory_space<semaphore_mem>>)
      %slice3A_514 = vector.extract_strided_slice %get3A_193 {offsets = [5], sizes = [1], strides = [1]} : vector<16xi32> to vector<1xi32>
      %squeeze3A_515 = vector.extract %slice3A_514[0] : i32 from vector<1xi32>
      %dma_start3A_516 = arith.constant 1 : i32
      %dma_start3A_517 = arith.constant 0 : i32
      %dma_start3A_518 = tpu.memref_slice %arg8[%dma_start3A_516, %add3A_500, %dma_start3A_517] : memref<2x128x32xf32, #tpu.memory_space<vmem>> -> memref<1x1x32xf32, #tpu.memory_space<vmem>>
      %dma_start3A_519 = tpu.memref_squeeze %dma_start3A_518 : memref<1x1x32xf32, #tpu.memory_space<vmem>> -> memref<1x32xf32, #tpu.memory_space<vmem>>
      %dma_start3A_520 = arith.constant 0 : i32
      %dma_start3A_521 = tpu.memref_slice %arg4[%squeeze3A_515, %dma_start3A_520] : memref<1000000x32xf32, #tpu.memory_space<hbm>> -> memref<1x32xf32, #tpu.memory_space<hbm>>
      %dma_start3A_522 = arith.constant 0 : i32
      %dma_start3A_523 = tpu.memref_slice %arg8[%dma_start3A_516, %add3A_500, %dma_start3A_522] : memref<2x128x32xf32, #tpu.memory_space<vmem>> -> memref<1x1x32xf32, #tpu.memory_space<vmem>>
      %dma_start3A_524 = tpu.memref_squeeze %dma_start3A_523 : memref<1x1x32xf32, #tpu.memory_space<vmem>> -> memref<1x32xf32, #tpu.memory_space<vmem>>
      %dma_start3A_525 = arith.constant 0 : i32
      %dma_start3A_526 = tpu.memref_slice %arg4[%squeeze3A_515, %dma_start3A_525] : memref<1000000x32xf32, #tpu.memory_space<hbm>> -> memref<1x32xf32, #tpu.memory_space<hbm>>
      tpu.enqueue_dma source(%dma_start3A_526 : memref<1x32xf32, #tpu.memory_space<hbm>>) target(%dma_start3A_524 : memref<1x32xf32, #tpu.memory_space<vmem>>) target_semaphore(%arg11 : memref<!tpu.dma_semaphore, #tpu.memory_space<semaphore_mem>>)
      %mul3A_527 = arith.constant 16 : i32
      %mul3A_528 = arith.muli %scan3A_179, %mul3A_527 : i32
      %add3A_529 = arith.constant 8 : i32
      %add3A_530 = arith.addi %mul3A_528, %add3A_529 : i32
      %add3A_531 = arith.constant 3 : i32
      %add3A_532 = arith.addi %add3A_530, %add3A_531 : i32
      %slice3A_533 = vector.extract_strided_slice %get3A_193 {offsets = [6], sizes = [1], strides = [1]} : vector<16xi32> to vector<1xi32>
      %squeeze3A_534 = vector.extract %slice3A_533[0] : i32 from vector<1xi32>
      %dma_start3A_535 = arith.constant 1 : i32
      %dma_start3A_536 = arith.constant 0 : i32
      %dma_start3A_537 = tpu.memref_slice %arg7[%dma_start3A_535, %add3A_532, %dma_start3A_536] : memref<2x128x32xf32, #tpu.memory_space<vmem>> -> memref<1x1x32xf32, #tpu.memory_space<vmem>>
      %dma_start3A_538 = tpu.memref_squeeze %dma_start3A_537 : memref<1x1x32xf32, #tpu.memory_space<vmem>> -> memref<1x32xf32, #tpu.memory_space<vmem>>
      %dma_start3A_539 = arith.constant 0 : i32
      %dma_start3A_540 = tpu.memref_slice %arg3[%squeeze3A_534, %dma_start3A_539] : memref<1000000x32xf32, #tpu.memory_space<hbm>> -> memref<1x32xf32, #tpu.memory_space<hbm>>
      %dma_start3A_541 = arith.constant 0 : i32
      %dma_start3A_542 = tpu.memref_slice %arg7[%dma_start3A_535, %add3A_532, %dma_start3A_541] : memref<2x128x32xf32, #tpu.memory_space<vmem>> -> memref<1x1x32xf32, #tpu.memory_space<vmem>>
      %dma_start3A_543 = tpu.memref_squeeze %dma_start3A_542 : memref<1x1x32xf32, #tpu.memory_space<vmem>> -> memref<1x32xf32, #tpu.memory_space<vmem>>
      %dma_start3A_544 = arith.constant 0 : i32
      %dma_start3A_545 = tpu.memref_slice %arg3[%squeeze3A_534, %dma_start3A_544] : memref<1000000x32xf32, #tpu.memory_space<hbm>> -> memref<1x32xf32, #tpu.memory_space<hbm>>
      tpu.enqueue_dma source(%dma_start3A_545 : memref<1x32xf32, #tpu.memory_space<hbm>>) target(%dma_start3A_543 : memref<1x32xf32, #tpu.memory_space<vmem>>) target_semaphore(%arg10 : memref<!tpu.dma_semaphore, #tpu.memory_space<semaphore_mem>>)
      %slice3A_546 = vector.extract_strided_slice %get3A_193 {offsets = [7], sizes = [1], strides = [1]} : vector<16xi32> to vector<1xi32>
      %squeeze3A_547 = vector.extract %slice3A_546[0] : i32 from vector<1xi32>
      %dma_start3A_548 = arith.constant 1 : i32
      %dma_start3A_549 = arith.constant 0 : i32
      %dma_start3A_550 = tpu.memref_slice %arg8[%dma_start3A_548, %add3A_532, %dma_start3A_549] : memref<2x128x32xf32, #tpu.memory_space<vmem>> -> memref<1x1x32xf32, #tpu.memory_space<vmem>>
      %dma_start3A_551 = tpu.memref_squeeze %dma_start3A_550 : memref<1x1x32xf32, #tpu.memory_space<vmem>> -> memref<1x32xf32, #tpu.memory_space<vmem>>
      %dma_start3A_552 = arith.constant 0 : i32
      %dma_start3A_553 = tpu.memref_slice %arg4[%squeeze3A_547, %dma_start3A_552] : memref<1000000x32xf32, #tpu.memory_space<hbm>> -> memref<1x32xf32, #tpu.memory_space<hbm>>
      %dma_start3A_554 = arith.constant 0 : i32
      %dma_start3A_555 = tpu.memref_slice %arg8[%dma_start3A_548, %add3A_532, %dma_start3A_554] : memref<2x128x32xf32, #tpu.memory_space<vmem>> -> memref<1x1x32xf32, #tpu.memory_space<vmem>>
      %dma_start3A_556 = tpu.memref_squeeze %dma_start3A_555 : memref<1x1x32xf32, #tpu.memory_space<vmem>> -> memref<1x32xf32, #tpu.memory_space<vmem>>
      %dma_start3A_557 = arith.constant 0 : i32
      %dma_start3A_558 = tpu.memref_slice %arg4[%squeeze3A_547, %dma_start3A_557] : memref<1000000x32xf32, #tpu.memory_space<hbm>> -> memref<1x32xf32, #tpu.memory_space<hbm>>
      tpu.enqueue_dma source(%dma_start3A_558 : memref<1x32xf32, #tpu.memory_space<hbm>>) target(%dma_start3A_556 : memref<1x32xf32, #tpu.memory_space<vmem>>) target_semaphore(%arg11 : memref<!tpu.dma_semaphore, #tpu.memory_space<semaphore_mem>>)
      %mul3A_559 = arith.constant 16 : i32
      %mul3A_560 = arith.muli %scan3A_179, %mul3A_559 : i32
      %add3A_561 = arith.constant 8 : i32
      %add3A_562 = arith.addi %mul3A_560, %add3A_561 : i32
      %add3A_563 = arith.constant 4 : i32
      %add3A_564 = arith.addi %add3A_562, %add3A_563 : i32
      %slice3A_565 = vector.extract_strided_slice %get3A_193 {offsets = [8], sizes = [1], strides = [1]} : vector<16xi32> to vector<1xi32>
      %squeeze3A_566 = vector.extract %slice3A_565[0] : i32 from vector<1xi32>
      %dma_start3A_567 = arith.constant 1 : i32
      %dma_start3A_568 = arith.constant 0 : i32
      %dma_start3A_569 = tpu.memref_slice %arg7[%dma_start3A_567, %add3A_564, %dma_start3A_568] : memref<2x128x32xf32, #tpu.memory_space<vmem>> -> memref<1x1x32xf32, #tpu.memory_space<vmem>>
      %dma_start3A_570 = tpu.memref_squeeze %dma_start3A_569 : memref<1x1x32xf32, #tpu.memory_space<vmem>> -> memref<1x32xf32, #tpu.memory_space<vmem>>
      %dma_start3A_571 = arith.constant 0 : i32
      %dma_start3A_572 = tpu.memref_slice %arg3[%squeeze3A_566, %dma_start3A_571] : memref<1000000x32xf32, #tpu.memory_space<hbm>> -> memref<1x32xf32, #tpu.memory_space<hbm>>
      %dma_start3A_573 = arith.constant 0 : i32
      %dma_start3A_574 = tpu.memref_slice %arg7[%dma_start3A_567, %add3A_564, %dma_start3A_573] : memref<2x128x32xf32, #tpu.memory_space<vmem>> -> memref<1x1x32xf32, #tpu.memory_space<vmem>>
      %dma_start3A_575 = tpu.memref_squeeze %dma_start3A_574 : memref<1x1x32xf32, #tpu.memory_space<vmem>> -> memref<1x32xf32, #tpu.memory_space<vmem>>
      %dma_start3A_576 = arith.constant 0 : i32
      %dma_start3A_577 = tpu.memref_slice %arg3[%squeeze3A_566, %dma_start3A_576] : memref<1000000x32xf32, #tpu.memory_space<hbm>> -> memref<1x32xf32, #tpu.memory_space<hbm>>
      tpu.enqueue_dma source(%dma_start3A_577 : memref<1x32xf32, #tpu.memory_space<hbm>>) target(%dma_start3A_575 : memref<1x32xf32, #tpu.memory_space<vmem>>) target_semaphore(%arg10 : memref<!tpu.dma_semaphore, #tpu.memory_space<semaphore_mem>>)
      %slice3A_578 = vector.extract_strided_slice %get3A_193 {offsets = [9], sizes = [1], strides = [1]} : vector<16xi32> to vector<1xi32>
      %squeeze3A_579 = vector.extract %slice3A_578[0] : i32 from vector<1xi32>
      %dma_start3A_580 = arith.constant 1 : i32
      %dma_start3A_581 = arith.constant 0 : i32
      %dma_start3A_582 = tpu.memref_slice %arg8[%dma_start3A_580, %add3A_564, %dma_start3A_581] : memref<2x128x32xf32, #tpu.memory_space<vmem>> -> memref<1x1x32xf32, #tpu.memory_space<vmem>>
      %dma_start3A_583 = tpu.memref_squeeze %dma_start3A_582 : memref<1x1x32xf32, #tpu.memory_space<vmem>> -> memref<1x32xf32, #tpu.memory_space<vmem>>
      %dma_start3A_584 = arith.constant 0 : i32
      %dma_start3A_585 = tpu.memref_slice %arg4[%squeeze3A_579, %dma_start3A_584] : memref<1000000x32xf32, #tpu.memory_space<hbm>> -> memref<1x32xf32, #tpu.memory_space<hbm>>
      %dma_start3A_586 = arith.constant 0 : i32
      %dma_start3A_587 = tpu.memref_slice %arg8[%dma_start3A_580, %add3A_564, %dma_start3A_586] : memref<2x128x32xf32, #tpu.memory_space<vmem>> -> memref<1x1x32xf32, #tpu.memory_space<vmem>>
      %dma_start3A_588 = tpu.memref_squeeze %dma_start3A_587 : memref<1x1x32xf32, #tpu.memory_space<vmem>> -> memref<1x32xf32, #tpu.memory_space<vmem>>
      %dma_start3A_589 = arith.constant 0 : i32
      %dma_start3A_590 = tpu.memref_slice %arg4[%squeeze3A_579, %dma_start3A_589] : memref<1000000x32xf32, #tpu.memory_space<hbm>> -> memref<1x32xf32, #tpu.memory_space<hbm>>
      tpu.enqueue_dma source(%dma_start3A_590 : memref<1x32xf32, #tpu.memory_space<hbm>>) target(%dma_start3A_588 : memref<1x32xf32, #tpu.memory_space<vmem>>) target_semaphore(%arg11 : memref<!tpu.dma_semaphore, #tpu.memory_space<semaphore_mem>>)
      %mul3A_591 = arith.constant 16 : i32
      %mul3A_592 = arith.muli %scan3A_179, %mul3A_591 : i32
      %add3A_593 = arith.constant 8 : i32
      %add3A_594 = arith.addi %mul3A_592, %add3A_593 : i32
      %add3A_595 = arith.constant 5 : i32
      %add3A_596 = arith.addi %add3A_594, %add3A_595 : i32
      %slice3A_597 = vector.extract_strided_slice %get3A_193 {offsets = [10], sizes = [1], strides = [1]} : vector<16xi32> to vector<1xi32>
      %squeeze3A_598 = vector.extract %slice3A_597[0] : i32 from vector<1xi32>
      %dma_start3A_599 = arith.constant 1 : i32
      %dma_start3A_600 = arith.constant 0 : i32
      %dma_start3A_601 = tpu.memref_slice %arg7[%dma_start3A_599, %add3A_596, %dma_start3A_600] : memref<2x128x32xf32, #tpu.memory_space<vmem>> -> memref<1x1x32xf32, #tpu.memory_space<vmem>>
      %dma_start3A_602 = tpu.memref_squeeze %dma_start3A_601 : memref<1x1x32xf32, #tpu.memory_space<vmem>> -> memref<1x32xf32, #tpu.memory_space<vmem>>
      %dma_start3A_603 = arith.constant 0 : i32
      %dma_start3A_604 = tpu.memref_slice %arg3[%squeeze3A_598, %dma_start3A_603] : memref<1000000x32xf32, #tpu.memory_space<hbm>> -> memref<1x32xf32, #tpu.memory_space<hbm>>
      %dma_start3A_605 = arith.constant 0 : i32
      %dma_start3A_606 = tpu.memref_slice %arg7[%dma_start3A_599, %add3A_596, %dma_start3A_605] : memref<2x128x32xf32, #tpu.memory_space<vmem>> -> memref<1x1x32xf32, #tpu.memory_space<vmem>>
      %dma_start3A_607 = tpu.memref_squeeze %dma_start3A_606 : memref<1x1x32xf32, #tpu.memory_space<vmem>> -> memref<1x32xf32, #tpu.memory_space<vmem>>
      %dma_start3A_608 = arith.constant 0 : i32
      %dma_start3A_609 = tpu.memref_slice %arg3[%squeeze3A_598, %dma_start3A_608] : memref<1000000x32xf32, #tpu.memory_space<hbm>> -> memref<1x32xf32, #tpu.memory_space<hbm>>
      tpu.enqueue_dma source(%dma_start3A_609 : memref<1x32xf32, #tpu.memory_space<hbm>>) target(%dma_start3A_607 : memref<1x32xf32, #tpu.memory_space<vmem>>) target_semaphore(%arg10 : memref<!tpu.dma_semaphore, #tpu.memory_space<semaphore_mem>>)
      %slice3A_610 = vector.extract_strided_slice %get3A_193 {offsets = [11], sizes = [1], strides = [1]} : vector<16xi32> to vector<1xi32>
      %squeeze3A_611 = vector.extract %slice3A_610[0] : i32 from vector<1xi32>
      %dma_start3A_612 = arith.constant 1 : i32
      %dma_start3A_613 = arith.constant 0 : i32
      %dma_start3A_614 = tpu.memref_slice %arg8[%dma_start3A_612, %add3A_596, %dma_start3A_613] : memref<2x128x32xf32, #tpu.memory_space<vmem>> -> memref<1x1x32xf32, #tpu.memory_space<vmem>>
      %dma_start3A_615 = tpu.memref_squeeze %dma_start3A_614 : memref<1x1x32xf32, #tpu.memory_space<vmem>> -> memref<1x32xf32, #tpu.memory_space<vmem>>
      %dma_start3A_616 = arith.constant 0 : i32
      %dma_start3A_617 = tpu.memref_slice %arg4[%squeeze3A_611, %dma_start3A_616] : memref<1000000x32xf32, #tpu.memory_space<hbm>> -> memref<1x32xf32, #tpu.memory_space<hbm>>
      %dma_start3A_618 = arith.constant 0 : i32
      %dma_start3A_619 = tpu.memref_slice %arg8[%dma_start3A_612, %add3A_596, %dma_start3A_618] : memref<2x128x32xf32, #tpu.memory_space<vmem>> -> memref<1x1x32xf32, #tpu.memory_space<vmem>>
      %dma_start3A_620 = tpu.memref_squeeze %dma_start3A_619 : memref<1x1x32xf32, #tpu.memory_space<vmem>> -> memref<1x32xf32, #tpu.memory_space<vmem>>
      %dma_start3A_621 = arith.constant 0 : i32
      %dma_start3A_622 = tpu.memref_slice %arg4[%squeeze3A_611, %dma_start3A_621] : memref<1000000x32xf32, #tpu.memory_space<hbm>> -> memref<1x32xf32, #tpu.memory_space<hbm>>
      tpu.enqueue_dma source(%dma_start3A_622 : memref<1x32xf32, #tpu.memory_space<hbm>>) target(%dma_start3A_620 : memref<1x32xf32, #tpu.memory_space<vmem>>) target_semaphore(%arg11 : memref<!tpu.dma_semaphore, #tpu.memory_space<semaphore_mem>>)
      %mul3A_623 = arith.constant 16 : i32
      %mul3A_624 = arith.muli %scan3A_179, %mul3A_623 : i32
      %add3A_625 = arith.constant 8 : i32
      %add3A_626 = arith.addi %mul3A_624, %add3A_625 : i32
      %add3A_627 = arith.constant 6 : i32
      %add3A_628 = arith.addi %add3A_626, %add3A_627 : i32
      %slice3A_629 = vector.extract_strided_slice %get3A_193 {offsets = [12], sizes = [1], strides = [1]} : vector<16xi32> to vector<1xi32>
      %squeeze3A_630 = vector.extract %slice3A_629[0] : i32 from vector<1xi32>
      %dma_start3A_631 = arith.constant 1 : i32
      %dma_start3A_632 = arith.constant 0 : i32
      %dma_start3A_633 = tpu.memref_slice %arg7[%dma_start3A_631, %add3A_628, %dma_start3A_632] : memref<2x128x32xf32, #tpu.memory_space<vmem>> -> memref<1x1x32xf32, #tpu.memory_space<vmem>>
      %dma_start3A_634 = tpu.memref_squeeze %dma_start3A_633 : memref<1x1x32xf32, #tpu.memory_space<vmem>> -> memref<1x32xf32, #tpu.memory_space<vmem>>
      %dma_start3A_635 = arith.constant 0 : i32
      %dma_start3A_636 = tpu.memref_slice %arg3[%squeeze3A_630, %dma_start3A_635] : memref<1000000x32xf32, #tpu.memory_space<hbm>> -> memref<1x32xf32, #tpu.memory_space<hbm>>
      %dma_start3A_637 = arith.constant 0 : i32
      %dma_start3A_638 = tpu.memref_slice %arg7[%dma_start3A_631, %add3A_628, %dma_start3A_637] : memref<2x128x32xf32, #tpu.memory_space<vmem>> -> memref<1x1x32xf32, #tpu.memory_space<vmem>>
      %dma_start3A_639 = tpu.memref_squeeze %dma_start3A_638 : memref<1x1x32xf32, #tpu.memory_space<vmem>> -> memref<1x32xf32, #tpu.memory_space<vmem>>
      %dma_start3A_640 = arith.constant 0 : i32
      %dma_start3A_641 = tpu.memref_slice %arg3[%squeeze3A_630, %dma_start3A_640] : memref<1000000x32xf32, #tpu.memory_space<hbm>> -> memref<1x32xf32, #tpu.memory_space<hbm>>
      tpu.enqueue_dma source(%dma_start3A_641 : memref<1x32xf32, #tpu.memory_space<hbm>>) target(%dma_start3A_639 : memref<1x32xf32, #tpu.memory_space<vmem>>) target_semaphore(%arg10 : memref<!tpu.dma_semaphore, #tpu.memory_space<semaphore_mem>>)
      %slice3A_642 = vector.extract_strided_slice %get3A_193 {offsets = [13], sizes = [1], strides = [1]} : vector<16xi32> to vector<1xi32>
      %squeeze3A_643 = vector.extract %slice3A_642[0] : i32 from vector<1xi32>
      %dma_start3A_644 = arith.constant 1 : i32
      %dma_start3A_645 = arith.constant 0 : i32
      %dma_start3A_646 = tpu.memref_slice %arg8[%dma_start3A_644, %add3A_628, %dma_start3A_645] : memref<2x128x32xf32, #tpu.memory_space<vmem>> -> memref<1x1x32xf32, #tpu.memory_space<vmem>>
      %dma_start3A_647 = tpu.memref_squeeze %dma_start3A_646 : memref<1x1x32xf32, #tpu.memory_space<vmem>> -> memref<1x32xf32, #tpu.memory_space<vmem>>
      %dma_start3A_648 = arith.constant 0 : i32
      %dma_start3A_649 = tpu.memref_slice %arg4[%squeeze3A_643, %dma_start3A_648] : memref<1000000x32xf32, #tpu.memory_space<hbm>> -> memref<1x32xf32, #tpu.memory_space<hbm>>
      %dma_start3A_650 = arith.constant 0 : i32
      %dma_start3A_651 = tpu.memref_slice %arg8[%dma_start3A_644, %add3A_628, %dma_start3A_650] : memref<2x128x32xf32, #tpu.memory_space<vmem>> -> memref<1x1x32xf32, #tpu.memory_space<vmem>>
      %dma_start3A_652 = tpu.memref_squeeze %dma_start3A_651 : memref<1x1x32xf32, #tpu.memory_space<vmem>> -> memref<1x32xf32, #tpu.memory_space<vmem>>
      %dma_start3A_653 = arith.constant 0 : i32
      %dma_start3A_654 = tpu.memref_slice %arg4[%squeeze3A_643, %dma_start3A_653] : memref<1000000x32xf32, #tpu.memory_space<hbm>> -> memref<1x32xf32, #tpu.memory_space<hbm>>
      tpu.enqueue_dma source(%dma_start3A_654 : memref<1x32xf32, #tpu.memory_space<hbm>>) target(%dma_start3A_652 : memref<1x32xf32, #tpu.memory_space<vmem>>) target_semaphore(%arg11 : memref<!tpu.dma_semaphore, #tpu.memory_space<semaphore_mem>>)
      %mul3A_655 = arith.constant 16 : i32
      %mul3A_656 = arith.muli %scan3A_179, %mul3A_655 : i32
      %add3A_657 = arith.constant 8 : i32
      %add3A_658 = arith.addi %mul3A_656, %add3A_657 : i32
      %add3A_659 = arith.constant 7 : i32
      %add3A_660 = arith.addi %add3A_658, %add3A_659 : i32
      %slice3A_661 = vector.extract_strided_slice %get3A_193 {offsets = [14], sizes = [1], strides = [1]} : vector<16xi32> to vector<1xi32>
      %squeeze3A_662 = vector.extract %slice3A_661[0] : i32 from vector<1xi32>
      %dma_start3A_663 = arith.constant 1 : i32
      %dma_start3A_664 = arith.constant 0 : i32
      %dma_start3A_665 = tpu.memref_slice %arg7[%dma_start3A_663, %add3A_660, %dma_start3A_664] : memref<2x128x32xf32, #tpu.memory_space<vmem>> -> memref<1x1x32xf32, #tpu.memory_space<vmem>>
      %dma_start3A_666 = tpu.memref_squeeze %dma_start3A_665 : memref<1x1x32xf32, #tpu.memory_space<vmem>> -> memref<1x32xf32, #tpu.memory_space<vmem>>
      %dma_start3A_667 = arith.constant 0 : i32
      %dma_start3A_668 = tpu.memref_slice %arg3[%squeeze3A_662, %dma_start3A_667] : memref<1000000x32xf32, #tpu.memory_space<hbm>> -> memref<1x32xf32, #tpu.memory_space<hbm>>
      %dma_start3A_669 = arith.constant 0 : i32
      %dma_start3A_670 = tpu.memref_slice %arg7[%dma_start3A_663, %add3A_660, %dma_start3A_669] : memref<2x128x32xf32, #tpu.memory_space<vmem>> -> memref<1x1x32xf32, #tpu.memory_space<vmem>>
      %dma_start3A_671 = tpu.memref_squeeze %dma_start3A_670 : memref<1x1x32xf32, #tpu.memory_space<vmem>> -> memref<1x32xf32, #tpu.memory_space<vmem>>
      %dma_start3A_672 = arith.constant 0 : i32
      %dma_start3A_673 = tpu.memref_slice %arg3[%squeeze3A_662, %dma_start3A_672] : memref<1000000x32xf32, #tpu.memory_space<hbm>> -> memref<1x32xf32, #tpu.memory_space<hbm>>
      tpu.enqueue_dma source(%dma_start3A_673 : memref<1x32xf32, #tpu.memory_space<hbm>>) target(%dma_start3A_671 : memref<1x32xf32, #tpu.memory_space<vmem>>) target_semaphore(%arg10 : memref<!tpu.dma_semaphore, #tpu.memory_space<semaphore_mem>>)
      %slice3A_674 = vector.extract_strided_slice %get3A_193 {offsets = [15], sizes = [1], strides = [1]} : vector<16xi32> to vector<1xi32>
      %squeeze3A_675 = vector.extract %slice3A_674[0] : i32 from vector<1xi32>
      %dma_start3A_676 = arith.constant 1 : i32
      %dma_start3A_677 = arith.constant 0 : i32
      %dma_start3A_678 = tpu.memref_slice %arg8[%dma_start3A_676, %add3A_660, %dma_start3A_677] : memref<2x128x32xf32, #tpu.memory_space<vmem>> -> memref<1x1x32xf32, #tpu.memory_space<vmem>>
      %dma_start3A_679 = tpu.memref_squeeze %dma_start3A_678 : memref<1x1x32xf32, #tpu.memory_space<vmem>> -> memref<1x32xf32, #tpu.memory_space<vmem>>
      %dma_start3A_680 = arith.constant 0 : i32
      %dma_start3A_681 = tpu.memref_slice %arg4[%squeeze3A_675, %dma_start3A_680] : memref<1000000x32xf32, #tpu.memory_space<hbm>> -> memref<1x32xf32, #tpu.memory_space<hbm>>
      %dma_start3A_682 = arith.constant 0 : i32
      %dma_start3A_683 = tpu.memref_slice %arg8[%dma_start3A_676, %add3A_660, %dma_start3A_682] : memref<2x128x32xf32, #tpu.memory_space<vmem>> -> memref<1x1x32xf32, #tpu.memory_space<vmem>>
      %dma_start3A_684 = tpu.memref_squeeze %dma_start3A_683 : memref<1x1x32xf32, #tpu.memory_space<vmem>> -> memref<1x32xf32, #tpu.memory_space<vmem>>
      %dma_start3A_685 = arith.constant 0 : i32
      %dma_start3A_686 = tpu.memref_slice %arg4[%squeeze3A_675, %dma_start3A_685] : memref<1000000x32xf32, #tpu.memory_space<hbm>> -> memref<1x32xf32, #tpu.memory_space<hbm>>
      tpu.enqueue_dma source(%dma_start3A_686 : memref<1x32xf32, #tpu.memory_space<hbm>>) target(%dma_start3A_684 : memref<1x32xf32, #tpu.memory_space<vmem>>) target_semaphore(%arg11 : memref<!tpu.dma_semaphore, #tpu.memory_space<semaphore_mem>>)
      %scan3A_687 = arith.constant 0 : i32
      scf.yield %scan3A_687 : i32
    }
    %scan3A_46 = arith.constant 8 : i32
    %scan3A_47 = arith.constant 0 : i32
    %scan3A_48 = arith.constant 0 : i32
    %scan3A_49 = arith.constant 8 : i32
    %scan3A_50 = arith.addi %scan3A_48, %scan3A_49 : i32
    %scan3A_51 = arith.constant 1 : i32
    %scan3A_52 = scf.for %scan3A_179 = %scan3A_48 to %scan3A_50 step %scan3A_51 iter_args(%scan3A_180 = %scan3A_47) -> (i32)  : i32 {
      %mul3A_181 = arith.constant 16 : i32
      %mul3A_182 = arith.muli %scan3A_179, %mul3A_181 : i32
      %broadcast_in_dim3A = vector.broadcast %mul3A_182 : i32 to vector<16xi32>
      %add3A_183 = arith.addi %broadcast_in_dim3A, %iota3A : vector<16xi32>
      %broadcast_in_dim3A_184 = arith.constant 0.000000e+00 : f32
      %broadcast_in_dim3A_185 = vector.broadcast %broadcast_in_dim3A_184 : f32 to vector<16xf32>
      %scan3A_186 = arith.constant 0 : i32
      %scan3A_187 = arith.constant 32 : i32
      %scan3A_188 = arith.addi %scan3A_186, %scan3A_187 : i32
      %scan3A_189 = arith.constant 4 : i32
      %scan3A_190 = scf.for %scan3A_205 = %scan3A_186 to %scan3A_188 step %scan3A_189 iter_args(%scan3A_206 = %broadcast_in_dim3A_185) -> (vector<16xf32>)  : i32 {
        %broadcast_in_dim3A_207 = vector.broadcast %scan3A_205 : i32 to vector<16xi32>
        %add3A_208 = arith.addi %broadcast_in_dim3A_207, %iota3A : vector<16xi32>
        %and3A = arith.constant 31 : i32
        %and3A_209 = vector.broadcast %and3A : i32 to vector<16xi32>
        %and3A_210 = arith.andi %add3A_208, %and3A_209 : vector<16xi32>
        %gather3A = arith.constant 0 : i32
        %gather3A_211 = arith.constant 0 : i32
        %gather3A_212 = arith.constant 0 : i32
        %gather3A_213 = tpu.memref_slice %arg7[%gather3A, %gather3A_211, %gather3A_212] : memref<2x128x32xf32, #tpu.memory_space<vmem>> -> memref<1x128x32xf32, #tpu.memory_space<vmem>>
        %gather3A_214 = tpu.memref_squeeze %gather3A_213 : memref<1x128x32xf32, #tpu.memory_space<vmem>> -> memref<128x32xf32, #tpu.memory_space<vmem>>
        %gather3A_215 = tpu.vector_load_idx %gather3A_214[%add3A_183, %and3A_210] : memref<128x32xf32, #tpu.memory_space<vmem>>[vector<16xi32>, vector<16xi32>], vector<16xf32>,
        %gather3A_216 = arith.constant 0 : i32
        %gather3A_217 = arith.constant 0 : i32
        %gather3A_218 = arith.constant 0 : i32
        %gather3A_219 = tpu.memref_slice %arg8[%gather3A_216, %gather3A_217, %gather3A_218] : memref<2x128x32xf32, #tpu.memory_space<vmem>> -> memref<1x128x32xf32, #tpu.memory_space<vmem>>
        %gather3A_220 = tpu.memref_squeeze %gather3A_219 : memref<1x128x32xf32, #tpu.memory_space<vmem>> -> memref<128x32xf32, #tpu.memory_space<vmem>>
        %gather3A_221 = tpu.vector_load_idx %gather3A_220[%add3A_183, %and3A_210] : memref<128x32xf32, #tpu.memory_space<vmem>>[vector<16xi32>, vector<16xi32>], vector<16xf32>,
        %mul3A_222 = arith.mulf %gather3A_215, %gather3A_221 : vector<16xf32>
        %add3A_223 = arith.addf %scan3A_206, %mul3A_222 : vector<16xf32>
        %scan3A_224 = arith.constant 1 : i32
        %scan3A_225 = arith.addi %scan3A_205, %scan3A_224 : i32
        %broadcast_in_dim3A_226 = vector.broadcast %scan3A_225 : i32 to vector<16xi32>
        %add3A_227 = arith.addi %broadcast_in_dim3A_226, %iota3A : vector<16xi32>
        %and3A_228 = arith.constant 31 : i32
        %and3A_229 = vector.broadcast %and3A_228 : i32 to vector<16xi32>
        %and3A_230 = arith.andi %add3A_227, %and3A_229 : vector<16xi32>
        %gather3A_231 = arith.constant 0 : i32
        %gather3A_232 = arith.constant 0 : i32
        %gather3A_233 = arith.constant 0 : i32
        %gather3A_234 = tpu.memref_slice %arg7[%gather3A_231, %gather3A_232, %gather3A_233] : memref<2x128x32xf32, #tpu.memory_space<vmem>> -> memref<1x128x32xf32, #tpu.memory_space<vmem>>
        %gather3A_235 = tpu.memref_squeeze %gather3A_234 : memref<1x128x32xf32, #tpu.memory_space<vmem>> -> memref<128x32xf32, #tpu.memory_space<vmem>>
        %gather3A_236 = tpu.vector_load_idx %gather3A_235[%add3A_183, %and3A_230] : memref<128x32xf32, #tpu.memory_space<vmem>>[vector<16xi32>, vector<16xi32>], vector<16xf32>,
        %gather3A_237 = arith.constant 0 : i32
        %gather3A_238 = arith.constant 0 : i32
        %gather3A_239 = arith.constant 0 : i32
        %gather3A_240 = tpu.memref_slice %arg8[%gather3A_237, %gather3A_238, %gather3A_239] : memref<2x128x32xf32, #tpu.memory_space<vmem>> -> memref<1x128x32xf32, #tpu.memory_space<vmem>>
        %gather3A_241 = tpu.memref_squeeze %gather3A_240 : memref<1x128x32xf32, #tpu.memory_space<vmem>> -> memref<128x32xf32, #tpu.memory_space<vmem>>
        %gather3A_242 = tpu.vector_load_idx %gather3A_241[%add3A_183, %and3A_230] : memref<128x32xf32, #tpu.memory_space<vmem>>[vector<16xi32>, vector<16xi32>], vector<16xf32>,
        %mul3A_243 = arith.mulf %gather3A_236, %gather3A_242 : vector<16xf32>
        %add3A_244 = arith.addf %add3A_223, %mul3A_243 : vector<16xf32>
        %scan3A_245 = arith.constant 2 : i32
        %scan3A_246 = arith.addi %scan3A_205, %scan3A_245 : i32
        %broadcast_in_dim3A_247 = vector.broadcast %scan3A_246 : i32 to vector<16xi32>
        %add3A_248 = arith.addi %broadcast_in_dim3A_247, %iota3A : vector<16xi32>
        %and3A_249 = arith.constant 31 : i32
        %and3A_250 = vector.broadcast %and3A_249 : i32 to vector<16xi32>
        %and3A_251 = arith.andi %add3A_248, %and3A_250 : vector<16xi32>
        %gather3A_252 = arith.constant 0 : i32
        %gather3A_253 = arith.constant 0 : i32
        %gather3A_254 = arith.constant 0 : i32
        %gather3A_255 = tpu.memref_slice %arg7[%gather3A_252, %gather3A_253, %gather3A_254] : memref<2x128x32xf32, #tpu.memory_space<vmem>> -> memref<1x128x32xf32, #tpu.memory_space<vmem>>
        %gather3A_256 = tpu.memref_squeeze %gather3A_255 : memref<1x128x32xf32, #tpu.memory_space<vmem>> -> memref<128x32xf32, #tpu.memory_space<vmem>>
        %gather3A_257 = tpu.vector_load_idx %gather3A_256[%add3A_183, %and3A_251] : memref<128x32xf32, #tpu.memory_space<vmem>>[vector<16xi32>, vector<16xi32>], vector<16xf32>,
        %gather3A_258 = arith.constant 0 : i32
        %gather3A_259 = arith.constant 0 : i32
        %gather3A_260 = arith.constant 0 : i32
        %gather3A_261 = tpu.memref_slice %arg8[%gather3A_258, %gather3A_259, %gather3A_260] : memref<2x128x32xf32, #tpu.memory_space<vmem>> -> memref<1x128x32xf32, #tpu.memory_space<vmem>>
        %gather3A_262 = tpu.memref_squeeze %gather3A_261 : memref<1x128x32xf32, #tpu.memory_space<vmem>> -> memref<128x32xf32, #tpu.memory_space<vmem>>
        %gather3A_263 = tpu.vector_load_idx %gather3A_262[%add3A_183, %and3A_251] : memref<128x32xf32, #tpu.memory_space<vmem>>[vector<16xi32>, vector<16xi32>], vector<16xf32>,
        %mul3A_264 = arith.mulf %gather3A_257, %gather3A_263 : vector<16xf32>
        %add3A_265 = arith.addf %add3A_244, %mul3A_264 : vector<16xf32>
        %scan3A_266 = arith.constant 3 : i32
        %scan3A_267 = arith.addi %scan3A_205, %scan3A_266 : i32
        %broadcast_in_dim3A_268 = vector.broadcast %scan3A_267 : i32 to vector<16xi32>
        %add3A_269 = arith.addi %broadcast_in_dim3A_268, %iota3A : vector<16xi32>
        %and3A_270 = arith.constant 31 : i32
        %and3A_271 = vector.broadcast %and3A_270 : i32 to vector<16xi32>
        %and3A_272 = arith.andi %add3A_269, %and3A_271 : vector<16xi32>
        %gather3A_273 = arith.constant 0 : i32
        %gather3A_274 = arith.constant 0 : i32
        %gather3A_275 = arith.constant 0 : i32
        %gather3A_276 = tpu.memref_slice %arg7[%gather3A_273, %gather3A_274, %gather3A_275] : memref<2x128x32xf32, #tpu.memory_space<vmem>> -> memref<1x128x32xf32, #tpu.memory_space<vmem>>
        %gather3A_277 = tpu.memref_squeeze %gather3A_276 : memref<1x128x32xf32, #tpu.memory_space<vmem>> -> memref<128x32xf32, #tpu.memory_space<vmem>>
        %gather3A_278 = tpu.vector_load_idx %gather3A_277[%add3A_183, %and3A_272] : memref<128x32xf32, #tpu.memory_space<vmem>>[vector<16xi32>, vector<16xi32>], vector<16xf32>,
        %gather3A_279 = arith.constant 0 : i32
        %gather3A_280 = arith.constant 0 : i32
        %gather3A_281 = arith.constant 0 : i32
        %gather3A_282 = tpu.memref_slice %arg8[%gather3A_279, %gather3A_280, %gather3A_281] : memref<2x128x32xf32, #tpu.memory_space<vmem>> -> memref<1x128x32xf32, #tpu.memory_space<vmem>>
        %gather3A_283 = tpu.memref_squeeze %gather3A_282 : memref<1x128x32xf32, #tpu.memory_space<vmem>> -> memref<128x32xf32, #tpu.memory_space<vmem>>
        %gather3A_284 = tpu.vector_load_idx %gather3A_283[%add3A_183, %and3A_272] : memref<128x32xf32, #tpu.memory_space<vmem>>[vector<16xi32>, vector<16xi32>], vector<16xf32>,
        %mul3A_285 = arith.mulf %gather3A_278, %gather3A_284 : vector<16xf32>
        %add3A_286 = arith.addf %add3A_265, %mul3A_285 : vector<16xf32>
        scf.yield %add3A_286 : vector<16xf32>
      }
      %scan3A_191 = arith.constant 32 : i32
      %neg3A = arith.constant 0.000000e+00 : f32
      %neg3A_192 = vector.broadcast %neg3A : f32 to vector<16xf32>
      %neg3A_193 = arith.subf %neg3A_192, %scan3A_190 : vector<16xf32>
      %exp3A = math.exp %neg3A_193 : vector<16xf32>
      %add3A_194 = arith.constant 1.000000e+00 : f32
      %add3A_195 = vector.broadcast %add3A_194 : f32 to vector<16xf32>
      %add3A_196 = arith.addf %add3A_195, %exp3A : vector<16xf32>
      %div3A = arith.constant 1.000000e+00 : f32
      %div3A_197 = vector.broadcast %div3A : f32 to vector<16xf32>
      %div3A_198 = arith.divf %div3A_197, %add3A_196 : vector<16xf32>
      %add3A_199 = arith.constant 0 : i32
      %add3A_200 = arith.addi %add3A_199, %scan3A_179 : i32
      %mul3A_201 = arith.constant 16 : i32
      %mul3A_202 = arith.muli %add3A_200, %mul3A_201 : i32
      %swap3A = arith.index_cast %mul3A_202 : i32 to index
      %swap3A_203 = tpu.vector_load %arg9[%swap3A] {strides = array<i32>} : memref<512xf32, #tpu.memory_space<vmem>>, vector<16xf32>,
      tpu.vector_store %arg9[%swap3A], %div3A_198 {strides = array<i32>} : memref<512xf32, #tpu.memory_space<vmem>>, vector<16xf32>,
      %scan3A_204 = arith.constant 0 : i32
      scf.yield %scan3A_204 : i32
    }
    %scan3A_53 = arith.constant 8 : i32
    %dma_wait3A_54 = arith.constant 1 : i32
    %dma_wait3A_55 = arith.constant 0 : i32
    %dma_wait3A_56 = arith.constant 0 : i32
    %dma_wait3A_57 = tpu.memref_slice %arg7[%dma_wait3A_54, %dma_wait3A_55, %dma_wait3A_56] : memref<2x128x32xf32, #tpu.memory_space<vmem>> -> memref<1x128x32xf32, #tpu.memory_space<vmem>>
    %dma_wait3A_58 = tpu.memref_squeeze %dma_wait3A_57 : memref<1x128x32xf32, #tpu.memory_space<vmem>> -> memref<128x32xf32, #tpu.memory_space<vmem>>
    %dma_wait3A_59 = arith.constant 0 : i32
    %dma_wait3A_60 = arith.constant 0 : i32
    %dma_wait3A_61 = tpu.memref_slice %arg3[%dma_wait3A_59, %dma_wait3A_60] : memref<1000000x32xf32, #tpu.memory_space<hbm>> -> memref<128x32xf32, #tpu.memory_space<hbm>>
    %dma_wait3A_62 = arith.constant 0 : i32
    %dma_wait3A_63 = arith.constant 0 : i32
    %dma_wait3A_64 = tpu.memref_slice %arg7[%dma_wait3A_54, %dma_wait3A_62, %dma_wait3A_63] : memref<2x128x32xf32, #tpu.memory_space<vmem>> -> memref<1x128x32xf32, #tpu.memory_space<vmem>>
    %dma_wait3A_65 = tpu.memref_squeeze %dma_wait3A_64 : memref<1x128x32xf32, #tpu.memory_space<vmem>> -> memref<128x32xf32, #tpu.memory_space<vmem>>
    %dma_wait3A_66 = arith.constant 0 : i32
    %dma_wait3A_67 = arith.constant 0 : i32
    %dma_wait3A_68 = tpu.memref_slice %arg3[%dma_wait3A_66, %dma_wait3A_67] : memref<1000000x32xf32, #tpu.memory_space<hbm>> -> memref<128x32xf32, #tpu.memory_space<hbm>>
    tpu.wait_dma2 semaphore(%arg10 : memref<!tpu.dma_semaphore, #tpu.memory_space<semaphore_mem>>) src(%dma_wait3A_68 : memref<128x32xf32, #tpu.memory_space<hbm>>) dst(%dma_wait3A_65 : memref<128x32xf32, #tpu.memory_space<vmem>>)
    %dma_wait3A_69 = arith.constant 1 : i32
    %dma_wait3A_70 = arith.constant 0 : i32
    %dma_wait3A_71 = arith.constant 0 : i32
    %dma_wait3A_72 = tpu.memref_slice %arg8[%dma_wait3A_69, %dma_wait3A_70, %dma_wait3A_71] : memref<2x128x32xf32, #tpu.memory_space<vmem>> -> memref<1x128x32xf32, #tpu.memory_space<vmem>>
    %dma_wait3A_73 = tpu.memref_squeeze %dma_wait3A_72 : memref<1x128x32xf32, #tpu.memory_space<vmem>> -> memref<128x32xf32, #tpu.memory_space<vmem>>
    %dma_wait3A_74 = arith.constant 0 : i32
    %dma_wait3A_75 = arith.constant 0 : i32
    %dma_wait3A_76 = tpu.memref_slice %arg4[%dma_wait3A_74, %dma_wait3A_75] : memref<1000000x32xf32, #tpu.memory_space<hbm>> -> memref<128x32xf32, #tpu.memory_space<hbm>>
    %dma_wait3A_77 = arith.constant 0 : i32
    %dma_wait3A_78 = arith.constant 0 : i32
    %dma_wait3A_79 = tpu.memref_slice %arg8[%dma_wait3A_69, %dma_wait3A_77, %dma_wait3A_78] : memref<2x128x32xf32, #tpu.memory_space<vmem>> -> memref<1x128x32xf32, #tpu.memory_space<vmem>>
    %dma_wait3A_80 = tpu.memref_squeeze %dma_wait3A_79 : memref<1x128x32xf32, #tpu.memory_space<vmem>> -> memref<128x32xf32, #tpu.memory_space<vmem>>
    %dma_wait3A_81 = arith.constant 0 : i32
    %dma_wait3A_82 = arith.constant 0 : i32
    %dma_wait3A_83 = tpu.memref_slice %arg4[%dma_wait3A_81, %dma_wait3A_82] : memref<1000000x32xf32, #tpu.memory_space<hbm>> -> memref<128x32xf32, #tpu.memory_space<hbm>>
    tpu.wait_dma2 semaphore(%arg11 : memref<!tpu.dma_semaphore, #tpu.memory_space<semaphore_mem>>) src(%dma_wait3A_83 : memref<128x32xf32, #tpu.memory_space<hbm>>) dst(%dma_wait3A_80 : memref<128x32xf32, #tpu.memory_space<vmem>>)
    %scan3A_84 = arith.constant 0 : i32
    %scan3A_85 = arith.constant 0 : i32
    %scan3A_86 = arith.constant 8 : i32
    %scan3A_87 = arith.addi %scan3A_85, %scan3A_86 : i32
    %scan3A_88 = arith.constant 1 : i32
    %scan3A_89 = scf.for %scan3A_179 = %scan3A_85 to %scan3A_87 step %scan3A_88 iter_args(%scan3A_180 = %scan3A_84) -> (i32)  : i32 {
      %mul3A_181 = arith.constant 16 : i32
      %mul3A_182 = arith.muli %scan3A_179, %mul3A_181 : i32
      %add3A_183 = arith.constant 256 : i32
      %add3A_184 = arith.addi %add3A_183, %mul3A_182 : i32
      %mul3A_185 = arith.constant 2 : i32
      %mul3A_186 = arith.muli %mul3A_185, %add3A_184 : i32
      %get3A = arith.index_cast %mul3A_186 : i32 to index
      %get3A_187 = tpu.vector_load %arg6[%get3A] {strides = array<i32>} : memref<1024xi32, #tpu.memory_space<vmem>>, vector<16xi32>,
      %mul3A_188 = arith.constant 2 : i32
      %mul3A_189 = arith.muli %mul3A_188, %add3A_184 : i32
      %add3A_190 = arith.constant 16 : i32
      %add3A_191 = arith.addi %mul3A_189, %add3A_190 : i32
      %get3A_192 = arith.index_cast %add3A_191 : i32 to index
      %get3A_193 = tpu.vector_load %arg6[%get3A_192] {strides = array<i32>} : memref<1024xi32, #tpu.memory_space<vmem>>, vector<16xi32>,
      %mul3A_194 = arith.constant 16 : i32
      %mul3A_195 = arith.muli %scan3A_179, %mul3A_194 : i32
      %add3A_196 = arith.constant 0 : i32
      %add3A_197 = arith.addi %mul3A_195, %add3A_196 : i32
      %slice3A = vector.extract_strided_slice %get3A_187 {offsets = [0], sizes = [1], strides = [1]} : vector<16xi32> to vector<1xi32>
      %squeeze3A = vector.extract %slice3A[0] : i32 from vector<1xi32>
      %dma_start3A = arith.constant 0 : i32
      %dma_start3A_198 = arith.constant 0 : i32
      %dma_start3A_199 = tpu.memref_slice %arg7[%dma_start3A, %add3A_197, %dma_start3A_198] : memref<2x128x32xf32, #tpu.memory_space<vmem>> -> memref<1x1x32xf32, #tpu.memory_space<vmem>>
      %dma_start3A_200 = tpu.memref_squeeze %dma_start3A_199 : memref<1x1x32xf32, #tpu.memory_space<vmem>> -> memref<1x32xf32, #tpu.memory_space<vmem>>
      %dma_start3A_201 = arith.constant 0 : i32
      %dma_start3A_202 = tpu.memref_slice %arg3[%squeeze3A, %dma_start3A_201] : memref<1000000x32xf32, #tpu.memory_space<hbm>> -> memref<1x32xf32, #tpu.memory_space<hbm>>
      %dma_start3A_203 = arith.constant 0 : i32
      %dma_start3A_204 = tpu.memref_slice %arg7[%dma_start3A, %add3A_197, %dma_start3A_203] : memref<2x128x32xf32, #tpu.memory_space<vmem>> -> memref<1x1x32xf32, #tpu.memory_space<vmem>>
      %dma_start3A_205 = tpu.memref_squeeze %dma_start3A_204 : memref<1x1x32xf32, #tpu.memory_space<vmem>> -> memref<1x32xf32, #tpu.memory_space<vmem>>
      %dma_start3A_206 = arith.constant 0 : i32
      %dma_start3A_207 = tpu.memref_slice %arg3[%squeeze3A, %dma_start3A_206] : memref<1000000x32xf32, #tpu.memory_space<hbm>> -> memref<1x32xf32, #tpu.memory_space<hbm>>
      tpu.enqueue_dma source(%dma_start3A_207 : memref<1x32xf32, #tpu.memory_space<hbm>>) target(%dma_start3A_205 : memref<1x32xf32, #tpu.memory_space<vmem>>) target_semaphore(%arg10 : memref<!tpu.dma_semaphore, #tpu.memory_space<semaphore_mem>>)
      %slice3A_208 = vector.extract_strided_slice %get3A_187 {offsets = [1], sizes = [1], strides = [1]} : vector<16xi32> to vector<1xi32>
      %squeeze3A_209 = vector.extract %slice3A_208[0] : i32 from vector<1xi32>
      %dma_start3A_210 = arith.constant 0 : i32
      %dma_start3A_211 = arith.constant 0 : i32
      %dma_start3A_212 = tpu.memref_slice %arg8[%dma_start3A_210, %add3A_197, %dma_start3A_211] : memref<2x128x32xf32, #tpu.memory_space<vmem>> -> memref<1x1x32xf32, #tpu.memory_space<vmem>>
      %dma_start3A_213 = tpu.memref_squeeze %dma_start3A_212 : memref<1x1x32xf32, #tpu.memory_space<vmem>> -> memref<1x32xf32, #tpu.memory_space<vmem>>
      %dma_start3A_214 = arith.constant 0 : i32
      %dma_start3A_215 = tpu.memref_slice %arg4[%squeeze3A_209, %dma_start3A_214] : memref<1000000x32xf32, #tpu.memory_space<hbm>> -> memref<1x32xf32, #tpu.memory_space<hbm>>
      %dma_start3A_216 = arith.constant 0 : i32
      %dma_start3A_217 = tpu.memref_slice %arg8[%dma_start3A_210, %add3A_197, %dma_start3A_216] : memref<2x128x32xf32, #tpu.memory_space<vmem>> -> memref<1x1x32xf32, #tpu.memory_space<vmem>>
      %dma_start3A_218 = tpu.memref_squeeze %dma_start3A_217 : memref<1x1x32xf32, #tpu.memory_space<vmem>> -> memref<1x32xf32, #tpu.memory_space<vmem>>
      %dma_start3A_219 = arith.constant 0 : i32
      %dma_start3A_220 = tpu.memref_slice %arg4[%squeeze3A_209, %dma_start3A_219] : memref<1000000x32xf32, #tpu.memory_space<hbm>> -> memref<1x32xf32, #tpu.memory_space<hbm>>
      tpu.enqueue_dma source(%dma_start3A_220 : memref<1x32xf32, #tpu.memory_space<hbm>>) target(%dma_start3A_218 : memref<1x32xf32, #tpu.memory_space<vmem>>) target_semaphore(%arg11 : memref<!tpu.dma_semaphore, #tpu.memory_space<semaphore_mem>>)
      %mul3A_221 = arith.constant 16 : i32
      %mul3A_222 = arith.muli %scan3A_179, %mul3A_221 : i32
      %add3A_223 = arith.constant 1 : i32
      %add3A_224 = arith.addi %mul3A_222, %add3A_223 : i32
      %slice3A_225 = vector.extract_strided_slice %get3A_187 {offsets = [2], sizes = [1], strides = [1]} : vector<16xi32> to vector<1xi32>
      %squeeze3A_226 = vector.extract %slice3A_225[0] : i32 from vector<1xi32>
      %dma_start3A_227 = arith.constant 0 : i32
      %dma_start3A_228 = arith.constant 0 : i32
      %dma_start3A_229 = tpu.memref_slice %arg7[%dma_start3A_227, %add3A_224, %dma_start3A_228] : memref<2x128x32xf32, #tpu.memory_space<vmem>> -> memref<1x1x32xf32, #tpu.memory_space<vmem>>
      %dma_start3A_230 = tpu.memref_squeeze %dma_start3A_229 : memref<1x1x32xf32, #tpu.memory_space<vmem>> -> memref<1x32xf32, #tpu.memory_space<vmem>>
      %dma_start3A_231 = arith.constant 0 : i32
      %dma_start3A_232 = tpu.memref_slice %arg3[%squeeze3A_226, %dma_start3A_231] : memref<1000000x32xf32, #tpu.memory_space<hbm>> -> memref<1x32xf32, #tpu.memory_space<hbm>>
      %dma_start3A_233 = arith.constant 0 : i32
      %dma_start3A_234 = tpu.memref_slice %arg7[%dma_start3A_227, %add3A_224, %dma_start3A_233] : memref<2x128x32xf32, #tpu.memory_space<vmem>> -> memref<1x1x32xf32, #tpu.memory_space<vmem>>
      %dma_start3A_235 = tpu.memref_squeeze %dma_start3A_234 : memref<1x1x32xf32, #tpu.memory_space<vmem>> -> memref<1x32xf32, #tpu.memory_space<vmem>>
      %dma_start3A_236 = arith.constant 0 : i32
      %dma_start3A_237 = tpu.memref_slice %arg3[%squeeze3A_226, %dma_start3A_236] : memref<1000000x32xf32, #tpu.memory_space<hbm>> -> memref<1x32xf32, #tpu.memory_space<hbm>>
      tpu.enqueue_dma source(%dma_start3A_237 : memref<1x32xf32, #tpu.memory_space<hbm>>) target(%dma_start3A_235 : memref<1x32xf32, #tpu.memory_space<vmem>>) target_semaphore(%arg10 : memref<!tpu.dma_semaphore, #tpu.memory_space<semaphore_mem>>)
      %slice3A_238 = vector.extract_strided_slice %get3A_187 {offsets = [3], sizes = [1], strides = [1]} : vector<16xi32> to vector<1xi32>
      %squeeze3A_239 = vector.extract %slice3A_238[0] : i32 from vector<1xi32>
      %dma_start3A_240 = arith.constant 0 : i32
      %dma_start3A_241 = arith.constant 0 : i32
      %dma_start3A_242 = tpu.memref_slice %arg8[%dma_start3A_240, %add3A_224, %dma_start3A_241] : memref<2x128x32xf32, #tpu.memory_space<vmem>> -> memref<1x1x32xf32, #tpu.memory_space<vmem>>
      %dma_start3A_243 = tpu.memref_squeeze %dma_start3A_242 : memref<1x1x32xf32, #tpu.memory_space<vmem>> -> memref<1x32xf32, #tpu.memory_space<vmem>>
      %dma_start3A_244 = arith.constant 0 : i32
      %dma_start3A_245 = tpu.memref_slice %arg4[%squeeze3A_239, %dma_start3A_244] : memref<1000000x32xf32, #tpu.memory_space<hbm>> -> memref<1x32xf32, #tpu.memory_space<hbm>>
      %dma_start3A_246 = arith.constant 0 : i32
      %dma_start3A_247 = tpu.memref_slice %arg8[%dma_start3A_240, %add3A_224, %dma_start3A_246] : memref<2x128x32xf32, #tpu.memory_space<vmem>> -> memref<1x1x32xf32, #tpu.memory_space<vmem>>
      %dma_start3A_248 = tpu.memref_squeeze %dma_start3A_247 : memref<1x1x32xf32, #tpu.memory_space<vmem>> -> memref<1x32xf32, #tpu.memory_space<vmem>>
      %dma_start3A_249 = arith.constant 0 : i32
      %dma_start3A_250 = tpu.memref_slice %arg4[%squeeze3A_239, %dma_start3A_249] : memref<1000000x32xf32, #tpu.memory_space<hbm>> -> memref<1x32xf32, #tpu.memory_space<hbm>>
      tpu.enqueue_dma source(%dma_start3A_250 : memref<1x32xf32, #tpu.memory_space<hbm>>) target(%dma_start3A_248 : memref<1x32xf32, #tpu.memory_space<vmem>>) target_semaphore(%arg11 : memref<!tpu.dma_semaphore, #tpu.memory_space<semaphore_mem>>)
      %mul3A_251 = arith.constant 16 : i32
      %mul3A_252 = arith.muli %scan3A_179, %mul3A_251 : i32
      %add3A_253 = arith.constant 2 : i32
      %add3A_254 = arith.addi %mul3A_252, %add3A_253 : i32
      %slice3A_255 = vector.extract_strided_slice %get3A_187 {offsets = [4], sizes = [1], strides = [1]} : vector<16xi32> to vector<1xi32>
      %squeeze3A_256 = vector.extract %slice3A_255[0] : i32 from vector<1xi32>
      %dma_start3A_257 = arith.constant 0 : i32
      %dma_start3A_258 = arith.constant 0 : i32
      %dma_start3A_259 = tpu.memref_slice %arg7[%dma_start3A_257, %add3A_254, %dma_start3A_258] : memref<2x128x32xf32, #tpu.memory_space<vmem>> -> memref<1x1x32xf32, #tpu.memory_space<vmem>>
      %dma_start3A_260 = tpu.memref_squeeze %dma_start3A_259 : memref<1x1x32xf32, #tpu.memory_space<vmem>> -> memref<1x32xf32, #tpu.memory_space<vmem>>
      %dma_start3A_261 = arith.constant 0 : i32
      %dma_start3A_262 = tpu.memref_slice %arg3[%squeeze3A_256, %dma_start3A_261] : memref<1000000x32xf32, #tpu.memory_space<hbm>> -> memref<1x32xf32, #tpu.memory_space<hbm>>
      %dma_start3A_263 = arith.constant 0 : i32
      %dma_start3A_264 = tpu.memref_slice %arg7[%dma_start3A_257, %add3A_254, %dma_start3A_263] : memref<2x128x32xf32, #tpu.memory_space<vmem>> -> memref<1x1x32xf32, #tpu.memory_space<vmem>>
      %dma_start3A_265 = tpu.memref_squeeze %dma_start3A_264 : memref<1x1x32xf32, #tpu.memory_space<vmem>> -> memref<1x32xf32, #tpu.memory_space<vmem>>
      %dma_start3A_266 = arith.constant 0 : i32
      %dma_start3A_267 = tpu.memref_slice %arg3[%squeeze3A_256, %dma_start3A_266] : memref<1000000x32xf32, #tpu.memory_space<hbm>> -> memref<1x32xf32, #tpu.memory_space<hbm>>
      tpu.enqueue_dma source(%dma_start3A_267 : memref<1x32xf32, #tpu.memory_space<hbm>>) target(%dma_start3A_265 : memref<1x32xf32, #tpu.memory_space<vmem>>) target_semaphore(%arg10 : memref<!tpu.dma_semaphore, #tpu.memory_space<semaphore_mem>>)
      %slice3A_268 = vector.extract_strided_slice %get3A_187 {offsets = [5], sizes = [1], strides = [1]} : vector<16xi32> to vector<1xi32>
      %squeeze3A_269 = vector.extract %slice3A_268[0] : i32 from vector<1xi32>
      %dma_start3A_270 = arith.constant 0 : i32
      %dma_start3A_271 = arith.constant 0 : i32
      %dma_start3A_272 = tpu.memref_slice %arg8[%dma_start3A_270, %add3A_254, %dma_start3A_271] : memref<2x128x32xf32, #tpu.memory_space<vmem>> -> memref<1x1x32xf32, #tpu.memory_space<vmem>>
      %dma_start3A_273 = tpu.memref_squeeze %dma_start3A_272 : memref<1x1x32xf32, #tpu.memory_space<vmem>> -> memref<1x32xf32, #tpu.memory_space<vmem>>
      %dma_start3A_274 = arith.constant 0 : i32
      %dma_start3A_275 = tpu.memref_slice %arg4[%squeeze3A_269, %dma_start3A_274] : memref<1000000x32xf32, #tpu.memory_space<hbm>> -> memref<1x32xf32, #tpu.memory_space<hbm>>
      %dma_start3A_276 = arith.constant 0 : i32
      %dma_start3A_277 = tpu.memref_slice %arg8[%dma_start3A_270, %add3A_254, %dma_start3A_276] : memref<2x128x32xf32, #tpu.memory_space<vmem>> -> memref<1x1x32xf32, #tpu.memory_space<vmem>>
      %dma_start3A_278 = tpu.memref_squeeze %dma_start3A_277 : memref<1x1x32xf32, #tpu.memory_space<vmem>> -> memref<1x32xf32, #tpu.memory_space<vmem>>
      %dma_start3A_279 = arith.constant 0 : i32
      %dma_start3A_280 = tpu.memref_slice %arg4[%squeeze3A_269, %dma_start3A_279] : memref<1000000x32xf32, #tpu.memory_space<hbm>> -> memref<1x32xf32, #tpu.memory_space<hbm>>
      tpu.enqueue_dma source(%dma_start3A_280 : memref<1x32xf32, #tpu.memory_space<hbm>>) target(%dma_start3A_278 : memref<1x32xf32, #tpu.memory_space<vmem>>) target_semaphore(%arg11 : memref<!tpu.dma_semaphore, #tpu.memory_space<semaphore_mem>>)
      %mul3A_281 = arith.constant 16 : i32
      %mul3A_282 = arith.muli %scan3A_179, %mul3A_281 : i32
      %add3A_283 = arith.constant 3 : i32
      %add3A_284 = arith.addi %mul3A_282, %add3A_283 : i32
      %slice3A_285 = vector.extract_strided_slice %get3A_187 {offsets = [6], sizes = [1], strides = [1]} : vector<16xi32> to vector<1xi32>
      %squeeze3A_286 = vector.extract %slice3A_285[0] : i32 from vector<1xi32>
      %dma_start3A_287 = arith.constant 0 : i32
      %dma_start3A_288 = arith.constant 0 : i32
      %dma_start3A_289 = tpu.memref_slice %arg7[%dma_start3A_287, %add3A_284, %dma_start3A_288] : memref<2x128x32xf32, #tpu.memory_space<vmem>> -> memref<1x1x32xf32, #tpu.memory_space<vmem>>
      %dma_start3A_290 = tpu.memref_squeeze %dma_start3A_289 : memref<1x1x32xf32, #tpu.memory_space<vmem>> -> memref<1x32xf32, #tpu.memory_space<vmem>>
      %dma_start3A_291 = arith.constant 0 : i32
      %dma_start3A_292 = tpu.memref_slice %arg3[%squeeze3A_286, %dma_start3A_291] : memref<1000000x32xf32, #tpu.memory_space<hbm>> -> memref<1x32xf32, #tpu.memory_space<hbm>>
      %dma_start3A_293 = arith.constant 0 : i32
      %dma_start3A_294 = tpu.memref_slice %arg7[%dma_start3A_287, %add3A_284, %dma_start3A_293] : memref<2x128x32xf32, #tpu.memory_space<vmem>> -> memref<1x1x32xf32, #tpu.memory_space<vmem>>
      %dma_start3A_295 = tpu.memref_squeeze %dma_start3A_294 : memref<1x1x32xf32, #tpu.memory_space<vmem>> -> memref<1x32xf32, #tpu.memory_space<vmem>>
      %dma_start3A_296 = arith.constant 0 : i32
      %dma_start3A_297 = tpu.memref_slice %arg3[%squeeze3A_286, %dma_start3A_296] : memref<1000000x32xf32, #tpu.memory_space<hbm>> -> memref<1x32xf32, #tpu.memory_space<hbm>>
      tpu.enqueue_dma source(%dma_start3A_297 : memref<1x32xf32, #tpu.memory_space<hbm>>) target(%dma_start3A_295 : memref<1x32xf32, #tpu.memory_space<vmem>>) target_semaphore(%arg10 : memref<!tpu.dma_semaphore, #tpu.memory_space<semaphore_mem>>)
      %slice3A_298 = vector.extract_strided_slice %get3A_187 {offsets = [7], sizes = [1], strides = [1]} : vector<16xi32> to vector<1xi32>
      %squeeze3A_299 = vector.extract %slice3A_298[0] : i32 from vector<1xi32>
      %dma_start3A_300 = arith.constant 0 : i32
      %dma_start3A_301 = arith.constant 0 : i32
      %dma_start3A_302 = tpu.memref_slice %arg8[%dma_start3A_300, %add3A_284, %dma_start3A_301] : memref<2x128x32xf32, #tpu.memory_space<vmem>> -> memref<1x1x32xf32, #tpu.memory_space<vmem>>
      %dma_start3A_303 = tpu.memref_squeeze %dma_start3A_302 : memref<1x1x32xf32, #tpu.memory_space<vmem>> -> memref<1x32xf32, #tpu.memory_space<vmem>>
      %dma_start3A_304 = arith.constant 0 : i32
      %dma_start3A_305 = tpu.memref_slice %arg4[%squeeze3A_299, %dma_start3A_304] : memref<1000000x32xf32, #tpu.memory_space<hbm>> -> memref<1x32xf32, #tpu.memory_space<hbm>>
      %dma_start3A_306 = arith.constant 0 : i32
      %dma_start3A_307 = tpu.memref_slice %arg8[%dma_start3A_300, %add3A_284, %dma_start3A_306] : memref<2x128x32xf32, #tpu.memory_space<vmem>> -> memref<1x1x32xf32, #tpu.memory_space<vmem>>
      %dma_start3A_308 = tpu.memref_squeeze %dma_start3A_307 : memref<1x1x32xf32, #tpu.memory_space<vmem>> -> memref<1x32xf32, #tpu.memory_space<vmem>>
      %dma_start3A_309 = arith.constant 0 : i32
      %dma_start3A_310 = tpu.memref_slice %arg4[%squeeze3A_299, %dma_start3A_309] : memref<1000000x32xf32, #tpu.memory_space<hbm>> -> memref<1x32xf32, #tpu.memory_space<hbm>>
      tpu.enqueue_dma source(%dma_start3A_310 : memref<1x32xf32, #tpu.memory_space<hbm>>) target(%dma_start3A_308 : memref<1x32xf32, #tpu.memory_space<vmem>>) target_semaphore(%arg11 : memref<!tpu.dma_semaphore, #tpu.memory_space<semaphore_mem>>)
      %mul3A_311 = arith.constant 16 : i32
      %mul3A_312 = arith.muli %scan3A_179, %mul3A_311 : i32
      %add3A_313 = arith.constant 4 : i32
      %add3A_314 = arith.addi %mul3A_312, %add3A_313 : i32
      %slice3A_315 = vector.extract_strided_slice %get3A_187 {offsets = [8], sizes = [1], strides = [1]} : vector<16xi32> to vector<1xi32>
      %squeeze3A_316 = vector.extract %slice3A_315[0] : i32 from vector<1xi32>
      %dma_start3A_317 = arith.constant 0 : i32
      %dma_start3A_318 = arith.constant 0 : i32
      %dma_start3A_319 = tpu.memref_slice %arg7[%dma_start3A_317, %add3A_314, %dma_start3A_318] : memref<2x128x32xf32, #tpu.memory_space<vmem>> -> memref<1x1x32xf32, #tpu.memory_space<vmem>>
      %dma_start3A_320 = tpu.memref_squeeze %dma_start3A_319 : memref<1x1x32xf32, #tpu.memory_space<vmem>> -> memref<1x32xf32, #tpu.memory_space<vmem>>
      %dma_start3A_321 = arith.constant 0 : i32
      %dma_start3A_322 = tpu.memref_slice %arg3[%squeeze3A_316, %dma_start3A_321] : memref<1000000x32xf32, #tpu.memory_space<hbm>> -> memref<1x32xf32, #tpu.memory_space<hbm>>
      %dma_start3A_323 = arith.constant 0 : i32
      %dma_start3A_324 = tpu.memref_slice %arg7[%dma_start3A_317, %add3A_314, %dma_start3A_323] : memref<2x128x32xf32, #tpu.memory_space<vmem>> -> memref<1x1x32xf32, #tpu.memory_space<vmem>>
      %dma_start3A_325 = tpu.memref_squeeze %dma_start3A_324 : memref<1x1x32xf32, #tpu.memory_space<vmem>> -> memref<1x32xf32, #tpu.memory_space<vmem>>
      %dma_start3A_326 = arith.constant 0 : i32
      %dma_start3A_327 = tpu.memref_slice %arg3[%squeeze3A_316, %dma_start3A_326] : memref<1000000x32xf32, #tpu.memory_space<hbm>> -> memref<1x32xf32, #tpu.memory_space<hbm>>
      tpu.enqueue_dma source(%dma_start3A_327 : memref<1x32xf32, #tpu.memory_space<hbm>>) target(%dma_start3A_325 : memref<1x32xf32, #tpu.memory_space<vmem>>) target_semaphore(%arg10 : memref<!tpu.dma_semaphore, #tpu.memory_space<semaphore_mem>>)
      %slice3A_328 = vector.extract_strided_slice %get3A_187 {offsets = [9], sizes = [1], strides = [1]} : vector<16xi32> to vector<1xi32>
      %squeeze3A_329 = vector.extract %slice3A_328[0] : i32 from vector<1xi32>
      %dma_start3A_330 = arith.constant 0 : i32
      %dma_start3A_331 = arith.constant 0 : i32
      %dma_start3A_332 = tpu.memref_slice %arg8[%dma_start3A_330, %add3A_314, %dma_start3A_331] : memref<2x128x32xf32, #tpu.memory_space<vmem>> -> memref<1x1x32xf32, #tpu.memory_space<vmem>>
      %dma_start3A_333 = tpu.memref_squeeze %dma_start3A_332 : memref<1x1x32xf32, #tpu.memory_space<vmem>> -> memref<1x32xf32, #tpu.memory_space<vmem>>
      %dma_start3A_334 = arith.constant 0 : i32
      %dma_start3A_335 = tpu.memref_slice %arg4[%squeeze3A_329, %dma_start3A_334] : memref<1000000x32xf32, #tpu.memory_space<hbm>> -> memref<1x32xf32, #tpu.memory_space<hbm>>
      %dma_start3A_336 = arith.constant 0 : i32
      %dma_start3A_337 = tpu.memref_slice %arg8[%dma_start3A_330, %add3A_314, %dma_start3A_336] : memref<2x128x32xf32, #tpu.memory_space<vmem>> -> memref<1x1x32xf32, #tpu.memory_space<vmem>>
      %dma_start3A_338 = tpu.memref_squeeze %dma_start3A_337 : memref<1x1x32xf32, #tpu.memory_space<vmem>> -> memref<1x32xf32, #tpu.memory_space<vmem>>
      %dma_start3A_339 = arith.constant 0 : i32
      %dma_start3A_340 = tpu.memref_slice %arg4[%squeeze3A_329, %dma_start3A_339] : memref<1000000x32xf32, #tpu.memory_space<hbm>> -> memref<1x32xf32, #tpu.memory_space<hbm>>
      tpu.enqueue_dma source(%dma_start3A_340 : memref<1x32xf32, #tpu.memory_space<hbm>>) target(%dma_start3A_338 : memref<1x32xf32, #tpu.memory_space<vmem>>) target_semaphore(%arg11 : memref<!tpu.dma_semaphore, #tpu.memory_space<semaphore_mem>>)
      %mul3A_341 = arith.constant 16 : i32
      %mul3A_342 = arith.muli %scan3A_179, %mul3A_341 : i32
      %add3A_343 = arith.constant 5 : i32
      %add3A_344 = arith.addi %mul3A_342, %add3A_343 : i32
      %slice3A_345 = vector.extract_strided_slice %get3A_187 {offsets = [10], sizes = [1], strides = [1]} : vector<16xi32> to vector<1xi32>
      %squeeze3A_346 = vector.extract %slice3A_345[0] : i32 from vector<1xi32>
      %dma_start3A_347 = arith.constant 0 : i32
      %dma_start3A_348 = arith.constant 0 : i32
      %dma_start3A_349 = tpu.memref_slice %arg7[%dma_start3A_347, %add3A_344, %dma_start3A_348] : memref<2x128x32xf32, #tpu.memory_space<vmem>> -> memref<1x1x32xf32, #tpu.memory_space<vmem>>
      %dma_start3A_350 = tpu.memref_squeeze %dma_start3A_349 : memref<1x1x32xf32, #tpu.memory_space<vmem>> -> memref<1x32xf32, #tpu.memory_space<vmem>>
      %dma_start3A_351 = arith.constant 0 : i32
      %dma_start3A_352 = tpu.memref_slice %arg3[%squeeze3A_346, %dma_start3A_351] : memref<1000000x32xf32, #tpu.memory_space<hbm>> -> memref<1x32xf32, #tpu.memory_space<hbm>>
      %dma_start3A_353 = arith.constant 0 : i32
      %dma_start3A_354 = tpu.memref_slice %arg7[%dma_start3A_347, %add3A_344, %dma_start3A_353] : memref<2x128x32xf32, #tpu.memory_space<vmem>> -> memref<1x1x32xf32, #tpu.memory_space<vmem>>
      %dma_start3A_355 = tpu.memref_squeeze %dma_start3A_354 : memref<1x1x32xf32, #tpu.memory_space<vmem>> -> memref<1x32xf32, #tpu.memory_space<vmem>>
      %dma_start3A_356 = arith.constant 0 : i32
      %dma_start3A_357 = tpu.memref_slice %arg3[%squeeze3A_346, %dma_start3A_356] : memref<1000000x32xf32, #tpu.memory_space<hbm>> -> memref<1x32xf32, #tpu.memory_space<hbm>>
      tpu.enqueue_dma source(%dma_start3A_357 : memref<1x32xf32, #tpu.memory_space<hbm>>) target(%dma_start3A_355 : memref<1x32xf32, #tpu.memory_space<vmem>>) target_semaphore(%arg10 : memref<!tpu.dma_semaphore, #tpu.memory_space<semaphore_mem>>)
      %slice3A_358 = vector.extract_strided_slice %get3A_187 {offsets = [11], sizes = [1], strides = [1]} : vector<16xi32> to vector<1xi32>
      %squeeze3A_359 = vector.extract %slice3A_358[0] : i32 from vector<1xi32>
      %dma_start3A_360 = arith.constant 0 : i32
      %dma_start3A_361 = arith.constant 0 : i32
      %dma_start3A_362 = tpu.memref_slice %arg8[%dma_start3A_360, %add3A_344, %dma_start3A_361] : memref<2x128x32xf32, #tpu.memory_space<vmem>> -> memref<1x1x32xf32, #tpu.memory_space<vmem>>
      %dma_start3A_363 = tpu.memref_squeeze %dma_start3A_362 : memref<1x1x32xf32, #tpu.memory_space<vmem>> -> memref<1x32xf32, #tpu.memory_space<vmem>>
      %dma_start3A_364 = arith.constant 0 : i32
      %dma_start3A_365 = tpu.memref_slice %arg4[%squeeze3A_359, %dma_start3A_364] : memref<1000000x32xf32, #tpu.memory_space<hbm>> -> memref<1x32xf32, #tpu.memory_space<hbm>>
      %dma_start3A_366 = arith.constant 0 : i32
      %dma_start3A_367 = tpu.memref_slice %arg8[%dma_start3A_360, %add3A_344, %dma_start3A_366] : memref<2x128x32xf32, #tpu.memory_space<vmem>> -> memref<1x1x32xf32, #tpu.memory_space<vmem>>
      %dma_start3A_368 = tpu.memref_squeeze %dma_start3A_367 : memref<1x1x32xf32, #tpu.memory_space<vmem>> -> memref<1x32xf32, #tpu.memory_space<vmem>>
      %dma_start3A_369 = arith.constant 0 : i32
      %dma_start3A_370 = tpu.memref_slice %arg4[%squeeze3A_359, %dma_start3A_369] : memref<1000000x32xf32, #tpu.memory_space<hbm>> -> memref<1x32xf32, #tpu.memory_space<hbm>>
      tpu.enqueue_dma source(%dma_start3A_370 : memref<1x32xf32, #tpu.memory_space<hbm>>) target(%dma_start3A_368 : memref<1x32xf32, #tpu.memory_space<vmem>>) target_semaphore(%arg11 : memref<!tpu.dma_semaphore, #tpu.memory_space<semaphore_mem>>)
      %mul3A_371 = arith.constant 16 : i32
      %mul3A_372 = arith.muli %scan3A_179, %mul3A_371 : i32
      %add3A_373 = arith.constant 6 : i32
      %add3A_374 = arith.addi %mul3A_372, %add3A_373 : i32
      %slice3A_375 = vector.extract_strided_slice %get3A_187 {offsets = [12], sizes = [1], strides = [1]} : vector<16xi32> to vector<1xi32>
      %squeeze3A_376 = vector.extract %slice3A_375[0] : i32 from vector<1xi32>
      %dma_start3A_377 = arith.constant 0 : i32
      %dma_start3A_378 = arith.constant 0 : i32
      %dma_start3A_379 = tpu.memref_slice %arg7[%dma_start3A_377, %add3A_374, %dma_start3A_378] : memref<2x128x32xf32, #tpu.memory_space<vmem>> -> memref<1x1x32xf32, #tpu.memory_space<vmem>>
      %dma_start3A_380 = tpu.memref_squeeze %dma_start3A_379 : memref<1x1x32xf32, #tpu.memory_space<vmem>> -> memref<1x32xf32, #tpu.memory_space<vmem>>
      %dma_start3A_381 = arith.constant 0 : i32
      %dma_start3A_382 = tpu.memref_slice %arg3[%squeeze3A_376, %dma_start3A_381] : memref<1000000x32xf32, #tpu.memory_space<hbm>> -> memref<1x32xf32, #tpu.memory_space<hbm>>
      %dma_start3A_383 = arith.constant 0 : i32
      %dma_start3A_384 = tpu.memref_slice %arg7[%dma_start3A_377, %add3A_374, %dma_start3A_383] : memref<2x128x32xf32, #tpu.memory_space<vmem>> -> memref<1x1x32xf32, #tpu.memory_space<vmem>>
      %dma_start3A_385 = tpu.memref_squeeze %dma_start3A_384 : memref<1x1x32xf32, #tpu.memory_space<vmem>> -> memref<1x32xf32, #tpu.memory_space<vmem>>
      %dma_start3A_386 = arith.constant 0 : i32
      %dma_start3A_387 = tpu.memref_slice %arg3[%squeeze3A_376, %dma_start3A_386] : memref<1000000x32xf32, #tpu.memory_space<hbm>> -> memref<1x32xf32, #tpu.memory_space<hbm>>
      tpu.enqueue_dma source(%dma_start3A_387 : memref<1x32xf32, #tpu.memory_space<hbm>>) target(%dma_start3A_385 : memref<1x32xf32, #tpu.memory_space<vmem>>) target_semaphore(%arg10 : memref<!tpu.dma_semaphore, #tpu.memory_space<semaphore_mem>>)
      %slice3A_388 = vector.extract_strided_slice %get3A_187 {offsets = [13], sizes = [1], strides = [1]} : vector<16xi32> to vector<1xi32>
      %squeeze3A_389 = vector.extract %slice3A_388[0] : i32 from vector<1xi32>
      %dma_start3A_390 = arith.constant 0 : i32
      %dma_start3A_391 = arith.constant 0 : i32
      %dma_start3A_392 = tpu.memref_slice %arg8[%dma_start3A_390, %add3A_374, %dma_start3A_391] : memref<2x128x32xf32, #tpu.memory_space<vmem>> -> memref<1x1x32xf32, #tpu.memory_space<vmem>>
      %dma_start3A_393 = tpu.memref_squeeze %dma_start3A_392 : memref<1x1x32xf32, #tpu.memory_space<vmem>> -> memref<1x32xf32, #tpu.memory_space<vmem>>
      %dma_start3A_394 = arith.constant 0 : i32
      %dma_start3A_395 = tpu.memref_slice %arg4[%squeeze3A_389, %dma_start3A_394] : memref<1000000x32xf32, #tpu.memory_space<hbm>> -> memref<1x32xf32, #tpu.memory_space<hbm>>
      %dma_start3A_396 = arith.constant 0 : i32
      %dma_start3A_397 = tpu.memref_slice %arg8[%dma_start3A_390, %add3A_374, %dma_start3A_396] : memref<2x128x32xf32, #tpu.memory_space<vmem>> -> memref<1x1x32xf32, #tpu.memory_space<vmem>>
      %dma_start3A_398 = tpu.memref_squeeze %dma_start3A_397 : memref<1x1x32xf32, #tpu.memory_space<vmem>> -> memref<1x32xf32, #tpu.memory_space<vmem>>
      %dma_start3A_399 = arith.constant 0 : i32
      %dma_start3A_400 = tpu.memref_slice %arg4[%squeeze3A_389, %dma_start3A_399] : memref<1000000x32xf32, #tpu.memory_space<hbm>> -> memref<1x32xf32, #tpu.memory_space<hbm>>
      tpu.enqueue_dma source(%dma_start3A_400 : memref<1x32xf32, #tpu.memory_space<hbm>>) target(%dma_start3A_398 : memref<1x32xf32, #tpu.memory_space<vmem>>) target_semaphore(%arg11 : memref<!tpu.dma_semaphore, #tpu.memory_space<semaphore_mem>>)
      %mul3A_401 = arith.constant 16 : i32
      %mul3A_402 = arith.muli %scan3A_179, %mul3A_401 : i32
      %add3A_403 = arith.constant 7 : i32
      %add3A_404 = arith.addi %mul3A_402, %add3A_403 : i32
      %slice3A_405 = vector.extract_strided_slice %get3A_187 {offsets = [14], sizes = [1], strides = [1]} : vector<16xi32> to vector<1xi32>
      %squeeze3A_406 = vector.extract %slice3A_405[0] : i32 from vector<1xi32>
      %dma_start3A_407 = arith.constant 0 : i32
      %dma_start3A_408 = arith.constant 0 : i32
      %dma_start3A_409 = tpu.memref_slice %arg7[%dma_start3A_407, %add3A_404, %dma_start3A_408] : memref<2x128x32xf32, #tpu.memory_space<vmem>> -> memref<1x1x32xf32, #tpu.memory_space<vmem>>
      %dma_start3A_410 = tpu.memref_squeeze %dma_start3A_409 : memref<1x1x32xf32, #tpu.memory_space<vmem>> -> memref<1x32xf32, #tpu.memory_space<vmem>>
      %dma_start3A_411 = arith.constant 0 : i32
      %dma_start3A_412 = tpu.memref_slice %arg3[%squeeze3A_406, %dma_start3A_411] : memref<1000000x32xf32, #tpu.memory_space<hbm>> -> memref<1x32xf32, #tpu.memory_space<hbm>>
      %dma_start3A_413 = arith.constant 0 : i32
      %dma_start3A_414 = tpu.memref_slice %arg7[%dma_start3A_407, %add3A_404, %dma_start3A_413] : memref<2x128x32xf32, #tpu.memory_space<vmem>> -> memref<1x1x32xf32, #tpu.memory_space<vmem>>
      %dma_start3A_415 = tpu.memref_squeeze %dma_start3A_414 : memref<1x1x32xf32, #tpu.memory_space<vmem>> -> memref<1x32xf32, #tpu.memory_space<vmem>>
      %dma_start3A_416 = arith.constant 0 : i32
      %dma_start3A_417 = tpu.memref_slice %arg3[%squeeze3A_406, %dma_start3A_416] : memref<1000000x32xf32, #tpu.memory_space<hbm>> -> memref<1x32xf32, #tpu.memory_space<hbm>>
      tpu.enqueue_dma source(%dma_start3A_417 : memref<1x32xf32, #tpu.memory_space<hbm>>) target(%dma_start3A_415 : memref<1x32xf32, #tpu.memory_space<vmem>>) target_semaphore(%arg10 : memref<!tpu.dma_semaphore, #tpu.memory_space<semaphore_mem>>)
      %slice3A_418 = vector.extract_strided_slice %get3A_187 {offsets = [15], sizes = [1], strides = [1]} : vector<16xi32> to vector<1xi32>
      %squeeze3A_419 = vector.extract %slice3A_418[0] : i32 from vector<1xi32>
      %dma_start3A_420 = arith.constant 0 : i32
      %dma_start3A_421 = arith.constant 0 : i32
      %dma_start3A_422 = tpu.memref_slice %arg8[%dma_start3A_420, %add3A_404, %dma_start3A_421] : memref<2x128x32xf32, #tpu.memory_space<vmem>> -> memref<1x1x32xf32, #tpu.memory_space<vmem>>
      %dma_start3A_423 = tpu.memref_squeeze %dma_start3A_422 : memref<1x1x32xf32, #tpu.memory_space<vmem>> -> memref<1x32xf32, #tpu.memory_space<vmem>>
      %dma_start3A_424 = arith.constant 0 : i32
      %dma_start3A_425 = tpu.memref_slice %arg4[%squeeze3A_419, %dma_start3A_424] : memref<1000000x32xf32, #tpu.memory_space<hbm>> -> memref<1x32xf32, #tpu.memory_space<hbm>>
      %dma_start3A_426 = arith.constant 0 : i32
      %dma_start3A_427 = tpu.memref_slice %arg8[%dma_start3A_420, %add3A_404, %dma_start3A_426] : memref<2x128x32xf32, #tpu.memory_space<vmem>> -> memref<1x1x32xf32, #tpu.memory_space<vmem>>
      %dma_start3A_428 = tpu.memref_squeeze %dma_start3A_427 : memref<1x1x32xf32, #tpu.memory_space<vmem>> -> memref<1x32xf32, #tpu.memory_space<vmem>>
      %dma_start3A_429 = arith.constant 0 : i32
      %dma_start3A_430 = tpu.memref_slice %arg4[%squeeze3A_419, %dma_start3A_429] : memref<1000000x32xf32, #tpu.memory_space<hbm>> -> memref<1x32xf32, #tpu.memory_space<hbm>>
      tpu.enqueue_dma source(%dma_start3A_430 : memref<1x32xf32, #tpu.memory_space<hbm>>) target(%dma_start3A_428 : memref<1x32xf32, #tpu.memory_space<vmem>>) target_semaphore(%arg11 : memref<!tpu.dma_semaphore, #tpu.memory_space<semaphore_mem>>)
      %mul3A_431 = arith.constant 16 : i32
      %mul3A_432 = arith.muli %scan3A_179, %mul3A_431 : i32
      %add3A_433 = arith.constant 8 : i32
      %add3A_434 = arith.addi %mul3A_432, %add3A_433 : i32
      %add3A_435 = arith.constant 0 : i32
      %add3A_436 = arith.addi %add3A_434, %add3A_435 : i32
      %slice3A_437 = vector.extract_strided_slice %get3A_193 {offsets = [0], sizes = [1], strides = [1]} : vector<16xi32> to vector<1xi32>
      %squeeze3A_438 = vector.extract %slice3A_437[0] : i32 from vector<1xi32>
      %dma_start3A_439 = arith.constant 0 : i32
      %dma_start3A_440 = arith.constant 0 : i32
      %dma_start3A_441 = tpu.memref_slice %arg7[%dma_start3A_439, %add3A_436, %dma_start3A_440] : memref<2x128x32xf32, #tpu.memory_space<vmem>> -> memref<1x1x32xf32, #tpu.memory_space<vmem>>
      %dma_start3A_442 = tpu.memref_squeeze %dma_start3A_441 : memref<1x1x32xf32, #tpu.memory_space<vmem>> -> memref<1x32xf32, #tpu.memory_space<vmem>>
      %dma_start3A_443 = arith.constant 0 : i32
      %dma_start3A_444 = tpu.memref_slice %arg3[%squeeze3A_438, %dma_start3A_443] : memref<1000000x32xf32, #tpu.memory_space<hbm>> -> memref<1x32xf32, #tpu.memory_space<hbm>>
      %dma_start3A_445 = arith.constant 0 : i32
      %dma_start3A_446 = tpu.memref_slice %arg7[%dma_start3A_439, %add3A_436, %dma_start3A_445] : memref<2x128x32xf32, #tpu.memory_space<vmem>> -> memref<1x1x32xf32, #tpu.memory_space<vmem>>
      %dma_start3A_447 = tpu.memref_squeeze %dma_start3A_446 : memref<1x1x32xf32, #tpu.memory_space<vmem>> -> memref<1x32xf32, #tpu.memory_space<vmem>>
      %dma_start3A_448 = arith.constant 0 : i32
      %dma_start3A_449 = tpu.memref_slice %arg3[%squeeze3A_438, %dma_start3A_448] : memref<1000000x32xf32, #tpu.memory_space<hbm>> -> memref<1x32xf32, #tpu.memory_space<hbm>>
      tpu.enqueue_dma source(%dma_start3A_449 : memref<1x32xf32, #tpu.memory_space<hbm>>) target(%dma_start3A_447 : memref<1x32xf32, #tpu.memory_space<vmem>>) target_semaphore(%arg10 : memref<!tpu.dma_semaphore, #tpu.memory_space<semaphore_mem>>)
      %slice3A_450 = vector.extract_strided_slice %get3A_193 {offsets = [1], sizes = [1], strides = [1]} : vector<16xi32> to vector<1xi32>
      %squeeze3A_451 = vector.extract %slice3A_450[0] : i32 from vector<1xi32>
      %dma_start3A_452 = arith.constant 0 : i32
      %dma_start3A_453 = arith.constant 0 : i32
      %dma_start3A_454 = tpu.memref_slice %arg8[%dma_start3A_452, %add3A_436, %dma_start3A_453] : memref<2x128x32xf32, #tpu.memory_space<vmem>> -> memref<1x1x32xf32, #tpu.memory_space<vmem>>
      %dma_start3A_455 = tpu.memref_squeeze %dma_start3A_454 : memref<1x1x32xf32, #tpu.memory_space<vmem>> -> memref<1x32xf32, #tpu.memory_space<vmem>>
      %dma_start3A_456 = arith.constant 0 : i32
      %dma_start3A_457 = tpu.memref_slice %arg4[%squeeze3A_451, %dma_start3A_456] : memref<1000000x32xf32, #tpu.memory_space<hbm>> -> memref<1x32xf32, #tpu.memory_space<hbm>>
      %dma_start3A_458 = arith.constant 0 : i32
      %dma_start3A_459 = tpu.memref_slice %arg8[%dma_start3A_452, %add3A_436, %dma_start3A_458] : memref<2x128x32xf32, #tpu.memory_space<vmem>> -> memref<1x1x32xf32, #tpu.memory_space<vmem>>
      %dma_start3A_460 = tpu.memref_squeeze %dma_start3A_459 : memref<1x1x32xf32, #tpu.memory_space<vmem>> -> memref<1x32xf32, #tpu.memory_space<vmem>>
      %dma_start3A_461 = arith.constant 0 : i32
      %dma_start3A_462 = tpu.memref_slice %arg4[%squeeze3A_451, %dma_start3A_461] : memref<1000000x32xf32, #tpu.memory_space<hbm>> -> memref<1x32xf32, #tpu.memory_space<hbm>>
      tpu.enqueue_dma source(%dma_start3A_462 : memref<1x32xf32, #tpu.memory_space<hbm>>) target(%dma_start3A_460 : memref<1x32xf32, #tpu.memory_space<vmem>>) target_semaphore(%arg11 : memref<!tpu.dma_semaphore, #tpu.memory_space<semaphore_mem>>)
      %mul3A_463 = arith.constant 16 : i32
      %mul3A_464 = arith.muli %scan3A_179, %mul3A_463 : i32
      %add3A_465 = arith.constant 8 : i32
      %add3A_466 = arith.addi %mul3A_464, %add3A_465 : i32
      %add3A_467 = arith.constant 1 : i32
      %add3A_468 = arith.addi %add3A_466, %add3A_467 : i32
      %slice3A_469 = vector.extract_strided_slice %get3A_193 {offsets = [2], sizes = [1], strides = [1]} : vector<16xi32> to vector<1xi32>
      %squeeze3A_470 = vector.extract %slice3A_469[0] : i32 from vector<1xi32>
      %dma_start3A_471 = arith.constant 0 : i32
      %dma_start3A_472 = arith.constant 0 : i32
      %dma_start3A_473 = tpu.memref_slice %arg7[%dma_start3A_471, %add3A_468, %dma_start3A_472] : memref<2x128x32xf32, #tpu.memory_space<vmem>> -> memref<1x1x32xf32, #tpu.memory_space<vmem>>
      %dma_start3A_474 = tpu.memref_squeeze %dma_start3A_473 : memref<1x1x32xf32, #tpu.memory_space<vmem>> -> memref<1x32xf32, #tpu.memory_space<vmem>>
      %dma_start3A_475 = arith.constant 0 : i32
      %dma_start3A_476 = tpu.memref_slice %arg3[%squeeze3A_470, %dma_start3A_475] : memref<1000000x32xf32, #tpu.memory_space<hbm>> -> memref<1x32xf32, #tpu.memory_space<hbm>>
      %dma_start3A_477 = arith.constant 0 : i32
      %dma_start3A_478 = tpu.memref_slice %arg7[%dma_start3A_471, %add3A_468, %dma_start3A_477] : memref<2x128x32xf32, #tpu.memory_space<vmem>> -> memref<1x1x32xf32, #tpu.memory_space<vmem>>
      %dma_start3A_479 = tpu.memref_squeeze %dma_start3A_478 : memref<1x1x32xf32, #tpu.memory_space<vmem>> -> memref<1x32xf32, #tpu.memory_space<vmem>>
      %dma_start3A_480 = arith.constant 0 : i32
      %dma_start3A_481 = tpu.memref_slice %arg3[%squeeze3A_470, %dma_start3A_480] : memref<1000000x32xf32, #tpu.memory_space<hbm>> -> memref<1x32xf32, #tpu.memory_space<hbm>>
      tpu.enqueue_dma source(%dma_start3A_481 : memref<1x32xf32, #tpu.memory_space<hbm>>) target(%dma_start3A_479 : memref<1x32xf32, #tpu.memory_space<vmem>>) target_semaphore(%arg10 : memref<!tpu.dma_semaphore, #tpu.memory_space<semaphore_mem>>)
      %slice3A_482 = vector.extract_strided_slice %get3A_193 {offsets = [3], sizes = [1], strides = [1]} : vector<16xi32> to vector<1xi32>
      %squeeze3A_483 = vector.extract %slice3A_482[0] : i32 from vector<1xi32>
      %dma_start3A_484 = arith.constant 0 : i32
      %dma_start3A_485 = arith.constant 0 : i32
      %dma_start3A_486 = tpu.memref_slice %arg8[%dma_start3A_484, %add3A_468, %dma_start3A_485] : memref<2x128x32xf32, #tpu.memory_space<vmem>> -> memref<1x1x32xf32, #tpu.memory_space<vmem>>
      %dma_start3A_487 = tpu.memref_squeeze %dma_start3A_486 : memref<1x1x32xf32, #tpu.memory_space<vmem>> -> memref<1x32xf32, #tpu.memory_space<vmem>>
      %dma_start3A_488 = arith.constant 0 : i32
      %dma_start3A_489 = tpu.memref_slice %arg4[%squeeze3A_483, %dma_start3A_488] : memref<1000000x32xf32, #tpu.memory_space<hbm>> -> memref<1x32xf32, #tpu.memory_space<hbm>>
      %dma_start3A_490 = arith.constant 0 : i32
      %dma_start3A_491 = tpu.memref_slice %arg8[%dma_start3A_484, %add3A_468, %dma_start3A_490] : memref<2x128x32xf32, #tpu.memory_space<vmem>> -> memref<1x1x32xf32, #tpu.memory_space<vmem>>
      %dma_start3A_492 = tpu.memref_squeeze %dma_start3A_491 : memref<1x1x32xf32, #tpu.memory_space<vmem>> -> memref<1x32xf32, #tpu.memory_space<vmem>>
      %dma_start3A_493 = arith.constant 0 : i32
      %dma_start3A_494 = tpu.memref_slice %arg4[%squeeze3A_483, %dma_start3A_493] : memref<1000000x32xf32, #tpu.memory_space<hbm>> -> memref<1x32xf32, #tpu.memory_space<hbm>>
      tpu.enqueue_dma source(%dma_start3A_494 : memref<1x32xf32, #tpu.memory_space<hbm>>) target(%dma_start3A_492 : memref<1x32xf32, #tpu.memory_space<vmem>>) target_semaphore(%arg11 : memref<!tpu.dma_semaphore, #tpu.memory_space<semaphore_mem>>)
      %mul3A_495 = arith.constant 16 : i32
      %mul3A_496 = arith.muli %scan3A_179, %mul3A_495 : i32
      %add3A_497 = arith.constant 8 : i32
      %add3A_498 = arith.addi %mul3A_496, %add3A_497 : i32
      %add3A_499 = arith.constant 2 : i32
      %add3A_500 = arith.addi %add3A_498, %add3A_499 : i32
      %slice3A_501 = vector.extract_strided_slice %get3A_193 {offsets = [4], sizes = [1], strides = [1]} : vector<16xi32> to vector<1xi32>
      %squeeze3A_502 = vector.extract %slice3A_501[0] : i32 from vector<1xi32>
      %dma_start3A_503 = arith.constant 0 : i32
      %dma_start3A_504 = arith.constant 0 : i32
      %dma_start3A_505 = tpu.memref_slice %arg7[%dma_start3A_503, %add3A_500, %dma_start3A_504] : memref<2x128x32xf32, #tpu.memory_space<vmem>> -> memref<1x1x32xf32, #tpu.memory_space<vmem>>
      %dma_start3A_506 = tpu.memref_squeeze %dma_start3A_505 : memref<1x1x32xf32, #tpu.memory_space<vmem>> -> memref<1x32xf32, #tpu.memory_space<vmem>>
      %dma_start3A_507 = arith.constant 0 : i32
      %dma_start3A_508 = tpu.memref_slice %arg3[%squeeze3A_502, %dma_start3A_507] : memref<1000000x32xf32, #tpu.memory_space<hbm>> -> memref<1x32xf32, #tpu.memory_space<hbm>>
      %dma_start3A_509 = arith.constant 0 : i32
      %dma_start3A_510 = tpu.memref_slice %arg7[%dma_start3A_503, %add3A_500, %dma_start3A_509] : memref<2x128x32xf32, #tpu.memory_space<vmem>> -> memref<1x1x32xf32, #tpu.memory_space<vmem>>
      %dma_start3A_511 = tpu.memref_squeeze %dma_start3A_510 : memref<1x1x32xf32, #tpu.memory_space<vmem>> -> memref<1x32xf32, #tpu.memory_space<vmem>>
      %dma_start3A_512 = arith.constant 0 : i32
      %dma_start3A_513 = tpu.memref_slice %arg3[%squeeze3A_502, %dma_start3A_512] : memref<1000000x32xf32, #tpu.memory_space<hbm>> -> memref<1x32xf32, #tpu.memory_space<hbm>>
      tpu.enqueue_dma source(%dma_start3A_513 : memref<1x32xf32, #tpu.memory_space<hbm>>) target(%dma_start3A_511 : memref<1x32xf32, #tpu.memory_space<vmem>>) target_semaphore(%arg10 : memref<!tpu.dma_semaphore, #tpu.memory_space<semaphore_mem>>)
      %slice3A_514 = vector.extract_strided_slice %get3A_193 {offsets = [5], sizes = [1], strides = [1]} : vector<16xi32> to vector<1xi32>
      %squeeze3A_515 = vector.extract %slice3A_514[0] : i32 from vector<1xi32>
      %dma_start3A_516 = arith.constant 0 : i32
      %dma_start3A_517 = arith.constant 0 : i32
      %dma_start3A_518 = tpu.memref_slice %arg8[%dma_start3A_516, %add3A_500, %dma_start3A_517] : memref<2x128x32xf32, #tpu.memory_space<vmem>> -> memref<1x1x32xf32, #tpu.memory_space<vmem>>
      %dma_start3A_519 = tpu.memref_squeeze %dma_start3A_518 : memref<1x1x32xf32, #tpu.memory_space<vmem>> -> memref<1x32xf32, #tpu.memory_space<vmem>>
      %dma_start3A_520 = arith.constant 0 : i32
      %dma_start3A_521 = tpu.memref_slice %arg4[%squeeze3A_515, %dma_start3A_520] : memref<1000000x32xf32, #tpu.memory_space<hbm>> -> memref<1x32xf32, #tpu.memory_space<hbm>>
      %dma_start3A_522 = arith.constant 0 : i32
      %dma_start3A_523 = tpu.memref_slice %arg8[%dma_start3A_516, %add3A_500, %dma_start3A_522] : memref<2x128x32xf32, #tpu.memory_space<vmem>> -> memref<1x1x32xf32, #tpu.memory_space<vmem>>
      %dma_start3A_524 = tpu.memref_squeeze %dma_start3A_523 : memref<1x1x32xf32, #tpu.memory_space<vmem>> -> memref<1x32xf32, #tpu.memory_space<vmem>>
      %dma_start3A_525 = arith.constant 0 : i32
      %dma_start3A_526 = tpu.memref_slice %arg4[%squeeze3A_515, %dma_start3A_525] : memref<1000000x32xf32, #tpu.memory_space<hbm>> -> memref<1x32xf32, #tpu.memory_space<hbm>>
      tpu.enqueue_dma source(%dma_start3A_526 : memref<1x32xf32, #tpu.memory_space<hbm>>) target(%dma_start3A_524 : memref<1x32xf32, #tpu.memory_space<vmem>>) target_semaphore(%arg11 : memref<!tpu.dma_semaphore, #tpu.memory_space<semaphore_mem>>)
      %mul3A_527 = arith.constant 16 : i32
      %mul3A_528 = arith.muli %scan3A_179, %mul3A_527 : i32
      %add3A_529 = arith.constant 8 : i32
      %add3A_530 = arith.addi %mul3A_528, %add3A_529 : i32
      %add3A_531 = arith.constant 3 : i32
      %add3A_532 = arith.addi %add3A_530, %add3A_531 : i32
      %slice3A_533 = vector.extract_strided_slice %get3A_193 {offsets = [6], sizes = [1], strides = [1]} : vector<16xi32> to vector<1xi32>
      %squeeze3A_534 = vector.extract %slice3A_533[0] : i32 from vector<1xi32>
      %dma_start3A_535 = arith.constant 0 : i32
      %dma_start3A_536 = arith.constant 0 : i32
      %dma_start3A_537 = tpu.memref_slice %arg7[%dma_start3A_535, %add3A_532, %dma_start3A_536] : memref<2x128x32xf32, #tpu.memory_space<vmem>> -> memref<1x1x32xf32, #tpu.memory_space<vmem>>
      %dma_start3A_538 = tpu.memref_squeeze %dma_start3A_537 : memref<1x1x32xf32, #tpu.memory_space<vmem>> -> memref<1x32xf32, #tpu.memory_space<vmem>>
      %dma_start3A_539 = arith.constant 0 : i32
      %dma_start3A_540 = tpu.memref_slice %arg3[%squeeze3A_534, %dma_start3A_539] : memref<1000000x32xf32, #tpu.memory_space<hbm>> -> memref<1x32xf32, #tpu.memory_space<hbm>>
      %dma_start3A_541 = arith.constant 0 : i32
      %dma_start3A_542 = tpu.memref_slice %arg7[%dma_start3A_535, %add3A_532, %dma_start3A_541] : memref<2x128x32xf32, #tpu.memory_space<vmem>> -> memref<1x1x32xf32, #tpu.memory_space<vmem>>
      %dma_start3A_543 = tpu.memref_squeeze %dma_start3A_542 : memref<1x1x32xf32, #tpu.memory_space<vmem>> -> memref<1x32xf32, #tpu.memory_space<vmem>>
      %dma_start3A_544 = arith.constant 0 : i32
      %dma_start3A_545 = tpu.memref_slice %arg3[%squeeze3A_534, %dma_start3A_544] : memref<1000000x32xf32, #tpu.memory_space<hbm>> -> memref<1x32xf32, #tpu.memory_space<hbm>>
      tpu.enqueue_dma source(%dma_start3A_545 : memref<1x32xf32, #tpu.memory_space<hbm>>) target(%dma_start3A_543 : memref<1x32xf32, #tpu.memory_space<vmem>>) target_semaphore(%arg10 : memref<!tpu.dma_semaphore, #tpu.memory_space<semaphore_mem>>)
      %slice3A_546 = vector.extract_strided_slice %get3A_193 {offsets = [7], sizes = [1], strides = [1]} : vector<16xi32> to vector<1xi32>
      %squeeze3A_547 = vector.extract %slice3A_546[0] : i32 from vector<1xi32>
      %dma_start3A_548 = arith.constant 0 : i32
      %dma_start3A_549 = arith.constant 0 : i32
      %dma_start3A_550 = tpu.memref_slice %arg8[%dma_start3A_548, %add3A_532, %dma_start3A_549] : memref<2x128x32xf32, #tpu.memory_space<vmem>> -> memref<1x1x32xf32, #tpu.memory_space<vmem>>
      %dma_start3A_551 = tpu.memref_squeeze %dma_start3A_550 : memref<1x1x32xf32, #tpu.memory_space<vmem>> -> memref<1x32xf32, #tpu.memory_space<vmem>>
      %dma_start3A_552 = arith.constant 0 : i32
      %dma_start3A_553 = tpu.memref_slice %arg4[%squeeze3A_547, %dma_start3A_552] : memref<1000000x32xf32, #tpu.memory_space<hbm>> -> memref<1x32xf32, #tpu.memory_space<hbm>>
      %dma_start3A_554 = arith.constant 0 : i32
      %dma_start3A_555 = tpu.memref_slice %arg8[%dma_start3A_548, %add3A_532, %dma_start3A_554] : memref<2x128x32xf32, #tpu.memory_space<vmem>> -> memref<1x1x32xf32, #tpu.memory_space<vmem>>
      %dma_start3A_556 = tpu.memref_squeeze %dma_start3A_555 : memref<1x1x32xf32, #tpu.memory_space<vmem>> -> memref<1x32xf32, #tpu.memory_space<vmem>>
      %dma_start3A_557 = arith.constant 0 : i32
      %dma_start3A_558 = tpu.memref_slice %arg4[%squeeze3A_547, %dma_start3A_557] : memref<1000000x32xf32, #tpu.memory_space<hbm>> -> memref<1x32xf32, #tpu.memory_space<hbm>>
      tpu.enqueue_dma source(%dma_start3A_558 : memref<1x32xf32, #tpu.memory_space<hbm>>) target(%dma_start3A_556 : memref<1x32xf32, #tpu.memory_space<vmem>>) target_semaphore(%arg11 : memref<!tpu.dma_semaphore, #tpu.memory_space<semaphore_mem>>)
      %mul3A_559 = arith.constant 16 : i32
      %mul3A_560 = arith.muli %scan3A_179, %mul3A_559 : i32
      %add3A_561 = arith.constant 8 : i32
      %add3A_562 = arith.addi %mul3A_560, %add3A_561 : i32
      %add3A_563 = arith.constant 4 : i32
      %add3A_564 = arith.addi %add3A_562, %add3A_563 : i32
      %slice3A_565 = vector.extract_strided_slice %get3A_193 {offsets = [8], sizes = [1], strides = [1]} : vector<16xi32> to vector<1xi32>
      %squeeze3A_566 = vector.extract %slice3A_565[0] : i32 from vector<1xi32>
      %dma_start3A_567 = arith.constant 0 : i32
      %dma_start3A_568 = arith.constant 0 : i32
      %dma_start3A_569 = tpu.memref_slice %arg7[%dma_start3A_567, %add3A_564, %dma_start3A_568] : memref<2x128x32xf32, #tpu.memory_space<vmem>> -> memref<1x1x32xf32, #tpu.memory_space<vmem>>
      %dma_start3A_570 = tpu.memref_squeeze %dma_start3A_569 : memref<1x1x32xf32, #tpu.memory_space<vmem>> -> memref<1x32xf32, #tpu.memory_space<vmem>>
      %dma_start3A_571 = arith.constant 0 : i32
      %dma_start3A_572 = tpu.memref_slice %arg3[%squeeze3A_566, %dma_start3A_571] : memref<1000000x32xf32, #tpu.memory_space<hbm>> -> memref<1x32xf32, #tpu.memory_space<hbm>>
      %dma_start3A_573 = arith.constant 0 : i32
      %dma_start3A_574 = tpu.memref_slice %arg7[%dma_start3A_567, %add3A_564, %dma_start3A_573] : memref<2x128x32xf32, #tpu.memory_space<vmem>> -> memref<1x1x32xf32, #tpu.memory_space<vmem>>
      %dma_start3A_575 = tpu.memref_squeeze %dma_start3A_574 : memref<1x1x32xf32, #tpu.memory_space<vmem>> -> memref<1x32xf32, #tpu.memory_space<vmem>>
      %dma_start3A_576 = arith.constant 0 : i32
      %dma_start3A_577 = tpu.memref_slice %arg3[%squeeze3A_566, %dma_start3A_576] : memref<1000000x32xf32, #tpu.memory_space<hbm>> -> memref<1x32xf32, #tpu.memory_space<hbm>>
      tpu.enqueue_dma source(%dma_start3A_577 : memref<1x32xf32, #tpu.memory_space<hbm>>) target(%dma_start3A_575 : memref<1x32xf32, #tpu.memory_space<vmem>>) target_semaphore(%arg10 : memref<!tpu.dma_semaphore, #tpu.memory_space<semaphore_mem>>)
      %slice3A_578 = vector.extract_strided_slice %get3A_193 {offsets = [9], sizes = [1], strides = [1]} : vector<16xi32> to vector<1xi32>
      %squeeze3A_579 = vector.extract %slice3A_578[0] : i32 from vector<1xi32>
      %dma_start3A_580 = arith.constant 0 : i32
      %dma_start3A_581 = arith.constant 0 : i32
      %dma_start3A_582 = tpu.memref_slice %arg8[%dma_start3A_580, %add3A_564, %dma_start3A_581] : memref<2x128x32xf32, #tpu.memory_space<vmem>> -> memref<1x1x32xf32, #tpu.memory_space<vmem>>
      %dma_start3A_583 = tpu.memref_squeeze %dma_start3A_582 : memref<1x1x32xf32, #tpu.memory_space<vmem>> -> memref<1x32xf32, #tpu.memory_space<vmem>>
      %dma_start3A_584 = arith.constant 0 : i32
      %dma_start3A_585 = tpu.memref_slice %arg4[%squeeze3A_579, %dma_start3A_584] : memref<1000000x32xf32, #tpu.memory_space<hbm>> -> memref<1x32xf32, #tpu.memory_space<hbm>>
      %dma_start3A_586 = arith.constant 0 : i32
      %dma_start3A_587 = tpu.memref_slice %arg8[%dma_start3A_580, %add3A_564, %dma_start3A_586] : memref<2x128x32xf32, #tpu.memory_space<vmem>> -> memref<1x1x32xf32, #tpu.memory_space<vmem>>
      %dma_start3A_588 = tpu.memref_squeeze %dma_start3A_587 : memref<1x1x32xf32, #tpu.memory_space<vmem>> -> memref<1x32xf32, #tpu.memory_space<vmem>>
      %dma_start3A_589 = arith.constant 0 : i32
      %dma_start3A_590 = tpu.memref_slice %arg4[%squeeze3A_579, %dma_start3A_589] : memref<1000000x32xf32, #tpu.memory_space<hbm>> -> memref<1x32xf32, #tpu.memory_space<hbm>>
      tpu.enqueue_dma source(%dma_start3A_590 : memref<1x32xf32, #tpu.memory_space<hbm>>) target(%dma_start3A_588 : memref<1x32xf32, #tpu.memory_space<vmem>>) target_semaphore(%arg11 : memref<!tpu.dma_semaphore, #tpu.memory_space<semaphore_mem>>)
      %mul3A_591 = arith.constant 16 : i32
      %mul3A_592 = arith.muli %scan3A_179, %mul3A_591 : i32
      %add3A_593 = arith.constant 8 : i32
      %add3A_594 = arith.addi %mul3A_592, %add3A_593 : i32
      %add3A_595 = arith.constant 5 : i32
      %add3A_596 = arith.addi %add3A_594, %add3A_595 : i32
      %slice3A_597 = vector.extract_strided_slice %get3A_193 {offsets = [10], sizes = [1], strides = [1]} : vector<16xi32> to vector<1xi32>
      %squeeze3A_598 = vector.extract %slice3A_597[0] : i32 from vector<1xi32>
      %dma_start3A_599 = arith.constant 0 : i32
      %dma_start3A_600 = arith.constant 0 : i32
      %dma_start3A_601 = tpu.memref_slice %arg7[%dma_start3A_599, %add3A_596, %dma_start3A_600] : memref<2x128x32xf32, #tpu.memory_space<vmem>> -> memref<1x1x32xf32, #tpu.memory_space<vmem>>
      %dma_start3A_602 = tpu.memref_squeeze %dma_start3A_601 : memref<1x1x32xf32, #tpu.memory_space<vmem>> -> memref<1x32xf32, #tpu.memory_space<vmem>>
      %dma_start3A_603 = arith.constant 0 : i32
      %dma_start3A_604 = tpu.memref_slice %arg3[%squeeze3A_598, %dma_start3A_603] : memref<1000000x32xf32, #tpu.memory_space<hbm>> -> memref<1x32xf32, #tpu.memory_space<hbm>>
      %dma_start3A_605 = arith.constant 0 : i32
      %dma_start3A_606 = tpu.memref_slice %arg7[%dma_start3A_599, %add3A_596, %dma_start3A_605] : memref<2x128x32xf32, #tpu.memory_space<vmem>> -> memref<1x1x32xf32, #tpu.memory_space<vmem>>
      %dma_start3A_607 = tpu.memref_squeeze %dma_start3A_606 : memref<1x1x32xf32, #tpu.memory_space<vmem>> -> memref<1x32xf32, #tpu.memory_space<vmem>>
      %dma_start3A_608 = arith.constant 0 : i32
      %dma_start3A_609 = tpu.memref_slice %arg3[%squeeze3A_598, %dma_start3A_608] : memref<1000000x32xf32, #tpu.memory_space<hbm>> -> memref<1x32xf32, #tpu.memory_space<hbm>>
      tpu.enqueue_dma source(%dma_start3A_609 : memref<1x32xf32, #tpu.memory_space<hbm>>) target(%dma_start3A_607 : memref<1x32xf32, #tpu.memory_space<vmem>>) target_semaphore(%arg10 : memref<!tpu.dma_semaphore, #tpu.memory_space<semaphore_mem>>)
      %slice3A_610 = vector.extract_strided_slice %get3A_193 {offsets = [11], sizes = [1], strides = [1]} : vector<16xi32> to vector<1xi32>
      %squeeze3A_611 = vector.extract %slice3A_610[0] : i32 from vector<1xi32>
      %dma_start3A_612 = arith.constant 0 : i32
      %dma_start3A_613 = arith.constant 0 : i32
      %dma_start3A_614 = tpu.memref_slice %arg8[%dma_start3A_612, %add3A_596, %dma_start3A_613] : memref<2x128x32xf32, #tpu.memory_space<vmem>> -> memref<1x1x32xf32, #tpu.memory_space<vmem>>
      %dma_start3A_615 = tpu.memref_squeeze %dma_start3A_614 : memref<1x1x32xf32, #tpu.memory_space<vmem>> -> memref<1x32xf32, #tpu.memory_space<vmem>>
      %dma_start3A_616 = arith.constant 0 : i32
      %dma_start3A_617 = tpu.memref_slice %arg4[%squeeze3A_611, %dma_start3A_616] : memref<1000000x32xf32, #tpu.memory_space<hbm>> -> memref<1x32xf32, #tpu.memory_space<hbm>>
      %dma_start3A_618 = arith.constant 0 : i32
      %dma_start3A_619 = tpu.memref_slice %arg8[%dma_start3A_612, %add3A_596, %dma_start3A_618] : memref<2x128x32xf32, #tpu.memory_space<vmem>> -> memref<1x1x32xf32, #tpu.memory_space<vmem>>
      %dma_start3A_620 = tpu.memref_squeeze %dma_start3A_619 : memref<1x1x32xf32, #tpu.memory_space<vmem>> -> memref<1x32xf32, #tpu.memory_space<vmem>>
      %dma_start3A_621 = arith.constant 0 : i32
      %dma_start3A_622 = tpu.memref_slice %arg4[%squeeze3A_611, %dma_start3A_621] : memref<1000000x32xf32, #tpu.memory_space<hbm>> -> memref<1x32xf32, #tpu.memory_space<hbm>>
      tpu.enqueue_dma source(%dma_start3A_622 : memref<1x32xf32, #tpu.memory_space<hbm>>) target(%dma_start3A_620 : memref<1x32xf32, #tpu.memory_space<vmem>>) target_semaphore(%arg11 : memref<!tpu.dma_semaphore, #tpu.memory_space<semaphore_mem>>)
      %mul3A_623 = arith.constant 16 : i32
      %mul3A_624 = arith.muli %scan3A_179, %mul3A_623 : i32
      %add3A_625 = arith.constant 8 : i32
      %add3A_626 = arith.addi %mul3A_624, %add3A_625 : i32
      %add3A_627 = arith.constant 6 : i32
      %add3A_628 = arith.addi %add3A_626, %add3A_627 : i32
      %slice3A_629 = vector.extract_strided_slice %get3A_193 {offsets = [12], sizes = [1], strides = [1]} : vector<16xi32> to vector<1xi32>
      %squeeze3A_630 = vector.extract %slice3A_629[0] : i32 from vector<1xi32>
      %dma_start3A_631 = arith.constant 0 : i32
      %dma_start3A_632 = arith.constant 0 : i32
      %dma_start3A_633 = tpu.memref_slice %arg7[%dma_start3A_631, %add3A_628, %dma_start3A_632] : memref<2x128x32xf32, #tpu.memory_space<vmem>> -> memref<1x1x32xf32, #tpu.memory_space<vmem>>
      %dma_start3A_634 = tpu.memref_squeeze %dma_start3A_633 : memref<1x1x32xf32, #tpu.memory_space<vmem>> -> memref<1x32xf32, #tpu.memory_space<vmem>>
      %dma_start3A_635 = arith.constant 0 : i32
      %dma_start3A_636 = tpu.memref_slice %arg3[%squeeze3A_630, %dma_start3A_635] : memref<1000000x32xf32, #tpu.memory_space<hbm>> -> memref<1x32xf32, #tpu.memory_space<hbm>>
      %dma_start3A_637 = arith.constant 0 : i32
      %dma_start3A_638 = tpu.memref_slice %arg7[%dma_start3A_631, %add3A_628, %dma_start3A_637] : memref<2x128x32xf32, #tpu.memory_space<vmem>> -> memref<1x1x32xf32, #tpu.memory_space<vmem>>
      %dma_start3A_639 = tpu.memref_squeeze %dma_start3A_638 : memref<1x1x32xf32, #tpu.memory_space<vmem>> -> memref<1x32xf32, #tpu.memory_space<vmem>>
      %dma_start3A_640 = arith.constant 0 : i32
      %dma_start3A_641 = tpu.memref_slice %arg3[%squeeze3A_630, %dma_start3A_640] : memref<1000000x32xf32, #tpu.memory_space<hbm>> -> memref<1x32xf32, #tpu.memory_space<hbm>>
      tpu.enqueue_dma source(%dma_start3A_641 : memref<1x32xf32, #tpu.memory_space<hbm>>) target(%dma_start3A_639 : memref<1x32xf32, #tpu.memory_space<vmem>>) target_semaphore(%arg10 : memref<!tpu.dma_semaphore, #tpu.memory_space<semaphore_mem>>)
      %slice3A_642 = vector.extract_strided_slice %get3A_193 {offsets = [13], sizes = [1], strides = [1]} : vector<16xi32> to vector<1xi32>
      %squeeze3A_643 = vector.extract %slice3A_642[0] : i32 from vector<1xi32>
      %dma_start3A_644 = arith.constant 0 : i32
      %dma_start3A_645 = arith.constant 0 : i32
      %dma_start3A_646 = tpu.memref_slice %arg8[%dma_start3A_644, %add3A_628, %dma_start3A_645] : memref<2x128x32xf32, #tpu.memory_space<vmem>> -> memref<1x1x32xf32, #tpu.memory_space<vmem>>
      %dma_start3A_647 = tpu.memref_squeeze %dma_start3A_646 : memref<1x1x32xf32, #tpu.memory_space<vmem>> -> memref<1x32xf32, #tpu.memory_space<vmem>>
      %dma_start3A_648 = arith.constant 0 : i32
      %dma_start3A_649 = tpu.memref_slice %arg4[%squeeze3A_643, %dma_start3A_648] : memref<1000000x32xf32, #tpu.memory_space<hbm>> -> memref<1x32xf32, #tpu.memory_space<hbm>>
      %dma_start3A_650 = arith.constant 0 : i32
      %dma_start3A_651 = tpu.memref_slice %arg8[%dma_start3A_644, %add3A_628, %dma_start3A_650] : memref<2x128x32xf32, #tpu.memory_space<vmem>> -> memref<1x1x32xf32, #tpu.memory_space<vmem>>
      %dma_start3A_652 = tpu.memref_squeeze %dma_start3A_651 : memref<1x1x32xf32, #tpu.memory_space<vmem>> -> memref<1x32xf32, #tpu.memory_space<vmem>>
      %dma_start3A_653 = arith.constant 0 : i32
      %dma_start3A_654 = tpu.memref_slice %arg4[%squeeze3A_643, %dma_start3A_653] : memref<1000000x32xf32, #tpu.memory_space<hbm>> -> memref<1x32xf32, #tpu.memory_space<hbm>>
      tpu.enqueue_dma source(%dma_start3A_654 : memref<1x32xf32, #tpu.memory_space<hbm>>) target(%dma_start3A_652 : memref<1x32xf32, #tpu.memory_space<vmem>>) target_semaphore(%arg11 : memref<!tpu.dma_semaphore, #tpu.memory_space<semaphore_mem>>)
      %mul3A_655 = arith.constant 16 : i32
      %mul3A_656 = arith.muli %scan3A_179, %mul3A_655 : i32
      %add3A_657 = arith.constant 8 : i32
      %add3A_658 = arith.addi %mul3A_656, %add3A_657 : i32
      %add3A_659 = arith.constant 7 : i32
      %add3A_660 = arith.addi %add3A_658, %add3A_659 : i32
      %slice3A_661 = vector.extract_strided_slice %get3A_193 {offsets = [14], sizes = [1], strides = [1]} : vector<16xi32> to vector<1xi32>
      %squeeze3A_662 = vector.extract %slice3A_661[0] : i32 from vector<1xi32>
      %dma_start3A_663 = arith.constant 0 : i32
      %dma_start3A_664 = arith.constant 0 : i32
      %dma_start3A_665 = tpu.memref_slice %arg7[%dma_start3A_663, %add3A_660, %dma_start3A_664] : memref<2x128x32xf32, #tpu.memory_space<vmem>> -> memref<1x1x32xf32, #tpu.memory_space<vmem>>
      %dma_start3A_666 = tpu.memref_squeeze %dma_start3A_665 : memref<1x1x32xf32, #tpu.memory_space<vmem>> -> memref<1x32xf32, #tpu.memory_space<vmem>>
      %dma_start3A_667 = arith.constant 0 : i32
      %dma_start3A_668 = tpu.memref_slice %arg3[%squeeze3A_662, %dma_start3A_667] : memref<1000000x32xf32, #tpu.memory_space<hbm>> -> memref<1x32xf32, #tpu.memory_space<hbm>>
      %dma_start3A_669 = arith.constant 0 : i32
      %dma_start3A_670 = tpu.memref_slice %arg7[%dma_start3A_663, %add3A_660, %dma_start3A_669] : memref<2x128x32xf32, #tpu.memory_space<vmem>> -> memref<1x1x32xf32, #tpu.memory_space<vmem>>
      %dma_start3A_671 = tpu.memref_squeeze %dma_start3A_670 : memref<1x1x32xf32, #tpu.memory_space<vmem>> -> memref<1x32xf32, #tpu.memory_space<vmem>>
      %dma_start3A_672 = arith.constant 0 : i32
      %dma_start3A_673 = tpu.memref_slice %arg3[%squeeze3A_662, %dma_start3A_672] : memref<1000000x32xf32, #tpu.memory_space<hbm>> -> memref<1x32xf32, #tpu.memory_space<hbm>>
      tpu.enqueue_dma source(%dma_start3A_673 : memref<1x32xf32, #tpu.memory_space<hbm>>) target(%dma_start3A_671 : memref<1x32xf32, #tpu.memory_space<vmem>>) target_semaphore(%arg10 : memref<!tpu.dma_semaphore, #tpu.memory_space<semaphore_mem>>)
      %slice3A_674 = vector.extract_strided_slice %get3A_193 {offsets = [15], sizes = [1], strides = [1]} : vector<16xi32> to vector<1xi32>
      %squeeze3A_675 = vector.extract %slice3A_674[0] : i32 from vector<1xi32>
      %dma_start3A_676 = arith.constant 0 : i32
      %dma_start3A_677 = arith.constant 0 : i32
      %dma_start3A_678 = tpu.memref_slice %arg8[%dma_start3A_676, %add3A_660, %dma_start3A_677] : memref<2x128x32xf32, #tpu.memory_space<vmem>> -> memref<1x1x32xf32, #tpu.memory_space<vmem>>
      %dma_start3A_679 = tpu.memref_squeeze %dma_start3A_678 : memref<1x1x32xf32, #tpu.memory_space<vmem>> -> memref<1x32xf32, #tpu.memory_space<vmem>>
      %dma_start3A_680 = arith.constant 0 : i32
      %dma_start3A_681 = tpu.memref_slice %arg4[%squeeze3A_675, %dma_start3A_680] : memref<1000000x32xf32, #tpu.memory_space<hbm>> -> memref<1x32xf32, #tpu.memory_space<hbm>>
      %dma_start3A_682 = arith.constant 0 : i32
      %dma_start3A_683 = tpu.memref_slice %arg8[%dma_start3A_676, %add3A_660, %dma_start3A_682] : memref<2x128x32xf32, #tpu.memory_space<vmem>> -> memref<1x1x32xf32, #tpu.memory_space<vmem>>
      %dma_start3A_684 = tpu.memref_squeeze %dma_start3A_683 : memref<1x1x32xf32, #tpu.memory_space<vmem>> -> memref<1x32xf32, #tpu.memory_space<vmem>>
      %dma_start3A_685 = arith.constant 0 : i32
      %dma_start3A_686 = tpu.memref_slice %arg4[%squeeze3A_675, %dma_start3A_685] : memref<1000000x32xf32, #tpu.memory_space<hbm>> -> memref<1x32xf32, #tpu.memory_space<hbm>>
      tpu.enqueue_dma source(%dma_start3A_686 : memref<1x32xf32, #tpu.memory_space<hbm>>) target(%dma_start3A_684 : memref<1x32xf32, #tpu.memory_space<vmem>>) target_semaphore(%arg11 : memref<!tpu.dma_semaphore, #tpu.memory_space<semaphore_mem>>)
      %scan3A_687 = arith.constant 0 : i32
      scf.yield %scan3A_687 : i32
    }
    %scan3A_90 = arith.constant 8 : i32
    %scan3A_91 = arith.constant 0 : i32
    %scan3A_92 = arith.constant 0 : i32
    %scan3A_93 = arith.constant 8 : i32
    %scan3A_94 = arith.addi %scan3A_92, %scan3A_93 : i32
    %scan3A_95 = arith.constant 1 : i32
    %scan3A_96 = scf.for %scan3A_179 = %scan3A_92 to %scan3A_94 step %scan3A_95 iter_args(%scan3A_180 = %scan3A_91) -> (i32)  : i32 {
      %mul3A_181 = arith.constant 16 : i32
      %mul3A_182 = arith.muli %scan3A_179, %mul3A_181 : i32
      %broadcast_in_dim3A = vector.broadcast %mul3A_182 : i32 to vector<16xi32>
      %add3A_183 = arith.addi %broadcast_in_dim3A, %iota3A : vector<16xi32>
      %broadcast_in_dim3A_184 = arith.constant 0.000000e+00 : f32
      %broadcast_in_dim3A_185 = vector.broadcast %broadcast_in_dim3A_184 : f32 to vector<16xf32>
      %scan3A_186 = arith.constant 0 : i32
      %scan3A_187 = arith.constant 32 : i32
      %scan3A_188 = arith.addi %scan3A_186, %scan3A_187 : i32
      %scan3A_189 = arith.constant 4 : i32
      %scan3A_190 = scf.for %scan3A_205 = %scan3A_186 to %scan3A_188 step %scan3A_189 iter_args(%scan3A_206 = %broadcast_in_dim3A_185) -> (vector<16xf32>)  : i32 {
        %broadcast_in_dim3A_207 = vector.broadcast %scan3A_205 : i32 to vector<16xi32>
        %add3A_208 = arith.addi %broadcast_in_dim3A_207, %iota3A : vector<16xi32>
        %and3A = arith.constant 31 : i32
        %and3A_209 = vector.broadcast %and3A : i32 to vector<16xi32>
        %and3A_210 = arith.andi %add3A_208, %and3A_209 : vector<16xi32>
        %gather3A = arith.constant 1 : i32
        %gather3A_211 = arith.constant 0 : i32
        %gather3A_212 = arith.constant 0 : i32
        %gather3A_213 = tpu.memref_slice %arg7[%gather3A, %gather3A_211, %gather3A_212] : memref<2x128x32xf32, #tpu.memory_space<vmem>> -> memref<1x128x32xf32, #tpu.memory_space<vmem>>
        %gather3A_214 = tpu.memref_squeeze %gather3A_213 : memref<1x128x32xf32, #tpu.memory_space<vmem>> -> memref<128x32xf32, #tpu.memory_space<vmem>>
        %gather3A_215 = tpu.vector_load_idx %gather3A_214[%add3A_183, %and3A_210] : memref<128x32xf32, #tpu.memory_space<vmem>>[vector<16xi32>, vector<16xi32>], vector<16xf32>,
        %gather3A_216 = arith.constant 1 : i32
        %gather3A_217 = arith.constant 0 : i32
        %gather3A_218 = arith.constant 0 : i32
        %gather3A_219 = tpu.memref_slice %arg8[%gather3A_216, %gather3A_217, %gather3A_218] : memref<2x128x32xf32, #tpu.memory_space<vmem>> -> memref<1x128x32xf32, #tpu.memory_space<vmem>>
        %gather3A_220 = tpu.memref_squeeze %gather3A_219 : memref<1x128x32xf32, #tpu.memory_space<vmem>> -> memref<128x32xf32, #tpu.memory_space<vmem>>
        %gather3A_221 = tpu.vector_load_idx %gather3A_220[%add3A_183, %and3A_210] : memref<128x32xf32, #tpu.memory_space<vmem>>[vector<16xi32>, vector<16xi32>], vector<16xf32>,
        %mul3A_222 = arith.mulf %gather3A_215, %gather3A_221 : vector<16xf32>
        %add3A_223 = arith.addf %scan3A_206, %mul3A_222 : vector<16xf32>
        %scan3A_224 = arith.constant 1 : i32
        %scan3A_225 = arith.addi %scan3A_205, %scan3A_224 : i32
        %broadcast_in_dim3A_226 = vector.broadcast %scan3A_225 : i32 to vector<16xi32>
        %add3A_227 = arith.addi %broadcast_in_dim3A_226, %iota3A : vector<16xi32>
        %and3A_228 = arith.constant 31 : i32
        %and3A_229 = vector.broadcast %and3A_228 : i32 to vector<16xi32>
        %and3A_230 = arith.andi %add3A_227, %and3A_229 : vector<16xi32>
        %gather3A_231 = arith.constant 1 : i32
        %gather3A_232 = arith.constant 0 : i32
        %gather3A_233 = arith.constant 0 : i32
        %gather3A_234 = tpu.memref_slice %arg7[%gather3A_231, %gather3A_232, %gather3A_233] : memref<2x128x32xf32, #tpu.memory_space<vmem>> -> memref<1x128x32xf32, #tpu.memory_space<vmem>>
        %gather3A_235 = tpu.memref_squeeze %gather3A_234 : memref<1x128x32xf32, #tpu.memory_space<vmem>> -> memref<128x32xf32, #tpu.memory_space<vmem>>
        %gather3A_236 = tpu.vector_load_idx %gather3A_235[%add3A_183, %and3A_230] : memref<128x32xf32, #tpu.memory_space<vmem>>[vector<16xi32>, vector<16xi32>], vector<16xf32>,
        %gather3A_237 = arith.constant 1 : i32
        %gather3A_238 = arith.constant 0 : i32
        %gather3A_239 = arith.constant 0 : i32
        %gather3A_240 = tpu.memref_slice %arg8[%gather3A_237, %gather3A_238, %gather3A_239] : memref<2x128x32xf32, #tpu.memory_space<vmem>> -> memref<1x128x32xf32, #tpu.memory_space<vmem>>
        %gather3A_241 = tpu.memref_squeeze %gather3A_240 : memref<1x128x32xf32, #tpu.memory_space<vmem>> -> memref<128x32xf32, #tpu.memory_space<vmem>>
        %gather3A_242 = tpu.vector_load_idx %gather3A_241[%add3A_183, %and3A_230] : memref<128x32xf32, #tpu.memory_space<vmem>>[vector<16xi32>, vector<16xi32>], vector<16xf32>,
        %mul3A_243 = arith.mulf %gather3A_236, %gather3A_242 : vector<16xf32>
        %add3A_244 = arith.addf %add3A_223, %mul3A_243 : vector<16xf32>
        %scan3A_245 = arith.constant 2 : i32
        %scan3A_246 = arith.addi %scan3A_205, %scan3A_245 : i32
        %broadcast_in_dim3A_247 = vector.broadcast %scan3A_246 : i32 to vector<16xi32>
        %add3A_248 = arith.addi %broadcast_in_dim3A_247, %iota3A : vector<16xi32>
        %and3A_249 = arith.constant 31 : i32
        %and3A_250 = vector.broadcast %and3A_249 : i32 to vector<16xi32>
        %and3A_251 = arith.andi %add3A_248, %and3A_250 : vector<16xi32>
        %gather3A_252 = arith.constant 1 : i32
        %gather3A_253 = arith.constant 0 : i32
        %gather3A_254 = arith.constant 0 : i32
        %gather3A_255 = tpu.memref_slice %arg7[%gather3A_252, %gather3A_253, %gather3A_254] : memref<2x128x32xf32, #tpu.memory_space<vmem>> -> memref<1x128x32xf32, #tpu.memory_space<vmem>>
        %gather3A_256 = tpu.memref_squeeze %gather3A_255 : memref<1x128x32xf32, #tpu.memory_space<vmem>> -> memref<128x32xf32, #tpu.memory_space<vmem>>
        %gather3A_257 = tpu.vector_load_idx %gather3A_256[%add3A_183, %and3A_251] : memref<128x32xf32, #tpu.memory_space<vmem>>[vector<16xi32>, vector<16xi32>], vector<16xf32>,
        %gather3A_258 = arith.constant 1 : i32
        %gather3A_259 = arith.constant 0 : i32
        %gather3A_260 = arith.constant 0 : i32
        %gather3A_261 = tpu.memref_slice %arg8[%gather3A_258, %gather3A_259, %gather3A_260] : memref<2x128x32xf32, #tpu.memory_space<vmem>> -> memref<1x128x32xf32, #tpu.memory_space<vmem>>
        %gather3A_262 = tpu.memref_squeeze %gather3A_261 : memref<1x128x32xf32, #tpu.memory_space<vmem>> -> memref<128x32xf32, #tpu.memory_space<vmem>>
        %gather3A_263 = tpu.vector_load_idx %gather3A_262[%add3A_183, %and3A_251] : memref<128x32xf32, #tpu.memory_space<vmem>>[vector<16xi32>, vector<16xi32>], vector<16xf32>,
        %mul3A_264 = arith.mulf %gather3A_257, %gather3A_263 : vector<16xf32>
        %add3A_265 = arith.addf %add3A_244, %mul3A_264 : vector<16xf32>
        %scan3A_266 = arith.constant 3 : i32
        %scan3A_267 = arith.addi %scan3A_205, %scan3A_266 : i32
        %broadcast_in_dim3A_268 = vector.broadcast %scan3A_267 : i32 to vector<16xi32>
        %add3A_269 = arith.addi %broadcast_in_dim3A_268, %iota3A : vector<16xi32>
        %and3A_270 = arith.constant 31 : i32
        %and3A_271 = vector.broadcast %and3A_270 : i32 to vector<16xi32>
        %and3A_272 = arith.andi %add3A_269, %and3A_271 : vector<16xi32>
        %gather3A_273 = arith.constant 1 : i32
        %gather3A_274 = arith.constant 0 : i32
        %gather3A_275 = arith.constant 0 : i32
        %gather3A_276 = tpu.memref_slice %arg7[%gather3A_273, %gather3A_274, %gather3A_275] : memref<2x128x32xf32, #tpu.memory_space<vmem>> -> memref<1x128x32xf32, #tpu.memory_space<vmem>>
        %gather3A_277 = tpu.memref_squeeze %gather3A_276 : memref<1x128x32xf32, #tpu.memory_space<vmem>> -> memref<128x32xf32, #tpu.memory_space<vmem>>
        %gather3A_278 = tpu.vector_load_idx %gather3A_277[%add3A_183, %and3A_272] : memref<128x32xf32, #tpu.memory_space<vmem>>[vector<16xi32>, vector<16xi32>], vector<16xf32>,
        %gather3A_279 = arith.constant 1 : i32
        %gather3A_280 = arith.constant 0 : i32
        %gather3A_281 = arith.constant 0 : i32
        %gather3A_282 = tpu.memref_slice %arg8[%gather3A_279, %gather3A_280, %gather3A_281] : memref<2x128x32xf32, #tpu.memory_space<vmem>> -> memref<1x128x32xf32, #tpu.memory_space<vmem>>
        %gather3A_283 = tpu.memref_squeeze %gather3A_282 : memref<1x128x32xf32, #tpu.memory_space<vmem>> -> memref<128x32xf32, #tpu.memory_space<vmem>>
        %gather3A_284 = tpu.vector_load_idx %gather3A_283[%add3A_183, %and3A_272] : memref<128x32xf32, #tpu.memory_space<vmem>>[vector<16xi32>, vector<16xi32>], vector<16xf32>,
        %mul3A_285 = arith.mulf %gather3A_278, %gather3A_284 : vector<16xf32>
        %add3A_286 = arith.addf %add3A_265, %mul3A_285 : vector<16xf32>
        scf.yield %add3A_286 : vector<16xf32>
      }
      %scan3A_191 = arith.constant 32 : i32
      %neg3A = arith.constant 0.000000e+00 : f32
      %neg3A_192 = vector.broadcast %neg3A : f32 to vector<16xf32>
      %neg3A_193 = arith.subf %neg3A_192, %scan3A_190 : vector<16xf32>
      %exp3A = math.exp %neg3A_193 : vector<16xf32>
      %add3A_194 = arith.constant 1.000000e+00 : f32
      %add3A_195 = vector.broadcast %add3A_194 : f32 to vector<16xf32>
      %add3A_196 = arith.addf %add3A_195, %exp3A : vector<16xf32>
      %div3A = arith.constant 1.000000e+00 : f32
      %div3A_197 = vector.broadcast %div3A : f32 to vector<16xf32>
      %div3A_198 = arith.divf %div3A_197, %add3A_196 : vector<16xf32>
      %add3A_199 = arith.constant 8 : i32
      %add3A_200 = arith.addi %add3A_199, %scan3A_179 : i32
      %mul3A_201 = arith.constant 16 : i32
      %mul3A_202 = arith.muli %add3A_200, %mul3A_201 : i32
      %swap3A = arith.index_cast %mul3A_202 : i32 to index
      %swap3A_203 = tpu.vector_load %arg9[%swap3A] {strides = array<i32>} : memref<512xf32, #tpu.memory_space<vmem>>, vector<16xf32>,
      tpu.vector_store %arg9[%swap3A], %div3A_198 {strides = array<i32>} : memref<512xf32, #tpu.memory_space<vmem>>, vector<16xf32>,
      %scan3A_204 = arith.constant 0 : i32
      scf.yield %scan3A_204 : i32
    }
    %scan3A_97 = arith.constant 8 : i32
    %dma_wait3A_98 = arith.constant 0 : i32
    %dma_wait3A_99 = arith.constant 0 : i32
    %dma_wait3A_100 = arith.constant 0 : i32
    %dma_wait3A_101 = tpu.memref_slice %arg7[%dma_wait3A_98, %dma_wait3A_99, %dma_wait3A_100] : memref<2x128x32xf32, #tpu.memory_space<vmem>> -> memref<1x128x32xf32, #tpu.memory_space<vmem>>
    %dma_wait3A_102 = tpu.memref_squeeze %dma_wait3A_101 : memref<1x128x32xf32, #tpu.memory_space<vmem>> -> memref<128x32xf32, #tpu.memory_space<vmem>>
    %dma_wait3A_103 = arith.constant 0 : i32
    %dma_wait3A_104 = arith.constant 0 : i32
    %dma_wait3A_105 = tpu.memref_slice %arg3[%dma_wait3A_103, %dma_wait3A_104] : memref<1000000x32xf32, #tpu.memory_space<hbm>> -> memref<128x32xf32, #tpu.memory_space<hbm>>
    %dma_wait3A_106 = arith.constant 0 : i32
    %dma_wait3A_107 = arith.constant 0 : i32
    %dma_wait3A_108 = tpu.memref_slice %arg7[%dma_wait3A_98, %dma_wait3A_106, %dma_wait3A_107] : memref<2x128x32xf32, #tpu.memory_space<vmem>> -> memref<1x128x32xf32, #tpu.memory_space<vmem>>
    %dma_wait3A_109 = tpu.memref_squeeze %dma_wait3A_108 : memref<1x128x32xf32, #tpu.memory_space<vmem>> -> memref<128x32xf32, #tpu.memory_space<vmem>>
    %dma_wait3A_110 = arith.constant 0 : i32
    %dma_wait3A_111 = arith.constant 0 : i32
    %dma_wait3A_112 = tpu.memref_slice %arg3[%dma_wait3A_110, %dma_wait3A_111] : memref<1000000x32xf32, #tpu.memory_space<hbm>> -> memref<128x32xf32, #tpu.memory_space<hbm>>
    tpu.wait_dma2 semaphore(%arg10 : memref<!tpu.dma_semaphore, #tpu.memory_space<semaphore_mem>>) src(%dma_wait3A_112 : memref<128x32xf32, #tpu.memory_space<hbm>>) dst(%dma_wait3A_109 : memref<128x32xf32, #tpu.memory_space<vmem>>)
    %dma_wait3A_113 = arith.constant 0 : i32
    %dma_wait3A_114 = arith.constant 0 : i32
    %dma_wait3A_115 = arith.constant 0 : i32
    %dma_wait3A_116 = tpu.memref_slice %arg8[%dma_wait3A_113, %dma_wait3A_114, %dma_wait3A_115] : memref<2x128x32xf32, #tpu.memory_space<vmem>> -> memref<1x128x32xf32, #tpu.memory_space<vmem>>
    %dma_wait3A_117 = tpu.memref_squeeze %dma_wait3A_116 : memref<1x128x32xf32, #tpu.memory_space<vmem>> -> memref<128x32xf32, #tpu.memory_space<vmem>>
    %dma_wait3A_118 = arith.constant 0 : i32
    %dma_wait3A_119 = arith.constant 0 : i32
    %dma_wait3A_120 = tpu.memref_slice %arg4[%dma_wait3A_118, %dma_wait3A_119] : memref<1000000x32xf32, #tpu.memory_space<hbm>> -> memref<128x32xf32, #tpu.memory_space<hbm>>
    %dma_wait3A_121 = arith.constant 0 : i32
    %dma_wait3A_122 = arith.constant 0 : i32
    %dma_wait3A_123 = tpu.memref_slice %arg8[%dma_wait3A_113, %dma_wait3A_121, %dma_wait3A_122] : memref<2x128x32xf32, #tpu.memory_space<vmem>> -> memref<1x128x32xf32, #tpu.memory_space<vmem>>
    %dma_wait3A_124 = tpu.memref_squeeze %dma_wait3A_123 : memref<1x128x32xf32, #tpu.memory_space<vmem>> -> memref<128x32xf32, #tpu.memory_space<vmem>>
    %dma_wait3A_125 = arith.constant 0 : i32
    %dma_wait3A_126 = arith.constant 0 : i32
    %dma_wait3A_127 = tpu.memref_slice %arg4[%dma_wait3A_125, %dma_wait3A_126] : memref<1000000x32xf32, #tpu.memory_space<hbm>> -> memref<128x32xf32, #tpu.memory_space<hbm>>
    tpu.wait_dma2 semaphore(%arg11 : memref<!tpu.dma_semaphore, #tpu.memory_space<semaphore_mem>>) src(%dma_wait3A_127 : memref<128x32xf32, #tpu.memory_space<hbm>>) dst(%dma_wait3A_124 : memref<128x32xf32, #tpu.memory_space<vmem>>)
    %scan3A_128 = arith.constant 0 : i32
    %scan3A_129 = arith.constant 0 : i32
    %scan3A_130 = arith.constant 8 : i32
    %scan3A_131 = arith.addi %scan3A_129, %scan3A_130 : i32
    %scan3A_132 = arith.constant 1 : i32
    %scan3A_133 = scf.for %scan3A_179 = %scan3A_129 to %scan3A_131 step %scan3A_132 iter_args(%scan3A_180 = %scan3A_128) -> (i32)  : i32 {
      %mul3A_181 = arith.constant 16 : i32
      %mul3A_182 = arith.muli %scan3A_179, %mul3A_181 : i32
      %add3A_183 = arith.constant 384 : i32
      %add3A_184 = arith.addi %add3A_183, %mul3A_182 : i32
      %mul3A_185 = arith.constant 2 : i32
      %mul3A_186 = arith.muli %mul3A_185, %add3A_184 : i32
      %get3A = arith.index_cast %mul3A_186 : i32 to index
      %get3A_187 = tpu.vector_load %arg6[%get3A] {strides = array<i32>} : memref<1024xi32, #tpu.memory_space<vmem>>, vector<16xi32>,
      %mul3A_188 = arith.constant 2 : i32
      %mul3A_189 = arith.muli %mul3A_188, %add3A_184 : i32
      %add3A_190 = arith.constant 16 : i32
      %add3A_191 = arith.addi %mul3A_189, %add3A_190 : i32
      %get3A_192 = arith.index_cast %add3A_191 : i32 to index
      %get3A_193 = tpu.vector_load %arg6[%get3A_192] {strides = array<i32>} : memref<1024xi32, #tpu.memory_space<vmem>>, vector<16xi32>,
      %mul3A_194 = arith.constant 16 : i32
      %mul3A_195 = arith.muli %scan3A_179, %mul3A_194 : i32
      %add3A_196 = arith.constant 0 : i32
      %add3A_197 = arith.addi %mul3A_195, %add3A_196 : i32
      %slice3A = vector.extract_strided_slice %get3A_187 {offsets = [0], sizes = [1], strides = [1]} : vector<16xi32> to vector<1xi32>
      %squeeze3A = vector.extract %slice3A[0] : i32 from vector<1xi32>
      %dma_start3A = arith.constant 1 : i32
      %dma_start3A_198 = arith.constant 0 : i32
      %dma_start3A_199 = tpu.memref_slice %arg7[%dma_start3A, %add3A_197, %dma_start3A_198] : memref<2x128x32xf32, #tpu.memory_space<vmem>> -> memref<1x1x32xf32, #tpu.memory_space<vmem>>
      %dma_start3A_200 = tpu.memref_squeeze %dma_start3A_199 : memref<1x1x32xf32, #tpu.memory_space<vmem>> -> memref<1x32xf32, #tpu.memory_space<vmem>>
      %dma_start3A_201 = arith.constant 0 : i32
      %dma_start3A_202 = tpu.memref_slice %arg3[%squeeze3A, %dma_start3A_201] : memref<1000000x32xf32, #tpu.memory_space<hbm>> -> memref<1x32xf32, #tpu.memory_space<hbm>>
      %dma_start3A_203 = arith.constant 0 : i32
      %dma_start3A_204 = tpu.memref_slice %arg7[%dma_start3A, %add3A_197, %dma_start3A_203] : memref<2x128x32xf32, #tpu.memory_space<vmem>> -> memref<1x1x32xf32, #tpu.memory_space<vmem>>
      %dma_start3A_205 = tpu.memref_squeeze %dma_start3A_204 : memref<1x1x32xf32, #tpu.memory_space<vmem>> -> memref<1x32xf32, #tpu.memory_space<vmem>>
      %dma_start3A_206 = arith.constant 0 : i32
      %dma_start3A_207 = tpu.memref_slice %arg3[%squeeze3A, %dma_start3A_206] : memref<1000000x32xf32, #tpu.memory_space<hbm>> -> memref<1x32xf32, #tpu.memory_space<hbm>>
      tpu.enqueue_dma source(%dma_start3A_207 : memref<1x32xf32, #tpu.memory_space<hbm>>) target(%dma_start3A_205 : memref<1x32xf32, #tpu.memory_space<vmem>>) target_semaphore(%arg10 : memref<!tpu.dma_semaphore, #tpu.memory_space<semaphore_mem>>)
      %slice3A_208 = vector.extract_strided_slice %get3A_187 {offsets = [1], sizes = [1], strides = [1]} : vector<16xi32> to vector<1xi32>
      %squeeze3A_209 = vector.extract %slice3A_208[0] : i32 from vector<1xi32>
      %dma_start3A_210 = arith.constant 1 : i32
      %dma_start3A_211 = arith.constant 0 : i32
      %dma_start3A_212 = tpu.memref_slice %arg8[%dma_start3A_210, %add3A_197, %dma_start3A_211] : memref<2x128x32xf32, #tpu.memory_space<vmem>> -> memref<1x1x32xf32, #tpu.memory_space<vmem>>
      %dma_start3A_213 = tpu.memref_squeeze %dma_start3A_212 : memref<1x1x32xf32, #tpu.memory_space<vmem>> -> memref<1x32xf32, #tpu.memory_space<vmem>>
      %dma_start3A_214 = arith.constant 0 : i32
      %dma_start3A_215 = tpu.memref_slice %arg4[%squeeze3A_209, %dma_start3A_214] : memref<1000000x32xf32, #tpu.memory_space<hbm>> -> memref<1x32xf32, #tpu.memory_space<hbm>>
      %dma_start3A_216 = arith.constant 0 : i32
      %dma_start3A_217 = tpu.memref_slice %arg8[%dma_start3A_210, %add3A_197, %dma_start3A_216] : memref<2x128x32xf32, #tpu.memory_space<vmem>> -> memref<1x1x32xf32, #tpu.memory_space<vmem>>
      %dma_start3A_218 = tpu.memref_squeeze %dma_start3A_217 : memref<1x1x32xf32, #tpu.memory_space<vmem>> -> memref<1x32xf32, #tpu.memory_space<vmem>>
      %dma_start3A_219 = arith.constant 0 : i32
      %dma_start3A_220 = tpu.memref_slice %arg4[%squeeze3A_209, %dma_start3A_219] : memref<1000000x32xf32, #tpu.memory_space<hbm>> -> memref<1x32xf32, #tpu.memory_space<hbm>>
      tpu.enqueue_dma source(%dma_start3A_220 : memref<1x32xf32, #tpu.memory_space<hbm>>) target(%dma_start3A_218 : memref<1x32xf32, #tpu.memory_space<vmem>>) target_semaphore(%arg11 : memref<!tpu.dma_semaphore, #tpu.memory_space<semaphore_mem>>)
      %mul3A_221 = arith.constant 16 : i32
      %mul3A_222 = arith.muli %scan3A_179, %mul3A_221 : i32
      %add3A_223 = arith.constant 1 : i32
      %add3A_224 = arith.addi %mul3A_222, %add3A_223 : i32
      %slice3A_225 = vector.extract_strided_slice %get3A_187 {offsets = [2], sizes = [1], strides = [1]} : vector<16xi32> to vector<1xi32>
      %squeeze3A_226 = vector.extract %slice3A_225[0] : i32 from vector<1xi32>
      %dma_start3A_227 = arith.constant 1 : i32
      %dma_start3A_228 = arith.constant 0 : i32
      %dma_start3A_229 = tpu.memref_slice %arg7[%dma_start3A_227, %add3A_224, %dma_start3A_228] : memref<2x128x32xf32, #tpu.memory_space<vmem>> -> memref<1x1x32xf32, #tpu.memory_space<vmem>>
      %dma_start3A_230 = tpu.memref_squeeze %dma_start3A_229 : memref<1x1x32xf32, #tpu.memory_space<vmem>> -> memref<1x32xf32, #tpu.memory_space<vmem>>
      %dma_start3A_231 = arith.constant 0 : i32
      %dma_start3A_232 = tpu.memref_slice %arg3[%squeeze3A_226, %dma_start3A_231] : memref<1000000x32xf32, #tpu.memory_space<hbm>> -> memref<1x32xf32, #tpu.memory_space<hbm>>
      %dma_start3A_233 = arith.constant 0 : i32
      %dma_start3A_234 = tpu.memref_slice %arg7[%dma_start3A_227, %add3A_224, %dma_start3A_233] : memref<2x128x32xf32, #tpu.memory_space<vmem>> -> memref<1x1x32xf32, #tpu.memory_space<vmem>>
      %dma_start3A_235 = tpu.memref_squeeze %dma_start3A_234 : memref<1x1x32xf32, #tpu.memory_space<vmem>> -> memref<1x32xf32, #tpu.memory_space<vmem>>
      %dma_start3A_236 = arith.constant 0 : i32
      %dma_start3A_237 = tpu.memref_slice %arg3[%squeeze3A_226, %dma_start3A_236] : memref<1000000x32xf32, #tpu.memory_space<hbm>> -> memref<1x32xf32, #tpu.memory_space<hbm>>
      tpu.enqueue_dma source(%dma_start3A_237 : memref<1x32xf32, #tpu.memory_space<hbm>>) target(%dma_start3A_235 : memref<1x32xf32, #tpu.memory_space<vmem>>) target_semaphore(%arg10 : memref<!tpu.dma_semaphore, #tpu.memory_space<semaphore_mem>>)
      %slice3A_238 = vector.extract_strided_slice %get3A_187 {offsets = [3], sizes = [1], strides = [1]} : vector<16xi32> to vector<1xi32>
      %squeeze3A_239 = vector.extract %slice3A_238[0] : i32 from vector<1xi32>
      %dma_start3A_240 = arith.constant 1 : i32
      %dma_start3A_241 = arith.constant 0 : i32
      %dma_start3A_242 = tpu.memref_slice %arg8[%dma_start3A_240, %add3A_224, %dma_start3A_241] : memref<2x128x32xf32, #tpu.memory_space<vmem>> -> memref<1x1x32xf32, #tpu.memory_space<vmem>>
      %dma_start3A_243 = tpu.memref_squeeze %dma_start3A_242 : memref<1x1x32xf32, #tpu.memory_space<vmem>> -> memref<1x32xf32, #tpu.memory_space<vmem>>
      %dma_start3A_244 = arith.constant 0 : i32
      %dma_start3A_245 = tpu.memref_slice %arg4[%squeeze3A_239, %dma_start3A_244] : memref<1000000x32xf32, #tpu.memory_space<hbm>> -> memref<1x32xf32, #tpu.memory_space<hbm>>
      %dma_start3A_246 = arith.constant 0 : i32
      %dma_start3A_247 = tpu.memref_slice %arg8[%dma_start3A_240, %add3A_224, %dma_start3A_246] : memref<2x128x32xf32, #tpu.memory_space<vmem>> -> memref<1x1x32xf32, #tpu.memory_space<vmem>>
      %dma_start3A_248 = tpu.memref_squeeze %dma_start3A_247 : memref<1x1x32xf32, #tpu.memory_space<vmem>> -> memref<1x32xf32, #tpu.memory_space<vmem>>
      %dma_start3A_249 = arith.constant 0 : i32
      %dma_start3A_250 = tpu.memref_slice %arg4[%squeeze3A_239, %dma_start3A_249] : memref<1000000x32xf32, #tpu.memory_space<hbm>> -> memref<1x32xf32, #tpu.memory_space<hbm>>
      tpu.enqueue_dma source(%dma_start3A_250 : memref<1x32xf32, #tpu.memory_space<hbm>>) target(%dma_start3A_248 : memref<1x32xf32, #tpu.memory_space<vmem>>) target_semaphore(%arg11 : memref<!tpu.dma_semaphore, #tpu.memory_space<semaphore_mem>>)
      %mul3A_251 = arith.constant 16 : i32
      %mul3A_252 = arith.muli %scan3A_179, %mul3A_251 : i32
      %add3A_253 = arith.constant 2 : i32
      %add3A_254 = arith.addi %mul3A_252, %add3A_253 : i32
      %slice3A_255 = vector.extract_strided_slice %get3A_187 {offsets = [4], sizes = [1], strides = [1]} : vector<16xi32> to vector<1xi32>
      %squeeze3A_256 = vector.extract %slice3A_255[0] : i32 from vector<1xi32>
      %dma_start3A_257 = arith.constant 1 : i32
      %dma_start3A_258 = arith.constant 0 : i32
      %dma_start3A_259 = tpu.memref_slice %arg7[%dma_start3A_257, %add3A_254, %dma_start3A_258] : memref<2x128x32xf32, #tpu.memory_space<vmem>> -> memref<1x1x32xf32, #tpu.memory_space<vmem>>
      %dma_start3A_260 = tpu.memref_squeeze %dma_start3A_259 : memref<1x1x32xf32, #tpu.memory_space<vmem>> -> memref<1x32xf32, #tpu.memory_space<vmem>>
      %dma_start3A_261 = arith.constant 0 : i32
      %dma_start3A_262 = tpu.memref_slice %arg3[%squeeze3A_256, %dma_start3A_261] : memref<1000000x32xf32, #tpu.memory_space<hbm>> -> memref<1x32xf32, #tpu.memory_space<hbm>>
      %dma_start3A_263 = arith.constant 0 : i32
      %dma_start3A_264 = tpu.memref_slice %arg7[%dma_start3A_257, %add3A_254, %dma_start3A_263] : memref<2x128x32xf32, #tpu.memory_space<vmem>> -> memref<1x1x32xf32, #tpu.memory_space<vmem>>
      %dma_start3A_265 = tpu.memref_squeeze %dma_start3A_264 : memref<1x1x32xf32, #tpu.memory_space<vmem>> -> memref<1x32xf32, #tpu.memory_space<vmem>>
      %dma_start3A_266 = arith.constant 0 : i32
      %dma_start3A_267 = tpu.memref_slice %arg3[%squeeze3A_256, %dma_start3A_266] : memref<1000000x32xf32, #tpu.memory_space<hbm>> -> memref<1x32xf32, #tpu.memory_space<hbm>>
      tpu.enqueue_dma source(%dma_start3A_267 : memref<1x32xf32, #tpu.memory_space<hbm>>) target(%dma_start3A_265 : memref<1x32xf32, #tpu.memory_space<vmem>>) target_semaphore(%arg10 : memref<!tpu.dma_semaphore, #tpu.memory_space<semaphore_mem>>)
      %slice3A_268 = vector.extract_strided_slice %get3A_187 {offsets = [5], sizes = [1], strides = [1]} : vector<16xi32> to vector<1xi32>
      %squeeze3A_269 = vector.extract %slice3A_268[0] : i32 from vector<1xi32>
      %dma_start3A_270 = arith.constant 1 : i32
      %dma_start3A_271 = arith.constant 0 : i32
      %dma_start3A_272 = tpu.memref_slice %arg8[%dma_start3A_270, %add3A_254, %dma_start3A_271] : memref<2x128x32xf32, #tpu.memory_space<vmem>> -> memref<1x1x32xf32, #tpu.memory_space<vmem>>
      %dma_start3A_273 = tpu.memref_squeeze %dma_start3A_272 : memref<1x1x32xf32, #tpu.memory_space<vmem>> -> memref<1x32xf32, #tpu.memory_space<vmem>>
      %dma_start3A_274 = arith.constant 0 : i32
      %dma_start3A_275 = tpu.memref_slice %arg4[%squeeze3A_269, %dma_start3A_274] : memref<1000000x32xf32, #tpu.memory_space<hbm>> -> memref<1x32xf32, #tpu.memory_space<hbm>>
      %dma_start3A_276 = arith.constant 0 : i32
      %dma_start3A_277 = tpu.memref_slice %arg8[%dma_start3A_270, %add3A_254, %dma_start3A_276] : memref<2x128x32xf32, #tpu.memory_space<vmem>> -> memref<1x1x32xf32, #tpu.memory_space<vmem>>
      %dma_start3A_278 = tpu.memref_squeeze %dma_start3A_277 : memref<1x1x32xf32, #tpu.memory_space<vmem>> -> memref<1x32xf32, #tpu.memory_space<vmem>>
      %dma_start3A_279 = arith.constant 0 : i32
      %dma_start3A_280 = tpu.memref_slice %arg4[%squeeze3A_269, %dma_start3A_279] : memref<1000000x32xf32, #tpu.memory_space<hbm>> -> memref<1x32xf32, #tpu.memory_space<hbm>>
      tpu.enqueue_dma source(%dma_start3A_280 : memref<1x32xf32, #tpu.memory_space<hbm>>) target(%dma_start3A_278 : memref<1x32xf32, #tpu.memory_space<vmem>>) target_semaphore(%arg11 : memref<!tpu.dma_semaphore, #tpu.memory_space<semaphore_mem>>)
      %mul3A_281 = arith.constant 16 : i32
      %mul3A_282 = arith.muli %scan3A_179, %mul3A_281 : i32
      %add3A_283 = arith.constant 3 : i32
      %add3A_284 = arith.addi %mul3A_282, %add3A_283 : i32
      %slice3A_285 = vector.extract_strided_slice %get3A_187 {offsets = [6], sizes = [1], strides = [1]} : vector<16xi32> to vector<1xi32>
      %squeeze3A_286 = vector.extract %slice3A_285[0] : i32 from vector<1xi32>
      %dma_start3A_287 = arith.constant 1 : i32
      %dma_start3A_288 = arith.constant 0 : i32
      %dma_start3A_289 = tpu.memref_slice %arg7[%dma_start3A_287, %add3A_284, %dma_start3A_288] : memref<2x128x32xf32, #tpu.memory_space<vmem>> -> memref<1x1x32xf32, #tpu.memory_space<vmem>>
      %dma_start3A_290 = tpu.memref_squeeze %dma_start3A_289 : memref<1x1x32xf32, #tpu.memory_space<vmem>> -> memref<1x32xf32, #tpu.memory_space<vmem>>
      %dma_start3A_291 = arith.constant 0 : i32
      %dma_start3A_292 = tpu.memref_slice %arg3[%squeeze3A_286, %dma_start3A_291] : memref<1000000x32xf32, #tpu.memory_space<hbm>> -> memref<1x32xf32, #tpu.memory_space<hbm>>
      %dma_start3A_293 = arith.constant 0 : i32
      %dma_start3A_294 = tpu.memref_slice %arg7[%dma_start3A_287, %add3A_284, %dma_start3A_293] : memref<2x128x32xf32, #tpu.memory_space<vmem>> -> memref<1x1x32xf32, #tpu.memory_space<vmem>>
      %dma_start3A_295 = tpu.memref_squeeze %dma_start3A_294 : memref<1x1x32xf32, #tpu.memory_space<vmem>> -> memref<1x32xf32, #tpu.memory_space<vmem>>
      %dma_start3A_296 = arith.constant 0 : i32
      %dma_start3A_297 = tpu.memref_slice %arg3[%squeeze3A_286, %dma_start3A_296] : memref<1000000x32xf32, #tpu.memory_space<hbm>> -> memref<1x32xf32, #tpu.memory_space<hbm>>
      tpu.enqueue_dma source(%dma_start3A_297 : memref<1x32xf32, #tpu.memory_space<hbm>>) target(%dma_start3A_295 : memref<1x32xf32, #tpu.memory_space<vmem>>) target_semaphore(%arg10 : memref<!tpu.dma_semaphore, #tpu.memory_space<semaphore_mem>>)
      %slice3A_298 = vector.extract_strided_slice %get3A_187 {offsets = [7], sizes = [1], strides = [1]} : vector<16xi32> to vector<1xi32>
      %squeeze3A_299 = vector.extract %slice3A_298[0] : i32 from vector<1xi32>
      %dma_start3A_300 = arith.constant 1 : i32
      %dma_start3A_301 = arith.constant 0 : i32
      %dma_start3A_302 = tpu.memref_slice %arg8[%dma_start3A_300, %add3A_284, %dma_start3A_301] : memref<2x128x32xf32, #tpu.memory_space<vmem>> -> memref<1x1x32xf32, #tpu.memory_space<vmem>>
      %dma_start3A_303 = tpu.memref_squeeze %dma_start3A_302 : memref<1x1x32xf32, #tpu.memory_space<vmem>> -> memref<1x32xf32, #tpu.memory_space<vmem>>
      %dma_start3A_304 = arith.constant 0 : i32
      %dma_start3A_305 = tpu.memref_slice %arg4[%squeeze3A_299, %dma_start3A_304] : memref<1000000x32xf32, #tpu.memory_space<hbm>> -> memref<1x32xf32, #tpu.memory_space<hbm>>
      %dma_start3A_306 = arith.constant 0 : i32
      %dma_start3A_307 = tpu.memref_slice %arg8[%dma_start3A_300, %add3A_284, %dma_start3A_306] : memref<2x128x32xf32, #tpu.memory_space<vmem>> -> memref<1x1x32xf32, #tpu.memory_space<vmem>>
      %dma_start3A_308 = tpu.memref_squeeze %dma_start3A_307 : memref<1x1x32xf32, #tpu.memory_space<vmem>> -> memref<1x32xf32, #tpu.memory_space<vmem>>
      %dma_start3A_309 = arith.constant 0 : i32
      %dma_start3A_310 = tpu.memref_slice %arg4[%squeeze3A_299, %dma_start3A_309] : memref<1000000x32xf32, #tpu.memory_space<hbm>> -> memref<1x32xf32, #tpu.memory_space<hbm>>
      tpu.enqueue_dma source(%dma_start3A_310 : memref<1x32xf32, #tpu.memory_space<hbm>>) target(%dma_start3A_308 : memref<1x32xf32, #tpu.memory_space<vmem>>) target_semaphore(%arg11 : memref<!tpu.dma_semaphore, #tpu.memory_space<semaphore_mem>>)
      %mul3A_311 = arith.constant 16 : i32
      %mul3A_312 = arith.muli %scan3A_179, %mul3A_311 : i32
      %add3A_313 = arith.constant 4 : i32
      %add3A_314 = arith.addi %mul3A_312, %add3A_313 : i32
      %slice3A_315 = vector.extract_strided_slice %get3A_187 {offsets = [8], sizes = [1], strides = [1]} : vector<16xi32> to vector<1xi32>
      %squeeze3A_316 = vector.extract %slice3A_315[0] : i32 from vector<1xi32>
      %dma_start3A_317 = arith.constant 1 : i32
      %dma_start3A_318 = arith.constant 0 : i32
      %dma_start3A_319 = tpu.memref_slice %arg7[%dma_start3A_317, %add3A_314, %dma_start3A_318] : memref<2x128x32xf32, #tpu.memory_space<vmem>> -> memref<1x1x32xf32, #tpu.memory_space<vmem>>
      %dma_start3A_320 = tpu.memref_squeeze %dma_start3A_319 : memref<1x1x32xf32, #tpu.memory_space<vmem>> -> memref<1x32xf32, #tpu.memory_space<vmem>>
      %dma_start3A_321 = arith.constant 0 : i32
      %dma_start3A_322 = tpu.memref_slice %arg3[%squeeze3A_316, %dma_start3A_321] : memref<1000000x32xf32, #tpu.memory_space<hbm>> -> memref<1x32xf32, #tpu.memory_space<hbm>>
      %dma_start3A_323 = arith.constant 0 : i32
      %dma_start3A_324 = tpu.memref_slice %arg7[%dma_start3A_317, %add3A_314, %dma_start3A_323] : memref<2x128x32xf32, #tpu.memory_space<vmem>> -> memref<1x1x32xf32, #tpu.memory_space<vmem>>
      %dma_start3A_325 = tpu.memref_squeeze %dma_start3A_324 : memref<1x1x32xf32, #tpu.memory_space<vmem>> -> memref<1x32xf32, #tpu.memory_space<vmem>>
      %dma_start3A_326 = arith.constant 0 : i32
      %dma_start3A_327 = tpu.memref_slice %arg3[%squeeze3A_316, %dma_start3A_326] : memref<1000000x32xf32, #tpu.memory_space<hbm>> -> memref<1x32xf32, #tpu.memory_space<hbm>>
      tpu.enqueue_dma source(%dma_start3A_327 : memref<1x32xf32, #tpu.memory_space<hbm>>) target(%dma_start3A_325 : memref<1x32xf32, #tpu.memory_space<vmem>>) target_semaphore(%arg10 : memref<!tpu.dma_semaphore, #tpu.memory_space<semaphore_mem>>)
      %slice3A_328 = vector.extract_strided_slice %get3A_187 {offsets = [9], sizes = [1], strides = [1]} : vector<16xi32> to vector<1xi32>
      %squeeze3A_329 = vector.extract %slice3A_328[0] : i32 from vector<1xi32>
      %dma_start3A_330 = arith.constant 1 : i32
      %dma_start3A_331 = arith.constant 0 : i32
      %dma_start3A_332 = tpu.memref_slice %arg8[%dma_start3A_330, %add3A_314, %dma_start3A_331] : memref<2x128x32xf32, #tpu.memory_space<vmem>> -> memref<1x1x32xf32, #tpu.memory_space<vmem>>
      %dma_start3A_333 = tpu.memref_squeeze %dma_start3A_332 : memref<1x1x32xf32, #tpu.memory_space<vmem>> -> memref<1x32xf32, #tpu.memory_space<vmem>>
      %dma_start3A_334 = arith.constant 0 : i32
      %dma_start3A_335 = tpu.memref_slice %arg4[%squeeze3A_329, %dma_start3A_334] : memref<1000000x32xf32, #tpu.memory_space<hbm>> -> memref<1x32xf32, #tpu.memory_space<hbm>>
      %dma_start3A_336 = arith.constant 0 : i32
      %dma_start3A_337 = tpu.memref_slice %arg8[%dma_start3A_330, %add3A_314, %dma_start3A_336] : memref<2x128x32xf32, #tpu.memory_space<vmem>> -> memref<1x1x32xf32, #tpu.memory_space<vmem>>
      %dma_start3A_338 = tpu.memref_squeeze %dma_start3A_337 : memref<1x1x32xf32, #tpu.memory_space<vmem>> -> memref<1x32xf32, #tpu.memory_space<vmem>>
      %dma_start3A_339 = arith.constant 0 : i32
      %dma_start3A_340 = tpu.memref_slice %arg4[%squeeze3A_329, %dma_start3A_339] : memref<1000000x32xf32, #tpu.memory_space<hbm>> -> memref<1x32xf32, #tpu.memory_space<hbm>>
      tpu.enqueue_dma source(%dma_start3A_340 : memref<1x32xf32, #tpu.memory_space<hbm>>) target(%dma_start3A_338 : memref<1x32xf32, #tpu.memory_space<vmem>>) target_semaphore(%arg11 : memref<!tpu.dma_semaphore, #tpu.memory_space<semaphore_mem>>)
      %mul3A_341 = arith.constant 16 : i32
      %mul3A_342 = arith.muli %scan3A_179, %mul3A_341 : i32
      %add3A_343 = arith.constant 5 : i32
      %add3A_344 = arith.addi %mul3A_342, %add3A_343 : i32
      %slice3A_345 = vector.extract_strided_slice %get3A_187 {offsets = [10], sizes = [1], strides = [1]} : vector<16xi32> to vector<1xi32>
      %squeeze3A_346 = vector.extract %slice3A_345[0] : i32 from vector<1xi32>
      %dma_start3A_347 = arith.constant 1 : i32
      %dma_start3A_348 = arith.constant 0 : i32
      %dma_start3A_349 = tpu.memref_slice %arg7[%dma_start3A_347, %add3A_344, %dma_start3A_348] : memref<2x128x32xf32, #tpu.memory_space<vmem>> -> memref<1x1x32xf32, #tpu.memory_space<vmem>>
      %dma_start3A_350 = tpu.memref_squeeze %dma_start3A_349 : memref<1x1x32xf32, #tpu.memory_space<vmem>> -> memref<1x32xf32, #tpu.memory_space<vmem>>
      %dma_start3A_351 = arith.constant 0 : i32
      %dma_start3A_352 = tpu.memref_slice %arg3[%squeeze3A_346, %dma_start3A_351] : memref<1000000x32xf32, #tpu.memory_space<hbm>> -> memref<1x32xf32, #tpu.memory_space<hbm>>
      %dma_start3A_353 = arith.constant 0 : i32
      %dma_start3A_354 = tpu.memref_slice %arg7[%dma_start3A_347, %add3A_344, %dma_start3A_353] : memref<2x128x32xf32, #tpu.memory_space<vmem>> -> memref<1x1x32xf32, #tpu.memory_space<vmem>>
      %dma_start3A_355 = tpu.memref_squeeze %dma_start3A_354 : memref<1x1x32xf32, #tpu.memory_space<vmem>> -> memref<1x32xf32, #tpu.memory_space<vmem>>
      %dma_start3A_356 = arith.constant 0 : i32
      %dma_start3A_357 = tpu.memref_slice %arg3[%squeeze3A_346, %dma_start3A_356] : memref<1000000x32xf32, #tpu.memory_space<hbm>> -> memref<1x32xf32, #tpu.memory_space<hbm>>
      tpu.enqueue_dma source(%dma_start3A_357 : memref<1x32xf32, #tpu.memory_space<hbm>>) target(%dma_start3A_355 : memref<1x32xf32, #tpu.memory_space<vmem>>) target_semaphore(%arg10 : memref<!tpu.dma_semaphore, #tpu.memory_space<semaphore_mem>>)
      %slice3A_358 = vector.extract_strided_slice %get3A_187 {offsets = [11], sizes = [1], strides = [1]} : vector<16xi32> to vector<1xi32>
      %squeeze3A_359 = vector.extract %slice3A_358[0] : i32 from vector<1xi32>
      %dma_start3A_360 = arith.constant 1 : i32
      %dma_start3A_361 = arith.constant 0 : i32
      %dma_start3A_362 = tpu.memref_slice %arg8[%dma_start3A_360, %add3A_344, %dma_start3A_361] : memref<2x128x32xf32, #tpu.memory_space<vmem>> -> memref<1x1x32xf32, #tpu.memory_space<vmem>>
      %dma_start3A_363 = tpu.memref_squeeze %dma_start3A_362 : memref<1x1x32xf32, #tpu.memory_space<vmem>> -> memref<1x32xf32, #tpu.memory_space<vmem>>
      %dma_start3A_364 = arith.constant 0 : i32
      %dma_start3A_365 = tpu.memref_slice %arg4[%squeeze3A_359, %dma_start3A_364] : memref<1000000x32xf32, #tpu.memory_space<hbm>> -> memref<1x32xf32, #tpu.memory_space<hbm>>
      %dma_start3A_366 = arith.constant 0 : i32
      %dma_start3A_367 = tpu.memref_slice %arg8[%dma_start3A_360, %add3A_344, %dma_start3A_366] : memref<2x128x32xf32, #tpu.memory_space<vmem>> -> memref<1x1x32xf32, #tpu.memory_space<vmem>>
      %dma_start3A_368 = tpu.memref_squeeze %dma_start3A_367 : memref<1x1x32xf32, #tpu.memory_space<vmem>> -> memref<1x32xf32, #tpu.memory_space<vmem>>
      %dma_start3A_369 = arith.constant 0 : i32
      %dma_start3A_370 = tpu.memref_slice %arg4[%squeeze3A_359, %dma_start3A_369] : memref<1000000x32xf32, #tpu.memory_space<hbm>> -> memref<1x32xf32, #tpu.memory_space<hbm>>
      tpu.enqueue_dma source(%dma_start3A_370 : memref<1x32xf32, #tpu.memory_space<hbm>>) target(%dma_start3A_368 : memref<1x32xf32, #tpu.memory_space<vmem>>) target_semaphore(%arg11 : memref<!tpu.dma_semaphore, #tpu.memory_space<semaphore_mem>>)
      %mul3A_371 = arith.constant 16 : i32
      %mul3A_372 = arith.muli %scan3A_179, %mul3A_371 : i32
      %add3A_373 = arith.constant 6 : i32
      %add3A_374 = arith.addi %mul3A_372, %add3A_373 : i32
      %slice3A_375 = vector.extract_strided_slice %get3A_187 {offsets = [12], sizes = [1], strides = [1]} : vector<16xi32> to vector<1xi32>
      %squeeze3A_376 = vector.extract %slice3A_375[0] : i32 from vector<1xi32>
      %dma_start3A_377 = arith.constant 1 : i32
      %dma_start3A_378 = arith.constant 0 : i32
      %dma_start3A_379 = tpu.memref_slice %arg7[%dma_start3A_377, %add3A_374, %dma_start3A_378] : memref<2x128x32xf32, #tpu.memory_space<vmem>> -> memref<1x1x32xf32, #tpu.memory_space<vmem>>
      %dma_start3A_380 = tpu.memref_squeeze %dma_start3A_379 : memref<1x1x32xf32, #tpu.memory_space<vmem>> -> memref<1x32xf32, #tpu.memory_space<vmem>>
      %dma_start3A_381 = arith.constant 0 : i32
      %dma_start3A_382 = tpu.memref_slice %arg3[%squeeze3A_376, %dma_start3A_381] : memref<1000000x32xf32, #tpu.memory_space<hbm>> -> memref<1x32xf32, #tpu.memory_space<hbm>>
      %dma_start3A_383 = arith.constant 0 : i32
      %dma_start3A_384 = tpu.memref_slice %arg7[%dma_start3A_377, %add3A_374, %dma_start3A_383] : memref<2x128x32xf32, #tpu.memory_space<vmem>> -> memref<1x1x32xf32, #tpu.memory_space<vmem>>
      %dma_start3A_385 = tpu.memref_squeeze %dma_start3A_384 : memref<1x1x32xf32, #tpu.memory_space<vmem>> -> memref<1x32xf32, #tpu.memory_space<vmem>>
      %dma_start3A_386 = arith.constant 0 : i32
      %dma_start3A_387 = tpu.memref_slice %arg3[%squeeze3A_376, %dma_start3A_386] : memref<1000000x32xf32, #tpu.memory_space<hbm>> -> memref<1x32xf32, #tpu.memory_space<hbm>>
      tpu.enqueue_dma source(%dma_start3A_387 : memref<1x32xf32, #tpu.memory_space<hbm>>) target(%dma_start3A_385 : memref<1x32xf32, #tpu.memory_space<vmem>>) target_semaphore(%arg10 : memref<!tpu.dma_semaphore, #tpu.memory_space<semaphore_mem>>)
      %slice3A_388 = vector.extract_strided_slice %get3A_187 {offsets = [13], sizes = [1], strides = [1]} : vector<16xi32> to vector<1xi32>
      %squeeze3A_389 = vector.extract %slice3A_388[0] : i32 from vector<1xi32>
      %dma_start3A_390 = arith.constant 1 : i32
      %dma_start3A_391 = arith.constant 0 : i32
      %dma_start3A_392 = tpu.memref_slice %arg8[%dma_start3A_390, %add3A_374, %dma_start3A_391] : memref<2x128x32xf32, #tpu.memory_space<vmem>> -> memref<1x1x32xf32, #tpu.memory_space<vmem>>
      %dma_start3A_393 = tpu.memref_squeeze %dma_start3A_392 : memref<1x1x32xf32, #tpu.memory_space<vmem>> -> memref<1x32xf32, #tpu.memory_space<vmem>>
      %dma_start3A_394 = arith.constant 0 : i32
      %dma_start3A_395 = tpu.memref_slice %arg4[%squeeze3A_389, %dma_start3A_394] : memref<1000000x32xf32, #tpu.memory_space<hbm>> -> memref<1x32xf32, #tpu.memory_space<hbm>>
      %dma_start3A_396 = arith.constant 0 : i32
      %dma_start3A_397 = tpu.memref_slice %arg8[%dma_start3A_390, %add3A_374, %dma_start3A_396] : memref<2x128x32xf32, #tpu.memory_space<vmem>> -> memref<1x1x32xf32, #tpu.memory_space<vmem>>
      %dma_start3A_398 = tpu.memref_squeeze %dma_start3A_397 : memref<1x1x32xf32, #tpu.memory_space<vmem>> -> memref<1x32xf32, #tpu.memory_space<vmem>>
      %dma_start3A_399 = arith.constant 0 : i32
      %dma_start3A_400 = tpu.memref_slice %arg4[%squeeze3A_389, %dma_start3A_399] : memref<1000000x32xf32, #tpu.memory_space<hbm>> -> memref<1x32xf32, #tpu.memory_space<hbm>>
      tpu.enqueue_dma source(%dma_start3A_400 : memref<1x32xf32, #tpu.memory_space<hbm>>) target(%dma_start3A_398 : memref<1x32xf32, #tpu.memory_space<vmem>>) target_semaphore(%arg11 : memref<!tpu.dma_semaphore, #tpu.memory_space<semaphore_mem>>)
      %mul3A_401 = arith.constant 16 : i32
      %mul3A_402 = arith.muli %scan3A_179, %mul3A_401 : i32
      %add3A_403 = arith.constant 7 : i32
      %add3A_404 = arith.addi %mul3A_402, %add3A_403 : i32
      %slice3A_405 = vector.extract_strided_slice %get3A_187 {offsets = [14], sizes = [1], strides = [1]} : vector<16xi32> to vector<1xi32>
      %squeeze3A_406 = vector.extract %slice3A_405[0] : i32 from vector<1xi32>
      %dma_start3A_407 = arith.constant 1 : i32
      %dma_start3A_408 = arith.constant 0 : i32
      %dma_start3A_409 = tpu.memref_slice %arg7[%dma_start3A_407, %add3A_404, %dma_start3A_408] : memref<2x128x32xf32, #tpu.memory_space<vmem>> -> memref<1x1x32xf32, #tpu.memory_space<vmem>>
      %dma_start3A_410 = tpu.memref_squeeze %dma_start3A_409 : memref<1x1x32xf32, #tpu.memory_space<vmem>> -> memref<1x32xf32, #tpu.memory_space<vmem>>
      %dma_start3A_411 = arith.constant 0 : i32
      %dma_start3A_412 = tpu.memref_slice %arg3[%squeeze3A_406, %dma_start3A_411] : memref<1000000x32xf32, #tpu.memory_space<hbm>> -> memref<1x32xf32, #tpu.memory_space<hbm>>
      %dma_start3A_413 = arith.constant 0 : i32
      %dma_start3A_414 = tpu.memref_slice %arg7[%dma_start3A_407, %add3A_404, %dma_start3A_413] : memref<2x128x32xf32, #tpu.memory_space<vmem>> -> memref<1x1x32xf32, #tpu.memory_space<vmem>>
      %dma_start3A_415 = tpu.memref_squeeze %dma_start3A_414 : memref<1x1x32xf32, #tpu.memory_space<vmem>> -> memref<1x32xf32, #tpu.memory_space<vmem>>
      %dma_start3A_416 = arith.constant 0 : i32
      %dma_start3A_417 = tpu.memref_slice %arg3[%squeeze3A_406, %dma_start3A_416] : memref<1000000x32xf32, #tpu.memory_space<hbm>> -> memref<1x32xf32, #tpu.memory_space<hbm>>
      tpu.enqueue_dma source(%dma_start3A_417 : memref<1x32xf32, #tpu.memory_space<hbm>>) target(%dma_start3A_415 : memref<1x32xf32, #tpu.memory_space<vmem>>) target_semaphore(%arg10 : memref<!tpu.dma_semaphore, #tpu.memory_space<semaphore_mem>>)
      %slice3A_418 = vector.extract_strided_slice %get3A_187 {offsets = [15], sizes = [1], strides = [1]} : vector<16xi32> to vector<1xi32>
      %squeeze3A_419 = vector.extract %slice3A_418[0] : i32 from vector<1xi32>
      %dma_start3A_420 = arith.constant 1 : i32
      %dma_start3A_421 = arith.constant 0 : i32
      %dma_start3A_422 = tpu.memref_slice %arg8[%dma_start3A_420, %add3A_404, %dma_start3A_421] : memref<2x128x32xf32, #tpu.memory_space<vmem>> -> memref<1x1x32xf32, #tpu.memory_space<vmem>>
      %dma_start3A_423 = tpu.memref_squeeze %dma_start3A_422 : memref<1x1x32xf32, #tpu.memory_space<vmem>> -> memref<1x32xf32, #tpu.memory_space<vmem>>
      %dma_start3A_424 = arith.constant 0 : i32
      %dma_start3A_425 = tpu.memref_slice %arg4[%squeeze3A_419, %dma_start3A_424] : memref<1000000x32xf32, #tpu.memory_space<hbm>> -> memref<1x32xf32, #tpu.memory_space<hbm>>
      %dma_start3A_426 = arith.constant 0 : i32
      %dma_start3A_427 = tpu.memref_slice %arg8[%dma_start3A_420, %add3A_404, %dma_start3A_426] : memref<2x128x32xf32, #tpu.memory_space<vmem>> -> memref<1x1x32xf32, #tpu.memory_space<vmem>>
      %dma_start3A_428 = tpu.memref_squeeze %dma_start3A_427 : memref<1x1x32xf32, #tpu.memory_space<vmem>> -> memref<1x32xf32, #tpu.memory_space<vmem>>
      %dma_start3A_429 = arith.constant 0 : i32
      %dma_start3A_430 = tpu.memref_slice %arg4[%squeeze3A_419, %dma_start3A_429] : memref<1000000x32xf32, #tpu.memory_space<hbm>> -> memref<1x32xf32, #tpu.memory_space<hbm>>
      tpu.enqueue_dma source(%dma_start3A_430 : memref<1x32xf32, #tpu.memory_space<hbm>>) target(%dma_start3A_428 : memref<1x32xf32, #tpu.memory_space<vmem>>) target_semaphore(%arg11 : memref<!tpu.dma_semaphore, #tpu.memory_space<semaphore_mem>>)
      %mul3A_431 = arith.constant 16 : i32
      %mul3A_432 = arith.muli %scan3A_179, %mul3A_431 : i32
      %add3A_433 = arith.constant 8 : i32
      %add3A_434 = arith.addi %mul3A_432, %add3A_433 : i32
      %add3A_435 = arith.constant 0 : i32
      %add3A_436 = arith.addi %add3A_434, %add3A_435 : i32
      %slice3A_437 = vector.extract_strided_slice %get3A_193 {offsets = [0], sizes = [1], strides = [1]} : vector<16xi32> to vector<1xi32>
      %squeeze3A_438 = vector.extract %slice3A_437[0] : i32 from vector<1xi32>
      %dma_start3A_439 = arith.constant 1 : i32
      %dma_start3A_440 = arith.constant 0 : i32
      %dma_start3A_441 = tpu.memref_slice %arg7[%dma_start3A_439, %add3A_436, %dma_start3A_440] : memref<2x128x32xf32, #tpu.memory_space<vmem>> -> memref<1x1x32xf32, #tpu.memory_space<vmem>>
      %dma_start3A_442 = tpu.memref_squeeze %dma_start3A_441 : memref<1x1x32xf32, #tpu.memory_space<vmem>> -> memref<1x32xf32, #tpu.memory_space<vmem>>
      %dma_start3A_443 = arith.constant 0 : i32
      %dma_start3A_444 = tpu.memref_slice %arg3[%squeeze3A_438, %dma_start3A_443] : memref<1000000x32xf32, #tpu.memory_space<hbm>> -> memref<1x32xf32, #tpu.memory_space<hbm>>
      %dma_start3A_445 = arith.constant 0 : i32
      %dma_start3A_446 = tpu.memref_slice %arg7[%dma_start3A_439, %add3A_436, %dma_start3A_445] : memref<2x128x32xf32, #tpu.memory_space<vmem>> -> memref<1x1x32xf32, #tpu.memory_space<vmem>>
      %dma_start3A_447 = tpu.memref_squeeze %dma_start3A_446 : memref<1x1x32xf32, #tpu.memory_space<vmem>> -> memref<1x32xf32, #tpu.memory_space<vmem>>
      %dma_start3A_448 = arith.constant 0 : i32
      %dma_start3A_449 = tpu.memref_slice %arg3[%squeeze3A_438, %dma_start3A_448] : memref<1000000x32xf32, #tpu.memory_space<hbm>> -> memref<1x32xf32, #tpu.memory_space<hbm>>
      tpu.enqueue_dma source(%dma_start3A_449 : memref<1x32xf32, #tpu.memory_space<hbm>>) target(%dma_start3A_447 : memref<1x32xf32, #tpu.memory_space<vmem>>) target_semaphore(%arg10 : memref<!tpu.dma_semaphore, #tpu.memory_space<semaphore_mem>>)
      %slice3A_450 = vector.extract_strided_slice %get3A_193 {offsets = [1], sizes = [1], strides = [1]} : vector<16xi32> to vector<1xi32>
      %squeeze3A_451 = vector.extract %slice3A_450[0] : i32 from vector<1xi32>
      %dma_start3A_452 = arith.constant 1 : i32
      %dma_start3A_453 = arith.constant 0 : i32
      %dma_start3A_454 = tpu.memref_slice %arg8[%dma_start3A_452, %add3A_436, %dma_start3A_453] : memref<2x128x32xf32, #tpu.memory_space<vmem>> -> memref<1x1x32xf32, #tpu.memory_space<vmem>>
      %dma_start3A_455 = tpu.memref_squeeze %dma_start3A_454 : memref<1x1x32xf32, #tpu.memory_space<vmem>> -> memref<1x32xf32, #tpu.memory_space<vmem>>
      %dma_start3A_456 = arith.constant 0 : i32
      %dma_start3A_457 = tpu.memref_slice %arg4[%squeeze3A_451, %dma_start3A_456] : memref<1000000x32xf32, #tpu.memory_space<hbm>> -> memref<1x32xf32, #tpu.memory_space<hbm>>
      %dma_start3A_458 = arith.constant 0 : i32
      %dma_start3A_459 = tpu.memref_slice %arg8[%dma_start3A_452, %add3A_436, %dma_start3A_458] : memref<2x128x32xf32, #tpu.memory_space<vmem>> -> memref<1x1x32xf32, #tpu.memory_space<vmem>>
      %dma_start3A_460 = tpu.memref_squeeze %dma_start3A_459 : memref<1x1x32xf32, #tpu.memory_space<vmem>> -> memref<1x32xf32, #tpu.memory_space<vmem>>
      %dma_start3A_461 = arith.constant 0 : i32
      %dma_start3A_462 = tpu.memref_slice %arg4[%squeeze3A_451, %dma_start3A_461] : memref<1000000x32xf32, #tpu.memory_space<hbm>> -> memref<1x32xf32, #tpu.memory_space<hbm>>
      tpu.enqueue_dma source(%dma_start3A_462 : memref<1x32xf32, #tpu.memory_space<hbm>>) target(%dma_start3A_460 : memref<1x32xf32, #tpu.memory_space<vmem>>) target_semaphore(%arg11 : memref<!tpu.dma_semaphore, #tpu.memory_space<semaphore_mem>>)
      %mul3A_463 = arith.constant 16 : i32
      %mul3A_464 = arith.muli %scan3A_179, %mul3A_463 : i32
      %add3A_465 = arith.constant 8 : i32
      %add3A_466 = arith.addi %mul3A_464, %add3A_465 : i32
      %add3A_467 = arith.constant 1 : i32
      %add3A_468 = arith.addi %add3A_466, %add3A_467 : i32
      %slice3A_469 = vector.extract_strided_slice %get3A_193 {offsets = [2], sizes = [1], strides = [1]} : vector<16xi32> to vector<1xi32>
      %squeeze3A_470 = vector.extract %slice3A_469[0] : i32 from vector<1xi32>
      %dma_start3A_471 = arith.constant 1 : i32
      %dma_start3A_472 = arith.constant 0 : i32
      %dma_start3A_473 = tpu.memref_slice %arg7[%dma_start3A_471, %add3A_468, %dma_start3A_472] : memref<2x128x32xf32, #tpu.memory_space<vmem>> -> memref<1x1x32xf32, #tpu.memory_space<vmem>>
      %dma_start3A_474 = tpu.memref_squeeze %dma_start3A_473 : memref<1x1x32xf32, #tpu.memory_space<vmem>> -> memref<1x32xf32, #tpu.memory_space<vmem>>
      %dma_start3A_475 = arith.constant 0 : i32
      %dma_start3A_476 = tpu.memref_slice %arg3[%squeeze3A_470, %dma_start3A_475] : memref<1000000x32xf32, #tpu.memory_space<hbm>> -> memref<1x32xf32, #tpu.memory_space<hbm>>
      %dma_start3A_477 = arith.constant 0 : i32
      %dma_start3A_478 = tpu.memref_slice %arg7[%dma_start3A_471, %add3A_468, %dma_start3A_477] : memref<2x128x32xf32, #tpu.memory_space<vmem>> -> memref<1x1x32xf32, #tpu.memory_space<vmem>>
      %dma_start3A_479 = tpu.memref_squeeze %dma_start3A_478 : memref<1x1x32xf32, #tpu.memory_space<vmem>> -> memref<1x32xf32, #tpu.memory_space<vmem>>
      %dma_start3A_480 = arith.constant 0 : i32
      %dma_start3A_481 = tpu.memref_slice %arg3[%squeeze3A_470, %dma_start3A_480] : memref<1000000x32xf32, #tpu.memory_space<hbm>> -> memref<1x32xf32, #tpu.memory_space<hbm>>
      tpu.enqueue_dma source(%dma_start3A_481 : memref<1x32xf32, #tpu.memory_space<hbm>>) target(%dma_start3A_479 : memref<1x32xf32, #tpu.memory_space<vmem>>) target_semaphore(%arg10 : memref<!tpu.dma_semaphore, #tpu.memory_space<semaphore_mem>>)
      %slice3A_482 = vector.extract_strided_slice %get3A_193 {offsets = [3], sizes = [1], strides = [1]} : vector<16xi32> to vector<1xi32>
      %squeeze3A_483 = vector.extract %slice3A_482[0] : i32 from vector<1xi32>
      %dma_start3A_484 = arith.constant 1 : i32
      %dma_start3A_485 = arith.constant 0 : i32
      %dma_start3A_486 = tpu.memref_slice %arg8[%dma_start3A_484, %add3A_468, %dma_start3A_485] : memref<2x128x32xf32, #tpu.memory_space<vmem>> -> memref<1x1x32xf32, #tpu.memory_space<vmem>>
      %dma_start3A_487 = tpu.memref_squeeze %dma_start3A_486 : memref<1x1x32xf32, #tpu.memory_space<vmem>> -> memref<1x32xf32, #tpu.memory_space<vmem>>
      %dma_start3A_488 = arith.constant 0 : i32
      %dma_start3A_489 = tpu.memref_slice %arg4[%squeeze3A_483, %dma_start3A_488] : memref<1000000x32xf32, #tpu.memory_space<hbm>> -> memref<1x32xf32, #tpu.memory_space<hbm>>
      %dma_start3A_490 = arith.constant 0 : i32
      %dma_start3A_491 = tpu.memref_slice %arg8[%dma_start3A_484, %add3A_468, %dma_start3A_490] : memref<2x128x32xf32, #tpu.memory_space<vmem>> -> memref<1x1x32xf32, #tpu.memory_space<vmem>>
      %dma_start3A_492 = tpu.memref_squeeze %dma_start3A_491 : memref<1x1x32xf32, #tpu.memory_space<vmem>> -> memref<1x32xf32, #tpu.memory_space<vmem>>
      %dma_start3A_493 = arith.constant 0 : i32
      %dma_start3A_494 = tpu.memref_slice %arg4[%squeeze3A_483, %dma_start3A_493] : memref<1000000x32xf32, #tpu.memory_space<hbm>> -> memref<1x32xf32, #tpu.memory_space<hbm>>
      tpu.enqueue_dma source(%dma_start3A_494 : memref<1x32xf32, #tpu.memory_space<hbm>>) target(%dma_start3A_492 : memref<1x32xf32, #tpu.memory_space<vmem>>) target_semaphore(%arg11 : memref<!tpu.dma_semaphore, #tpu.memory_space<semaphore_mem>>)
      %mul3A_495 = arith.constant 16 : i32
      %mul3A_496 = arith.muli %scan3A_179, %mul3A_495 : i32
      %add3A_497 = arith.constant 8 : i32
      %add3A_498 = arith.addi %mul3A_496, %add3A_497 : i32
      %add3A_499 = arith.constant 2 : i32
      %add3A_500 = arith.addi %add3A_498, %add3A_499 : i32
      %slice3A_501 = vector.extract_strided_slice %get3A_193 {offsets = [4], sizes = [1], strides = [1]} : vector<16xi32> to vector<1xi32>
      %squeeze3A_502 = vector.extract %slice3A_501[0] : i32 from vector<1xi32>
      %dma_start3A_503 = arith.constant 1 : i32
      %dma_start3A_504 = arith.constant 0 : i32
      %dma_start3A_505 = tpu.memref_slice %arg7[%dma_start3A_503, %add3A_500, %dma_start3A_504] : memref<2x128x32xf32, #tpu.memory_space<vmem>> -> memref<1x1x32xf32, #tpu.memory_space<vmem>>
      %dma_start3A_506 = tpu.memref_squeeze %dma_start3A_505 : memref<1x1x32xf32, #tpu.memory_space<vmem>> -> memref<1x32xf32, #tpu.memory_space<vmem>>
      %dma_start3A_507 = arith.constant 0 : i32
      %dma_start3A_508 = tpu.memref_slice %arg3[%squeeze3A_502, %dma_start3A_507] : memref<1000000x32xf32, #tpu.memory_space<hbm>> -> memref<1x32xf32, #tpu.memory_space<hbm>>
      %dma_start3A_509 = arith.constant 0 : i32
      %dma_start3A_510 = tpu.memref_slice %arg7[%dma_start3A_503, %add3A_500, %dma_start3A_509] : memref<2x128x32xf32, #tpu.memory_space<vmem>> -> memref<1x1x32xf32, #tpu.memory_space<vmem>>
      %dma_start3A_511 = tpu.memref_squeeze %dma_start3A_510 : memref<1x1x32xf32, #tpu.memory_space<vmem>> -> memref<1x32xf32, #tpu.memory_space<vmem>>
      %dma_start3A_512 = arith.constant 0 : i32
      %dma_start3A_513 = tpu.memref_slice %arg3[%squeeze3A_502, %dma_start3A_512] : memref<1000000x32xf32, #tpu.memory_space<hbm>> -> memref<1x32xf32, #tpu.memory_space<hbm>>
      tpu.enqueue_dma source(%dma_start3A_513 : memref<1x32xf32, #tpu.memory_space<hbm>>) target(%dma_start3A_511 : memref<1x32xf32, #tpu.memory_space<vmem>>) target_semaphore(%arg10 : memref<!tpu.dma_semaphore, #tpu.memory_space<semaphore_mem>>)
      %slice3A_514 = vector.extract_strided_slice %get3A_193 {offsets = [5], sizes = [1], strides = [1]} : vector<16xi32> to vector<1xi32>
      %squeeze3A_515 = vector.extract %slice3A_514[0] : i32 from vector<1xi32>
      %dma_start3A_516 = arith.constant 1 : i32
      %dma_start3A_517 = arith.constant 0 : i32
      %dma_start3A_518 = tpu.memref_slice %arg8[%dma_start3A_516, %add3A_500, %dma_start3A_517] : memref<2x128x32xf32, #tpu.memory_space<vmem>> -> memref<1x1x32xf32, #tpu.memory_space<vmem>>
      %dma_start3A_519 = tpu.memref_squeeze %dma_start3A_518 : memref<1x1x32xf32, #tpu.memory_space<vmem>> -> memref<1x32xf32, #tpu.memory_space<vmem>>
      %dma_start3A_520 = arith.constant 0 : i32
      %dma_start3A_521 = tpu.memref_slice %arg4[%squeeze3A_515, %dma_start3A_520] : memref<1000000x32xf32, #tpu.memory_space<hbm>> -> memref<1x32xf32, #tpu.memory_space<hbm>>
      %dma_start3A_522 = arith.constant 0 : i32
      %dma_start3A_523 = tpu.memref_slice %arg8[%dma_start3A_516, %add3A_500, %dma_start3A_522] : memref<2x128x32xf32, #tpu.memory_space<vmem>> -> memref<1x1x32xf32, #tpu.memory_space<vmem>>
      %dma_start3A_524 = tpu.memref_squeeze %dma_start3A_523 : memref<1x1x32xf32, #tpu.memory_space<vmem>> -> memref<1x32xf32, #tpu.memory_space<vmem>>
      %dma_start3A_525 = arith.constant 0 : i32
      %dma_start3A_526 = tpu.memref_slice %arg4[%squeeze3A_515, %dma_start3A_525] : memref<1000000x32xf32, #tpu.memory_space<hbm>> -> memref<1x32xf32, #tpu.memory_space<hbm>>
      tpu.enqueue_dma source(%dma_start3A_526 : memref<1x32xf32, #tpu.memory_space<hbm>>) target(%dma_start3A_524 : memref<1x32xf32, #tpu.memory_space<vmem>>) target_semaphore(%arg11 : memref<!tpu.dma_semaphore, #tpu.memory_space<semaphore_mem>>)
      %mul3A_527 = arith.constant 16 : i32
      %mul3A_528 = arith.muli %scan3A_179, %mul3A_527 : i32
      %add3A_529 = arith.constant 8 : i32
      %add3A_530 = arith.addi %mul3A_528, %add3A_529 : i32
      %add3A_531 = arith.constant 3 : i32
      %add3A_532 = arith.addi %add3A_530, %add3A_531 : i32
      %slice3A_533 = vector.extract_strided_slice %get3A_193 {offsets = [6], sizes = [1], strides = [1]} : vector<16xi32> to vector<1xi32>
      %squeeze3A_534 = vector.extract %slice3A_533[0] : i32 from vector<1xi32>
      %dma_start3A_535 = arith.constant 1 : i32
      %dma_start3A_536 = arith.constant 0 : i32
      %dma_start3A_537 = tpu.memref_slice %arg7[%dma_start3A_535, %add3A_532, %dma_start3A_536] : memref<2x128x32xf32, #tpu.memory_space<vmem>> -> memref<1x1x32xf32, #tpu.memory_space<vmem>>
      %dma_start3A_538 = tpu.memref_squeeze %dma_start3A_537 : memref<1x1x32xf32, #tpu.memory_space<vmem>> -> memref<1x32xf32, #tpu.memory_space<vmem>>
      %dma_start3A_539 = arith.constant 0 : i32
      %dma_start3A_540 = tpu.memref_slice %arg3[%squeeze3A_534, %dma_start3A_539] : memref<1000000x32xf32, #tpu.memory_space<hbm>> -> memref<1x32xf32, #tpu.memory_space<hbm>>
      %dma_start3A_541 = arith.constant 0 : i32
      %dma_start3A_542 = tpu.memref_slice %arg7[%dma_start3A_535, %add3A_532, %dma_start3A_541] : memref<2x128x32xf32, #tpu.memory_space<vmem>> -> memref<1x1x32xf32, #tpu.memory_space<vmem>>
      %dma_start3A_543 = tpu.memref_squeeze %dma_start3A_542 : memref<1x1x32xf32, #tpu.memory_space<vmem>> -> memref<1x32xf32, #tpu.memory_space<vmem>>
      %dma_start3A_544 = arith.constant 0 : i32
      %dma_start3A_545 = tpu.memref_slice %arg3[%squeeze3A_534, %dma_start3A_544] : memref<1000000x32xf32, #tpu.memory_space<hbm>> -> memref<1x32xf32, #tpu.memory_space<hbm>>
      tpu.enqueue_dma source(%dma_start3A_545 : memref<1x32xf32, #tpu.memory_space<hbm>>) target(%dma_start3A_543 : memref<1x32xf32, #tpu.memory_space<vmem>>) target_semaphore(%arg10 : memref<!tpu.dma_semaphore, #tpu.memory_space<semaphore_mem>>)
      %slice3A_546 = vector.extract_strided_slice %get3A_193 {offsets = [7], sizes = [1], strides = [1]} : vector<16xi32> to vector<1xi32>
      %squeeze3A_547 = vector.extract %slice3A_546[0] : i32 from vector<1xi32>
      %dma_start3A_548 = arith.constant 1 : i32
      %dma_start3A_549 = arith.constant 0 : i32
      %dma_start3A_550 = tpu.memref_slice %arg8[%dma_start3A_548, %add3A_532, %dma_start3A_549] : memref<2x128x32xf32, #tpu.memory_space<vmem>> -> memref<1x1x32xf32, #tpu.memory_space<vmem>>
      %dma_start3A_551 = tpu.memref_squeeze %dma_start3A_550 : memref<1x1x32xf32, #tpu.memory_space<vmem>> -> memref<1x32xf32, #tpu.memory_space<vmem>>
      %dma_start3A_552 = arith.constant 0 : i32
      %dma_start3A_553 = tpu.memref_slice %arg4[%squeeze3A_547, %dma_start3A_552] : memref<1000000x32xf32, #tpu.memory_space<hbm>> -> memref<1x32xf32, #tpu.memory_space<hbm>>
      %dma_start3A_554 = arith.constant 0 : i32
      %dma_start3A_555 = tpu.memref_slice %arg8[%dma_start3A_548, %add3A_532, %dma_start3A_554] : memref<2x128x32xf32, #tpu.memory_space<vmem>> -> memref<1x1x32xf32, #tpu.memory_space<vmem>>
      %dma_start3A_556 = tpu.memref_squeeze %dma_start3A_555 : memref<1x1x32xf32, #tpu.memory_space<vmem>> -> memref<1x32xf32, #tpu.memory_space<vmem>>
      %dma_start3A_557 = arith.constant 0 : i32
      %dma_start3A_558 = tpu.memref_slice %arg4[%squeeze3A_547, %dma_start3A_557] : memref<1000000x32xf32, #tpu.memory_space<hbm>> -> memref<1x32xf32, #tpu.memory_space<hbm>>
      tpu.enqueue_dma source(%dma_start3A_558 : memref<1x32xf32, #tpu.memory_space<hbm>>) target(%dma_start3A_556 : memref<1x32xf32, #tpu.memory_space<vmem>>) target_semaphore(%arg11 : memref<!tpu.dma_semaphore, #tpu.memory_space<semaphore_mem>>)
      %mul3A_559 = arith.constant 16 : i32
      %mul3A_560 = arith.muli %scan3A_179, %mul3A_559 : i32
      %add3A_561 = arith.constant 8 : i32
      %add3A_562 = arith.addi %mul3A_560, %add3A_561 : i32
      %add3A_563 = arith.constant 4 : i32
      %add3A_564 = arith.addi %add3A_562, %add3A_563 : i32
      %slice3A_565 = vector.extract_strided_slice %get3A_193 {offsets = [8], sizes = [1], strides = [1]} : vector<16xi32> to vector<1xi32>
      %squeeze3A_566 = vector.extract %slice3A_565[0] : i32 from vector<1xi32>
      %dma_start3A_567 = arith.constant 1 : i32
      %dma_start3A_568 = arith.constant 0 : i32
      %dma_start3A_569 = tpu.memref_slice %arg7[%dma_start3A_567, %add3A_564, %dma_start3A_568] : memref<2x128x32xf32, #tpu.memory_space<vmem>> -> memref<1x1x32xf32, #tpu.memory_space<vmem>>
      %dma_start3A_570 = tpu.memref_squeeze %dma_start3A_569 : memref<1x1x32xf32, #tpu.memory_space<vmem>> -> memref<1x32xf32, #tpu.memory_space<vmem>>
      %dma_start3A_571 = arith.constant 0 : i32
      %dma_start3A_572 = tpu.memref_slice %arg3[%squeeze3A_566, %dma_start3A_571] : memref<1000000x32xf32, #tpu.memory_space<hbm>> -> memref<1x32xf32, #tpu.memory_space<hbm>>
      %dma_start3A_573 = arith.constant 0 : i32
      %dma_start3A_574 = tpu.memref_slice %arg7[%dma_start3A_567, %add3A_564, %dma_start3A_573] : memref<2x128x32xf32, #tpu.memory_space<vmem>> -> memref<1x1x32xf32, #tpu.memory_space<vmem>>
      %dma_start3A_575 = tpu.memref_squeeze %dma_start3A_574 : memref<1x1x32xf32, #tpu.memory_space<vmem>> -> memref<1x32xf32, #tpu.memory_space<vmem>>
      %dma_start3A_576 = arith.constant 0 : i32
      %dma_start3A_577 = tpu.memref_slice %arg3[%squeeze3A_566, %dma_start3A_576] : memref<1000000x32xf32, #tpu.memory_space<hbm>> -> memref<1x32xf32, #tpu.memory_space<hbm>>
      tpu.enqueue_dma source(%dma_start3A_577 : memref<1x32xf32, #tpu.memory_space<hbm>>) target(%dma_start3A_575 : memref<1x32xf32, #tpu.memory_space<vmem>>) target_semaphore(%arg10 : memref<!tpu.dma_semaphore, #tpu.memory_space<semaphore_mem>>)
      %slice3A_578 = vector.extract_strided_slice %get3A_193 {offsets = [9], sizes = [1], strides = [1]} : vector<16xi32> to vector<1xi32>
      %squeeze3A_579 = vector.extract %slice3A_578[0] : i32 from vector<1xi32>
      %dma_start3A_580 = arith.constant 1 : i32
      %dma_start3A_581 = arith.constant 0 : i32
      %dma_start3A_582 = tpu.memref_slice %arg8[%dma_start3A_580, %add3A_564, %dma_start3A_581] : memref<2x128x32xf32, #tpu.memory_space<vmem>> -> memref<1x1x32xf32, #tpu.memory_space<vmem>>
      %dma_start3A_583 = tpu.memref_squeeze %dma_start3A_582 : memref<1x1x32xf32, #tpu.memory_space<vmem>> -> memref<1x32xf32, #tpu.memory_space<vmem>>
      %dma_start3A_584 = arith.constant 0 : i32
      %dma_start3A_585 = tpu.memref_slice %arg4[%squeeze3A_579, %dma_start3A_584] : memref<1000000x32xf32, #tpu.memory_space<hbm>> -> memref<1x32xf32, #tpu.memory_space<hbm>>
      %dma_start3A_586 = arith.constant 0 : i32
      %dma_start3A_587 = tpu.memref_slice %arg8[%dma_start3A_580, %add3A_564, %dma_start3A_586] : memref<2x128x32xf32, #tpu.memory_space<vmem>> -> memref<1x1x32xf32, #tpu.memory_space<vmem>>
      %dma_start3A_588 = tpu.memref_squeeze %dma_start3A_587 : memref<1x1x32xf32, #tpu.memory_space<vmem>> -> memref<1x32xf32, #tpu.memory_space<vmem>>
      %dma_start3A_589 = arith.constant 0 : i32
      %dma_start3A_590 = tpu.memref_slice %arg4[%squeeze3A_579, %dma_start3A_589] : memref<1000000x32xf32, #tpu.memory_space<hbm>> -> memref<1x32xf32, #tpu.memory_space<hbm>>
      tpu.enqueue_dma source(%dma_start3A_590 : memref<1x32xf32, #tpu.memory_space<hbm>>) target(%dma_start3A_588 : memref<1x32xf32, #tpu.memory_space<vmem>>) target_semaphore(%arg11 : memref<!tpu.dma_semaphore, #tpu.memory_space<semaphore_mem>>)
      %mul3A_591 = arith.constant 16 : i32
      %mul3A_592 = arith.muli %scan3A_179, %mul3A_591 : i32
      %add3A_593 = arith.constant 8 : i32
      %add3A_594 = arith.addi %mul3A_592, %add3A_593 : i32
      %add3A_595 = arith.constant 5 : i32
      %add3A_596 = arith.addi %add3A_594, %add3A_595 : i32
      %slice3A_597 = vector.extract_strided_slice %get3A_193 {offsets = [10], sizes = [1], strides = [1]} : vector<16xi32> to vector<1xi32>
      %squeeze3A_598 = vector.extract %slice3A_597[0] : i32 from vector<1xi32>
      %dma_start3A_599 = arith.constant 1 : i32
      %dma_start3A_600 = arith.constant 0 : i32
      %dma_start3A_601 = tpu.memref_slice %arg7[%dma_start3A_599, %add3A_596, %dma_start3A_600] : memref<2x128x32xf32, #tpu.memory_space<vmem>> -> memref<1x1x32xf32, #tpu.memory_space<vmem>>
      %dma_start3A_602 = tpu.memref_squeeze %dma_start3A_601 : memref<1x1x32xf32, #tpu.memory_space<vmem>> -> memref<1x32xf32, #tpu.memory_space<vmem>>
      %dma_start3A_603 = arith.constant 0 : i32
      %dma_start3A_604 = tpu.memref_slice %arg3[%squeeze3A_598, %dma_start3A_603] : memref<1000000x32xf32, #tpu.memory_space<hbm>> -> memref<1x32xf32, #tpu.memory_space<hbm>>
      %dma_start3A_605 = arith.constant 0 : i32
      %dma_start3A_606 = tpu.memref_slice %arg7[%dma_start3A_599, %add3A_596, %dma_start3A_605] : memref<2x128x32xf32, #tpu.memory_space<vmem>> -> memref<1x1x32xf32, #tpu.memory_space<vmem>>
      %dma_start3A_607 = tpu.memref_squeeze %dma_start3A_606 : memref<1x1x32xf32, #tpu.memory_space<vmem>> -> memref<1x32xf32, #tpu.memory_space<vmem>>
      %dma_start3A_608 = arith.constant 0 : i32
      %dma_start3A_609 = tpu.memref_slice %arg3[%squeeze3A_598, %dma_start3A_608] : memref<1000000x32xf32, #tpu.memory_space<hbm>> -> memref<1x32xf32, #tpu.memory_space<hbm>>
      tpu.enqueue_dma source(%dma_start3A_609 : memref<1x32xf32, #tpu.memory_space<hbm>>) target(%dma_start3A_607 : memref<1x32xf32, #tpu.memory_space<vmem>>) target_semaphore(%arg10 : memref<!tpu.dma_semaphore, #tpu.memory_space<semaphore_mem>>)
      %slice3A_610 = vector.extract_strided_slice %get3A_193 {offsets = [11], sizes = [1], strides = [1]} : vector<16xi32> to vector<1xi32>
      %squeeze3A_611 = vector.extract %slice3A_610[0] : i32 from vector<1xi32>
      %dma_start3A_612 = arith.constant 1 : i32
      %dma_start3A_613 = arith.constant 0 : i32
      %dma_start3A_614 = tpu.memref_slice %arg8[%dma_start3A_612, %add3A_596, %dma_start3A_613] : memref<2x128x32xf32, #tpu.memory_space<vmem>> -> memref<1x1x32xf32, #tpu.memory_space<vmem>>
      %dma_start3A_615 = tpu.memref_squeeze %dma_start3A_614 : memref<1x1x32xf32, #tpu.memory_space<vmem>> -> memref<1x32xf32, #tpu.memory_space<vmem>>
      %dma_start3A_616 = arith.constant 0 : i32
      %dma_start3A_617 = tpu.memref_slice %arg4[%squeeze3A_611, %dma_start3A_616] : memref<1000000x32xf32, #tpu.memory_space<hbm>> -> memref<1x32xf32, #tpu.memory_space<hbm>>
      %dma_start3A_618 = arith.constant 0 : i32
      %dma_start3A_619 = tpu.memref_slice %arg8[%dma_start3A_612, %add3A_596, %dma_start3A_618] : memref<2x128x32xf32, #tpu.memory_space<vmem>> -> memref<1x1x32xf32, #tpu.memory_space<vmem>>
      %dma_start3A_620 = tpu.memref_squeeze %dma_start3A_619 : memref<1x1x32xf32, #tpu.memory_space<vmem>> -> memref<1x32xf32, #tpu.memory_space<vmem>>
      %dma_start3A_621 = arith.constant 0 : i32
      %dma_start3A_622 = tpu.memref_slice %arg4[%squeeze3A_611, %dma_start3A_621] : memref<1000000x32xf32, #tpu.memory_space<hbm>> -> memref<1x32xf32, #tpu.memory_space<hbm>>
      tpu.enqueue_dma source(%dma_start3A_622 : memref<1x32xf32, #tpu.memory_space<hbm>>) target(%dma_start3A_620 : memref<1x32xf32, #tpu.memory_space<vmem>>) target_semaphore(%arg11 : memref<!tpu.dma_semaphore, #tpu.memory_space<semaphore_mem>>)
      %mul3A_623 = arith.constant 16 : i32
      %mul3A_624 = arith.muli %scan3A_179, %mul3A_623 : i32
      %add3A_625 = arith.constant 8 : i32
      %add3A_626 = arith.addi %mul3A_624, %add3A_625 : i32
      %add3A_627 = arith.constant 6 : i32
      %add3A_628 = arith.addi %add3A_626, %add3A_627 : i32
      %slice3A_629 = vector.extract_strided_slice %get3A_193 {offsets = [12], sizes = [1], strides = [1]} : vector<16xi32> to vector<1xi32>
      %squeeze3A_630 = vector.extract %slice3A_629[0] : i32 from vector<1xi32>
      %dma_start3A_631 = arith.constant 1 : i32
      %dma_start3A_632 = arith.constant 0 : i32
      %dma_start3A_633 = tpu.memref_slice %arg7[%dma_start3A_631, %add3A_628, %dma_start3A_632] : memref<2x128x32xf32, #tpu.memory_space<vmem>> -> memref<1x1x32xf32, #tpu.memory_space<vmem>>
      %dma_start3A_634 = tpu.memref_squeeze %dma_start3A_633 : memref<1x1x32xf32, #tpu.memory_space<vmem>> -> memref<1x32xf32, #tpu.memory_space<vmem>>
      %dma_start3A_635 = arith.constant 0 : i32
      %dma_start3A_636 = tpu.memref_slice %arg3[%squeeze3A_630, %dma_start3A_635] : memref<1000000x32xf32, #tpu.memory_space<hbm>> -> memref<1x32xf32, #tpu.memory_space<hbm>>
      %dma_start3A_637 = arith.constant 0 : i32
      %dma_start3A_638 = tpu.memref_slice %arg7[%dma_start3A_631, %add3A_628, %dma_start3A_637] : memref<2x128x32xf32, #tpu.memory_space<vmem>> -> memref<1x1x32xf32, #tpu.memory_space<vmem>>
      %dma_start3A_639 = tpu.memref_squeeze %dma_start3A_638 : memref<1x1x32xf32, #tpu.memory_space<vmem>> -> memref<1x32xf32, #tpu.memory_space<vmem>>
      %dma_start3A_640 = arith.constant 0 : i32
      %dma_start3A_641 = tpu.memref_slice %arg3[%squeeze3A_630, %dma_start3A_640] : memref<1000000x32xf32, #tpu.memory_space<hbm>> -> memref<1x32xf32, #tpu.memory_space<hbm>>
      tpu.enqueue_dma source(%dma_start3A_641 : memref<1x32xf32, #tpu.memory_space<hbm>>) target(%dma_start3A_639 : memref<1x32xf32, #tpu.memory_space<vmem>>) target_semaphore(%arg10 : memref<!tpu.dma_semaphore, #tpu.memory_space<semaphore_mem>>)
      %slice3A_642 = vector.extract_strided_slice %get3A_193 {offsets = [13], sizes = [1], strides = [1]} : vector<16xi32> to vector<1xi32>
      %squeeze3A_643 = vector.extract %slice3A_642[0] : i32 from vector<1xi32>
      %dma_start3A_644 = arith.constant 1 : i32
      %dma_start3A_645 = arith.constant 0 : i32
      %dma_start3A_646 = tpu.memref_slice %arg8[%dma_start3A_644, %add3A_628, %dma_start3A_645] : memref<2x128x32xf32, #tpu.memory_space<vmem>> -> memref<1x1x32xf32, #tpu.memory_space<vmem>>
      %dma_start3A_647 = tpu.memref_squeeze %dma_start3A_646 : memref<1x1x32xf32, #tpu.memory_space<vmem>> -> memref<1x32xf32, #tpu.memory_space<vmem>>
      %dma_start3A_648 = arith.constant 0 : i32
      %dma_start3A_649 = tpu.memref_slice %arg4[%squeeze3A_643, %dma_start3A_648] : memref<1000000x32xf32, #tpu.memory_space<hbm>> -> memref<1x32xf32, #tpu.memory_space<hbm>>
      %dma_start3A_650 = arith.constant 0 : i32
      %dma_start3A_651 = tpu.memref_slice %arg8[%dma_start3A_644, %add3A_628, %dma_start3A_650] : memref<2x128x32xf32, #tpu.memory_space<vmem>> -> memref<1x1x32xf32, #tpu.memory_space<vmem>>
      %dma_start3A_652 = tpu.memref_squeeze %dma_start3A_651 : memref<1x1x32xf32, #tpu.memory_space<vmem>> -> memref<1x32xf32, #tpu.memory_space<vmem>>
      %dma_start3A_653 = arith.constant 0 : i32
      %dma_start3A_654 = tpu.memref_slice %arg4[%squeeze3A_643, %dma_start3A_653] : memref<1000000x32xf32, #tpu.memory_space<hbm>> -> memref<1x32xf32, #tpu.memory_space<hbm>>
      tpu.enqueue_dma source(%dma_start3A_654 : memref<1x32xf32, #tpu.memory_space<hbm>>) target(%dma_start3A_652 : memref<1x32xf32, #tpu.memory_space<vmem>>) target_semaphore(%arg11 : memref<!tpu.dma_semaphore, #tpu.memory_space<semaphore_mem>>)
      %mul3A_655 = arith.constant 16 : i32
      %mul3A_656 = arith.muli %scan3A_179, %mul3A_655 : i32
      %add3A_657 = arith.constant 8 : i32
      %add3A_658 = arith.addi %mul3A_656, %add3A_657 : i32
      %add3A_659 = arith.constant 7 : i32
      %add3A_660 = arith.addi %add3A_658, %add3A_659 : i32
      %slice3A_661 = vector.extract_strided_slice %get3A_193 {offsets = [14], sizes = [1], strides = [1]} : vector<16xi32> to vector<1xi32>
      %squeeze3A_662 = vector.extract %slice3A_661[0] : i32 from vector<1xi32>
      %dma_start3A_663 = arith.constant 1 : i32
      %dma_start3A_664 = arith.constant 0 : i32
      %dma_start3A_665 = tpu.memref_slice %arg7[%dma_start3A_663, %add3A_660, %dma_start3A_664] : memref<2x128x32xf32, #tpu.memory_space<vmem>> -> memref<1x1x32xf32, #tpu.memory_space<vmem>>
      %dma_start3A_666 = tpu.memref_squeeze %dma_start3A_665 : memref<1x1x32xf32, #tpu.memory_space<vmem>> -> memref<1x32xf32, #tpu.memory_space<vmem>>
      %dma_start3A_667 = arith.constant 0 : i32
      %dma_start3A_668 = tpu.memref_slice %arg3[%squeeze3A_662, %dma_start3A_667] : memref<1000000x32xf32, #tpu.memory_space<hbm>> -> memref<1x32xf32, #tpu.memory_space<hbm>>
      %dma_start3A_669 = arith.constant 0 : i32
      %dma_start3A_670 = tpu.memref_slice %arg7[%dma_start3A_663, %add3A_660, %dma_start3A_669] : memref<2x128x32xf32, #tpu.memory_space<vmem>> -> memref<1x1x32xf32, #tpu.memory_space<vmem>>
      %dma_start3A_671 = tpu.memref_squeeze %dma_start3A_670 : memref<1x1x32xf32, #tpu.memory_space<vmem>> -> memref<1x32xf32, #tpu.memory_space<vmem>>
      %dma_start3A_672 = arith.constant 0 : i32
      %dma_start3A_673 = tpu.memref_slice %arg3[%squeeze3A_662, %dma_start3A_672] : memref<1000000x32xf32, #tpu.memory_space<hbm>> -> memref<1x32xf32, #tpu.memory_space<hbm>>
      tpu.enqueue_dma source(%dma_start3A_673 : memref<1x32xf32, #tpu.memory_space<hbm>>) target(%dma_start3A_671 : memref<1x32xf32, #tpu.memory_space<vmem>>) target_semaphore(%arg10 : memref<!tpu.dma_semaphore, #tpu.memory_space<semaphore_mem>>)
      %slice3A_674 = vector.extract_strided_slice %get3A_193 {offsets = [15], sizes = [1], strides = [1]} : vector<16xi32> to vector<1xi32>
      %squeeze3A_675 = vector.extract %slice3A_674[0] : i32 from vector<1xi32>
      %dma_start3A_676 = arith.constant 1 : i32
      %dma_start3A_677 = arith.constant 0 : i32
      %dma_start3A_678 = tpu.memref_slice %arg8[%dma_start3A_676, %add3A_660, %dma_start3A_677] : memref<2x128x32xf32, #tpu.memory_space<vmem>> -> memref<1x1x32xf32, #tpu.memory_space<vmem>>
      %dma_start3A_679 = tpu.memref_squeeze %dma_start3A_678 : memref<1x1x32xf32, #tpu.memory_space<vmem>> -> memref<1x32xf32, #tpu.memory_space<vmem>>
      %dma_start3A_680 = arith.constant 0 : i32
      %dma_start3A_681 = tpu.memref_slice %arg4[%squeeze3A_675, %dma_start3A_680] : memref<1000000x32xf32, #tpu.memory_space<hbm>> -> memref<1x32xf32, #tpu.memory_space<hbm>>
      %dma_start3A_682 = arith.constant 0 : i32
      %dma_start3A_683 = tpu.memref_slice %arg8[%dma_start3A_676, %add3A_660, %dma_start3A_682] : memref<2x128x32xf32, #tpu.memory_space<vmem>> -> memref<1x1x32xf32, #tpu.memory_space<vmem>>
      %dma_start3A_684 = tpu.memref_squeeze %dma_start3A_683 : memref<1x1x32xf32, #tpu.memory_space<vmem>> -> memref<1x32xf32, #tpu.memory_space<vmem>>
      %dma_start3A_685 = arith.constant 0 : i32
      %dma_start3A_686 = tpu.memref_slice %arg4[%squeeze3A_675, %dma_start3A_685] : memref<1000000x32xf32, #tpu.memory_space<hbm>> -> memref<1x32xf32, #tpu.memory_space<hbm>>
      tpu.enqueue_dma source(%dma_start3A_686 : memref<1x32xf32, #tpu.memory_space<hbm>>) target(%dma_start3A_684 : memref<1x32xf32, #tpu.memory_space<vmem>>) target_semaphore(%arg11 : memref<!tpu.dma_semaphore, #tpu.memory_space<semaphore_mem>>)
      %scan3A_687 = arith.constant 0 : i32
      scf.yield %scan3A_687 : i32
    }
    %scan3A_134 = arith.constant 8 : i32
    %scan3A_135 = arith.constant 0 : i32
    %scan3A_136 = arith.constant 0 : i32
    %scan3A_137 = arith.constant 8 : i32
    %scan3A_138 = arith.addi %scan3A_136, %scan3A_137 : i32
    %scan3A_139 = arith.constant 1 : i32
    %scan3A_140 = scf.for %scan3A_179 = %scan3A_136 to %scan3A_138 step %scan3A_139 iter_args(%scan3A_180 = %scan3A_135) -> (i32)  : i32 {
      %mul3A_181 = arith.constant 16 : i32
      %mul3A_182 = arith.muli %scan3A_179, %mul3A_181 : i32
      %broadcast_in_dim3A = vector.broadcast %mul3A_182 : i32 to vector<16xi32>
      %add3A_183 = arith.addi %broadcast_in_dim3A, %iota3A : vector<16xi32>
      %broadcast_in_dim3A_184 = arith.constant 0.000000e+00 : f32
      %broadcast_in_dim3A_185 = vector.broadcast %broadcast_in_dim3A_184 : f32 to vector<16xf32>
      %scan3A_186 = arith.constant 0 : i32
      %scan3A_187 = arith.constant 32 : i32
      %scan3A_188 = arith.addi %scan3A_186, %scan3A_187 : i32
      %scan3A_189 = arith.constant 4 : i32
      %scan3A_190 = scf.for %scan3A_205 = %scan3A_186 to %scan3A_188 step %scan3A_189 iter_args(%scan3A_206 = %broadcast_in_dim3A_185) -> (vector<16xf32>)  : i32 {
        %broadcast_in_dim3A_207 = vector.broadcast %scan3A_205 : i32 to vector<16xi32>
        %add3A_208 = arith.addi %broadcast_in_dim3A_207, %iota3A : vector<16xi32>
        %and3A = arith.constant 31 : i32
        %and3A_209 = vector.broadcast %and3A : i32 to vector<16xi32>
        %and3A_210 = arith.andi %add3A_208, %and3A_209 : vector<16xi32>
        %gather3A = arith.constant 0 : i32
        %gather3A_211 = arith.constant 0 : i32
        %gather3A_212 = arith.constant 0 : i32
        %gather3A_213 = tpu.memref_slice %arg7[%gather3A, %gather3A_211, %gather3A_212] : memref<2x128x32xf32, #tpu.memory_space<vmem>> -> memref<1x128x32xf32, #tpu.memory_space<vmem>>
        %gather3A_214 = tpu.memref_squeeze %gather3A_213 : memref<1x128x32xf32, #tpu.memory_space<vmem>> -> memref<128x32xf32, #tpu.memory_space<vmem>>
        %gather3A_215 = tpu.vector_load_idx %gather3A_214[%add3A_183, %and3A_210] : memref<128x32xf32, #tpu.memory_space<vmem>>[vector<16xi32>, vector<16xi32>], vector<16xf32>,
        %gather3A_216 = arith.constant 0 : i32
        %gather3A_217 = arith.constant 0 : i32
        %gather3A_218 = arith.constant 0 : i32
        %gather3A_219 = tpu.memref_slice %arg8[%gather3A_216, %gather3A_217, %gather3A_218] : memref<2x128x32xf32, #tpu.memory_space<vmem>> -> memref<1x128x32xf32, #tpu.memory_space<vmem>>
        %gather3A_220 = tpu.memref_squeeze %gather3A_219 : memref<1x128x32xf32, #tpu.memory_space<vmem>> -> memref<128x32xf32, #tpu.memory_space<vmem>>
        %gather3A_221 = tpu.vector_load_idx %gather3A_220[%add3A_183, %and3A_210] : memref<128x32xf32, #tpu.memory_space<vmem>>[vector<16xi32>, vector<16xi32>], vector<16xf32>,
        %mul3A_222 = arith.mulf %gather3A_215, %gather3A_221 : vector<16xf32>
        %add3A_223 = arith.addf %scan3A_206, %mul3A_222 : vector<16xf32>
        %scan3A_224 = arith.constant 1 : i32
        %scan3A_225 = arith.addi %scan3A_205, %scan3A_224 : i32
        %broadcast_in_dim3A_226 = vector.broadcast %scan3A_225 : i32 to vector<16xi32>
        %add3A_227 = arith.addi %broadcast_in_dim3A_226, %iota3A : vector<16xi32>
        %and3A_228 = arith.constant 31 : i32
        %and3A_229 = vector.broadcast %and3A_228 : i32 to vector<16xi32>
        %and3A_230 = arith.andi %add3A_227, %and3A_229 : vector<16xi32>
        %gather3A_231 = arith.constant 0 : i32
        %gather3A_232 = arith.constant 0 : i32
        %gather3A_233 = arith.constant 0 : i32
        %gather3A_234 = tpu.memref_slice %arg7[%gather3A_231, %gather3A_232, %gather3A_233] : memref<2x128x32xf32, #tpu.memory_space<vmem>> -> memref<1x128x32xf32, #tpu.memory_space<vmem>>
        %gather3A_235 = tpu.memref_squeeze %gather3A_234 : memref<1x128x32xf32, #tpu.memory_space<vmem>> -> memref<128x32xf32, #tpu.memory_space<vmem>>
        %gather3A_236 = tpu.vector_load_idx %gather3A_235[%add3A_183, %and3A_230] : memref<128x32xf32, #tpu.memory_space<vmem>>[vector<16xi32>, vector<16xi32>], vector<16xf32>,
        %gather3A_237 = arith.constant 0 : i32
        %gather3A_238 = arith.constant 0 : i32
        %gather3A_239 = arith.constant 0 : i32
        %gather3A_240 = tpu.memref_slice %arg8[%gather3A_237, %gather3A_238, %gather3A_239] : memref<2x128x32xf32, #tpu.memory_space<vmem>> -> memref<1x128x32xf32, #tpu.memory_space<vmem>>
        %gather3A_241 = tpu.memref_squeeze %gather3A_240 : memref<1x128x32xf32, #tpu.memory_space<vmem>> -> memref<128x32xf32, #tpu.memory_space<vmem>>
        %gather3A_242 = tpu.vector_load_idx %gather3A_241[%add3A_183, %and3A_230] : memref<128x32xf32, #tpu.memory_space<vmem>>[vector<16xi32>, vector<16xi32>], vector<16xf32>,
        %mul3A_243 = arith.mulf %gather3A_236, %gather3A_242 : vector<16xf32>
        %add3A_244 = arith.addf %add3A_223, %mul3A_243 : vector<16xf32>
        %scan3A_245 = arith.constant 2 : i32
        %scan3A_246 = arith.addi %scan3A_205, %scan3A_245 : i32
        %broadcast_in_dim3A_247 = vector.broadcast %scan3A_246 : i32 to vector<16xi32>
        %add3A_248 = arith.addi %broadcast_in_dim3A_247, %iota3A : vector<16xi32>
        %and3A_249 = arith.constant 31 : i32
        %and3A_250 = vector.broadcast %and3A_249 : i32 to vector<16xi32>
        %and3A_251 = arith.andi %add3A_248, %and3A_250 : vector<16xi32>
        %gather3A_252 = arith.constant 0 : i32
        %gather3A_253 = arith.constant 0 : i32
        %gather3A_254 = arith.constant 0 : i32
        %gather3A_255 = tpu.memref_slice %arg7[%gather3A_252, %gather3A_253, %gather3A_254] : memref<2x128x32xf32, #tpu.memory_space<vmem>> -> memref<1x128x32xf32, #tpu.memory_space<vmem>>
        %gather3A_256 = tpu.memref_squeeze %gather3A_255 : memref<1x128x32xf32, #tpu.memory_space<vmem>> -> memref<128x32xf32, #tpu.memory_space<vmem>>
        %gather3A_257 = tpu.vector_load_idx %gather3A_256[%add3A_183, %and3A_251] : memref<128x32xf32, #tpu.memory_space<vmem>>[vector<16xi32>, vector<16xi32>], vector<16xf32>,
        %gather3A_258 = arith.constant 0 : i32
        %gather3A_259 = arith.constant 0 : i32
        %gather3A_260 = arith.constant 0 : i32
        %gather3A_261 = tpu.memref_slice %arg8[%gather3A_258, %gather3A_259, %gather3A_260] : memref<2x128x32xf32, #tpu.memory_space<vmem>> -> memref<1x128x32xf32, #tpu.memory_space<vmem>>
        %gather3A_262 = tpu.memref_squeeze %gather3A_261 : memref<1x128x32xf32, #tpu.memory_space<vmem>> -> memref<128x32xf32, #tpu.memory_space<vmem>>
        %gather3A_263 = tpu.vector_load_idx %gather3A_262[%add3A_183, %and3A_251] : memref<128x32xf32, #tpu.memory_space<vmem>>[vector<16xi32>, vector<16xi32>], vector<16xf32>,
        %mul3A_264 = arith.mulf %gather3A_257, %gather3A_263 : vector<16xf32>
        %add3A_265 = arith.addf %add3A_244, %mul3A_264 : vector<16xf32>
        %scan3A_266 = arith.constant 3 : i32
        %scan3A_267 = arith.addi %scan3A_205, %scan3A_266 : i32
        %broadcast_in_dim3A_268 = vector.broadcast %scan3A_267 : i32 to vector<16xi32>
        %add3A_269 = arith.addi %broadcast_in_dim3A_268, %iota3A : vector<16xi32>
        %and3A_270 = arith.constant 31 : i32
        %and3A_271 = vector.broadcast %and3A_270 : i32 to vector<16xi32>
        %and3A_272 = arith.andi %add3A_269, %and3A_271 : vector<16xi32>
        %gather3A_273 = arith.constant 0 : i32
        %gather3A_274 = arith.constant 0 : i32
        %gather3A_275 = arith.constant 0 : i32
        %gather3A_276 = tpu.memref_slice %arg7[%gather3A_273, %gather3A_274, %gather3A_275] : memref<2x128x32xf32, #tpu.memory_space<vmem>> -> memref<1x128x32xf32, #tpu.memory_space<vmem>>
        %gather3A_277 = tpu.memref_squeeze %gather3A_276 : memref<1x128x32xf32, #tpu.memory_space<vmem>> -> memref<128x32xf32, #tpu.memory_space<vmem>>
        %gather3A_278 = tpu.vector_load_idx %gather3A_277[%add3A_183, %and3A_272] : memref<128x32xf32, #tpu.memory_space<vmem>>[vector<16xi32>, vector<16xi32>], vector<16xf32>,
        %gather3A_279 = arith.constant 0 : i32
        %gather3A_280 = arith.constant 0 : i32
        %gather3A_281 = arith.constant 0 : i32
        %gather3A_282 = tpu.memref_slice %arg8[%gather3A_279, %gather3A_280, %gather3A_281] : memref<2x128x32xf32, #tpu.memory_space<vmem>> -> memref<1x128x32xf32, #tpu.memory_space<vmem>>
        %gather3A_283 = tpu.memref_squeeze %gather3A_282 : memref<1x128x32xf32, #tpu.memory_space<vmem>> -> memref<128x32xf32, #tpu.memory_space<vmem>>
        %gather3A_284 = tpu.vector_load_idx %gather3A_283[%add3A_183, %and3A_272] : memref<128x32xf32, #tpu.memory_space<vmem>>[vector<16xi32>, vector<16xi32>], vector<16xf32>,
        %mul3A_285 = arith.mulf %gather3A_278, %gather3A_284 : vector<16xf32>
        %add3A_286 = arith.addf %add3A_265, %mul3A_285 : vector<16xf32>
        scf.yield %add3A_286 : vector<16xf32>
      }
      %scan3A_191 = arith.constant 32 : i32
      %neg3A = arith.constant 0.000000e+00 : f32
      %neg3A_192 = vector.broadcast %neg3A : f32 to vector<16xf32>
      %neg3A_193 = arith.subf %neg3A_192, %scan3A_190 : vector<16xf32>
      %exp3A = math.exp %neg3A_193 : vector<16xf32>
      %add3A_194 = arith.constant 1.000000e+00 : f32
      %add3A_195 = vector.broadcast %add3A_194 : f32 to vector<16xf32>
      %add3A_196 = arith.addf %add3A_195, %exp3A : vector<16xf32>
      %div3A = arith.constant 1.000000e+00 : f32
      %div3A_197 = vector.broadcast %div3A : f32 to vector<16xf32>
      %div3A_198 = arith.divf %div3A_197, %add3A_196 : vector<16xf32>
      %add3A_199 = arith.constant 16 : i32
      %add3A_200 = arith.addi %add3A_199, %scan3A_179 : i32
      %mul3A_201 = arith.constant 16 : i32
      %mul3A_202 = arith.muli %add3A_200, %mul3A_201 : i32
      %swap3A = arith.index_cast %mul3A_202 : i32 to index
      %swap3A_203 = tpu.vector_load %arg9[%swap3A] {strides = array<i32>} : memref<512xf32, #tpu.memory_space<vmem>>, vector<16xf32>,
      tpu.vector_store %arg9[%swap3A], %div3A_198 {strides = array<i32>} : memref<512xf32, #tpu.memory_space<vmem>>, vector<16xf32>,
      %scan3A_204 = arith.constant 0 : i32
      scf.yield %scan3A_204 : i32
    }
    %scan3A_141 = arith.constant 8 : i32
    %dma_wait3A_142 = arith.constant 1 : i32
    %dma_wait3A_143 = arith.constant 0 : i32
    %dma_wait3A_144 = arith.constant 0 : i32
    %dma_wait3A_145 = tpu.memref_slice %arg7[%dma_wait3A_142, %dma_wait3A_143, %dma_wait3A_144] : memref<2x128x32xf32, #tpu.memory_space<vmem>> -> memref<1x128x32xf32, #tpu.memory_space<vmem>>
    %dma_wait3A_146 = tpu.memref_squeeze %dma_wait3A_145 : memref<1x128x32xf32, #tpu.memory_space<vmem>> -> memref<128x32xf32, #tpu.memory_space<vmem>>
    %dma_wait3A_147 = arith.constant 0 : i32
    %dma_wait3A_148 = arith.constant 0 : i32
    %dma_wait3A_149 = tpu.memref_slice %arg3[%dma_wait3A_147, %dma_wait3A_148] : memref<1000000x32xf32, #tpu.memory_space<hbm>> -> memref<128x32xf32, #tpu.memory_space<hbm>>
    %dma_wait3A_150 = arith.constant 0 : i32
    %dma_wait3A_151 = arith.constant 0 : i32
    %dma_wait3A_152 = tpu.memref_slice %arg7[%dma_wait3A_142, %dma_wait3A_150, %dma_wait3A_151] : memref<2x128x32xf32, #tpu.memory_space<vmem>> -> memref<1x128x32xf32, #tpu.memory_space<vmem>>
    %dma_wait3A_153 = tpu.memref_squeeze %dma_wait3A_152 : memref<1x128x32xf32, #tpu.memory_space<vmem>> -> memref<128x32xf32, #tpu.memory_space<vmem>>
    %dma_wait3A_154 = arith.constant 0 : i32
    %dma_wait3A_155 = arith.constant 0 : i32
    %dma_wait3A_156 = tpu.memref_slice %arg3[%dma_wait3A_154, %dma_wait3A_155] : memref<1000000x32xf32, #tpu.memory_space<hbm>> -> memref<128x32xf32, #tpu.memory_space<hbm>>
    tpu.wait_dma2 semaphore(%arg10 : memref<!tpu.dma_semaphore, #tpu.memory_space<semaphore_mem>>) src(%dma_wait3A_156 : memref<128x32xf32, #tpu.memory_space<hbm>>) dst(%dma_wait3A_153 : memref<128x32xf32, #tpu.memory_space<vmem>>)
    %dma_wait3A_157 = arith.constant 1 : i32
    %dma_wait3A_158 = arith.constant 0 : i32
    %dma_wait3A_159 = arith.constant 0 : i32
    %dma_wait3A_160 = tpu.memref_slice %arg8[%dma_wait3A_157, %dma_wait3A_158, %dma_wait3A_159] : memref<2x128x32xf32, #tpu.memory_space<vmem>> -> memref<1x128x32xf32, #tpu.memory_space<vmem>>
    %dma_wait3A_161 = tpu.memref_squeeze %dma_wait3A_160 : memref<1x128x32xf32, #tpu.memory_space<vmem>> -> memref<128x32xf32, #tpu.memory_space<vmem>>
    %dma_wait3A_162 = arith.constant 0 : i32
    %dma_wait3A_163 = arith.constant 0 : i32
    %dma_wait3A_164 = tpu.memref_slice %arg4[%dma_wait3A_162, %dma_wait3A_163] : memref<1000000x32xf32, #tpu.memory_space<hbm>> -> memref<128x32xf32, #tpu.memory_space<hbm>>
    %dma_wait3A_165 = arith.constant 0 : i32
    %dma_wait3A_166 = arith.constant 0 : i32
    %dma_wait3A_167 = tpu.memref_slice %arg8[%dma_wait3A_157, %dma_wait3A_165, %dma_wait3A_166] : memref<2x128x32xf32, #tpu.memory_space<vmem>> -> memref<1x128x32xf32, #tpu.memory_space<vmem>>
    %dma_wait3A_168 = tpu.memref_squeeze %dma_wait3A_167 : memref<1x128x32xf32, #tpu.memory_space<vmem>> -> memref<128x32xf32, #tpu.memory_space<vmem>>
    %dma_wait3A_169 = arith.constant 0 : i32
    %dma_wait3A_170 = arith.constant 0 : i32
    %dma_wait3A_171 = tpu.memref_slice %arg4[%dma_wait3A_169, %dma_wait3A_170] : memref<1000000x32xf32, #tpu.memory_space<hbm>> -> memref<128x32xf32, #tpu.memory_space<hbm>>
    tpu.wait_dma2 semaphore(%arg11 : memref<!tpu.dma_semaphore, #tpu.memory_space<semaphore_mem>>) src(%dma_wait3A_171 : memref<128x32xf32, #tpu.memory_space<hbm>>) dst(%dma_wait3A_168 : memref<128x32xf32, #tpu.memory_space<vmem>>)
    %scan3A_172 = arith.constant 0 : i32
    %scan3A_173 = arith.constant 0 : i32
    %scan3A_174 = arith.constant 8 : i32
    %scan3A_175 = arith.addi %scan3A_173, %scan3A_174 : i32
    %scan3A_176 = arith.constant 1 : i32
    %scan3A_177 = scf.for %scan3A_179 = %scan3A_173 to %scan3A_175 step %scan3A_176 iter_args(%scan3A_180 = %scan3A_172) -> (i32)  : i32 {
      %mul3A_181 = arith.constant 16 : i32
      %mul3A_182 = arith.muli %scan3A_179, %mul3A_181 : i32
      %broadcast_in_dim3A = vector.broadcast %mul3A_182 : i32 to vector<16xi32>
      %add3A_183 = arith.addi %broadcast_in_dim3A, %iota3A : vector<16xi32>
      %broadcast_in_dim3A_184 = arith.constant 0.000000e+00 : f32
      %broadcast_in_dim3A_185 = vector.broadcast %broadcast_in_dim3A_184 : f32 to vector<16xf32>
      %scan3A_186 = arith.constant 0 : i32
      %scan3A_187 = arith.constant 32 : i32
      %scan3A_188 = arith.addi %scan3A_186, %scan3A_187 : i32
      %scan3A_189 = arith.constant 4 : i32
      %scan3A_190 = scf.for %scan3A_205 = %scan3A_186 to %scan3A_188 step %scan3A_189 iter_args(%scan3A_206 = %broadcast_in_dim3A_185) -> (vector<16xf32>)  : i32 {
        %broadcast_in_dim3A_207 = vector.broadcast %scan3A_205 : i32 to vector<16xi32>
        %add3A_208 = arith.addi %broadcast_in_dim3A_207, %iota3A : vector<16xi32>
        %and3A = arith.constant 31 : i32
        %and3A_209 = vector.broadcast %and3A : i32 to vector<16xi32>
        %and3A_210 = arith.andi %add3A_208, %and3A_209 : vector<16xi32>
        %gather3A = arith.constant 1 : i32
        %gather3A_211 = arith.constant 0 : i32
        %gather3A_212 = arith.constant 0 : i32
        %gather3A_213 = tpu.memref_slice %arg7[%gather3A, %gather3A_211, %gather3A_212] : memref<2x128x32xf32, #tpu.memory_space<vmem>> -> memref<1x128x32xf32, #tpu.memory_space<vmem>>
        %gather3A_214 = tpu.memref_squeeze %gather3A_213 : memref<1x128x32xf32, #tpu.memory_space<vmem>> -> memref<128x32xf32, #tpu.memory_space<vmem>>
        %gather3A_215 = tpu.vector_load_idx %gather3A_214[%add3A_183, %and3A_210] : memref<128x32xf32, #tpu.memory_space<vmem>>[vector<16xi32>, vector<16xi32>], vector<16xf32>,
        %gather3A_216 = arith.constant 1 : i32
        %gather3A_217 = arith.constant 0 : i32
        %gather3A_218 = arith.constant 0 : i32
        %gather3A_219 = tpu.memref_slice %arg8[%gather3A_216, %gather3A_217, %gather3A_218] : memref<2x128x32xf32, #tpu.memory_space<vmem>> -> memref<1x128x32xf32, #tpu.memory_space<vmem>>
        %gather3A_220 = tpu.memref_squeeze %gather3A_219 : memref<1x128x32xf32, #tpu.memory_space<vmem>> -> memref<128x32xf32, #tpu.memory_space<vmem>>
        %gather3A_221 = tpu.vector_load_idx %gather3A_220[%add3A_183, %and3A_210] : memref<128x32xf32, #tpu.memory_space<vmem>>[vector<16xi32>, vector<16xi32>], vector<16xf32>,
        %mul3A_222 = arith.mulf %gather3A_215, %gather3A_221 : vector<16xf32>
        %add3A_223 = arith.addf %scan3A_206, %mul3A_222 : vector<16xf32>
        %scan3A_224 = arith.constant 1 : i32
        %scan3A_225 = arith.addi %scan3A_205, %scan3A_224 : i32
        %broadcast_in_dim3A_226 = vector.broadcast %scan3A_225 : i32 to vector<16xi32>
        %add3A_227 = arith.addi %broadcast_in_dim3A_226, %iota3A : vector<16xi32>
        %and3A_228 = arith.constant 31 : i32
        %and3A_229 = vector.broadcast %and3A_228 : i32 to vector<16xi32>
        %and3A_230 = arith.andi %add3A_227, %and3A_229 : vector<16xi32>
        %gather3A_231 = arith.constant 1 : i32
        %gather3A_232 = arith.constant 0 : i32
        %gather3A_233 = arith.constant 0 : i32
        %gather3A_234 = tpu.memref_slice %arg7[%gather3A_231, %gather3A_232, %gather3A_233] : memref<2x128x32xf32, #tpu.memory_space<vmem>> -> memref<1x128x32xf32, #tpu.memory_space<vmem>>
        %gather3A_235 = tpu.memref_squeeze %gather3A_234 : memref<1x128x32xf32, #tpu.memory_space<vmem>> -> memref<128x32xf32, #tpu.memory_space<vmem>>
        %gather3A_236 = tpu.vector_load_idx %gather3A_235[%add3A_183, %and3A_230] : memref<128x32xf32, #tpu.memory_space<vmem>>[vector<16xi32>, vector<16xi32>], vector<16xf32>,
        %gather3A_237 = arith.constant 1 : i32
        %gather3A_238 = arith.constant 0 : i32
        %gather3A_239 = arith.constant 0 : i32
        %gather3A_240 = tpu.memref_slice %arg8[%gather3A_237, %gather3A_238, %gather3A_239] : memref<2x128x32xf32, #tpu.memory_space<vmem>> -> memref<1x128x32xf32, #tpu.memory_space<vmem>>
        %gather3A_241 = tpu.memref_squeeze %gather3A_240 : memref<1x128x32xf32, #tpu.memory_space<vmem>> -> memref<128x32xf32, #tpu.memory_space<vmem>>
        %gather3A_242 = tpu.vector_load_idx %gather3A_241[%add3A_183, %and3A_230] : memref<128x32xf32, #tpu.memory_space<vmem>>[vector<16xi32>, vector<16xi32>], vector<16xf32>,
        %mul3A_243 = arith.mulf %gather3A_236, %gather3A_242 : vector<16xf32>
        %add3A_244 = arith.addf %add3A_223, %mul3A_243 : vector<16xf32>
        %scan3A_245 = arith.constant 2 : i32
        %scan3A_246 = arith.addi %scan3A_205, %scan3A_245 : i32
        %broadcast_in_dim3A_247 = vector.broadcast %scan3A_246 : i32 to vector<16xi32>
        %add3A_248 = arith.addi %broadcast_in_dim3A_247, %iota3A : vector<16xi32>
        %and3A_249 = arith.constant 31 : i32
        %and3A_250 = vector.broadcast %and3A_249 : i32 to vector<16xi32>
        %and3A_251 = arith.andi %add3A_248, %and3A_250 : vector<16xi32>
        %gather3A_252 = arith.constant 1 : i32
        %gather3A_253 = arith.constant 0 : i32
        %gather3A_254 = arith.constant 0 : i32
        %gather3A_255 = tpu.memref_slice %arg7[%gather3A_252, %gather3A_253, %gather3A_254] : memref<2x128x32xf32, #tpu.memory_space<vmem>> -> memref<1x128x32xf32, #tpu.memory_space<vmem>>
        %gather3A_256 = tpu.memref_squeeze %gather3A_255 : memref<1x128x32xf32, #tpu.memory_space<vmem>> -> memref<128x32xf32, #tpu.memory_space<vmem>>
        %gather3A_257 = tpu.vector_load_idx %gather3A_256[%add3A_183, %and3A_251] : memref<128x32xf32, #tpu.memory_space<vmem>>[vector<16xi32>, vector<16xi32>], vector<16xf32>,
        %gather3A_258 = arith.constant 1 : i32
        %gather3A_259 = arith.constant 0 : i32
        %gather3A_260 = arith.constant 0 : i32
        %gather3A_261 = tpu.memref_slice %arg8[%gather3A_258, %gather3A_259, %gather3A_260] : memref<2x128x32xf32, #tpu.memory_space<vmem>> -> memref<1x128x32xf32, #tpu.memory_space<vmem>>
        %gather3A_262 = tpu.memref_squeeze %gather3A_261 : memref<1x128x32xf32, #tpu.memory_space<vmem>> -> memref<128x32xf32, #tpu.memory_space<vmem>>
        %gather3A_263 = tpu.vector_load_idx %gather3A_262[%add3A_183, %and3A_251] : memref<128x32xf32, #tpu.memory_space<vmem>>[vector<16xi32>, vector<16xi32>], vector<16xf32>,
        %mul3A_264 = arith.mulf %gather3A_257, %gather3A_263 : vector<16xf32>
        %add3A_265 = arith.addf %add3A_244, %mul3A_264 : vector<16xf32>
        %scan3A_266 = arith.constant 3 : i32
        %scan3A_267 = arith.addi %scan3A_205, %scan3A_266 : i32
        %broadcast_in_dim3A_268 = vector.broadcast %scan3A_267 : i32 to vector<16xi32>
        %add3A_269 = arith.addi %broadcast_in_dim3A_268, %iota3A : vector<16xi32>
        %and3A_270 = arith.constant 31 : i32
        %and3A_271 = vector.broadcast %and3A_270 : i32 to vector<16xi32>
        %and3A_272 = arith.andi %add3A_269, %and3A_271 : vector<16xi32>
        %gather3A_273 = arith.constant 1 : i32
        %gather3A_274 = arith.constant 0 : i32
        %gather3A_275 = arith.constant 0 : i32
        %gather3A_276 = tpu.memref_slice %arg7[%gather3A_273, %gather3A_274, %gather3A_275] : memref<2x128x32xf32, #tpu.memory_space<vmem>> -> memref<1x128x32xf32, #tpu.memory_space<vmem>>
        %gather3A_277 = tpu.memref_squeeze %gather3A_276 : memref<1x128x32xf32, #tpu.memory_space<vmem>> -> memref<128x32xf32, #tpu.memory_space<vmem>>
        %gather3A_278 = tpu.vector_load_idx %gather3A_277[%add3A_183, %and3A_272] : memref<128x32xf32, #tpu.memory_space<vmem>>[vector<16xi32>, vector<16xi32>], vector<16xf32>,
        %gather3A_279 = arith.constant 1 : i32
        %gather3A_280 = arith.constant 0 : i32
        %gather3A_281 = arith.constant 0 : i32
        %gather3A_282 = tpu.memref_slice %arg8[%gather3A_279, %gather3A_280, %gather3A_281] : memref<2x128x32xf32, #tpu.memory_space<vmem>> -> memref<1x128x32xf32, #tpu.memory_space<vmem>>
        %gather3A_283 = tpu.memref_squeeze %gather3A_282 : memref<1x128x32xf32, #tpu.memory_space<vmem>> -> memref<128x32xf32, #tpu.memory_space<vmem>>
        %gather3A_284 = tpu.vector_load_idx %gather3A_283[%add3A_183, %and3A_272] : memref<128x32xf32, #tpu.memory_space<vmem>>[vector<16xi32>, vector<16xi32>], vector<16xf32>,
        %mul3A_285 = arith.mulf %gather3A_278, %gather3A_284 : vector<16xf32>
        %add3A_286 = arith.addf %add3A_265, %mul3A_285 : vector<16xf32>
        scf.yield %add3A_286 : vector<16xf32>
      }
      %scan3A_191 = arith.constant 32 : i32
      %neg3A = arith.constant 0.000000e+00 : f32
      %neg3A_192 = vector.broadcast %neg3A : f32 to vector<16xf32>
      %neg3A_193 = arith.subf %neg3A_192, %scan3A_190 : vector<16xf32>
      %exp3A = math.exp %neg3A_193 : vector<16xf32>
      %add3A_194 = arith.constant 1.000000e+00 : f32
      %add3A_195 = vector.broadcast %add3A_194 : f32 to vector<16xf32>
      %add3A_196 = arith.addf %add3A_195, %exp3A : vector<16xf32>
      %div3A = arith.constant 1.000000e+00 : f32
      %div3A_197 = vector.broadcast %div3A : f32 to vector<16xf32>
      %div3A_198 = arith.divf %div3A_197, %add3A_196 : vector<16xf32>
      %add3A_199 = arith.constant 24 : i32
      %add3A_200 = arith.addi %add3A_199, %scan3A_179 : i32
      %mul3A_201 = arith.constant 16 : i32
      %mul3A_202 = arith.muli %add3A_200, %mul3A_201 : i32
      %swap3A = arith.index_cast %mul3A_202 : i32 to index
      %swap3A_203 = tpu.vector_load %arg9[%swap3A] {strides = array<i32>} : memref<512xf32, #tpu.memory_space<vmem>>, vector<16xf32>,
      tpu.vector_store %arg9[%swap3A], %div3A_198 {strides = array<i32>} : memref<512xf32, #tpu.memory_space<vmem>>, vector<16xf32>,
      %scan3A_204 = arith.constant 0 : i32
      scf.yield %scan3A_204 : i32
    }
    %scan3A_178 = arith.constant 8 : i32
    "tpu.region"() ({
      %run_scoped3A = tpu.sem_alloc : memref<!tpu.dma_semaphore, #tpu.memory_space<semaphore_mem>>
      %dma_start3A = tpu.memref_slice %arg5[%mul3A_2] : memref<16384xf32, #tpu.memory_space<hbm>> -> memref<512xf32, #tpu.memory_space<hbm>>
      %dma_start3A_179 = tpu.memref_slice %arg5[%mul3A_2] : memref<16384xf32, #tpu.memory_space<hbm>> -> memref<512xf32, #tpu.memory_space<hbm>>
      tpu.enqueue_dma source(%arg9 : memref<512xf32, #tpu.memory_space<vmem>>) target(%dma_start3A_179 : memref<512xf32, #tpu.memory_space<hbm>>) target_semaphore(%run_scoped3A : memref<!tpu.dma_semaphore, #tpu.memory_space<semaphore_mem>>)
      %dma_wait3A_180 = tpu.memref_slice %arg5[%mul3A_2] : memref<16384xf32, #tpu.memory_space<hbm>> -> memref<512xf32, #tpu.memory_space<hbm>>
      %dma_wait3A_181 = tpu.memref_slice %arg5[%mul3A_2] : memref<16384xf32, #tpu.memory_space<hbm>> -> memref<512xf32, #tpu.memory_space<hbm>>
      tpu.wait_dma2 semaphore(%run_scoped3A : memref<!tpu.dma_semaphore, #tpu.memory_space<semaphore_mem>>) src(%arg9 : memref<512xf32, #tpu.memory_space<vmem>>) dst(%dma_wait3A_181 : memref<512xf32, #tpu.memory_space<hbm>>)
      tpu.yield
    }) : () -> ()
    return
  }
}

</mosaic_0001>

<sc_bundles>
// kernel: kernel.3.cloned.1.call-start
scs
__scs_entry_jumppad:
0x0: {  	(pc) =	sbr.rel $0x88, $3  }
0x1: {  	(tag) =	ssettag $0x0;
	lr =	simm.s32 $0x1  }
0x2: {  	[smem:$0x3F9E] =	sst lr;
	_ =	strace $0xD0000000  }
0x3: {  	_ = 	snop  }
0x4: {  	_ = 	snop  }
0x5: {  	_ = 	snop  }
0x6: {  	_ = 	snop  }
0x7: {  	_ = 	snop  }
__scs_overlays_trampoline_lowered:
0x8: {  	[smem:$0x3FAD] =	sst s0  }
0x9: {  	[smem:$0x3FAE] =	sst s1  }
0xa: {  	[smem:$0x3FAF] =	sst s2  }
0xb: {  	[smem:$0x3FB0] =	sst s3  }
0xc: {  	[smem:$0x3FB1] =	sst s4  }
0xd: {  	[smem:$0x3FB2] =	sst s5  }
0xe: {  	[smem:$0x3FB3] =	sst s6  }
0xf: {  	[smem:$0x3FB4] =	sst s7  }
0x10: {  	[smem:$0x3FB5] =	sst s8  }
0x11: {  	[smem:$0x3FB6] =	sst s9;
	s0 =	simm.s32 @!p0 $0x0  }
0x12: {  	s1 =	sld [smem:$0x3F9C];
	s0 =	simm.s32 @p0 $0x1  }
0x13: {  	[smem:$0x3FB7] =	sst s0;
	s0 =	simm.s32 @!p1 $0x0  }
0x14: {  	s2 =	sld [smem:$0x3F9B];
	s0 =	simm.s32 @p1 $0x1  }
0x15: {  	[smem:$0x3FB8] =	sst s0;
	s0 =	simm.s32 @!p2 $0x0  }
0x16: {  	s3 =	sld [smem:$0x3FDB];
	s0 =	simm.s32 @p2 $0x1  }
0x17: {  	s4 =	simm.s32 $0x1BF5;
	[smem:$0x3FBA] =	sst s0  }
0x18: {  	s0 =	sld [smem:$0x3F9D];
	_ =	swait.ge [sflag:s4], $0x0  }
0x19: {  	s7 =	sld [smem:$0x3F9E]  }
0x1a: {  	s8 =	sadd.s32 $0xFFFFE003, lr  }
0x1b: {  	s9 =	sadd.s32 $0xFFFFFEF7, lr;
	s5 =	simm.s32 $0xFFFFFFFF;
	p2 =	slt.u32 s8, $0xFFFFF086  }
0x1c: {  	p1 =	slt.u32 s9, $0xF7A;
	s5 =	simm.s32 @!p2 $0x0  }
0x1d: {  	s5 =	simm.s32 @p1 $0x1;
	p0 =	seq.s32 s7, s2  }
0x1e: {  	s7 =	smul.u32 @!p0 $0xF7A, s2;
	p2 =	seq.s32 @!p0 s5, $0x0  }
0x1f: {  	s9 =	smul.u32 $0xF7A, s1;
	s8 =	simm.s32 @!p0 $0x1BF5;
	p2 =	por !p2, p0  }
0x20: {  	[sflag:s8] =	ssyncset.s32 @!p0 $0xFFFFF086;
	s6 =	sadd.s32 @!p0 s3, s7;
	s7 =	simm.s32 @!p0 $0x108  }
0x21: {  	s3 =	sadd.s32 s3, s9;
	s6 =	sadd.s32 @!p0 $0x88, s6;
	s7 =	simm.s32 @p2 $0x1082  }
0x22: {  	[simem:s7], [sflag:s8] =	dma.local @!p0 [hbm:s6], $0xF7A  }
0x23: {  	s9 =	sor.u32 $0xD0000000, s2;
	s6 =	simm.s32 $0x108;
	_ =	swait.ge @!p0 [sflag:s8], $0x0  }
0x24: {  	s3 =	sadd.s32 $0x88, s3;
	s6 =	simm.s32 @!p1 $0x1082;
	[sflag:s4] =	ssyncset.s32 $0xFFFFF086  }
0x25: {  	[simem:s6], [sflag:s4] =	dma.local [hbm:s3], $0xF7A  }
0x26: {  	[smem:$0x3F9E] =	sst s1;
	(tag) =	ssettag s2;
	_ =	strace s9  }
0x27: {  	s1 =	sld [smem:$0x3FAE]  }
0x28: {  	s2 =	sld [smem:$0x3FAF]  }
0x29: {  	s4 =	sld [smem:$0x3FB1]  }
0x2a: {  	p0 =	seq.s32 s5, $0x0;
	s5 =	sld [smem:$0x3FB2]  }
0x2b: {  	s6 =	sld [smem:$0x3FB3]  }
0x2c: {  	s7 =	sld [smem:$0x3FB4]  }
0x2d: {  	s3 =	simm.s32 $0x108;
	s8 =	sld [smem:$0x3FB5]  }
0x2e: {  	s3 =	simm.s32 @!p0 $0x1082;
	s9 =	sld [smem:$0x3FB6]  }
0x2f: {  	lr =	sadd.s32 s0, s3;
	s0 =	sld [smem:$0x3FAD]  }
0x30: {  	s3 =	sld [smem:$0x3FB0]  }
0x31: {  	[smem:$0x3FB9] =	sst s10  }
0x32: {  	s10 =	sld [smem:$0x3FB7];
	_ =	sdelay $0x3  }
0x33: {  	p0 =	seq.s32 s10, $0x1;
	s10 =	sld [smem:$0x3FB9];
	_ =	sdelay $0x3  }
0x34: {  	[smem:$0x3FB9] =	sst s10  }
0x35: {  	s10 =	sld [smem:$0x3FB8];
	_ =	sdelay $0x3  }
0x36: {  	p1 =	seq.s32 s10, $0x1;
	s10 =	sld [smem:$0x3FB9];
	_ =	sdelay $0x3  }
0x37: {  	[smem:$0x3FB9] =	sst s10  }
0x38: {  	s10 =	sld [smem:$0x3FBA]  }
0x39: {  	_ = 	snop;
	(pc) =	sbr.ind lr, $3  }
0x3a: {  	_ = 	snop  }
0x3b: {  	_ = 	snop  }
0x3c: {  	p2 =	seq.s32 s10, $0x1;
	s10 =	sld [smem:$0x3FB9]  }
0x3d: {  	_ =	shalt  }
0x3e: {  	_ =	shalt  }
0x3f: {  	_ =	shalt  }
0x40: {  	_ =	shalt  }
0x41: {  	_ =	shalt  }
0x42: {  	_ =	shalt  }
0x43: {  	_ =	shalt  }
0x44: {  	_ =	shalt  }
0x45: {  	_ =	shalt  }
0x46: {  	_ =	shalt  }
0x47: {  	_ =	shalt  }
0x48: {  	_ =	shalt  }
0x49: {  	_ =	shalt  }
0x4a: {  	_ =	shalt  }
0x4b: {  	_ =	shalt  }
0x4c: {  	_ =	shalt  }
0x4d: {  	_ =	shalt  }
0x4e: {  	_ =	shalt  }
0x4f: {  	_ =	shalt  }
0x50: {  	_ =	shalt  }
0x51: {  	_ =	shalt  }
0x52: {  	_ =	shalt  }
0x53: {  	_ =	shalt  }
0x54: {  	_ =	shalt  }
0x55: {  	_ =	shalt  }
0x56: {  	_ =	shalt  }
0x57: {  	_ =	shalt  }
0x58: {  	_ =	shalt  }
0x59: {  	_ =	shalt  }
0x5a: {  	_ =	shalt  }
0x5b: {  	_ =	shalt  }
0x5c: {  	_ =	shalt  }
0x5d: {  	_ =	shalt  }
0x5e: {  	_ =	shalt  }
0x5f: {  	_ =	shalt  }
0x60: {  	_ =	shalt  }
0x61: {  	_ =	shalt  }
0x62: {  	_ =	shalt  }
0x63: {  	_ =	shalt  }
0x64: {  	_ =	shalt  }
0x65: {  	_ =	shalt  }
0x66: {  	_ =	shalt  }
0x67: {  	_ =	shalt  }
0x68: {  	_ =	shalt  }
0x69: {  	_ =	shalt  }
0x6a: {  	_ =	shalt  }
0x6b: {  	_ =	shalt  }
0x6c: {  	_ =	shalt  }
0x6d: {  	_ =	shalt  }
0x6e: {  	_ =	shalt  }
0x6f: {  	_ =	shalt  }
0x70: {  	_ =	shalt  }
0x71: {  	_ =	shalt  }
0x72: {  	_ =	shalt  }
0x73: {  	_ =	shalt  }
0x74: {  	_ =	shalt  }
0x75: {  	_ =	shalt  }
0x76: {  	_ =	shalt  }
0x77: {  	_ =	shalt  }
0x78: {  	_ =	shalt  }
0x79: {  	_ =	shalt  }
0x7a: {  	_ =	shalt  }
0x7b: {  	_ =	shalt  }
0x7c: {  	_ =	shalt  }
0x7d: {  	_ =	shalt  }
0x7e: {  	_ =	shalt  }
0x7f: {  	_ =	shalt  }
0x80: {  	_ =	shalt  }
0x81: {  	_ =	shalt  }
0x82: {  	_ =	shalt  }
0x83: {  	_ =	shalt  }
0x84: {  	_ =	shalt  }
0x85: {  	_ =	shalt  }
0x86: {  	_ =	shalt  }
0x87: {  	_ =	shalt  }
.Lfunc_end0:
.L_simem_size_0:
called_computation_lowered:
.L_overlay_start_0:
0x88: {  	s2 =	sld [smem:$0x3FD9]  }
0x89: {  	s3 =	sld [smem:$0x3FFE];
	_ =	sdelay $0x1  }
0x8a: {  	s1 =	srdreg.scid  }
0x8b: {  	s0 =	sand.u32 $0x1, s1  }
0x8c: {  	s17 =	sshll.u32 s0, $0xA;
	s2 =	sadd.s32 s3, s2  }
0x8d: {  	s2 =	sadd.s32 s2, s17  }
0x8e: {  	[smem:$0x3FC5] =	sst s2  }
0x8f: {  	_ = 	snop  }
0x90: {  	s2 =	sld [smem:$0x3FD0];
	(tm) =	ssettm $0x1  }
0x91: {  	s18 =	sld [smem:$0x3FFB];
	_ =	sdelay $0x3  }
0x92: {  	_ =	strace s18  }
0x93: {  	s3 =	sld [smem:$0x3FFC];
	_ =	sdelay $0x3  }
0x94: {  	_ =	strace s3  }
0x95: {  	s3 =	sld [smem:$0x3FFD];
	_ =	sdelay $0x3  }
0x96: {  	_ =	strace s3  }
0x97: {  	_ =	strace $0x8FFFFFFF  }
0x98: {  	s19 =	sld [smem:$0x3FDB];
	_ =	sdelay $0x1  }
0x99: {  	s4 =	simm.s32 $_scs_section_size  }
0x9a: {  	s5 =	simm.s32 $_size__tile_overlayer_lowered;
	s6 =	simm.s32 $_tile_overlayer_lowered  }
0x9b: {  	s22 =	simm.s32 $0x1BFF;
	s21 =	sshll.u32 s6, $0x1;
	s3 =	sadd.s32 s4, s19  }
0x9c: {  	s7 =	simm.s32 $0x0;
	s20 =	sshll.u32 s5, $0x1;
	s5 =	sadd.s32 s21, s3  }
0x9d: {  	[timem:s7], [sflag:s22] =	dma.local [hbm:s5], s20  }
0x9e: {  	_ =	swait.ge [sflag:s22], s20  }
0x9f: {  	s4 =	ssub.s32 $0x0, s20;
	[sflag:s22] =	ssyncset.done $0x0  }
0xa0: {  	[sflag:s22] =	ssyncadd.s32 s4;
	_ =	sdelay $0x1  }
0xa1: {  	s23 =	simm.s32 $0x1B8B  }
0xa2: {  	_ =	swait.ge [sflag:s23], $0x1  }
0xa3: {  	[sflag:s23] =	ssyncset.done $0x0  }
0xa4: {  	s25 =	simm.s32 $0x1B8E;
	s24 =	sld [smem:$0x3FFE];
	[sflag:s23] =	ssyncadd.s32 $0xFFFFFFFF  }
0xa5: {  	s26 =	simm.s32 $execute0_lowered;
	[smem:$0x3FD2] =	sst s25  }
0xa6: {  	s5 =	sshll.u32 s26, $0x1;
	_ =	strace $0x80000046;
	[dreg:$0x1] =	wrdreg $0xFFFFFFFF  }
0xa7: {  	s28 =	simm.s32 $_size_execute0_lowered;
	s3 =	sadd.s32 s3, s5;
	[dreg:$0x0] =	wrdreg $0x0  }
0xa8: {  	s5 =	sshll.u32 s28, $0x1;
	[dreg:$0x2] =	wrdreg s3  }
0xa9: {  	[dreg:$0x3] =	wrdreg s5  }
0xaa: {  	[dreg:$0x4] =	wrdreg $0xC0  }
0xab: {  	_ =	task [dreg:s7], $0x5FFFF  }
0xac: {  	[dreg:$0x1] =	wrdreg $0xFFFFFFFF  }
0xad: {  	[dreg:$0x0] =	wrdreg $0x60  }
0xae: {  	[dreg:$0x2] =	wrdreg s24  }
0xaf: {  	[dreg:$0x3] =	wrdreg s2  }
0xb0: {  	[dreg:$0x4] =	wrdreg $0x9  }
0xb1: {  	_ =	task.clear_ibuf [dreg:s7], $0x5FFFF;
	_ =	strace $0x90000046  }
0xb2: {  	s29 =	simm.s32 $0x9;
	_ =	strace $0x80000048  }
0xb3: {  	_ =	swait.ge [sflag:s29], $0x1  }
0xb4: {  	[sflag:s29] =	ssyncadd.s32 $0xFFFFFFFF  }
0xb5: {  	_ =	strace $0x90000048  }
0xb6: {  	_ =	sfence  }
0xb7: {  	s30 =	sld [smem:$0x0];
	_ =	sdelay $0x2  }
0xb8: {  	s31 =	sshll.u32 s1, $0xD;
	s1 =	sshrl.u32 s1, $0x2  }
0xb9: {  	s3 =	sand.u32 $0x4000, s31;
	s1 =	sadd.s32 s1, s30  }
0xba: {  	s0 =	sor.u32 s3, s0;
	s1 =	sshll.u32 s1, $0x11  }
0xbb: {  	s0 =	sor.u32 s1, s0  }
0xbc: {  	s0 =	sadd.s32 $0x8F2B, s0  }
0xbd: {  	[sflag:s0] =	ssyncadd.remote.s32 $0x1  }
0xbe: {  	_ =	sfence.sel $0xFFFF  }
0xbf: {  	[dreg:$0x0] =	wrdreg $0xFFFFFFFF;
	(pc) =	sbr.abs _section_cstart, $3  }
0xc0: {  	[dreg:$0x1] =	wrdreg $0xFFFFFFFF  }
0xc1: {  	_ =	task.clear_ibuf [dreg:s7], $0x2FFFF;
	_ =	strace $0x9FFFFFFF  }
0xc2: {  	(tm) =	ssettm $0x7FFFFFFF  }
0xc3: {  	_ =	shalt  }
tec
execute0_lowered:
.L_overlay_start_1:
0x0: {  	(tag) =	ssettag $0x1  }
0x1: {  	s0 =	rddreg [dreg:$0x0]  }
0x2: {  	s1 =	rddreg [dreg:$0x1];
	s2 =	srdreg.scid  }
0x3: {  	s3 =	stileid.u32;
	s15 =	simm.s32 $0x0;
	s11 =	simm.s32 $0x400  }
0x4: {  	s12 =	simm.s32 $0x8400;
	s13 =	simm.s32 $0x4400;
	s14 =	simm.s32 $0xC400  }
0x5: {  	s2 =	sand.u32 $0x1, s2;
	s3 =	sshll.u32 s3, $0x1;
	[smem:$0x7FF] =	sst s15  }
0x6: {  	s4 =	sadd.s32 $0xF43800, s0;
	s5 =	sor.u32 s2, s3;
	_ =	strace $0x80000047  }
0x7: {  	s2 =	ssub.s32 $0x2, s2;
	s3 =	sshll.u32 s5, $0x7;
	s30 =	sshll.u32 s5, $0x6  }
0x8: {  	s7 =	sshrl.u32 s2, $0x1;
	s6 =	sadd.s32 s3, s0;
	s1 =	sadd.s32 s1, s30  }
0x9: {  	s29 =	ssub.s32 s2, s7;
	s31 =	sadd.s32 $0x400, s6;
	[smem:$0x7FC] =	sst s1  }
0xa: {  	v0 =	vlaneseq.u32;
	s3 =	sadd.s32 $0x1400, s0;
	s0 =	smax.u32 s29, $0x1;
	[smem:$0x7FB] =	sst s31  }
0xb: {  	v1 =	vmul.u32 $0x80, v0;
	s2 =	simm.s32 $0x0;
	s1 =	simm.s32 $0x3;
	[smem:$0x7FD] =	sst s0  }
.LBB2_1:
0xc: {  	s0 =	sld [smem:$0x7FB];
	_ =	sdelay $0x1  }
0xd: {  	[smem:$0x7FA] =	sst s2  }
0xe: {  	[tilespmem:s15], [sflag:$0x3] =	stream.linear.gather [hbm4b:s0+s15], $0x400, $0x38;
	[tilespmem:$0x10600] =	vst v63  }
0xf: {  	_ =	swait.ge [sflag:s1], $0x400  }
0x10: {  	[sflag:s1] =	ssyncset.done $0x0  }
0x11: {  	s28 =	simm.s32 $0x10;
	[sflag:s1] =	ssyncadd.s32 $0xFFFFFC00  }
0x12: {  	v2 =	vld [tilespmem:s28+$0xFFFFFFF0];
	_ =	sdelay $0x4  }
0x13: {  	v2 =	vshll.u32 v2, $0x4  }
0x14: {  	(v2sf) =	vpush v2, $0x2  }
0x15: {  	(v2sf) =	vpush v2, $0x0  }
0x16: {  	(v2sf) =	vpush v2, $0x1;
	_ =	sdelay $0x2  }
0x17: {  	(v2sf) =	vpush v2, $0x3;
	_ =	sdelay $0x1  }
0x18: {  	(v2sf) =	vpush v2, $0x4;
	_ =	sdelay $0x1  }
0x19: {  	(v2sf) =	vpush v2, $0x5;
	_ =	sdelay $0x1  }
0x1a: {  	(v2sf) =	vpush v2, $0x6  }
0x1b: {  	s18 =	simm.s32 $0x2000  }
0x1c: {  	s17 =	simm.s32 $0x0;
	s16 =	simm.s32 $0x980;
	s30 =	simm.s32 $0x400  }
0x1d: {  	s5 =	simm.s32 $0x8400;
	s7 =	simm.s32 $0x480;
	s8 =	simm.s32 $0x8580  }
0x1e: {  	s31 =	simm.s32 $0x580;
	s20 =	simm.s32 $0x8500;
	s29 =	spop (v2sf);
	(v2sf) =	vpush v2, $0x7  }
0x1f: {  	s21 =	simm.s32 $0x500;
	s23 =	simm.s32 $0x8480;
	s6 =	spop (v2sf)  }
0x20: {  	s19 =	simm.s32 $0x30;
	(v2sf) =	vpush v2, $0x8;
	s6 =	sand.u32 $0x1FFFFFF0, s6;
	s9 =	spop (v2sf)  }
0x21: {  	s2 =	simm.s32 $0x8680;
	(v2sf) =	vpush v2, $0x9;
	s6 =	sadd.s32 s3, s6;
	s9 =	sand.u32 $0x1FFFFFF0, s9  }
0x22: {  	v3 =	vld [tilespmem:s28+$0x0];
	[tilespmem:s30], [sflag:$0x1] =	stream.linear.gather [hbm4b:s6+s15], $0x80, $0x38  }
0x23: {  	s1 =	sand.u32 $0x1FFFFFF0, s29;
	s10 =	spop (v2sf);
	s9 =	sadd.s32 s4, s9  }
0x24: {  	(v2sf) =	vpush v2, $0xA;
	[tilespmem:s5], [sflag:$0x2] =	stream.linear.gather [hbm4b:s9+s15], $0x80, $0x38;
	[tilespmem:$0x10600] =	vst v63  }
0x25: {  	s1 =	sadd.s32 s3, s1;
	s22 =	sand.u32 $0x1FFFFFF0, s10;
	(v2sf) =	vpush v2, $0xB;
	s24 =	spop (v2sf)  }
0x26: {  	[tilespmem:s7], [sflag:$0x1] =	stream.linear.gather [hbm4b:s1+s15], $0x80, $0x38;
	[tilespmem:$0x10600] =	vst v63  }
0x27: {  	(v2sf) =	vpush v2, $0xC;
	s25 =	sand.u32 $0x1FFFFFF0, s24;
	s26 =	spop (v2sf);
	s9 =	sadd.s32 s4, s22  }
0x28: {  	(v2sf) =	vpush v2, $0xD;
	[tilespmem:s23], [sflag:$0x2] =	stream.linear.gather [hbm4b:s9+s15], $0x80, $0x38;
	[tilespmem:$0x10600] =	vst v63  }
0x29: {  	v3 =	vshll.u32 v3, $0x4;
	s28 =	spop (v2sf);
	s7 =	sand.u32 $0x1FFFFFF0, s26;
	s1 =	sadd.s32 s3, s25  }
0x2a: {  	(v2sf) =	vpush v3, $0x0;
	[tilespmem:s21], [sflag:$0x1] =	stream.linear.gather [hbm4b:s1+s15], $0x80, $0x38;
	[tilespmem:$0x10600] =	vst v63  }
0x2b: {  	s0 =	simm.s32 $0x700;
	s29 =	sand.u32 $0x1FFFFFF0, s28;
	s7 =	sadd.s32 s4, s7  }
0x2c: {  	[tilespmem:s20], [sflag:$0x2] =	stream.linear.gather [hbm4b:s7+s15], $0x80, $0x38;
	[tilespmem:$0x10600] =	vst v63  }
0x2d: {  	s6 =	simm.s32 $0x600;
	(v2sf) =	vpush v2, $0xE;
	s5 =	sadd.s32 s3, s29;
	s30 =	spop (v2sf)  }
0x2e: {  	[tilespmem:s31], [sflag:$0x1] =	stream.linear.gather [hbm4b:s5+s15], $0x80, $0x38;
	[tilespmem:$0x10600] =	vst v63  }
0x2f: {  	s24 =	simm.s32 $0x680;
	s31 =	sand.u32 $0x1FFFFFF0, s30;
	s9 =	spop (v2sf)  }
0x30: {  	s22 =	simm.s32 $0x8600;
	s10 =	spop (v2sf);
	s5 =	sadd.s32 s4, s31  }
0x31: {  	(v2sf) =	vpush v3, $0x1;
	[tilespmem:s8], [sflag:$0x2] =	stream.linear.gather [hbm4b:s5+s15], $0x80, $0x38;
	[tilespmem:$0x10600] =	vst v63  }
0x32: {  	s1 =	simm.s32 $0x8700;
	s7 =	sand.u32 $0x1FFFFFF0, s9;
	s20 =	sand.u32 $0x1FFFFFF0, s10  }
0x33: {  	(v2sf) =	vpush v2, $0xF;
	s21 =	spop (v2sf);
	s7 =	sadd.s32 s3, s7;
	s8 =	simm.s32 $0xB00  }
0x34: {  	s23 =	spop (v2sf);
	s5 =	sadd.s32 s4, s20;
	s25 =	sand.u32 $0x1FFFFFF0, s21  }
0x35: {  	(v2sf) =	vpush v3, $0x2;
	[tilespmem:s6], [sflag:$0x1] =	stream.linear.gather [hbm4b:s7+s15], $0x80, $0x38;
	[tilespmem:$0x10600] =	vst v63  }
0x36: {  	(v2sf) =	vpush v3, $0x3;
	s26 =	spop (v2sf);
	s7 =	sand.u32 $0x1FFFFFF0, s23;
	s6 =	sadd.s32 s3, s25  }
0x37: {  	s23 =	simm.s32 $0x780;
	s28 =	spop (v2sf);
	s29 =	sand.u32 $0x1FFFFFF0, s26  }
0x38: {  	(v2sf) =	vpush v3, $0x4;
	[tilespmem:s22], [sflag:$0x2] =	stream.linear.gather [hbm4b:s5+s15], $0x80, $0x38;
	[tilespmem:$0x10600] =	vst v63  }
0x39: {  	s30 =	sadd.s32 s4, s7;
	s31 =	spop (v2sf);
	s9 =	sand.u32 $0x1FFFFFF0, s28  }
0x3a: {  	(v2sf) =	vpush v3, $0x5;
	s5 =	sadd.s32 s3, s29;
	s28 =	simm.s32 $0x8780;
	s29 =	simm.s32 $0x800  }
0x3b: {  	[tilespmem:s24], [sflag:$0x1] =	stream.linear.gather [hbm4b:s6+s15], $0x80, $0x38;
	[tilespmem:$0x10600] =	vst v63  }
0x3c: {  	s10 =	spop (v2sf);
	s20 =	sadd.s32 s4, s9;
	s9 =	simm.s32 $0x8A80  }
0x3d: {  	[tilespmem:s2], [sflag:$0x2] =	stream.linear.gather [hbm4b:s30+s15], $0x80, $0x38;
	[tilespmem:$0x10600] =	vst v63  }
0x3e: {  	(v2sf) =	vpush v3, $0x6;
	s21 =	sand.u32 $0x1FFFFFF0, s10;
	s10 =	simm.s32 $0xA80;
	s30 =	sand.u32 $0x1FFFFFF0, s31  }
0x3f: {  	[tilespmem:s0], [sflag:$0x1] =	stream.linear.gather [hbm4b:s5+s15], $0x80, $0x38;
	[tilespmem:$0x10600] =	vst v63  }
0x40: {  	s24 =	sadd.s32 s3, s21;
	s2 =	sadd.s32 s3, s30;
	s22 =	spop (v2sf)  }
0x41: {  	[tilespmem:s1], [sflag:$0x2] =	stream.linear.gather [hbm4b:s20+s15], $0x80, $0x38;
	[tilespmem:$0x10600] =	vst v63  }
0x42: {  	(v2sf) =	vpush v3, $0x7;
	s30 =	simm.s32 $0x8900;
	s20 =	simm.s32 $0x880;
	s25 =	spop (v2sf)  }
0x43: {  	[tilespmem:s23], [sflag:$0x1] =	stream.linear.gather [hbm4b:s24+s15], $0x80, $0x38;
	[tilespmem:$0x10600] =	vst v63  }
0x44: {  	(v2sf) =	vpush v3, $0x8;
	s5 =	sand.u32 $0x1FFFFFF0, s22;
	s26 =	sand.u32 $0x1FFFFFF0, s25;
	s31 =	spop (v2sf)  }
0x45: {  	s22 =	simm.s32 $0x8880;
	s0 =	sadd.s32 s4, s26;
	s21 =	spop (v2sf)  }
0x46: {  	[tilespmem:s28], [sflag:$0x2] =	stream.linear.gather [hbm4b:s0+s15], $0x80, $0x38;
	[tilespmem:$0x10600] =	vst v63  }
0x47: {  	s5 =	sadd.s32 s4, s5;
	s7 =	sand.u32 $0x1FFFFFF0, s31;
	s24 =	spop (v2sf)  }
0x48: {  	[tilespmem:s29], [sflag:$0x1] =	stream.linear.gather [hbm4b:s2+s15], $0x80, $0x38;
	[tilespmem:$0x10600] =	vst v63  }
0x49: {  	s0 =	simm.s32 $0x900;
	s2 =	simm.s32 $0x8800;
	s25 =	spop (v2sf)  }
0x4a: {  	[tilespmem:s2], [sflag:$0x2] =	stream.linear.gather [hbm4b:s5+s15], $0x80, $0x38;
	[tilespmem:$0x10600] =	vst v63  }
0x4b: {  	s23 =	sand.u32 $0x1FFFFFF0, s21;
	s26 =	sand.u32 $0x1FFFFFF0, s25;
	s2 =	sadd.s32 s3, s7  }
0x4c: {  	[tilespmem:s20], [sflag:$0x1] =	stream.linear.gather [hbm4b:s2+s15], $0x80, $0x38;
	[tilespmem:$0x10600] =	vst v63  }
0x4d: {  	(v2sf) =	vpush v3, $0x9;
	s29 =	spop (v2sf);
	s5 =	sand.u32 $0x1FFFFFF0, s24;
	s2 =	sadd.s32 s4, s23  }
0x4e: {  	(v2sf) =	vpush v3, $0xA;
	[tilespmem:s22], [sflag:$0x2] =	stream.linear.gather [hbm4b:s2+s15], $0x80, $0x38;
	[tilespmem:$0x10600] =	vst v63  }
0x4f: {  	s25 =	simm.s32 $0x8A00;
	s24 =	simm.s32 $0xA00;
	(v2sf) =	vpush v3, $0xB;
	s28 =	sadd.s32 s3, s5  }
0x50: {  	(v2sf) =	vpush v3, $0xC;
	[tilespmem:s0], [sflag:$0x1] =	stream.linear.gather [hbm4b:s28+s15], $0x80, $0x38;
	[tilespmem:$0x10600] =	vst v63  }
0x51: {  	s1 =	sadd.s32 s4, s26;
	s31 =	spop (v2sf);
	(v2sf) =	vpush v3, $0xD;
	s0 =	sand.u32 $0x1FFFFFF0, s29  }
0x52: {  	(v2sf) =	vpush v3, $0xE;
	[tilespmem:s30], [sflag:$0x2] =	stream.linear.gather [hbm4b:s1+s15], $0x80, $0x38;
	[tilespmem:$0x10600] =	vst v63  }
0x53: {  	(v2sf) =	vpush v3, $0xF;
	s2 =	sadd.s32 s3, s0;
	s0 =	spop (v2sf);
	s1 =	sand.u32 $0x1FFFFFF0, s31  }
.LBB2_2:
0x54: {  	_ =	sdelay $0x2  }
0x55: {  	[tilespmem:s16], [sflag:$0x1] =	stream.linear.gather [hbm4b:s2+s15], $0x80, $0x38;
	[tilespmem:$0x10600] =	vst v63  }
0x56: {  	s5 =	sadd.s32 $0x8980, s17;
	s6 =	sand.u32 $0x1FFFFFF0, s0;
	s1 =	sadd.s32 s4, s1  }
0x57: {  	[tilespmem:s5], [sflag:$0x2] =	stream.linear.gather [hbm4b:s1+s15], $0x80, $0x38;
	[tilespmem:$0x10600] =	vst v63  }
0x58: {  	s21 =	sadd.s32 s3, s6  }
0x59: {  	[tilespmem:s24], [sflag:$0x1] =	stream.linear.gather [hbm4b:s21+s15], $0x80, $0x38;
	[tilespmem:$0x10600] =	vst v63  }
0x5a: {  	s7 =	spop (v2sf)  }
0x5b: {  	s20 =	spop (v2sf)  }
0x5c: {  	s16 =	sand.u32 $0x1FFFFFF0, s7;
	s23 =	spop (v2sf)  }
0x5d: {  	s22 =	sand.u32 $0x1FFFFFF0, s20;
	s24 =	sadd.s32 s4, s16;
	s26 =	sand.u32 $0x1FFFFFF0, s23  }
0x5e: {  	[tilespmem:s25], [sflag:$0x2] =	stream.linear.gather [hbm4b:s24+s15], $0x80, $0x38;
	[tilespmem:$0x10600] =	vst v63  }
0x5f: {  	s28 =	spop (v2sf);
	s29 =	sadd.s32 s3, s22;
	s23 =	sadd.s32 $0x8B00, s17  }
0x60: {  	[tilespmem:s10], [sflag:$0x1] =	stream.linear.gather [hbm4b:s29+s15], $0x80, $0x38;
	[tilespmem:$0x10600] =	vst v63  }
0x61: {  	s30 =	sand.u32 $0x1FFFFFF0, s28;
	s31 =	spop (v2sf);
	s7 =	sadd.s32 s4, s26  }
0x62: {  	[tilespmem:s9], [sflag:$0x2] =	stream.linear.gather [hbm4b:s7+s15], $0x80, $0x38;
	[tilespmem:$0x10600] =	vst v63  }
0x63: {  	s10 =	sand.u32 $0x1FFFFFF0, s31;
	s16 =	spop (v2sf);
	s20 =	sadd.s32 s3, s30  }
0x64: {  	[tilespmem:s8], [sflag:$0x1] =	stream.linear.gather [hbm4b:s20+s15], $0x80, $0x38;
	[tilespmem:$0x10600] =	vst v63  }
0x65: {  	s21 =	sand.u32 $0x1FFFFFF0, s16;
	s22 =	spop (v2sf);
	s2 =	sadd.s32 s4, s10  }
0x66: {  	[tilespmem:s23], [sflag:$0x2] =	stream.linear.gather [hbm4b:s2+s15], $0x80, $0x38;
	[tilespmem:$0x10600] =	vst v63  }
0x67: {  	s24 =	sadd.s32 $0xB80, s17;
	s6 =	sand.u32 $0x1FFFFFF0, s22;
	s25 =	sadd.s32 s3, s21  }
0x68: {  	[tilespmem:s24], [sflag:$0x1] =	stream.linear.gather [hbm4b:s25+s15], $0x80, $0x38;
	[tilespmem:$0x10600] =	vst v63  }
0x69: {  	s26 =	sadd.s32 $0x8B80, s17;
	s28 =	sadd.s32 s4, s6  }
0x6a: {  	[tilespmem:s26], [sflag:$0x2] =	stream.linear.gather [hbm4b:s28+s15], $0x80, $0x38;
	[tilespmem:$0x10600] =	vst v63  }
0x6b: {  	v2 =	vld [tilespmem:s19+$0xFFFFFFF0];
	_ =	sdelay $0x4  }
0x6c: {  	v3 =	vshll.u32 v2, $0x4  }
0x6d: {  	(v2sf) =	vpush v3, $0x2  }
0x6e: {  	(v2sf) =	vpush v3, $0x0  }
0x6f: {  	s0 =	smov.u32 s18;
	(v2sf) =	vpush v3, $0x1  }
0x70: {  	p0 =	sne.s32 s18, $0xE000;
	s18 =	sadd.s32 $0x2000, s18;
	s17 =	sshra.s32 s0, $0x2;
	(v2sf) =	vpush v3, $0x3  }
0x71: {  	s1 =	simm.s32 $0x0;
	s0 =	sadd.s32 $0x980, s17;
	s31 =	sadd.s32 $0x480, s17  }
0x72: {  	s5 =	sadd.s32 $0xA80, s17;
	s29 =	sadd.s32 $0x8A80, s17;
	[smem:$0x7F7] =	sst s0;
	(v2sf) =	vpush v3, $0x4  }
0x73: {  	s30 =	sadd.s32 $0xB00, s17;
	s0 =	sadd.s32 $0x8400, s17;
	[smem:$0x7F8] =	sst s29  }
0x74: {  	s10 =	sadd.s32 $0x580, s17;
	s16 =	sadd.s32 $0x8500, s17;
	[dreg:$0xa] =	wrdreg s30;
	(v2sf) =	vpush v3, $0x5  }
0x75: {  	s21 =	sadd.s32 $0x400, s17;
	s7 =	sadd.s32 $0x8580, s17;
	s9 =	sadd.s32 $0x880, s17  }
0x76: {  	s22 =	sadd.s32 $0x780, s17;
	s6 =	sadd.s32 $0x8800, s17;
	[dreg:$0x8] =	wrdreg s9;
	(v2sf) =	vpush v3, $0x6  }
0x77: {  	[smem:$0x7F9] =	sst s22;
	s9 =	sadd.s32 $0x8680, s17;
	s8 =	sadd.s32 $0x600, s17  }
0x78: {  	s20 =	sadd.s32 $0x500, s17;
	[dreg:$0x9] =	wrdreg s6;
	s2 =	sadd.s32 $0x900, s17;
	(v2sf) =	vpush v3, $0x7  }
0x79: {  	s6 =	sadd.s32 $0x8700, s17;
	s23 =	sadd.s32 $0x800, s17;
	[dreg:$0x3] =	wrdreg s2  }
0x7a: {  	[dreg:$0x14] =	wrdreg s23;
	s2 =	sadd.s32 $0x700, s17;
	s24 =	sadd.s32 $0xA00, s17;
	(v2sf) =	vpush v3, $0x8  }
0x7b: {  	s25 =	sadd.s32 $0x8A00, s17;
	s28 =	sadd.s32 $0x8480, s17;
	s15 =	sadd.s32 $0x8880, s17  }
0x7c: {  	[dreg:$0x4] =	wrdreg s15;
	s15 =	sadd.s32 $0x680, s17;
	s26 =	spop (v2sf);
	(v2sf) =	vpush v3, $0x9  }
0x7d: {  	v2 =	vld [tilespmem:s19+$0x0];
	s19 =	sadd.s32 $0x20, s19;
	s26 =	sand.u32 $0x1FFFFFF0, s26;
	s30 =	spop (v2sf)  }
0x7e: {  	s29 =	sand.u32 $0x1FFFFFF0, s30;
	s30 =	sadd.s32 $0x8600, s17;
	s22 =	spop (v2sf);
	(v2sf) =	vpush v3, $0xA  }
0x7f: {  	s29 =	sadd.s32 s3, s29;
	s22 =	sand.u32 $0x1FFFFFF0, s22;
	s23 =	spop (v2sf)  }
0x80: {  	(v2sf) =	vpush v3, $0xB;
	[tilespmem:s21], [sflag:$0x1] =	stream.linear.gather [hbm4b:s29+s1], $0x80, $0x38;
	[tilespmem:$0x10600] =	vst v63  }
0x81: {  	s26 =	sadd.s32 s3, s26;
	s21 =	sadd.s32 s4, s22;
	s29 =	spop (v2sf);
	(v2sf) =	vpush v3, $0xC  }
0x82: {  	[tilespmem:s0], [sflag:$0x2] =	stream.linear.gather [hbm4b:s21+s1], $0x80, $0x38;
	[tilespmem:$0x10600] =	vst v63  }
0x83: {  	s22 =	sand.u32 $0x1FFFFFF0, s23;
	s21 =	sand.u32 $0x1FFFFFF0, s29;
	s29 =	spop (v2sf);
	(v2sf) =	vpush v3, $0xD  }
0x84: {  	[tilespmem:s31], [sflag:$0x1] =	stream.linear.gather [hbm4b:s26+s1], $0x80, $0x38;
	[tilespmem:$0x10600] =	vst v63  }
0x85: {  	s31 =	sadd.s32 s4, s22;
	s22 =	sand.u32 $0x1FFFFFF0, s29;
	s26 =	spop (v2sf)  }
0x86: {  	[tilespmem:s28], [sflag:$0x2] =	stream.linear.gather [hbm4b:s31+s1], $0x80, $0x38;
	[tilespmem:$0x10600] =	vst v63  }
0x87: {  	v2 =	vshll.u32 v2, $0x4;
	s29 =	sand.u32 $0x1FFFFFF0, s26;
	s28 =	sadd.s32 s3, s21;
	s31 =	spop (v2sf)  }
0x88: {  	(v2sf) =	vpush v2, $0x0;
	[tilespmem:s20], [sflag:$0x1] =	stream.linear.gather [hbm4b:s28+s1], $0x80, $0x38;
	[tilespmem:$0x10600] =	vst v63  }
0x89: {  	s22 =	sadd.s32 s4, s22;
	s26 =	sand.u32 $0x1FFFFFF0, s31;
	s28 =	spop (v2sf)  }
0x8a: {  	(v2sf) =	vpush v3, $0xE;
	[tilespmem:s16], [sflag:$0x2] =	stream.linear.gather [hbm4b:s22+s1], $0x80, $0x38;
	[tilespmem:$0x10600] =	vst v63  }
0x8b: {  	s29 =	sadd.s32 s3, s29;
	s23 =	sadd.s32 s4, s26;
	s22 =	spop (v2sf)  }
0x8c: {  	(v2sf) =	vpush v2, $0x1;
	[tilespmem:s10], [sflag:$0x1] =	stream.linear.gather [hbm4b:s29+s1], $0x80, $0x38;
	[tilespmem:$0x10600] =	vst v63  }
0x8d: {  	s31 =	sand.u32 $0x1FFFFFF0, s28;
	s16 =	sld [smem:$0x7F7];
	s28 =	spop (v2sf)  }
0x8e: {  	(v2sf) =	vpush v3, $0xF;
	[tilespmem:s7], [sflag:$0x2] =	stream.linear.gather [hbm4b:s23+s1], $0x80, $0x38;
	[tilespmem:$0x10600] =	vst v63  }
0x8f: {  	s26 =	sand.u32 $0x1FFFFFF0, s22;
	s29 =	sadd.s32 s3, s31;
	s20 =	spop (v2sf)  }
0x90: {  	s10 =	smov.u32 s5;
	s21 =	sadd.s32 s4, s26;
	s23 =	spop (v2sf)  }
0x91: {  	(v2sf) =	vpush v2, $0x2;
	[tilespmem:s8], [sflag:$0x1] =	stream.linear.gather [hbm4b:s29+s1], $0x80, $0x38;
	[tilespmem:$0x10600] =	vst v63  }
0x92: {  	s31 =	sand.u32 $0x1FFFFFF0, s28;
	(v2sf) =	vpush v2, $0x3;
	s22 =	sand.u32 $0x1FFFFFF0, s20;
	s29 =	spop (v2sf)  }
0x93: {  	[tilespmem:s30], [sflag:$0x2] =	stream.linear.gather [hbm4b:s21+s1], $0x80, $0x38;
	[tilespmem:$0x10600] =	vst v63  }
0x94: {  	(v2sf) =	vpush v2, $0x4;
	s26 =	sadd.s32 s3, s31;
	s28 =	sand.u32 $0x1FFFFFF0, s23;
	s31 =	sand.u32 $0x1FFFFFF0, s29  }
0x95: {  	s20 =	sadd.s32 s3, s28;
	s30 =	sadd.s32 s4, s22;
	s22 =	sadd.s32 s4, s31  }
0x96: {  	(v2sf) =	vpush v2, $0x5;
	[tilespmem:s15], [sflag:$0x1] =	stream.linear.gather [hbm4b:s26+s1], $0x80, $0x38;
	[tilespmem:$0x10600] =	vst v63  }
0x97: {  	s31 =	sld [smem:$0x7F9];
	s15 =	simm.s32 $0x0;
	s1 =	spop (v2sf)  }
0x98: {  	[tilespmem:s9], [sflag:$0x2] =	stream.linear.gather [hbm4b:s30+s15], $0x80, $0x38;
	[tilespmem:$0x10600] =	vst v63  }
0x99: {  	s7 =	sand.u32 $0x1FFFFFF0, s1;
	s21 =	spop (v2sf);
	s1 =	sadd.s32 $0x8780, s17  }
0x9a: {  	[tilespmem:s2], [sflag:$0x1] =	stream.linear.gather [hbm4b:s20+s15], $0x80, $0x38;
	[tilespmem:$0x10600] =	vst v63  }
0x9b: {  	s23 =	sand.u32 $0x1FFFFFF0, s21;
	s9 =	sld [smem:$0x7F8];
	s26 =	spop (v2sf)  }
0x9c: {  	(v2sf) =	vpush v2, $0x6;
	[tilespmem:s6], [sflag:$0x2] =	stream.linear.gather [hbm4b:s22+s15], $0x80, $0x38;
	[tilespmem:$0x10600] =	vst v63  }
0x9d: {  	(v2sf) =	vpush v2, $0x7;
	s28 =	sadd.s32 s3, s23;
	s29 =	sand.u32 $0x1FFFFFF0, s26;
	s30 =	spop (v2sf)  }
0x9e: {  	s26 =	rddreg [dreg:$0x14];
	s22 =	sadd.s32 s3, s7;
	s8 =	sand.u32 $0x1FFFFFF0, s30  }
0x9f: {  	(v2sf) =	vpush v2, $0x8;
	[tilespmem:s31], [sflag:$0x1] =	stream.linear.gather [hbm4b:s28+s15], $0x80, $0x38;
	[tilespmem:$0x10600] =	vst v63  }
0xa0: {  	s20 =	spop (v2sf);
	s5 =	sadd.s32 s4, s8;
	s8 =	rddreg [dreg:$0xa]  }
0xa1: {  	s28 =	sadd.s32 s4, s29;
	s31 =	rddreg [dreg:$0x9];
	s21 =	spop (v2sf)  }
0xa2: {  	[tilespmem:s1], [sflag:$0x2] =	stream.linear.gather [hbm4b:s5+s15], $0x80, $0x38;
	[tilespmem:$0x10600] =	vst v63  }
0xa3: {  	s6 =	sand.u32 $0x1FFFFFF0, s20;
	s5 =	sand.u32 $0x1FFFFFF0, s21;
	s23 =	spop (v2sf)  }
0xa4: {  	[tilespmem:s26], [sflag:$0x1] =	stream.linear.gather [hbm4b:s22+s15], $0x80, $0x38;
	[tilespmem:$0x10600] =	vst v63  }
0xa5: {  	s7 =	sadd.s32 s3, s6;
	s30 =	spop (v2sf);
	s22 =	rddreg [dreg:$0x8]  }
0xa6: {  	[tilespmem:s31], [sflag:$0x2] =	stream.linear.gather [hbm4b:s28+s15], $0x80, $0x38;
	[tilespmem:$0x10600] =	vst v63  }
0xa7: {  	s29 =	sand.u32 $0x1FFFFFF0, s23;
	s20 =	sand.u32 $0x1FFFFFF0, s30;
	s30 =	rddreg [dreg:$0x3]  }
0xa8: {  	[tilespmem:s22], [sflag:$0x1] =	stream.linear.gather [hbm4b:s7+s15], $0x80, $0x38;
	[tilespmem:$0x10600] =	vst v63  }
0xa9: {  	(v2sf) =	vpush v2, $0x9;
	s23 =	sadd.s32 s4, s5;
	s29 =	sadd.s32 s3, s29;
	s28 =	rddreg [dreg:$0x4]  }
0xaa: {  	(v2sf) =	vpush v2, $0xA;
	[tilespmem:s28], [sflag:$0x2] =	stream.linear.gather [hbm4b:s23+s15], $0x80, $0x38;
	[tilespmem:$0x10600] =	vst v63  }
.Ltmp0:
0xab: {  	(v2sf) =	vpush v2, $0xB;
	s31 =	sadd.s32 $0x8900, s17;
	s21 =	spop (v2sf);
	(pc) =	sbr.rel @p0 .LBB2_2-.Ltmp0, $4  }
0xac: {  	(v2sf) =	vpush v2, $0xC;
	s6 =	sadd.s32 s4, s20;
	s2 =	sand.u32 $0x1FFFFFF0, s21;
	s26 =	spop (v2sf)  }
0xad: {  	(v2sf) =	vpush v2, $0xD;
	[tilespmem:s30], [sflag:$0x1] =	stream.linear.gather [hbm4b:s29+s15], $0x80, $0x38;
	[tilespmem:$0x10600] =	vst v63  }
0xae: {  	(v2sf) =	vpush v2, $0xE;
	s2 =	sadd.s32 s3, s2;
	s1 =	sand.u32 $0x1FFFFFF0, s26;
	s0 =	spop (v2sf)  }
0xaf: {  	(v2sf) =	vpush v2, $0xF;
	[tilespmem:s31], [sflag:$0x2] =	stream.linear.gather [hbm4b:s6+s15], $0x80, $0x38;
	[tilespmem:$0x10600] =	vst v63  }
0xb0: {  	_ =	sdelay $0x2  }
0xb1: {  	[tilespmem:s16], [sflag:$0x1] =	stream.linear.gather [hbm4b:s2+s15], $0x80, $0x38;
	[tilespmem:$0x10600] =	vst v63  }
0xb2: {  	s5 =	sadd.s32 $0x8980, s17;
	s0 =	sand.u32 $0x1FFFFFF0, s0;
	s1 =	sadd.s32 s4, s1  }
0xb3: {  	[tilespmem:s5], [sflag:$0x2] =	stream.linear.gather [hbm4b:s1+s15], $0x80, $0x38;
	[tilespmem:$0x10600] =	vst v63  }
0xb4: {  	s0 =	sadd.s32 s3, s0  }
0xb5: {  	[tilespmem:s24], [sflag:$0x1] =	stream.linear.gather [hbm4b:s0+s15], $0x80, $0x38;
	[tilespmem:$0x10600] =	vst v63  }
0xb6: {  	s6 =	spop (v2sf)  }
0xb7: {  	s21 =	spop (v2sf)  }
0xb8: {  	s22 =	sand.u32 $0x1FFFFFF0, s6;
	s23 =	spop (v2sf)  }
0xb9: {  	s24 =	sand.u32 $0x1FFFFFF0, s21;
	s1 =	sadd.s32 s4, s22;
	s26 =	spop (v2sf)  }
0xba: {  	[tilespmem:s25], [sflag:$0x2] =	stream.linear.gather [hbm4b:s1+s15], $0x80, $0x38;
	[tilespmem:$0x10600] =	vst v63  }
0xbb: {  	s28 =	sand.u32 $0x1FFFFFF0, s23;
	s0 =	sadd.s32 s3, s24;
	s29 =	spop (v2sf)  }
0xbc: {  	[tilespmem:s10], [sflag:$0x1] =	stream.linear.gather [hbm4b:s0+s15], $0x80, $0x38;
	[tilespmem:$0x10600] =	vst v63  }
0xbd: {  	s2 =	sand.u32 $0x1FFFFFF0, s26;
	s1 =	sadd.s32 s4, s28;
	s6 =	spop (v2sf)  }
0xbe: {  	[tilespmem:s9], [sflag:$0x2] =	stream.linear.gather [hbm4b:s1+s15], $0x80, $0x38;
	[tilespmem:$0x10600] =	vst v63  }
0xbf: {  	s7 =	sand.u32 $0x1FFFFFF0, s29;
	s0 =	sadd.s32 s3, s2;
	s10 =	sadd.s32 $0x8B00, s17  }
0xc0: {  	[tilespmem:s8], [sflag:$0x1] =	stream.linear.gather [hbm4b:s0+s15], $0x80, $0x38;
	[tilespmem:$0x10600] =	vst v63  }
0xc1: {  	s2 =	sand.u32 $0x1FFFFFF0, s6;
	s9 =	spop (v2sf);
	s1 =	sadd.s32 s4, s7  }
0xc2: {  	[tilespmem:s10], [sflag:$0x2] =	stream.linear.gather [hbm4b:s1+s15], $0x80, $0x38;
	[tilespmem:$0x10600] =	vst v63  }
0xc3: {  	s16 =	sadd.s32 $0xB80, s17;
	s2 =	sadd.s32 s3, s2;
	s0 =	sand.u32 $0x1FFFFFF0, s9  }
0xc4: {  	[tilespmem:s16], [sflag:$0x1] =	stream.linear.gather [hbm4b:s2+s15], $0x80, $0x38;
	[tilespmem:$0x10600] =	vst v63  }
0xc5: {  	s18 =	simm.s32 $0x1;
	s17 =	sadd.s32 $0x8B80, s17;
	s0 =	sadd.s32 s4, s0  }
0xc6: {  	[tilespmem:s17], [sflag:$0x2] =	stream.linear.gather [hbm4b:s0+s15], $0x80, $0x38;
	[tilespmem:$0x10600] =	vst v63  }
0xc7: {  	_ =	swait.ge [sflag:s18], $0x4000  }
0xc8: {  	[sflag:s18] =	ssyncset.done $0x0  }
0xc9: {  	s19 =	simm.s32 $0x2;
	[sflag:s18] =	ssyncadd.s32 $0xFFFFC000  }
0xca: {  	_ =	swait.ge [sflag:s19], $0x4000  }
0xcb: {  	s17 =	simm.s32 $0x0;
	[sflag:s19] =	ssyncset.done $0x0  }
0xcc: {  	s20 =	sand.u32 $0xE0, s17;
	[sflag:s19] =	ssyncadd.s32 $0xFFFFC000  }
0xcd: {  	v2 =	vld [tilespmem:s20+$0x100];
	_ =	sdelay $0x4  }
0xce: {  	v3 =	vshll.u32 v2, $0x4  }
0xcf: {  	(v2sf) =	vpush v3, $0x1  }
0xd0: {  	(v2sf) =	vpush v3, $0x3  }
0xd1: {  	(v2sf) =	vpush v3, $0x0  }
0xd2: {  	(v2sf) =	vpush v3, $0x4  }
0xd3: {  	(v2sf) =	vpush v3, $0x2;
	_ =	sdelay $0x7  }
0xd4: {  	s30 =	simm.s32 $0x20;
	s31 =	simm.s32 $0x4880;
	s5 =	simm.s32 $0x4600;
	(v2sf) =	vpush v3, $0x5  }
0xd5: {  	s21 =	simm.s32 $0x110;
	s22 =	simm.s32 $0xC400;
	s25 =	simm.s32 $0x4480;
	(v2sf) =	vpush v3, $0x6  }
0xd6: {  	s24 =	simm.s32 $0x2000;
	s23 =	simm.s32 $0xC580;
	s7 =	simm.s32 $0x4400  }
0xd7: {  	s9 =	simm.s32 $0xC500;
	s1 =	simm.s32 $0x4680;
	(v2sf) =	vpush v3, $0x7;
	s26 =	spop (v2sf)  }
0xd8: {  	s10 =	simm.s32 $0xCA80;
	s2 =	simm.s32 $0xC600;
	s15 =	spop (v2sf)  }
0xd9: {  	s16 =	simm.s32 $0x4580;
	s0 =	simm.s32 $0xC680;
	s20 =	spop (v2sf)  }
0xda: {  	s18 =	simm.s32 $0x0;
	s20 =	sand.u32 $0x1FFFFFF0, s20;
	s29 =	spop (v2sf)  }
0xdb: {  	v2 =	vld [tilespmem:s21+$0x0];
	(v2sf) =	vpush v3, $0x8;
	s28 =	sand.u32 $0x1FFFFFF0, s26;
	s20 =	sadd.s32 s3, s20;
	s21 =	spop (v2sf)  }
0xdc: {  	[tilespmem:s7], [sflag:$0x1] =	stream.linear.gather [hbm4b:s20+s17], $0x80, $0x38;
	[tilespmem:$0x10600] =	vst v63  }
0xdd: {  	s19 =	simm.s32 $0x4500;
	(v2sf) =	vpush v3, $0x9;
	s6 =	sadd.s32 s4, s28;
	s26 =	sand.u32 $0x1FFFFFF0, s21  }
0xde: {  	(v2sf) =	vpush v3, $0xA;
	[tilespmem:s22], [sflag:$0x2] =	stream.linear.gather [hbm4b:s6+s17], $0x80, $0x38;
	[tilespmem:$0x10600] =	vst v63  }
0xdf: {  	s28 =	sand.u32 $0x1FFFFFF0, s15;
	s15 =	simm.s32 $0x4A80;
	s6 =	sadd.s32 s3, s26  }
0xe0: {  	(v2sf) =	vpush v3, $0xB;
	[tilespmem:s25], [sflag:$0x1] =	stream.linear.gather [hbm4b:s6+s17], $0x80, $0x38;
	[tilespmem:$0x10600] =	vst v63  }
0xe1: {  	s8 =	sadd.s32 s4, s28;
	s29 =	sand.u32 $0x1FFFFFF0, s29;
	(v2sf) =	vpush v3, $0xC;
	s7 =	simm.s32 $0xC480  }
0xe2: {  	[tilespmem:s7], [sflag:$0x2] =	stream.linear.gather [hbm4b:s8+s17], $0x80, $0x38;
	[tilespmem:$0x10600] =	vst v63  }
0xe3: {  	s20 =	simm.s32 $0x4B00;
	(v2sf) =	vpush v3, $0xD;
	s22 =	simm.s32 $0x130;
	s8 =	spop (v2sf)  }
0xe4: {  	v2 =	vshll.u32 v2, $0x4;
	s6 =	sadd.s32 s3, s29;
	s21 =	sand.u32 $0x1FFFFFF0, s8;
	s26 =	spop (v2sf)  }
0xe5: {  	(v2sf) =	vpush v2, $0x0;
	[tilespmem:s19], [sflag:$0x1] =	stream.linear.gather [hbm4b:s6+s17], $0x80, $0x38;
	[tilespmem:$0x10600] =	vst v63  }
0xe6: {  	s7 =	sand.u32 $0x1FFFFFF0, s26;
	s28 =	spop (v2sf);
	s6 =	sadd.s32 s4, s21  }
0xe7: {  	(v2sf) =	vpush v3, $0xE;
	[tilespmem:s9], [sflag:$0x2] =	stream.linear.gather [hbm4b:s6+s17], $0x80, $0x38;
	[tilespmem:$0x10600] =	vst v63  }
0xe8: {  	s25 =	simm.s32 $0xCA00;
	s29 =	sand.u32 $0x1FFFFFF0, s28;
	s7 =	sadd.s32 s3, s7  }
0xe9: {  	(v2sf) =	vpush v2, $0x1;
	[tilespmem:s16], [sflag:$0x1] =	stream.linear.gather [hbm4b:s7+s17], $0x80, $0x38;
	[tilespmem:$0x10600] =	vst v63  }
0xea: {  	s19 =	simm.s32 $0xC900;
	s8 =	spop (v2sf);
	s6 =	sadd.s32 s4, s29;
	(v2sf) =	vpush v3, $0xF  }
0xeb: {  	[tilespmem:s23], [sflag:$0x2] =	stream.linear.gather [hbm4b:s6+s17], $0x80, $0x38;
	[tilespmem:$0x10600] =	vst v63  }
0xec: {  	s9 =	simm.s32 $0x4A00;
	s21 =	sand.u32 $0x1FFFFFF0, s8;
	s23 =	spop (v2sf)  }
0xed: {  	s16 =	simm.s32 $0xC980;
	s6 =	sadd.s32 s3, s21;
	s26 =	spop (v2sf)  }
0xee: {  	[tilespmem:s5], [sflag:$0x1] =	stream.linear.gather [hbm4b:s6+s17], $0x80, $0x38;
	[tilespmem:$0x10600] =	vst v63  }
0xef: {  	s21 =	simm.s32 $0x4700;
	s7 =	sand.u32 $0x1FFFFFF0, s23;
	s29 =	spop (v2sf)  }
0xf0: {  	s28 =	sand.u32 $0x1FFFFFF0, s26;
	s7 =	sadd.s32 s4, s7;
	(v2sf) =	vpush v2, $0x2;
	s8 =	spop (v2sf)  }
0xf1: {  	[tilespmem:s2], [sflag:$0x2] =	stream.linear.gather [hbm4b:s7+s17], $0x80, $0x38;
	[tilespmem:$0x10600] =	vst v63  }
0xf2: {  	s5 =	sadd.s32 s3, s28;
	(v2sf) =	vpush v2, $0x3;
	s23 =	sand.u32 $0x1FFFFFF0, s29;
	s26 =	spop (v2sf)  }
0xf3: {  	(v2sf) =	vpush v2, $0x4;
	[tilespmem:s1], [sflag:$0x1] =	stream.linear.gather [hbm4b:s5+s17], $0x80, $0x38;
	[tilespmem:$0x10600] =	vst v63  }
0xf4: {  	s7 =	sand.u32 $0x1FFFFFF0, s8;
	s5 =	sadd.s32 s4, s23;
	s8 =	spop (v2sf)  }
0xf5: {  	(v2sf) =	vpush v2, $0x5;
	[tilespmem:s0], [sflag:$0x2] =	stream.linear.gather [hbm4b:s5+s17], $0x80, $0x38;
	[tilespmem:$0x10600] =	vst v63  }
0xf6: {  	s28 =	sand.u32 $0x1FFFFFF0, s26;
	s7 =	sadd.s32 s3, s7;
	(v2sf) =	vpush v2, $0x6;
	s29 =	spop (v2sf)  }
0xf7: {  	[tilespmem:s21], [sflag:$0x1] =	stream.linear.gather [hbm4b:s7+s17], $0x80, $0x38;
	[tilespmem:$0x10600] =	vst v63  }
0xf8: {  	s0 =	sadd.s32 s4, s28;
	s5 =	simm.s32 $0xC780;
	s23 =	spop (v2sf)  }
0xf9: {  	s21 =	simm.s32 $0xC700;
	s26 =	sand.u32 $0x1FFFFFF0, s29;
	s28 =	spop (v2sf)  }
0xfa: {  	[tilespmem:s21], [sflag:$0x2] =	stream.linear.gather [hbm4b:s0+s17], $0x80, $0x38;
	[tilespmem:$0x10600] =	vst v63  }
0xfb: {  	s29 =	simm.s32 $0x4780;
	s0 =	sadd.s32 s3, s26;
	s1 =	sand.u32 $0x1FFFFFF0, s28  }
0xfc: {  	[tilespmem:s29], [sflag:$0x1] =	stream.linear.gather [hbm4b:s0+s17], $0x80, $0x38;
	[tilespmem:$0x10600] =	vst v63  }
0xfd: {  	s7 =	sand.u32 $0x1FFFFFF0, s8;
	s8 =	simm.s32 $0x4800;
	s1 =	sadd.s32 s4, s1  }
0xfe: {  	[tilespmem:s5], [sflag:$0x2] =	stream.linear.gather [hbm4b:s1+s17], $0x80, $0x38;
	[tilespmem:$0x10600] =	vst v63  }
0xff: {  	s23 =	sand.u32 $0x1FFFFFF0, s23;
	s5 =	sadd.s32 s3, s7;
	s21 =	spop (v2sf)  }
0x100: {  	(v2sf) =	vpush v2, $0x7;
	[tilespmem:s8], [sflag:$0x1] =	stream.linear.gather [hbm4b:s5+s17], $0x80, $0x38;
	[tilespmem:$0x10600] =	vst v63  }
0x101: {  	s2 =	simm.s32 $0xC800;
	s0 =	sadd.s32 s4, s23;
	(v2sf) =	vpush v2, $0x8;
	s26 =	spop (v2sf)  }
0x102: {  	s8 =	simm.s32 $0x4900;
	(v2sf) =	vpush v2, $0x9;
	s1 =	sand.u32 $0x1FFFFFF0, s21;
	s28 =	spop (v2sf)  }
0x103: {  	(v2sf) =	vpush v2, $0xA;
	[tilespmem:s2], [sflag:$0x2] =	stream.linear.gather [hbm4b:s0+s17], $0x80, $0x38;
	[tilespmem:$0x10600] =	vst v63  }
0x104: {  	s5 =	sand.u32 $0x1FFFFFF0, s26;
	s6 =	sadd.s32 s3, s1;
	(v2sf) =	vpush v2, $0xB;
	s29 =	spop (v2sf)  }
0x105: {  	s0 =	sand.u32 $0x1FFFFFF0, s28;
	(v2sf) =	vpush v2, $0xC;
	s1 =	sand.u32 $0x1FFFFFF0, s29;
	s2 =	spop (v2sf)  }
.LBB2_4:
0x106: {  	_ =	sdelay $0x1  }
0x107: {  	[tilespmem:s31], [sflag:$0x1] =	stream.linear.gather [hbm4b:s6+s17], $0x80, $0x38;
	[tilespmem:$0x10600] =	vst v63  }
0x108: {  	s26 =	sadd.s32 $0xC880, s18;
	s5 =	sadd.s32 s4, s5  }
0x109: {  	[tilespmem:s26], [sflag:$0x2] =	stream.linear.gather [hbm4b:s5+s17], $0x80, $0x38;
	[tilespmem:$0x10600] =	vst v63  }
0x10a: {  	(v2sf) =	vpush v2, $0xD;
	s0 =	sadd.s32 s3, s0  }
0x10b: {  	[tilespmem:s8], [sflag:$0x1] =	stream.linear.gather [hbm4b:s0+s17], $0x80, $0x38;
	[tilespmem:$0x10600] =	vst v63  }
0x10c: {  	s1 =	sadd.s32 s4, s1;
	s2 =	sand.u32 $0x1FFFFFF0, s2  }
0x10d: {  	[tilespmem:s19], [sflag:$0x2] =	stream.linear.gather [hbm4b:s1+s17], $0x80, $0x38;
	[tilespmem:$0x10600] =	vst v63  }
0x10e: {  	s8 =	sadd.s32 $0x4980, s18;
	s1 =	sadd.s32 s3, s2;
	s7 =	spop (v2sf);
	(v2sf) =	vpush v2, $0xE  }
0x10f: {  	[tilespmem:s8], [sflag:$0x1] =	stream.linear.gather [hbm4b:s1+s17], $0x80, $0x38;
	[tilespmem:$0x10600] =	vst v63  }
0x110: {  	s28 =	sand.u32 $0x1FFFFFF0, s7;
	s29 =	spop (v2sf);
	(v2sf) =	vpush v2, $0xF  }
0x111: {  	s7 =	sand.u32 $0x1FFFFFF0, s29;
	s19 =	spop (v2sf);
	s21 =	sadd.s32 s4, s28  }
0x112: {  	[tilespmem:s16], [sflag:$0x2] =	stream.linear.gather [hbm4b:s21+s17], $0x80, $0x38;
	[tilespmem:$0x10600] =	vst v63  }
0x113: {  	s23 =	sand.u32 $0x1FFFFFF0, s19;
	s26 =	spop (v2sf);
	s28 =	sadd.s32 s3, s7  }
0x114: {  	[tilespmem:s9], [sflag:$0x1] =	stream.linear.gather [hbm4b:s28+s17], $0x80, $0x38;
	[tilespmem:$0x10600] =	vst v63  }
0x115: {  	s29 =	sand.u32 $0x1FFFFFF0, s26;
	s6 =	spop (v2sf);
	s7 =	sadd.s32 s4, s23  }
0x116: {  	[tilespmem:s25], [sflag:$0x2] =	stream.linear.gather [hbm4b:s7+s17], $0x80, $0x38;
	[tilespmem:$0x10600] =	vst v63  }
0x117: {  	s8 =	sand.u32 $0x1FFFFFF0, s6;
	s9 =	spop (v2sf);
	s16 =	sadd.s32 s3, s29  }
0x118: {  	[tilespmem:s15], [sflag:$0x1] =	stream.linear.gather [hbm4b:s16+s17], $0x80, $0x38;
	[tilespmem:$0x10600] =	vst v63  }
0x119: {  	s19 =	sand.u32 $0x1FFFFFF0, s9;
	s21 =	spop (v2sf);
	s23 =	sadd.s32 s4, s8  }
0x11a: {  	[tilespmem:s10], [sflag:$0x2] =	stream.linear.gather [hbm4b:s23+s17], $0x80, $0x38;
	[tilespmem:$0x10600] =	vst v63  }
0x11b: {  	s25 =	sand.u32 $0x1FFFFFF0, s21;
	s28 =	sadd.s32 s3, s19  }
0x11c: {  	[tilespmem:s20], [sflag:$0x1] =	stream.linear.gather [hbm4b:s28+s17], $0x80, $0x38;
	[tilespmem:$0x10600] =	vst v63  }
0x11d: {  	s7 =	sadd.s32 $0xCB00, s18;
	s1 =	sadd.s32 s4, s25;
	s26 =	spop (v2sf)  }
0x11e: {  	[tilespmem:s7], [sflag:$0x2] =	stream.linear.gather [hbm4b:s1+s17], $0x80, $0x38;
	[tilespmem:$0x10600] =	vst v63  }
0x11f: {  	s29 =	sand.u32 $0x1FFFFFF0, s26;
	s6 =	spop (v2sf)  }
0x120: {  	s8 =	sadd.s32 $0x4B80, s18;
	s5 =	sand.u32 $0x1FFFFFF0, s6;
	s9 =	sadd.s32 s3, s29  }
0x121: {  	[tilespmem:s8], [sflag:$0x1] =	stream.linear.gather [hbm4b:s9+s17], $0x80, $0x38;
	[tilespmem:$0x10600] =	vst v63  }
0x122: {  	s15 =	sand.u32 $0xE0, s30;
	s10 =	sadd.s32 $0xCB80, s18;
	s16 =	sadd.s32 s4, s5  }
0x123: {  	[tilespmem:s10], [sflag:$0x2] =	stream.linear.gather [hbm4b:s16+s17], $0x80, $0x38;
	[tilespmem:$0x10600] =	vst v63  }
0x124: {  	v2 =	vld [tilespmem:s15+$0x100];
	_ =	sdelay $0x4  }
0x125: {  	v4 =	vshll.u32 v2, $0x4  }
0x126: {  	(v2sf) =	vpush v4, $0x1  }
0x127: {  	(v2sf) =	vpush v4, $0x3  }
0x128: {  	(v2sf) =	vpush v4, $0x0  }
0x129: {  	p0 =	sne.s32 s24, $0xE000;
	s30 =	sadd.s32 $0x20, s30;
	s18 =	sshra.s32 s24, $0x2;
	(v2sf) =	vpush v4, $0x4  }
0x12a: {  	s0 =	sadd.s32 $0xC400, s18;
	s19 =	sadd.s32 $0xC680, s18;
	s21 =	sadd.s32 $0x4680, s18;
	(v2sf) =	vpush v4, $0x2  }
0x12b: {  	s25 =	sadd.s32 $0x4480, s18;
	s23 =	sadd.s32 $0x4600, s18;
	[dreg:$0x5] =	wrdreg s19  }
0x12c: {  	s31 =	sadd.s32 $0x4880, s18;
	s2 =	sadd.s32 $0xC700, s18;
	[dreg:$0xb] =	wrdreg s21;
	(v2sf) =	vpush v4, $0x5  }
0x12d: {  	s20 =	sadd.s32 $0xC600, s18;
	[dreg:$0x1e] =	wrdreg s23;
	s21 =	sadd.s32 $0x20, s22  }
0x12e: {  	s28 =	sadd.s32 $0x4A80, s18;
	s19 =	sadd.s32 $0xC900, s18;
	[dreg:$0x11] =	wrdreg s20;
	(v2sf) =	vpush v4, $0x6  }
0x12f: {  	s23 =	sadd.s32 $0x4800, s18;
	[smem:$0x7F4] =	sst s28;
	s20 =	sadd.s32 $0xC780, s18;
	(v2sf) =	vpush v4, $0x7  }
0x130: {  	[dreg:$0x18] =	wrdreg s23;
	s7 =	sadd.s32 $0x4500, s18;
	s1 =	sadd.s32 $0xC480, s18  }
0x131: {  	[smem:$0x7F6] =	sst s20;
	s26 =	sadd.s32 $0x4400, s18;
	s29 =	sadd.s32 $0xCA80, s18;
	(v2sf) =	vpush v4, $0x8  }
0x132: {  	s5 =	sadd.s32 $0x2000, s24;
	s24 =	sadd.s32 $0xC580, s18;
	[dreg:$0x1b] =	wrdreg s29  }
0x133: {  	s6 =	sadd.s32 $0x4B00, s18;
	s8 =	sadd.s32 $0xC800, s18;
	[smem:$0x7F3] =	sst s24  }
0x134: {  	s9 =	sadd.s32 $0x4A00, s18;
	s29 =	sadd.s32 $0x4780, s18;
	[dreg:$0xe] =	wrdreg s8;
	(v2sf) =	vpush v4, $0x9  }
0x135: {  	s24 =	sadd.s32 $0xC980, s18;
	[smem:$0x7F5] =	sst s29;
	s28 =	spop (v2sf)  }
0x136: {  	s16 =	sadd.s32 $0x4580, s18;
	s15 =	sadd.s32 $0x4900, s18;
	s8 =	spop (v2sf)  }
0x137: {  	[dreg:$0x15] =	wrdreg s15;
	s15 =	sand.u32 $0x1FFFFFF0, s28;
	s23 =	spop (v2sf)  }
0x138: {  	(v2sf) =	vpush v4, $0xA;
	s28 =	sand.u32 $0x1FFFFFF0, s8;
	s29 =	sand.u32 $0x1FFFFFF0, s23;
	s20 =	spop (v2sf)  }
0x139: {  	s29 =	sadd.s32 s3, s29;
	s8 =	sand.u32 $0x1FFFFFF0, s20;
	s20 =	spop (v2sf)  }
0x13a: {  	v3 =	vld [tilespmem:s22+$0x0];
	[tilespmem:s26], [sflag:$0x1] =	stream.linear.gather [hbm4b:s29+s17], $0x80, $0x38  }
0x13b: {  	s10 =	sadd.s32 $0xC500, s18;
	s15 =	sadd.s32 s4, s15;
	s29 =	spop (v2sf)  }
0x13c: {  	(v2sf) =	vpush v4, $0xB;
	[tilespmem:s0], [sflag:$0x2] =	stream.linear.gather [hbm4b:s15+s17], $0x80, $0x38;
	[tilespmem:$0x10600] =	vst v63  }
0x13d: {  	s20 =	sand.u32 $0x1FFFFFF0, s20;
	s15 =	sand.u32 $0x1FFFFFF0, s29;
	s29 =	spop (v2sf)  }
0x13e: {  	s22 =	sadd.s32 $0xCA00, s18;
	(v2sf) =	vpush v4, $0xC;
	s20 =	sadd.s32 s3, s20;
	s26 =	spop (v2sf)  }
0x13f: {  	(v2sf) =	vpush v4, $0xD;
	[tilespmem:s25], [sflag:$0x1] =	stream.linear.gather [hbm4b:s20+s17], $0x80, $0x38;
	[tilespmem:$0x10600] =	vst v63  }
0x140: {  	s23 =	sadd.s32 $0x4700, s18;
	s20 =	sand.u32 $0x1FFFFFF0, s29;
	s29 =	spop (v2sf)  }
0x141: {  	s25 =	sadd.s32 s4, s28;
	s28 =	sadd.s32 s3, s8;
	s8 =	sand.u32 $0x1FFFFFF0, s29  }
0x142: {  	v2 =	vshll.u32 v3, $0x4;
	[tilespmem:s1], [sflag:$0x2] =	stream.linear.gather [hbm4b:s25+s17], $0x80, $0x38;
	[tilespmem:$0x10600] =	vst v63  }
0x143: {  	(v2sf) =	vpush v2, $0x0;
	s1 =	sand.u32 $0x1FFFFFF0, s26;
	s25 =	smov.u32 s22;
	s26 =	spop (v2sf)  }
0x144: {  	[tilespmem:s7], [sflag:$0x1] =	stream.linear.gather [hbm4b:s28+s17], $0x80, $0x38;
	[tilespmem:$0x10600] =	vst v63  }
0x145: {  	(v2sf) =	vpush v4, $0xE;
	s22 =	smov.u32 s21;
	s21 =	sadd.s32 s4, s15;
	s15 =	sand.u32 $0x1FFFFFF0, s26  }
0x146: {  	[tilespmem:s10], [sflag:$0x2] =	stream.linear.gather [hbm4b:s21+s17], $0x80, $0x38;
	[tilespmem:$0x10600] =	vst v63  }
0x147: {  	(v2sf) =	vpush v2, $0x1;
	s26 =	sadd.s32 s3, s8;
	s28 =	sadd.s32 s3, s20;
	s29 =	spop (v2sf)  }
0x148: {  	[tilespmem:s16], [sflag:$0x1] =	stream.linear.gather [hbm4b:s28+s17], $0x80, $0x38;
	[tilespmem:$0x10600] =	vst v63  }
0x149: {  	(v2sf) =	vpush v4, $0xF;
	s7 =	sadd.s32 s4, s1;
	s21 =	sld [smem:$0x7F3];
	s1 =	sand.u32 $0x1FFFFFF0, s29  }
0x14a: {  	s16 =	smov.u32 s24;
	s24 =	smov.u32 s5;
	s29 =	rddreg [dreg:$0x1e]  }
0x14b: {  	s5 =	sadd.s32 s4, s15;
	s15 =	sld [smem:$0x7F4];
	s10 =	spop (v2sf)  }
0x14c: {  	[tilespmem:s21], [sflag:$0x2] =	stream.linear.gather [hbm4b:s7+s17], $0x80, $0x38;
	[tilespmem:$0x10600] =	vst v63  }
0x14d: {  	s20 =	smov.u32 s6;
	s28 =	spop (v2sf);
	s21 =	rddreg [dreg:$0x11]  }
0x14e: {  	(v2sf) =	vpush v2, $0x2;
	s8 =	sand.u32 $0x1FFFFFF0, s10;
	s10 =	rddreg [dreg:$0x1b];
	s6 =	spop (v2sf)  }
0x14f: {  	(v2sf) =	vpush v2, $0x3;
	[tilespmem:s29], [sflag:$0x1] =	stream.linear.gather [hbm4b:s26+s17], $0x80, $0x38;
	[tilespmem:$0x10600] =	vst v63  }
0x150: {  	s7 =	sand.u32 $0x1FFFFFF0, s28;
	s26 =	sadd.s32 s3, s1;
	s1 =	sand.u32 $0x1FFFFFF0, s6  }
0x151: {  	(v2sf) =	vpush v2, $0x4;
	[tilespmem:s21], [sflag:$0x2] =	stream.linear.gather [hbm4b:s5+s17], $0x80, $0x38;
	[tilespmem:$0x10600] =	vst v63  }
0x152: {  	s29 =	rddreg [dreg:$0xb];
	s28 =	spop (v2sf);
	s5 =	sadd.s32 s4, s8  }
0x153: {  	(v2sf) =	vpush v2, $0x5;
	[tilespmem:s29], [sflag:$0x1] =	stream.linear.gather [hbm4b:s26+s17], $0x80, $0x38;
	[tilespmem:$0x10600] =	vst v63  }
0x154: {  	s8 =	sand.u32 $0x1FFFFFF0, s28;
	s6 =	spop (v2sf);
	s21 =	rddreg [dreg:$0x5]  }
0x155: {  	(v2sf) =	vpush v2, $0x6;
	[tilespmem:s21], [sflag:$0x2] =	stream.linear.gather [hbm4b:s5+s17], $0x80, $0x38;
	[tilespmem:$0x10600] =	vst v63  }
0x156: {  	s28 =	sand.u32 $0x1FFFFFF0, s6;
	s26 =	sadd.s32 s3, s7;
	s29 =	spop (v2sf)  }
0x157: {  	[tilespmem:s23], [sflag:$0x1] =	stream.linear.gather [hbm4b:s26+s17], $0x80, $0x38;
	[tilespmem:$0x10600] =	vst v63  }
0x158: {  	s6 =	spop (v2sf);
	s5 =	sadd.s32 s4, s1;
	s26 =	sld [smem:$0x7F5]  }
0x159: {  	[tilespmem:s2], [sflag:$0x2] =	stream.linear.gather [hbm4b:s5+s17], $0x80, $0x38;
	[tilespmem:$0x10600] =	vst v63  }
0x15a: {  	s7 =	sadd.s32 s3, s28;
	s1 =	sand.u32 $0x1FFFFFF0, s29;
	s21 =	sand.u32 $0x1FFFFFF0, s6  }
0x15b: {  	[tilespmem:s26], [sflag:$0x1] =	stream.linear.gather [hbm4b:s7+s17], $0x80, $0x38;
	[tilespmem:$0x10600] =	vst v63  }
0x15c: {  	s28 =	sadd.s32 s4, s21;
	s21 =	sadd.s32 s3, s8;
	s7 =	sld [smem:$0x7F6]  }
0x15d: {  	s8 =	rddreg [dreg:$0x15];
	s1 =	sadd.s32 s4, s1;
	s23 =	spop (v2sf)  }
0x15e: {  	s2 =	sand.u32 $0x1FFFFFF0, s23;
	s29 =	spop (v2sf);
	s26 =	rddreg [dreg:$0x18]  }
0x15f: {  	(v2sf) =	vpush v2, $0x7;
	[tilespmem:s7], [sflag:$0x2] =	stream.linear.gather [hbm4b:s28+s17], $0x80, $0x38;
	[tilespmem:$0x10600] =	vst v63  }
.Ltmp1:
0x160: {  	(v2sf) =	vpush v2, $0x8;
	s6 =	sadd.s32 s3, s2;
	s23 =	spop (v2sf);
	(pc) =	sbr.rel @p0 .LBB2_4-.Ltmp1, $4  }
0x161: {  	(v2sf) =	vpush v2, $0x9;
	[tilespmem:s26], [sflag:$0x1] =	stream.linear.gather [hbm4b:s21+s17], $0x80, $0x38;
	[tilespmem:$0x10600] =	vst v63  }
0x162: {  	(v2sf) =	vpush v2, $0xA;
	s5 =	sand.u32 $0x1FFFFFF0, s29;
	s29 =	rddreg [dreg:$0xe];
	s28 =	spop (v2sf)  }
0x163: {  	(v2sf) =	vpush v2, $0xB;
	[tilespmem:s29], [sflag:$0x2] =	stream.linear.gather [hbm4b:s1+s17], $0x80, $0x38;
	[tilespmem:$0x10600] =	vst v63  }
0x164: {  	s0 =	sand.u32 $0x1FFFFFF0, s23;
	(v2sf) =	vpush v2, $0xC;
	s2 =	spop (v2sf);
	s1 =	sand.u32 $0x1FFFFFF0, s28  }
0x165: {  	_ =	sdelay $0x1  }
0x166: {  	[tilespmem:s31], [sflag:$0x1] =	stream.linear.gather [hbm4b:s6+s17], $0x80, $0x38;
	[tilespmem:$0x10600] =	vst v63  }
0x167: {  	s26 =	sadd.s32 $0xC880, s18;
	s5 =	sadd.s32 s4, s5  }
0x168: {  	[tilespmem:s26], [sflag:$0x2] =	stream.linear.gather [hbm4b:s5+s17], $0x80, $0x38;
	[tilespmem:$0x10600] =	vst v63  }
0x169: {  	(v2sf) =	vpush v2, $0xD;
	s0 =	sadd.s32 s3, s0  }
0x16a: {  	[tilespmem:s8], [sflag:$0x1] =	stream.linear.gather [hbm4b:s0+s17], $0x80, $0x38;
	[tilespmem:$0x10600] =	vst v63  }
0x16b: {  	s1 =	sadd.s32 s4, s1;
	s2 =	sand.u32 $0x1FFFFFF0, s2  }
0x16c: {  	[tilespmem:s19], [sflag:$0x2] =	stream.linear.gather [hbm4b:s1+s17], $0x80, $0x38;
	[tilespmem:$0x10600] =	vst v63  }
0x16d: {  	s30 =	sadd.s32 $0x4980, s18;
	s2 =	sadd.s32 s3, s2;
	s7 =	spop (v2sf);
	(v2sf) =	vpush v2, $0xE  }
0x16e: {  	[tilespmem:s30], [sflag:$0x1] =	stream.linear.gather [hbm4b:s2+s17], $0x80, $0x38;
	[tilespmem:$0x10600] =	vst v63  }
0x16f: {  	s28 =	sand.u32 $0x1FFFFFF0, s7;
	s29 =	spop (v2sf);
	(v2sf) =	vpush v2, $0xF  }
0x170: {  	s31 =	spop (v2sf);
	s0 =	sand.u32 $0x1FFFFFF0, s29;
	s5 =	sadd.s32 s4, s28  }
0x171: {  	[tilespmem:s16], [sflag:$0x2] =	stream.linear.gather [hbm4b:s5+s17], $0x80, $0x38;
	[tilespmem:$0x10600] =	vst v63  }
0x172: {  	s7 =	spop (v2sf);
	s8 =	sand.u32 $0x1FFFFFF0, s31;
	s0 =	sadd.s32 s3, s0  }
0x173: {  	[tilespmem:s9], [sflag:$0x1] =	stream.linear.gather [hbm4b:s0+s17], $0x80, $0x38;
	[tilespmem:$0x10600] =	vst v63  }
0x174: {  	s16 =	spop (v2sf);
	s19 =	sand.u32 $0x1FFFFFF0, s7;
	s1 =	sadd.s32 s4, s8  }
0x175: {  	[tilespmem:s25], [sflag:$0x2] =	stream.linear.gather [hbm4b:s1+s17], $0x80, $0x38;
	[tilespmem:$0x10600] =	vst v63  }
0x176: {  	s21 =	spop (v2sf);
	s22 =	sand.u32 $0x1FFFFFF0, s16;
	s0 =	sadd.s32 s3, s19  }
0x177: {  	[tilespmem:s15], [sflag:$0x1] =	stream.linear.gather [hbm4b:s0+s17], $0x80, $0x38;
	[tilespmem:$0x10600] =	vst v63  }
0x178: {  	s23 =	spop (v2sf);
	s24 =	sand.u32 $0x1FFFFFF0, s21;
	s1 =	sadd.s32 s4, s22  }
0x179: {  	[tilespmem:s10], [sflag:$0x2] =	stream.linear.gather [hbm4b:s1+s17], $0x80, $0x38;
	[tilespmem:$0x10600] =	vst v63  }
0x17a: {  	s26 =	sand.u32 $0x1FFFFFF0, s23;
	s0 =	sadd.s32 s3, s24  }
0x17b: {  	[tilespmem:s20], [sflag:$0x1] =	stream.linear.gather [hbm4b:s0+s17], $0x80, $0x38;
	[tilespmem:$0x10600] =	vst v63  }
0x17c: {  	s29 =	sadd.s32 $0xCB00, s18;
	s1 =	sadd.s32 s4, s26;
	s25 =	spop (v2sf)  }
0x17d: {  	[tilespmem:s29], [sflag:$0x2] =	stream.linear.gather [hbm4b:s1+s17], $0x80, $0x38;
	[tilespmem:$0x10600] =	vst v63  }
0x17e: {  	s2 =	sand.u32 $0x1FFFFFF0, s25;
	s28 =	spop (v2sf)  }
0x17f: {  	s30 =	sadd.s32 $0x4B80, s18;
	s0 =	sand.u32 $0x1FFFFFF0, s28;
	s2 =	sadd.s32 s3, s2  }
0x180: {  	[tilespmem:s30], [sflag:$0x1] =	stream.linear.gather [hbm4b:s2+s17], $0x80, $0x38;
	[tilespmem:$0x10600] =	vst v63  }
0x181: {  	s31 =	sadd.s32 $0xCB80, s18;
	s0 =	sadd.s32 s4, s0  }
0x182: {  	[tilespmem:s31], [sflag:$0x2] =	stream.linear.gather [hbm4b:s0+s17], $0x80, $0x38;
	[tilespmem:$0x10600] =	vst v63  }
.LBB2_6:
0x183: {  	s18 =	sshll.u32 s17, $0x4  }
0x184: {  	s0 =	simm.s32 $0x0;
	v2 =	vmov s18  }
0x185: {  	v3 =	vadd.s32 s0, v0;
	v2 =	vshll.u32 v2, $0x7  }
0x186: {  	s24 =	simm.s32 $0x1;
	v3 =	vand.u32 $0x1F, v3;
	v2 =	vor.u32 v1, v2  }
0x187: {  	v4 =	vadd.s32 s24, v0;
	v3 =	vor.u32 v2, v3  }
0x188: {  	s25 =	simm.s32 $0x2;
	v4 =	vand.u32 $0x1F, v4  }
0x189: {  	v5 =	vadd.s32 s25, v0;
	v4 =	vor.u32 v2, v4  }
0x18a: {  	s26 =	simm.s32 $0x3;
	v5 =	vand.u32 $0x1F, v5  }
0x18b: {  	v6 =	vadd.s32 s26, v0;
	v5 =	vor.u32 v2, v5  }
0x18c: {  	s28 =	simm.s32 $0x4;
	v6 =	vand.u32 $0x1F, v6;
	v7 =	vld.idx.msk [tilespmem:v3+s11+$0x0], $0xffff  }
0x18d: {  	v8 =	vadd.s32 s28, v0;
	v11 =	vor.u32 v2, v6;
	v10 =	vld.idx.msk [tilespmem:v3+s12+$0x0], $0xffff  }
0x18e: {  	s29 =	simm.s32 $0x5;
	v3 =	vand.u32 $0x1F, v8;
	v13 =	vld.idx.msk [tilespmem:v4+s11+$0x0], $0xffff  }
0x18f: {  	v6 =	vadd.s32 s29, v0;
	v15 =	vld.idx.msk [tilespmem:v4+s12+$0x0], $0xffff;
	v8 =	vor.u32 v2, v3  }
0x190: {  	s30 =	simm.s32 $0x6;
	v4 =	vand.u32 $0x1F, v6;
	v9 =	vld.idx.msk [tilespmem:v5+s12+$0x0], $0xffff  }
0x191: {  	v3 =	vld.idx.msk [tilespmem:v5+s11+$0x0], $0xffff;
	v6 =	vor.u32 v2, v4;
	v5 =	vadd.s32 s30, v0  }
0x192: {  	s31 =	simm.s32 $0x7;
	v4 =	vld.idx.msk [tilespmem:v11+s11+$0x0], $0xffff;
	v5 =	vand.u32 $0x1F, v5  }
0x193: {  	v12 =	vadd.s32 s31, v0;
	s0 =	simm.s32 $0x8;
	v11 =	vld.idx.msk [tilespmem:v11+s12+$0x0], $0xffff;
	v7 =	vmul.f32 v10, v7;
	v10 =	vor.u32 v2, v5  }
0x194: {  	v14 =	vimm.f32 $0.0e+00;
	v16 =	vand.u32 $0x1F, v12;
	v17 =	vadd.s32 s0, v0;
	v5 =	vld.idx.msk [tilespmem:v8+s11+$0x0], $0xffff  }
0x195: {  	s1 =	simm.s32 $0x9;
	v15 =	vmul.f32 v15, v13;
	v12 =	vld.idx.msk [tilespmem:v8+s12+$0x0], $0xffff;
	v8 =	vor.u32 v2, v16;
	v14 =	vadd.f32 v7, v14  }
0x196: {  	v13 =	vadd.s32 s1, v0;
	s1 =	simm.s32 $0xC;
	v16 =	vand.u32 $0x1F, v17;
	v7 =	vld.idx.msk [tilespmem:v6+s11+$0x0], $0xffff  }
.LBB2_7:
0x197: {  	p0 =	slt.u32 s1, $0x1C;
	v16 =	vor.u32 v2, v16;
	s2 =	sadd.s32 $0x2, s0;
	v17 =	vld.idx.msk [tilespmem:v6+s12+$0x0], $0xffff;
	v14 =	vadd.f32 v15, v14;
	v15 =	vmul.f32 v9, v3  }
0x198: {  	v6 =	vand.u32 $0x1F, v13;
	v13 =	vadd.s32 s2, v0;
	v3 =	vld.idx.msk [tilespmem:v10+s11+$0x0], $0xffff  }
0x199: {  	v6 =	vor.u32 v2, v6;
	s2 =	sadd.s32 $0x3, s0;
	s0 =	smov.u32 s1;
	v9 =	vld.idx.msk [tilespmem:v10+s12+$0x0], $0xffff;
	v14 =	vadd.f32 v15, v14;
	v15 =	vmul.f32 v11, v4  }
.Ltmp2:
0x19a: {  	v10 =	vand.u32 $0x1F, v13;
	v13 =	vadd.s32 s2, v0;
	v4 =	vld.idx.msk [tilespmem:v8+s11+$0x0], $0xffff;
	(pc) =	sbr.rel @p0 .LBB2_7-.Ltmp2, $4  }
0x19b: {  	v10 =	vor.u32 v2, v10;
	v18 =	vmul.f32 v12, v5;
	v11 =	vld.idx.msk [tilespmem:v8+s12+$0x0], $0xffff;
	v14 =	vadd.f32 v15, v14  }
0x19c: {  	v19 =	vadd.s32 s1, v0;
	v8 =	vand.u32 $0x1F, v13;
	v5 =	vld.idx.msk [tilespmem:v16+s11+$0x0], $0xffff  }
0x19d: {  	s2 =	sadd.s32 $0x1, s1;
	v8 =	vor.u32 v2, v8;
	v15 =	vmul.f32 v17, v7;
	v12 =	vld.idx.msk [tilespmem:v16+s12+$0x0], $0xffff;
	v14 =	vadd.f32 v18, v14  }
0x19e: {  	s1 =	sadd.s32 $0x4, s1;
	v13 =	vadd.s32 s2, v0;
	v16 =	vand.u32 $0x1F, v19;
	v7 =	vld.idx.msk [tilespmem:v6+s11+$0x0], $0xffff  }
0x19f: {  	_ =	sdelay $0x2  }
0x1a0: {  	v14 =	vadd.f32 v15, v14;
	v3 =	vmul.f32 v9, v3  }
0x1a1: {  	v46 =	vor.u32 v2, v16;
	v6 =	vld.idx.msk [tilespmem:v6+s12+$0x0], $0xffff  }
0x1a2: {  	s1 =	sadd.s32 $0x2, s0;
	v13 =	vand.u32 $0x1F, v13;
	v47 =	vld.idx.msk [tilespmem:v10+s11+$0x0], $0xffff;
	v4 =	vmul.f32 v11, v4;
	v3 =	vadd.f32 v3, v14  }
0x1a3: {  	v49 =	vld.idx.msk [tilespmem:v10+s12+$0x0], $0xffff;
	v48 =	vadd.s32 s1, v0;
	v13 =	vor.u32 v2, v13  }
0x1a4: {  	s31 =	sadd.s32 $0x3, s0;
	v50 =	vld.idx.msk [tilespmem:v8+s11+$0x0], $0xffff;
	v11 =	vand.u32 $0x1F, v48;
	v5 =	vmul.f32 v12, v5;
	v3 =	vadd.f32 v4, v3  }
0x1a5: {  	v52 =	vld.idx.msk [tilespmem:v8+s12+$0x0], $0xffff;
	v51 =	vadd.s32 s31, v0;
	v11 =	vor.u32 v2, v11  }
0x1a6: {  	v4 =	vand.u32 $0x1F, v51;
	v53 =	vld.idx.msk [tilespmem:v46+s11+$0x0], $0xffff;
	v54 =	vmul.f32 v6, v7;
	v3 =	vadd.f32 v5, v3  }
0x1a7: {  	v55 =	vld.idx.msk [tilespmem:v46+s12+$0x0], $0xffff;
	v2 =	vor.u32 v2, v4  }
0x1a8: {  	v57 =	vmul.f32 v49, v47;
	v56 =	vld.idx.msk [tilespmem:v13+s11+$0x0], $0xffff;
	v3 =	vadd.f32 v54, v3  }
0x1a9: {  	v58 =	vld.idx.msk [tilespmem:v13+s12+$0x0], $0xffff  }
0x1aa: {  	v60 =	vmul.f32 v52, v50;
	v59 =	vld.idx.msk [tilespmem:v11+s11+$0x0], $0xffff;
	v3 =	vadd.f32 v57, v3  }
0x1ab: {  	v61 =	vld.idx.msk [tilespmem:v11+s12+$0x0], $0xffff  }
0x1ac: {  	v62 =	vld.idx.msk [tilespmem:v2+s11+$0x0], $0xffff;
	v6 =	vmul.f32 v55, v53;
	v3 =	vadd.f32 v60, v3  }
0x1ad: {  	v2 =	vld.idx.msk [tilespmem:v2+s12+$0x0], $0xffff  }
0x1ae: {  	v4 =	vmul.f32 v58, v56;
	v3 =	vadd.f32 v6, v3;
	_ =	sdelay $0x1  }
0x1af: {  	v63 =	vmul.f32 v61, v59;
	v3 =	vadd.f32 v4, v3;
	_ =	sdelay $0x1  }
0x1b0: {  	v2 =	vmul.f32 v2, v62;
	v3 =	vadd.f32 v63, v3;
	_ =	sdelay $0x1  }
0x1b1: {  	v2 =	vadd.f32 v2, v3;
	_ =	sdelay $0x1  }
0x1b2: {  	v2 =	vsub.f32 $0.0e+00, v2;
	_ =	sdelay $0x1  }
0x1b3: {  	v2 =	vmul.f32 $1.442695020e+00, v2;
	_ =	sdelay $0x1  }
0x1b4: {  	(erf) = vpow2.f32 v2;
	_ =	sdelay $0x8  }
0x1b5: {  	v2 =	vpop (erf)  }
0x1b6: {  	v2 =	vadd.f32 $1.000000000e+00, v2;
	_ =	sdelay $0x1  }
0x1b7: {  	(erf) = vrcp.f32 v2;
	_ =	sdelay $0x3  }
0x1b8: {  	s17 =	sadd.s32 $0x1, s17  }
0x1b9: {  	p0 =	sne.s32 s17, $0x8  }
.Ltmp3:
0x1ba: {  	_ = 	snop;
	(pc) =	sbr.rel @p0 .LBB2_6-.Ltmp3, $3  }
0x1bb: {  	_ =	sdelay $0x1  }
0x1bc: {  	v2 =	vpop (erf)  }
0x1bd: {  	[tilespmem:s18+$0x10400] =	vst v2  }
0x1be: {  	s0 =	simm.s32 $0x1  }
0x1bf: {  	_ =	swait.ge [sflag:s0], $0x4000  }
0x1c0: {  	[sflag:s0] =	ssyncset.done $0x0  }
0x1c1: {  	s25 =	simm.s32 $0x2;
	[sflag:s0] =	ssyncadd.s32 $0xFFFFC000  }
0x1c2: {  	_ =	swait.ge [sflag:s25], $0x4000  }
0x1c3: {  	s17 =	simm.s32 $0x0;
	[sflag:s25] =	ssyncset.done $0x0  }
0x1c4: {  	s26 =	sand.u32 $0xE0, s17;
	[sflag:s25] =	ssyncadd.s32 $0xFFFFC000  }
0x1c5: {  	v2 =	vld [tilespmem:s26+$0x200];
	_ =	sdelay $0x4  }
0x1c6: {  	v3 =	vshll.u32 v2, $0x4  }
0x1c7: {  	(v2sf) =	vpush v3, $0x1  }
0x1c8: {  	(v2sf) =	vpush v3, $0x3  }
0x1c9: {  	(v2sf) =	vpush v3, $0x0  }
0x1ca: {  	(v2sf) =	vpush v3, $0x4  }
0x1cb: {  	(v2sf) =	vpush v3, $0x2;
	_ =	sdelay $0x7  }
0x1cc: {  	s6 =	simm.s32 $0x210;
	s18 =	simm.s32 $0x0;
	s7 =	simm.s32 $0x400;
	(v2sf) =	vpush v3, $0x5  }
0x1cd: {  	s8 =	simm.s32 $0x8400;
	s2 =	simm.s32 $0x8600;
	s1 =	simm.s32 $0x680;
	(v2sf) =	vpush v3, $0x6  }
0x1ce: {  	s24 =	simm.s32 $0x2000;
	s5 =	simm.s32 $0x600;
	s16 =	simm.s32 $0x580  }
0x1cf: {  	s9 =	simm.s32 $0x8500;
	s23 =	simm.s32 $0x8580;
	(v2sf) =	vpush v3, $0x7;
	s10 =	spop (v2sf)  }
0x1d0: {  	s19 =	simm.s32 $0x500;
	s22 =	simm.s32 $0x230;
	s15 =	spop (v2sf)  }
0x1d1: {  	s30 =	simm.s32 $0x20;
	s31 =	simm.s32 $0x880;
	s20 =	spop (v2sf)  }
0x1d2: {  	s0 =	simm.s32 $0x8680;
	s20 =	sand.u32 $0x1FFFFFF0, s20;
	s29 =	spop (v2sf)  }
0x1d3: {  	s28 =	sand.u32 $0x1FFFFFF0, s10;
	(v2sf) =	vpush v3, $0x8;
	s20 =	sadd.s32 s3, s20;
	s21 =	spop (v2sf)  }
0x1d4: {  	v2 =	vld [tilespmem:s6+$0x0];
	[tilespmem:s7], [sflag:$0x1] =	stream.linear.gather [hbm4b:s20+s17], $0x80, $0x38  }
0x1d5: {  	s25 =	simm.s32 $0x480;
	s6 =	sadd.s32 s4, s28;
	(v2sf) =	vpush v3, $0x9;
	s26 =	sand.u32 $0x1FFFFFF0, s21  }
0x1d6: {  	(v2sf) =	vpush v3, $0xA;
	[tilespmem:s8], [sflag:$0x2] =	stream.linear.gather [hbm4b:s6+s17], $0x80, $0x38;
	[tilespmem:$0x10600] =	vst v63  }
0x1d7: {  	s10 =	simm.s32 $0x8A80;
	s28 =	sand.u32 $0x1FFFFFF0, s15;
	s6 =	sadd.s32 s3, s26  }
0x1d8: {  	(v2sf) =	vpush v3, $0xB;
	[tilespmem:s25], [sflag:$0x1] =	stream.linear.gather [hbm4b:s6+s17], $0x80, $0x38;
	[tilespmem:$0x10600] =	vst v63  }
0x1d9: {  	s15 =	simm.s32 $0xA80;
	s7 =	simm.s32 $0x8480;
	s8 =	sadd.s32 s4, s28  }
0x1da: {  	(v2sf) =	vpush v3, $0xC;
	[tilespmem:s7], [sflag:$0x2] =	stream.linear.gather [hbm4b:s8+s17], $0x80, $0x38;
	[tilespmem:$0x10600] =	vst v63  }
0x1db: {  	s29 =	sand.u32 $0x1FFFFFF0, s29;
	s20 =	simm.s32 $0xB00;
	s8 =	spop (v2sf)  }
0x1dc: {  	v2 =	vshll.u32 v2, $0x4;
	s6 =	sadd.s32 s3, s29;
	(v2sf) =	vpush v3, $0xD;
	s21 =	sand.u32 $0x1FFFFFF0, s8;
	s26 =	spop (v2sf)  }
0x1dd: {  	(v2sf) =	vpush v2, $0x0;
	[tilespmem:s19], [sflag:$0x1] =	stream.linear.gather [hbm4b:s6+s17], $0x80, $0x38;
	[tilespmem:$0x10600] =	vst v63  }
0x1de: {  	s7 =	sand.u32 $0x1FFFFFF0, s26;
	s28 =	spop (v2sf);
	s6 =	sadd.s32 s4, s21  }
0x1df: {  	(v2sf) =	vpush v3, $0xE;
	[tilespmem:s9], [sflag:$0x2] =	stream.linear.gather [hbm4b:s6+s17], $0x80, $0x38;
	[tilespmem:$0x10600] =	vst v63  }
0x1e0: {  	s25 =	simm.s32 $0x8A00;
	s29 =	sand.u32 $0x1FFFFFF0, s28;
	s7 =	sadd.s32 s3, s7  }
0x1e1: {  	(v2sf) =	vpush v2, $0x1;
	[tilespmem:s16], [sflag:$0x1] =	stream.linear.gather [hbm4b:s7+s17], $0x80, $0x38;
	[tilespmem:$0x10600] =	vst v63  }
0x1e2: {  	s19 =	simm.s32 $0x8900;
	s6 =	sadd.s32 s4, s29;
	s8 =	spop (v2sf)  }
0x1e3: {  	(v2sf) =	vpush v3, $0xF;
	[tilespmem:s23], [sflag:$0x2] =	stream.linear.gather [hbm4b:s6+s17], $0x80, $0x38;
	[tilespmem:$0x10600] =	vst v63  }
0x1e4: {  	s9 =	simm.s32 $0xA00;
	s21 =	sand.u32 $0x1FFFFFF0, s8;
	s23 =	spop (v2sf)  }
0x1e5: {  	s6 =	sadd.s32 s3, s21;
	s7 =	sand.u32 $0x1FFFFFF0, s23;
	s26 =	spop (v2sf)  }
0x1e6: {  	[tilespmem:s5], [sflag:$0x1] =	stream.linear.gather [hbm4b:s6+s17], $0x80, $0x38;
	[tilespmem:$0x10600] =	vst v63  }
0x1e7: {  	s28 =	sand.u32 $0x1FFFFFF0, s26;
	s29 =	spop (v2sf);
	s7 =	sadd.s32 s4, s7  }
0x1e8: {  	(v2sf) =	vpush v2, $0x2;
	[tilespmem:s2], [sflag:$0x2] =	stream.linear.gather [hbm4b:s7+s17], $0x80, $0x38;
	[tilespmem:$0x10600] =	vst v63  }
0x1e9: {  	s16 =	simm.s32 $0x8980;
	s8 =	spop (v2sf);
	s5 =	sadd.s32 s3, s28  }
0x1ea: {  	(v2sf) =	vpush v2, $0x3;
	[tilespmem:s1], [sflag:$0x1] =	stream.linear.gather [hbm4b:s5+s17], $0x80, $0x38;
	[tilespmem:$0x10600] =	vst v63  }
0x1eb: {  	s21 =	simm.s32 $0x700;
	s23 =	sand.u32 $0x1FFFFFF0, s29;
	(v2sf) =	vpush v2, $0x4;
	s26 =	spop (v2sf)  }
0x1ec: {  	s7 =	sand.u32 $0x1FFFFFF0, s8;
	s5 =	sadd.s32 s4, s23;
	s8 =	spop (v2sf)  }
0x1ed: {  	(v2sf) =	vpush v2, $0x5;
	[tilespmem:s0], [sflag:$0x2] =	stream.linear.gather [hbm4b:s5+s17], $0x80, $0x38;
	[tilespmem:$0x10600] =	vst v63  }
0x1ee: {  	s7 =	sadd.s32 s3, s7;
	s28 =	sand.u32 $0x1FFFFFF0, s26;
	(v2sf) =	vpush v2, $0x6;
	s29 =	spop (v2sf)  }
0x1ef: {  	[tilespmem:s21], [sflag:$0x1] =	stream.linear.gather [hbm4b:s7+s17], $0x80, $0x38;
	[tilespmem:$0x10600] =	vst v63  }
0x1f0: {  	s0 =	sadd.s32 s4, s28;
	s21 =	simm.s32 $0x8700;
	s23 =	spop (v2sf)  }
0x1f1: {  	[tilespmem:s21], [sflag:$0x2] =	stream.linear.gather [hbm4b:s0+s17], $0x80, $0x38;
	[tilespmem:$0x10600] =	vst v63  }
0x1f2: {  	s5 =	simm.s32 $0x8780;
	s26 =	sand.u32 $0x1FFFFFF0, s29;
	s28 =	spop (v2sf)  }
0x1f3: {  	s29 =	simm.s32 $0x780;
	s0 =	sadd.s32 s3, s26;
	s1 =	sand.u32 $0x1FFFFFF0, s28  }
0x1f4: {  	[tilespmem:s29], [sflag:$0x1] =	stream.linear.gather [hbm4b:s0+s17], $0x80, $0x38;
	[tilespmem:$0x10600] =	vst v63  }
0x1f5: {  	s7 =	sand.u32 $0x1FFFFFF0, s8;
	s8 =	simm.s32 $0x800;
	s1 =	sadd.s32 s4, s1  }
0x1f6: {  	[tilespmem:s5], [sflag:$0x2] =	stream.linear.gather [hbm4b:s1+s17], $0x80, $0x38;
	[tilespmem:$0x10600] =	vst v63  }
0x1f7: {  	s23 =	sand.u32 $0x1FFFFFF0, s23;
	s5 =	sadd.s32 s3, s7;
	s21 =	spop (v2sf)  }
0x1f8: {  	(v2sf) =	vpush v2, $0x7;
	[tilespmem:s8], [sflag:$0x1] =	stream.linear.gather [hbm4b:s5+s17], $0x80, $0x38;
	[tilespmem:$0x10600] =	vst v63  }
0x1f9: {  	s2 =	simm.s32 $0x8800;
	s0 =	sadd.s32 s4, s23;
	(v2sf) =	vpush v2, $0x8;
	s26 =	spop (v2sf)  }
0x1fa: {  	s8 =	simm.s32 $0x900;
	(v2sf) =	vpush v2, $0x9;
	s1 =	sand.u32 $0x1FFFFFF0, s21;
	s28 =	spop (v2sf)  }
0x1fb: {  	(v2sf) =	vpush v2, $0xA;
	[tilespmem:s2], [sflag:$0x2] =	stream.linear.gather [hbm4b:s0+s17], $0x80, $0x38;
	[tilespmem:$0x10600] =	vst v63  }
0x1fc: {  	s5 =	sand.u32 $0x1FFFFFF0, s26;
	s6 =	sadd.s32 s3, s1;
	(v2sf) =	vpush v2, $0xB;
	s29 =	spop (v2sf)  }
0x1fd: {  	s0 =	sand.u32 $0x1FFFFFF0, s28;
	(v2sf) =	vpush v2, $0xC;
	s1 =	sand.u32 $0x1FFFFFF0, s29;
	s2 =	spop (v2sf)  }
.LBB2_10:
0x1fe: {  	_ =	sdelay $0x1  }
0x1ff: {  	[tilespmem:s31], [sflag:$0x1] =	stream.linear.gather [hbm4b:s6+s17], $0x80, $0x38;
	[tilespmem:$0x10600] =	vst v63  }
0x200: {  	s26 =	sadd.s32 $0x8880, s18;
	s5 =	sadd.s32 s4, s5  }
0x201: {  	[tilespmem:s26], [sflag:$0x2] =	stream.linear.gather [hbm4b:s5+s17], $0x80, $0x38;
	[tilespmem:$0x10600] =	vst v63  }
0x202: {  	(v2sf) =	vpush v2, $0xD;
	s0 =	sadd.s32 s3, s0  }
0x203: {  	[tilespmem:s8], [sflag:$0x1] =	stream.linear.gather [hbm4b:s0+s17], $0x80, $0x38;
	[tilespmem:$0x10600] =	vst v63  }
0x204: {  	s1 =	sadd.s32 s4, s1;
	s2 =	sand.u32 $0x1FFFFFF0, s2  }
0x205: {  	[tilespmem:s19], [sflag:$0x2] =	stream.linear.gather [hbm4b:s1+s17], $0x80, $0x38;
	[tilespmem:$0x10600] =	vst v63  }
0x206: {  	s8 =	sadd.s32 $0x980, s18;
	s1 =	sadd.s32 s3, s2;
	s7 =	spop (v2sf);
	(v2sf) =	vpush v2, $0xE  }
0x207: {  	[tilespmem:s8], [sflag:$0x1] =	stream.linear.gather [hbm4b:s1+s17], $0x80, $0x38;
	[tilespmem:$0x10600] =	vst v63  }
0x208: {  	s28 =	sand.u32 $0x1FFFFFF0, s7;
	s29 =	spop (v2sf);
	(v2sf) =	vpush v2, $0xF  }
0x209: {  	s7 =	sand.u32 $0x1FFFFFF0, s29;
	s19 =	spop (v2sf);
	s21 =	sadd.s32 s4, s28  }
0x20a: {  	[tilespmem:s16], [sflag:$0x2] =	stream.linear.gather [hbm4b:s21+s17], $0x80, $0x38;
	[tilespmem:$0x10600] =	vst v63  }
0x20b: {  	s23 =	sand.u32 $0x1FFFFFF0, s19;
	s26 =	spop (v2sf);
	s28 =	sadd.s32 s3, s7  }
0x20c: {  	[tilespmem:s9], [sflag:$0x1] =	stream.linear.gather [hbm4b:s28+s17], $0x80, $0x38;
	[tilespmem:$0x10600] =	vst v63  }
0x20d: {  	s29 =	sand.u32 $0x1FFFFFF0, s26;
	s6 =	spop (v2sf);
	s7 =	sadd.s32 s4, s23  }
0x20e: {  	[tilespmem:s25], [sflag:$0x2] =	stream.linear.gather [hbm4b:s7+s17], $0x80, $0x38;
	[tilespmem:$0x10600] =	vst v63  }
0x20f: {  	s8 =	sand.u32 $0x1FFFFFF0, s6;
	s9 =	spop (v2sf);
	s16 =	sadd.s32 s3, s29  }
0x210: {  	[tilespmem:s15], [sflag:$0x1] =	stream.linear.gather [hbm4b:s16+s17], $0x80, $0x38;
	[tilespmem:$0x10600] =	vst v63  }
0x211: {  	s19 =	sand.u32 $0x1FFFFFF0, s9;
	s21 =	spop (v2sf);
	s23 =	sadd.s32 s4, s8  }
0x212: {  	[tilespmem:s10], [sflag:$0x2] =	stream.linear.gather [hbm4b:s23+s17], $0x80, $0x38;
	[tilespmem:$0x10600] =	vst v63  }
0x213: {  	s25 =	sand.u32 $0x1FFFFFF0, s21;
	s28 =	sadd.s32 s3, s19  }
0x214: {  	[tilespmem:s20], [sflag:$0x1] =	stream.linear.gather [hbm4b:s28+s17], $0x80, $0x38;
	[tilespmem:$0x10600] =	vst v63  }
0x215: {  	s7 =	sadd.s32 $0x8B00, s18;
	s1 =	sadd.s32 s4, s25;
	s26 =	spop (v2sf)  }
0x216: {  	[tilespmem:s7], [sflag:$0x2] =	stream.linear.gather [hbm4b:s1+s17], $0x80, $0x38;
	[tilespmem:$0x10600] =	vst v63  }
0x217: {  	s29 =	sand.u32 $0x1FFFFFF0, s26;
	s6 =	spop (v2sf)  }
0x218: {  	s8 =	sadd.s32 $0xB80, s18;
	s5 =	sand.u32 $0x1FFFFFF0, s6;
	s9 =	sadd.s32 s3, s29  }
0x219: {  	[tilespmem:s8], [sflag:$0x1] =	stream.linear.gather [hbm4b:s9+s17], $0x80, $0x38;
	[tilespmem:$0x10600] =	vst v63  }
0x21a: {  	s15 =	sand.u32 $0xE0, s30;
	s10 =	sadd.s32 $0x8B80, s18;
	s16 =	sadd.s32 s4, s5  }
0x21b: {  	[tilespmem:s10], [sflag:$0x2] =	stream.linear.gather [hbm4b:s16+s17], $0x80, $0x38;
	[tilespmem:$0x10600] =	vst v63  }
0x21c: {  	v2 =	vld [tilespmem:s15+$0x200];
	_ =	sdelay $0x4  }
0x21d: {  	v4 =	vshll.u32 v2, $0x4  }
0x21e: {  	(v2sf) =	vpush v4, $0x1  }
0x21f: {  	(v2sf) =	vpush v4, $0x3  }
0x220: {  	(v2sf) =	vpush v4, $0x0  }
0x221: {  	p0 =	sne.s32 s24, $0xE000;
	s30 =	sadd.s32 $0x20, s30;
	s18 =	sshra.s32 s24, $0x2;
	(v2sf) =	vpush v4, $0x4  }
0x222: {  	s0 =	sadd.s32 $0x8400, s18;
	s19 =	sadd.s32 $0x8680, s18;
	s21 =	sadd.s32 $0x680, s18;
	(v2sf) =	vpush v4, $0x2  }
0x223: {  	s25 =	sadd.s32 $0x480, s18;
	s23 =	sadd.s32 $0x600, s18;
	[dreg:$0x6] =	wrdreg s19  }
0x224: {  	s31 =	sadd.s32 $0x880, s18;
	s2 =	sadd.s32 $0x8700, s18;
	[dreg:$0xc] =	wrdreg s21;
	(v2sf) =	vpush v4, $0x5  }
0x225: {  	s20 =	sadd.s32 $0x8600, s18;
	[dreg:$0x1f] =	wrdreg s23;
	s21 =	sadd.s32 $0x20, s22  }
0x226: {  	s28 =	sadd.s32 $0xA80, s18;
	s19 =	sadd.s32 $0x8900, s18;
	[dreg:$0x12] =	wrdreg s20;
	(v2sf) =	vpush v4, $0x6  }
0x227: {  	s23 =	sadd.s32 $0x800, s18;
	[smem:$0x7F0] =	sst s28;
	s20 =	sadd.s32 $0x8780, s18;
	(v2sf) =	vpush v4, $0x7  }
0x228: {  	[dreg:$0x19] =	wrdreg s23;
	s7 =	sadd.s32 $0x500, s18;
	s1 =	sadd.s32 $0x8480, s18  }
0x229: {  	[smem:$0x7F2] =	sst s20;
	s26 =	sadd.s32 $0x400, s18;
	s29 =	sadd.s32 $0x8A80, s18;
	(v2sf) =	vpush v4, $0x8  }
0x22a: {  	s5 =	sadd.s32 $0x2000, s24;
	s24 =	sadd.s32 $0x8580, s18;
	[dreg:$0x1c] =	wrdreg s29  }
0x22b: {  	s6 =	sadd.s32 $0xB00, s18;
	s8 =	sadd.s32 $0x8800, s18;
	[smem:$0x7EF] =	sst s24  }
0x22c: {  	s9 =	sadd.s32 $0xA00, s18;
	s29 =	sadd.s32 $0x780, s18;
	[dreg:$0xf] =	wrdreg s8;
	(v2sf) =	vpush v4, $0x9  }
0x22d: {  	s24 =	sadd.s32 $0x8980, s18;
	[smem:$0x7F1] =	sst s29;
	s28 =	spop (v2sf)  }
0x22e: {  	s16 =	sadd.s32 $0x580, s18;
	s15 =	sadd.s32 $0x900, s18;
	s8 =	spop (v2sf)  }
0x22f: {  	[dreg:$0x16] =	wrdreg s15;
	s15 =	sand.u32 $0x1FFFFFF0, s28;
	s23 =	spop (v2sf)  }
0x230: {  	(v2sf) =	vpush v4, $0xA;
	s28 =	sand.u32 $0x1FFFFFF0, s8;
	s29 =	sand.u32 $0x1FFFFFF0, s23;
	s20 =	spop (v2sf)  }
0x231: {  	s29 =	sadd.s32 s3, s29;
	s8 =	sand.u32 $0x1FFFFFF0, s20;
	s20 =	spop (v2sf)  }
0x232: {  	v3 =	vld [tilespmem:s22+$0x0];
	[tilespmem:s26], [sflag:$0x1] =	stream.linear.gather [hbm4b:s29+s17], $0x80, $0x38  }
0x233: {  	s10 =	sadd.s32 $0x8500, s18;
	s15 =	sadd.s32 s4, s15;
	s29 =	spop (v2sf)  }
0x234: {  	(v2sf) =	vpush v4, $0xB;
	[tilespmem:s0], [sflag:$0x2] =	stream.linear.gather [hbm4b:s15+s17], $0x80, $0x38;
	[tilespmem:$0x10600] =	vst v63  }
0x235: {  	s20 =	sand.u32 $0x1FFFFFF0, s20;
	s15 =	sand.u32 $0x1FFFFFF0, s29;
	s29 =	spop (v2sf)  }
0x236: {  	s22 =	sadd.s32 $0x8A00, s18;
	(v2sf) =	vpush v4, $0xC;
	s20 =	sadd.s32 s3, s20;
	s26 =	spop (v2sf)  }
0x237: {  	(v2sf) =	vpush v4, $0xD;
	[tilespmem:s25], [sflag:$0x1] =	stream.linear.gather [hbm4b:s20+s17], $0x80, $0x38;
	[tilespmem:$0x10600] =	vst v63  }
0x238: {  	s23 =	sadd.s32 $0x700, s18;
	s20 =	sand.u32 $0x1FFFFFF0, s29;
	s29 =	spop (v2sf)  }
0x239: {  	s25 =	sadd.s32 s4, s28;
	s28 =	sadd.s32 s3, s8;
	s8 =	sand.u32 $0x1FFFFFF0, s29  }
0x23a: {  	v2 =	vshll.u32 v3, $0x4;
	[tilespmem:s1], [sflag:$0x2] =	stream.linear.gather [hbm4b:s25+s17], $0x80, $0x38;
	[tilespmem:$0x10600] =	vst v63  }
0x23b: {  	(v2sf) =	vpush v2, $0x0;
	s1 =	sand.u32 $0x1FFFFFF0, s26;
	s25 =	smov.u32 s22;
	s26 =	spop (v2sf)  }
0x23c: {  	[tilespmem:s7], [sflag:$0x1] =	stream.linear.gather [hbm4b:s28+s17], $0x80, $0x38;
	[tilespmem:$0x10600] =	vst v63  }
0x23d: {  	(v2sf) =	vpush v4, $0xE;
	s22 =	smov.u32 s21;
	s21 =	sadd.s32 s4, s15;
	s15 =	sand.u32 $0x1FFFFFF0, s26  }
0x23e: {  	[tilespmem:s10], [sflag:$0x2] =	stream.linear.gather [hbm4b:s21+s17], $0x80, $0x38;
	[tilespmem:$0x10600] =	vst v63  }
0x23f: {  	(v2sf) =	vpush v2, $0x1;
	s26 =	sadd.s32 s3, s8;
	s28 =	sadd.s32 s3, s20;
	s29 =	spop (v2sf)  }
0x240: {  	[tilespmem:s16], [sflag:$0x1] =	stream.linear.gather [hbm4b:s28+s17], $0x80, $0x38;
	[tilespmem:$0x10600] =	vst v63  }
0x241: {  	(v2sf) =	vpush v4, $0xF;
	s7 =	sadd.s32 s4, s1;
	s21 =	sld [smem:$0x7EF];
	s1 =	sand.u32 $0x1FFFFFF0, s29  }
0x242: {  	s16 =	smov.u32 s24;
	s24 =	smov.u32 s5;
	s29 =	rddreg [dreg:$0x1f]  }
0x243: {  	s5 =	sadd.s32 s4, s15;
	s15 =	sld [smem:$0x7F0];
	s10 =	spop (v2sf)  }
0x244: {  	[tilespmem:s21], [sflag:$0x2] =	stream.linear.gather [hbm4b:s7+s17], $0x80, $0x38;
	[tilespmem:$0x10600] =	vst v63  }
0x245: {  	s20 =	smov.u32 s6;
	s28 =	spop (v2sf);
	s21 =	rddreg [dreg:$0x12]  }
0x246: {  	(v2sf) =	vpush v2, $0x2;
	s8 =	sand.u32 $0x1FFFFFF0, s10;
	s10 =	rddreg [dreg:$0x1c];
	s6 =	spop (v2sf)  }
0x247: {  	(v2sf) =	vpush v2, $0x3;
	[tilespmem:s29], [sflag:$0x1] =	stream.linear.gather [hbm4b:s26+s17], $0x80, $0x38;
	[tilespmem:$0x10600] =	vst v63  }
0x248: {  	s7 =	sand.u32 $0x1FFFFFF0, s28;
	s26 =	sadd.s32 s3, s1;
	s1 =	sand.u32 $0x1FFFFFF0, s6  }
0x249: {  	(v2sf) =	vpush v2, $0x4;
	[tilespmem:s21], [sflag:$0x2] =	stream.linear.gather [hbm4b:s5+s17], $0x80, $0x38;
	[tilespmem:$0x10600] =	vst v63  }
0x24a: {  	s29 =	rddreg [dreg:$0xc];
	s28 =	spop (v2sf);
	s5 =	sadd.s32 s4, s8  }
0x24b: {  	(v2sf) =	vpush v2, $0x5;
	[tilespmem:s29], [sflag:$0x1] =	stream.linear.gather [hbm4b:s26+s17], $0x80, $0x38;
	[tilespmem:$0x10600] =	vst v63  }
0x24c: {  	s8 =	sand.u32 $0x1FFFFFF0, s28;
	s6 =	spop (v2sf);
	s21 =	rddreg [dreg:$0x6]  }
0x24d: {  	(v2sf) =	vpush v2, $0x6;
	[tilespmem:s21], [sflag:$0x2] =	stream.linear.gather [hbm4b:s5+s17], $0x80, $0x38;
	[tilespmem:$0x10600] =	vst v63  }
0x24e: {  	s28 =	sand.u32 $0x1FFFFFF0, s6;
	s26 =	sadd.s32 s3, s7;
	s29 =	spop (v2sf)  }
0x24f: {  	[tilespmem:s23], [sflag:$0x1] =	stream.linear.gather [hbm4b:s26+s17], $0x80, $0x38;
	[tilespmem:$0x10600] =	vst v63  }
0x250: {  	s6 =	spop (v2sf);
	s5 =	sadd.s32 s4, s1;
	s26 =	sld [smem:$0x7F1]  }
0x251: {  	[tilespmem:s2], [sflag:$0x2] =	stream.linear.gather [hbm4b:s5+s17], $0x80, $0x38;
	[tilespmem:$0x10600] =	vst v63  }
0x252: {  	s7 =	sadd.s32 s3, s28;
	s1 =	sand.u32 $0x1FFFFFF0, s29;
	s21 =	sand.u32 $0x1FFFFFF0, s6  }
0x253: {  	[tilespmem:s26], [sflag:$0x1] =	stream.linear.gather [hbm4b:s7+s17], $0x80, $0x38;
	[tilespmem:$0x10600] =	vst v63  }
0x254: {  	s28 =	sadd.s32 s4, s21;
	s21 =	sadd.s32 s3, s8;
	s7 =	sld [smem:$0x7F2]  }
0x255: {  	s8 =	rddreg [dreg:$0x16];
	s1 =	sadd.s32 s4, s1;
	s23 =	spop (v2sf)  }
0x256: {  	s2 =	sand.u32 $0x1FFFFFF0, s23;
	s29 =	spop (v2sf);
	s26 =	rddreg [dreg:$0x19]  }
0x257: {  	(v2sf) =	vpush v2, $0x7;
	[tilespmem:s7], [sflag:$0x2] =	stream.linear.gather [hbm4b:s28+s17], $0x80, $0x38;
	[tilespmem:$0x10600] =	vst v63  }
.Ltmp4:
0x258: {  	(v2sf) =	vpush v2, $0x8;
	s6 =	sadd.s32 s3, s2;
	s23 =	spop (v2sf);
	(pc) =	sbr.rel @p0 .LBB2_10-.Ltmp4, $4  }
0x259: {  	(v2sf) =	vpush v2, $0x9;
	[tilespmem:s26], [sflag:$0x1] =	stream.linear.gather [hbm4b:s21+s17], $0x80, $0x38;
	[tilespmem:$0x10600] =	vst v63  }
0x25a: {  	(v2sf) =	vpush v2, $0xA;
	s5 =	sand.u32 $0x1FFFFFF0, s29;
	s29 =	rddreg [dreg:$0xf];
	s28 =	spop (v2sf)  }
0x25b: {  	(v2sf) =	vpush v2, $0xB;
	[tilespmem:s29], [sflag:$0x2] =	stream.linear.gather [hbm4b:s1+s17], $0x80, $0x38;
	[tilespmem:$0x10600] =	vst v63  }
0x25c: {  	s0 =	sand.u32 $0x1FFFFFF0, s23;
	(v2sf) =	vpush v2, $0xC;
	s2 =	spop (v2sf);
	s1 =	sand.u32 $0x1FFFFFF0, s28  }
0x25d: {  	_ =	sdelay $0x1  }
0x25e: {  	[tilespmem:s31], [sflag:$0x1] =	stream.linear.gather [hbm4b:s6+s17], $0x80, $0x38;
	[tilespmem:$0x10600] =	vst v63  }
0x25f: {  	s26 =	sadd.s32 $0x8880, s18;
	s5 =	sadd.s32 s4, s5  }
0x260: {  	[tilespmem:s26], [sflag:$0x2] =	stream.linear.gather [hbm4b:s5+s17], $0x80, $0x38;
	[tilespmem:$0x10600] =	vst v63  }
0x261: {  	(v2sf) =	vpush v2, $0xD;
	s0 =	sadd.s32 s3, s0  }
0x262: {  	[tilespmem:s8], [sflag:$0x1] =	stream.linear.gather [hbm4b:s0+s17], $0x80, $0x38;
	[tilespmem:$0x10600] =	vst v63  }
0x263: {  	s1 =	sadd.s32 s4, s1;
	s2 =	sand.u32 $0x1FFFFFF0, s2  }
0x264: {  	[tilespmem:s19], [sflag:$0x2] =	stream.linear.gather [hbm4b:s1+s17], $0x80, $0x38;
	[tilespmem:$0x10600] =	vst v63  }
0x265: {  	s30 =	sadd.s32 $0x980, s18;
	s2 =	sadd.s32 s3, s2;
	s7 =	spop (v2sf);
	(v2sf) =	vpush v2, $0xE  }
0x266: {  	[tilespmem:s30], [sflag:$0x1] =	stream.linear.gather [hbm4b:s2+s17], $0x80, $0x38;
	[tilespmem:$0x10600] =	vst v63  }
0x267: {  	s28 =	sand.u32 $0x1FFFFFF0, s7;
	s29 =	spop (v2sf);
	(v2sf) =	vpush v2, $0xF  }
0x268: {  	s31 =	spop (v2sf);
	s0 =	sand.u32 $0x1FFFFFF0, s29;
	s5 =	sadd.s32 s4, s28  }
0x269: {  	[tilespmem:s16], [sflag:$0x2] =	stream.linear.gather [hbm4b:s5+s17], $0x80, $0x38;
	[tilespmem:$0x10600] =	vst v63  }
0x26a: {  	s7 =	spop (v2sf);
	s8 =	sand.u32 $0x1FFFFFF0, s31;
	s0 =	sadd.s32 s3, s0  }
0x26b: {  	[tilespmem:s9], [sflag:$0x1] =	stream.linear.gather [hbm4b:s0+s17], $0x80, $0x38;
	[tilespmem:$0x10600] =	vst v63  }
0x26c: {  	s16 =	spop (v2sf);
	s19 =	sand.u32 $0x1FFFFFF0, s7;
	s1 =	sadd.s32 s4, s8  }
0x26d: {  	[tilespmem:s25], [sflag:$0x2] =	stream.linear.gather [hbm4b:s1+s17], $0x80, $0x38;
	[tilespmem:$0x10600] =	vst v63  }
0x26e: {  	s21 =	spop (v2sf);
	s22 =	sand.u32 $0x1FFFFFF0, s16;
	s0 =	sadd.s32 s3, s19  }
0x26f: {  	[tilespmem:s15], [sflag:$0x1] =	stream.linear.gather [hbm4b:s0+s17], $0x80, $0x38;
	[tilespmem:$0x10600] =	vst v63  }
0x270: {  	s23 =	spop (v2sf);
	s24 =	sand.u32 $0x1FFFFFF0, s21;
	s1 =	sadd.s32 s4, s22  }
0x271: {  	[tilespmem:s10], [sflag:$0x2] =	stream.linear.gather [hbm4b:s1+s17], $0x80, $0x38;
	[tilespmem:$0x10600] =	vst v63  }
0x272: {  	s26 =	sand.u32 $0x1FFFFFF0, s23;
	s0 =	sadd.s32 s3, s24  }
0x273: {  	[tilespmem:s20], [sflag:$0x1] =	stream.linear.gather [hbm4b:s0+s17], $0x80, $0x38;
	[tilespmem:$0x10600] =	vst v63  }
0x274: {  	s29 =	sadd.s32 $0x8B00, s18;
	s1 =	sadd.s32 s4, s26;
	s25 =	spop (v2sf)  }
0x275: {  	[tilespmem:s29], [sflag:$0x2] =	stream.linear.gather [hbm4b:s1+s17], $0x80, $0x38;
	[tilespmem:$0x10600] =	vst v63  }
0x276: {  	s2 =	sand.u32 $0x1FFFFFF0, s25;
	s28 =	spop (v2sf)  }
0x277: {  	s30 =	sadd.s32 $0xB80, s18;
	s0 =	sand.u32 $0x1FFFFFF0, s28;
	s2 =	sadd.s32 s3, s2  }
0x278: {  	[tilespmem:s30], [sflag:$0x1] =	stream.linear.gather [hbm4b:s2+s17], $0x80, $0x38;
	[tilespmem:$0x10600] =	vst v63  }
0x279: {  	s31 =	sadd.s32 $0x8B80, s18;
	s0 =	sadd.s32 s4, s0  }
0x27a: {  	[tilespmem:s31], [sflag:$0x2] =	stream.linear.gather [hbm4b:s0+s17], $0x80, $0x38;
	[tilespmem:$0x10600] =	vst v63  }
.LBB2_12:
0x27b: {  	s0 =	sshll.u32 s17, $0x4  }
0x27c: {  	s1 =	simm.s32 $0x0;
	v2 =	vmov s0  }
0x27d: {  	v3 =	vadd.s32 s1, v0;
	v2 =	vshll.u32 v2, $0x7  }
0x27e: {  	s24 =	simm.s32 $0x1;
	v3 =	vand.u32 $0x1F, v3;
	v2 =	vor.u32 v1, v2  }
0x27f: {  	v4 =	vadd.s32 s24, v0;
	v3 =	vor.u32 v2, v3  }
0x280: {  	s25 =	simm.s32 $0x2;
	v4 =	vand.u32 $0x1F, v4  }
0x281: {  	v5 =	vadd.s32 s25, v0;
	v4 =	vor.u32 v2, v4  }
0x282: {  	s26 =	simm.s32 $0x3;
	v5 =	vand.u32 $0x1F, v5  }
0x283: {  	v6 =	vadd.s32 s26, v0;
	v5 =	vor.u32 v2, v5  }
0x284: {  	s28 =	simm.s32 $0x4;
	v6 =	vand.u32 $0x1F, v6;
	v7 =	vld.idx.msk [tilespmem:v3+s13+$0x0], $0xffff  }
0x285: {  	v8 =	vadd.s32 s28, v0;
	v11 =	vor.u32 v2, v6;
	v10 =	vld.idx.msk [tilespmem:v3+s14+$0x0], $0xffff  }
0x286: {  	s29 =	simm.s32 $0x5;
	v3 =	vand.u32 $0x1F, v8;
	v13 =	vld.idx.msk [tilespmem:v4+s13+$0x0], $0xffff  }
0x287: {  	v6 =	vadd.s32 s29, v0;
	v15 =	vld.idx.msk [tilespmem:v4+s14+$0x0], $0xffff;
	v8 =	vor.u32 v2, v3  }
0x288: {  	s30 =	simm.s32 $0x6;
	v4 =	vand.u32 $0x1F, v6;
	v9 =	vld.idx.msk [tilespmem:v5+s14+$0x0], $0xffff  }
0x289: {  	v3 =	vld.idx.msk [tilespmem:v5+s13+$0x0], $0xffff;
	v6 =	vor.u32 v2, v4;
	v5 =	vadd.s32 s30, v0  }
0x28a: {  	s31 =	simm.s32 $0x7;
	v4 =	vld.idx.msk [tilespmem:v11+s13+$0x0], $0xffff;
	v5 =	vand.u32 $0x1F, v5  }
0x28b: {  	v12 =	vadd.s32 s31, v0;
	s1 =	simm.s32 $0x8;
	v11 =	vld.idx.msk [tilespmem:v11+s14+$0x0], $0xffff;
	v7 =	vmul.f32 v10, v7;
	v10 =	vor.u32 v2, v5  }
0x28c: {  	v14 =	vimm.f32 $0.0e+00;
	v16 =	vand.u32 $0x1F, v12;
	v17 =	vadd.s32 s1, v0;
	v5 =	vld.idx.msk [tilespmem:v8+s13+$0x0], $0xffff  }
0x28d: {  	s2 =	simm.s32 $0x9;
	v15 =	vmul.f32 v15, v13;
	v12 =	vld.idx.msk [tilespmem:v8+s14+$0x0], $0xffff;
	v8 =	vor.u32 v2, v16;
	v14 =	vadd.f32 v7, v14  }
0x28e: {  	v13 =	vadd.s32 s2, v0;
	s2 =	simm.s32 $0xC;
	v16 =	vand.u32 $0x1F, v17;
	v7 =	vld.idx.msk [tilespmem:v6+s13+$0x0], $0xffff  }
.LBB2_13:
0x28f: {  	p0 =	slt.u32 s2, $0x1C;
	v16 =	vor.u32 v2, v16;
	s5 =	sadd.s32 $0x2, s1;
	v17 =	vld.idx.msk [tilespmem:v6+s14+$0x0], $0xffff;
	v14 =	vadd.f32 v15, v14;
	v15 =	vmul.f32 v9, v3  }
0x290: {  	v6 =	vand.u32 $0x1F, v13;
	v13 =	vadd.s32 s5, v0;
	v3 =	vld.idx.msk [tilespmem:v10+s13+$0x0], $0xffff  }
0x291: {  	v6 =	vor.u32 v2, v6;
	s5 =	sadd.s32 $0x3, s1;
	s1 =	smov.u32 s2;
	v9 =	vld.idx.msk [tilespmem:v10+s14+$0x0], $0xffff;
	v14 =	vadd.f32 v15, v14;
	v15 =	vmul.f32 v11, v4  }
.Ltmp5:
0x292: {  	v10 =	vand.u32 $0x1F, v13;
	v13 =	vadd.s32 s5, v0;
	v4 =	vld.idx.msk [tilespmem:v8+s13+$0x0], $0xffff;
	(pc) =	sbr.rel @p0 .LBB2_13-.Ltmp5, $4  }
0x293: {  	v10 =	vor.u32 v2, v10;
	v18 =	vmul.f32 v12, v5;
	v11 =	vld.idx.msk [tilespmem:v8+s14+$0x0], $0xffff;
	v14 =	vadd.f32 v15, v14  }
0x294: {  	v19 =	vadd.s32 s2, v0;
	v8 =	vand.u32 $0x1F, v13;
	v5 =	vld.idx.msk [tilespmem:v16+s13+$0x0], $0xffff  }
0x295: {  	s5 =	sadd.s32 $0x1, s2;
	v8 =	vor.u32 v2, v8;
	v15 =	vmul.f32 v17, v7;
	v12 =	vld.idx.msk [tilespmem:v16+s14+$0x0], $0xffff;
	v14 =	vadd.f32 v18, v14  }
0x296: {  	s2 =	sadd.s32 $0x4, s2;
	v13 =	vadd.s32 s5, v0;
	v16 =	vand.u32 $0x1F, v19;
	v7 =	vld.idx.msk [tilespmem:v6+s13+$0x0], $0xffff  }
0x297: {  	_ =	sdelay $0x2  }
0x298: {  	v14 =	vadd.f32 v15, v14;
	v3 =	vmul.f32 v9, v3  }
0x299: {  	v46 =	vor.u32 v2, v16;
	v6 =	vld.idx.msk [tilespmem:v6+s14+$0x0], $0xffff  }
0x29a: {  	s2 =	sadd.s32 $0x2, s1;
	v13 =	vand.u32 $0x1F, v13;
	v47 =	vld.idx.msk [tilespmem:v10+s13+$0x0], $0xffff;
	v4 =	vmul.f32 v11, v4;
	v3 =	vadd.f32 v3, v14  }
0x29b: {  	v49 =	vld.idx.msk [tilespmem:v10+s14+$0x0], $0xffff;
	v48 =	vadd.s32 s2, v0;
	v13 =	vor.u32 v2, v13  }
0x29c: {  	s31 =	sadd.s32 $0x3, s1;
	v50 =	vld.idx.msk [tilespmem:v8+s13+$0x0], $0xffff;
	v11 =	vand.u32 $0x1F, v48;
	v5 =	vmul.f32 v12, v5;
	v3 =	vadd.f32 v4, v3  }
0x29d: {  	v52 =	vld.idx.msk [tilespmem:v8+s14+$0x0], $0xffff;
	v51 =	vadd.s32 s31, v0;
	v11 =	vor.u32 v2, v11  }
0x29e: {  	v4 =	vand.u32 $0x1F, v51;
	v53 =	vld.idx.msk [tilespmem:v46+s13+$0x0], $0xffff;
	v54 =	vmul.f32 v6, v7;
	v3 =	vadd.f32 v5, v3  }
0x29f: {  	v55 =	vld.idx.msk [tilespmem:v46+s14+$0x0], $0xffff;
	v2 =	vor.u32 v2, v4  }
0x2a0: {  	v57 =	vmul.f32 v49, v47;
	v56 =	vld.idx.msk [tilespmem:v13+s13+$0x0], $0xffff;
	v3 =	vadd.f32 v54, v3  }
0x2a1: {  	v58 =	vld.idx.msk [tilespmem:v13+s14+$0x0], $0xffff  }
0x2a2: {  	v60 =	vmul.f32 v52, v50;
	v59 =	vld.idx.msk [tilespmem:v11+s13+$0x0], $0xffff;
	v3 =	vadd.f32 v57, v3  }
0x2a3: {  	v61 =	vld.idx.msk [tilespmem:v11+s14+$0x0], $0xffff  }
0x2a4: {  	v62 =	vld.idx.msk [tilespmem:v2+s13+$0x0], $0xffff;
	v6 =	vmul.f32 v55, v53;
	v3 =	vadd.f32 v60, v3  }
0x2a5: {  	v2 =	vld.idx.msk [tilespmem:v2+s14+$0x0], $0xffff  }
0x2a6: {  	v4 =	vmul.f32 v58, v56;
	v3 =	vadd.f32 v6, v3;
	_ =	sdelay $0x1  }
0x2a7: {  	v63 =	vmul.f32 v61, v59;
	v3 =	vadd.f32 v4, v3;
	_ =	sdelay $0x1  }
0x2a8: {  	v2 =	vmul.f32 v2, v62;
	v3 =	vadd.f32 v63, v3;
	_ =	sdelay $0x1  }
0x2a9: {  	v2 =	vadd.f32 v2, v3;
	_ =	sdelay $0x1  }
0x2aa: {  	v2 =	vsub.f32 $0.0e+00, v2;
	_ =	sdelay $0x1  }
0x2ab: {  	v2 =	vmul.f32 $1.442695020e+00, v2;
	_ =	sdelay $0x1  }
0x2ac: {  	(erf) = vpow2.f32 v2;
	_ =	sdelay $0x8  }
0x2ad: {  	v2 =	vpop (erf)  }
0x2ae: {  	v2 =	vadd.f32 $1.000000000e+00, v2;
	_ =	sdelay $0x1  }
0x2af: {  	(erf) = vrcp.f32 v2;
	_ =	sdelay $0x3  }
0x2b0: {  	s17 =	sadd.s32 $0x1, s17  }
0x2b1: {  	p0 =	sne.s32 s17, $0x8  }
.Ltmp6:
0x2b2: {  	_ = 	snop;
	(pc) =	sbr.rel @p0 .LBB2_12-.Ltmp6, $3  }
0x2b3: {  	_ =	sdelay $0x1  }
0x2b4: {  	s0 =	sand.u32 $0x3FFFFFF0, s0;
	v2 =	vpop (erf)  }
0x2b5: {  	[tilespmem:s0+$0x10480] =	vst v2  }
0x2b6: {  	s0 =	simm.s32 $0x1  }
0x2b7: {  	_ =	swait.ge [sflag:s0], $0x4000  }
0x2b8: {  	[sflag:s0] =	ssyncset.done $0x0  }
0x2b9: {  	s25 =	simm.s32 $0x2;
	[sflag:s0] =	ssyncadd.s32 $0xFFFFC000  }
0x2ba: {  	_ =	swait.ge [sflag:s25], $0x4000  }
0x2bb: {  	s17 =	simm.s32 $0x0;
	[sflag:s25] =	ssyncset.done $0x0  }
0x2bc: {  	s26 =	sand.u32 $0xE0, s17;
	[sflag:s25] =	ssyncadd.s32 $0xFFFFC000  }
0x2bd: {  	v2 =	vld [tilespmem:s26+$0x300];
	_ =	sdelay $0x4  }
0x2be: {  	v3 =	vshll.u32 v2, $0x4  }
0x2bf: {  	(v2sf) =	vpush v3, $0x1  }
0x2c0: {  	(v2sf) =	vpush v3, $0x3  }
0x2c1: {  	(v2sf) =	vpush v3, $0x0  }
0x2c2: {  	(v2sf) =	vpush v3, $0x4  }
0x2c3: {  	(v2sf) =	vpush v3, $0x2;
	_ =	sdelay $0x7  }
0x2c4: {  	s6 =	simm.s32 $0x310;
	s18 =	simm.s32 $0x0;
	s7 =	simm.s32 $0x4400;
	(v2sf) =	vpush v3, $0x5  }
0x2c5: {  	s8 =	simm.s32 $0xC400;
	s2 =	simm.s32 $0xC600;
	s1 =	simm.s32 $0x4680;
	(v2sf) =	vpush v3, $0x6  }
0x2c6: {  	s24 =	simm.s32 $0x2000;
	s5 =	simm.s32 $0x4600;
	s16 =	simm.s32 $0x4580  }
0x2c7: {  	s9 =	simm.s32 $0xC500;
	s23 =	simm.s32 $0xC580;
	(v2sf) =	vpush v3, $0x7;
	s10 =	spop (v2sf)  }
0x2c8: {  	s19 =	simm.s32 $0x4500;
	s22 =	simm.s32 $0x330;
	s15 =	spop (v2sf)  }
0x2c9: {  	s30 =	simm.s32 $0x20;
	s31 =	simm.s32 $0x4880;
	s20 =	spop (v2sf)  }
0x2ca: {  	s0 =	simm.s32 $0xC680;
	s20 =	sand.u32 $0x1FFFFFF0, s20;
	s29 =	spop (v2sf)  }
0x2cb: {  	s28 =	sand.u32 $0x1FFFFFF0, s10;
	(v2sf) =	vpush v3, $0x8;
	s20 =	sadd.s32 s3, s20;
	s21 =	spop (v2sf)  }
0x2cc: {  	v2 =	vld [tilespmem:s6+$0x0];
	[tilespmem:s7], [sflag:$0x1] =	stream.linear.gather [hbm4b:s20+s17], $0x80, $0x38  }
0x2cd: {  	s25 =	simm.s32 $0x4480;
	s6 =	sadd.s32 s4, s28;
	(v2sf) =	vpush v3, $0x9;
	s26 =	sand.u32 $0x1FFFFFF0, s21  }
0x2ce: {  	(v2sf) =	vpush v3, $0xA;
	[tilespmem:s8], [sflag:$0x2] =	stream.linear.gather [hbm4b:s6+s17], $0x80, $0x38;
	[tilespmem:$0x10600] =	vst v63  }
0x2cf: {  	s10 =	simm.s32 $0xCA80;
	s28 =	sand.u32 $0x1FFFFFF0, s15;
	s6 =	sadd.s32 s3, s26  }
0x2d0: {  	(v2sf) =	vpush v3, $0xB;
	[tilespmem:s25], [sflag:$0x1] =	stream.linear.gather [hbm4b:s6+s17], $0x80, $0x38;
	[tilespmem:$0x10600] =	vst v63  }
0x2d1: {  	s15 =	simm.s32 $0x4A80;
	s7 =	simm.s32 $0xC480;
	s8 =	sadd.s32 s4, s28  }
0x2d2: {  	(v2sf) =	vpush v3, $0xC;
	[tilespmem:s7], [sflag:$0x2] =	stream.linear.gather [hbm4b:s8+s17], $0x80, $0x38;
	[tilespmem:$0x10600] =	vst v63  }
0x2d3: {  	s29 =	sand.u32 $0x1FFFFFF0, s29;
	s20 =	simm.s32 $0x4B00;
	s8 =	spop (v2sf)  }
0x2d4: {  	v2 =	vshll.u32 v2, $0x4;
	s6 =	sadd.s32 s3, s29;
	(v2sf) =	vpush v3, $0xD;
	s21 =	sand.u32 $0x1FFFFFF0, s8;
	s26 =	spop (v2sf)  }
0x2d5: {  	(v2sf) =	vpush v2, $0x0;
	[tilespmem:s19], [sflag:$0x1] =	stream.linear.gather [hbm4b:s6+s17], $0x80, $0x38;
	[tilespmem:$0x10600] =	vst v63  }
0x2d6: {  	s7 =	sand.u32 $0x1FFFFFF0, s26;
	s28 =	spop (v2sf);
	s6 =	sadd.s32 s4, s21  }
0x2d7: {  	(v2sf) =	vpush v3, $0xE;
	[tilespmem:s9], [sflag:$0x2] =	stream.linear.gather [hbm4b:s6+s17], $0x80, $0x38;
	[tilespmem:$0x10600] =	vst v63  }
0x2d8: {  	s25 =	simm.s32 $0xCA00;
	s29 =	sand.u32 $0x1FFFFFF0, s28;
	s7 =	sadd.s32 s3, s7  }
0x2d9: {  	(v2sf) =	vpush v2, $0x1;
	[tilespmem:s16], [sflag:$0x1] =	stream.linear.gather [hbm4b:s7+s17], $0x80, $0x38;
	[tilespmem:$0x10600] =	vst v63  }
0x2da: {  	s19 =	simm.s32 $0xC900;
	s6 =	sadd.s32 s4, s29;
	s8 =	spop (v2sf)  }
0x2db: {  	(v2sf) =	vpush v3, $0xF;
	[tilespmem:s23], [sflag:$0x2] =	stream.linear.gather [hbm4b:s6+s17], $0x80, $0x38;
	[tilespmem:$0x10600] =	vst v63  }
0x2dc: {  	s9 =	simm.s32 $0x4A00;
	s21 =	sand.u32 $0x1FFFFFF0, s8;
	s23 =	spop (v2sf)  }
0x2dd: {  	s6 =	sadd.s32 s3, s21;
	s7 =	sand.u32 $0x1FFFFFF0, s23;
	s26 =	spop (v2sf)  }
0x2de: {  	[tilespmem:s5], [sflag:$0x1] =	stream.linear.gather [hbm4b:s6+s17], $0x80, $0x38;
	[tilespmem:$0x10600] =	vst v63  }
0x2df: {  	s28 =	sand.u32 $0x1FFFFFF0, s26;
	s29 =	spop (v2sf);
	s7 =	sadd.s32 s4, s7  }
0x2e0: {  	(v2sf) =	vpush v2, $0x2;
	[tilespmem:s2], [sflag:$0x2] =	stream.linear.gather [hbm4b:s7+s17], $0x80, $0x38;
	[tilespmem:$0x10600] =	vst v63  }
0x2e1: {  	s16 =	simm.s32 $0xC980;
	s8 =	spop (v2sf);
	s5 =	sadd.s32 s3, s28  }
0x2e2: {  	(v2sf) =	vpush v2, $0x3;
	[tilespmem:s1], [sflag:$0x1] =	stream.linear.gather [hbm4b:s5+s17], $0x80, $0x38;
	[tilespmem:$0x10600] =	vst v63  }
0x2e3: {  	s21 =	simm.s32 $0x4700;
	s23 =	sand.u32 $0x1FFFFFF0, s29;
	(v2sf) =	vpush v2, $0x4;
	s26 =	spop (v2sf)  }
0x2e4: {  	s7 =	sand.u32 $0x1FFFFFF0, s8;
	s5 =	sadd.s32 s4, s23;
	s8 =	spop (v2sf)  }
0x2e5: {  	(v2sf) =	vpush v2, $0x5;
	[tilespmem:s0], [sflag:$0x2] =	stream.linear.gather [hbm4b:s5+s17], $0x80, $0x38;
	[tilespmem:$0x10600] =	vst v63  }
0x2e6: {  	s7 =	sadd.s32 s3, s7;
	s28 =	sand.u32 $0x1FFFFFF0, s26;
	(v2sf) =	vpush v2, $0x6;
	s29 =	spop (v2sf)  }
0x2e7: {  	[tilespmem:s21], [sflag:$0x1] =	stream.linear.gather [hbm4b:s7+s17], $0x80, $0x38;
	[tilespmem:$0x10600] =	vst v63  }
0x2e8: {  	s0 =	sadd.s32 s4, s28;
	s21 =	simm.s32 $0xC700;
	s23 =	spop (v2sf)  }
0x2e9: {  	[tilespmem:s21], [sflag:$0x2] =	stream.linear.gather [hbm4b:s0+s17], $0x80, $0x38;
	[tilespmem:$0x10600] =	vst v63  }
0x2ea: {  	s5 =	simm.s32 $0xC780;
	s26 =	sand.u32 $0x1FFFFFF0, s29;
	s28 =	spop (v2sf)  }
0x2eb: {  	s29 =	simm.s32 $0x4780;
	s0 =	sadd.s32 s3, s26;
	s1 =	sand.u32 $0x1FFFFFF0, s28  }
0x2ec: {  	[tilespmem:s29], [sflag:$0x1] =	stream.linear.gather [hbm4b:s0+s17], $0x80, $0x38;
	[tilespmem:$0x10600] =	vst v63  }
0x2ed: {  	s7 =	sand.u32 $0x1FFFFFF0, s8;
	s8 =	simm.s32 $0x4800;
	s1 =	sadd.s32 s4, s1  }
0x2ee: {  	[tilespmem:s5], [sflag:$0x2] =	stream.linear.gather [hbm4b:s1+s17], $0x80, $0x38;
	[tilespmem:$0x10600] =	vst v63  }
0x2ef: {  	s23 =	sand.u32 $0x1FFFFFF0, s23;
	s5 =	sadd.s32 s3, s7;
	s21 =	spop (v2sf)  }
0x2f0: {  	(v2sf) =	vpush v2, $0x7;
	[tilespmem:s8], [sflag:$0x1] =	stream.linear.gather [hbm4b:s5+s17], $0x80, $0x38;
	[tilespmem:$0x10600] =	vst v63  }
0x2f1: {  	s2 =	simm.s32 $0xC800;
	s0 =	sadd.s32 s4, s23;
	(v2sf) =	vpush v2, $0x8;
	s26 =	spop (v2sf)  }
0x2f2: {  	s8 =	simm.s32 $0x4900;
	(v2sf) =	vpush v2, $0x9;
	s1 =	sand.u32 $0x1FFFFFF0, s21;
	s28 =	spop (v2sf)  }
0x2f3: {  	(v2sf) =	vpush v2, $0xA;
	[tilespmem:s2], [sflag:$0x2] =	stream.linear.gather [hbm4b:s0+s17], $0x80, $0x38;
	[tilespmem:$0x10600] =	vst v63  }
0x2f4: {  	s5 =	sand.u32 $0x1FFFFFF0, s26;
	s6 =	sadd.s32 s3, s1;
	(v2sf) =	vpush v2, $0xB;
	s29 =	spop (v2sf)  }
0x2f5: {  	s0 =	sand.u32 $0x1FFFFFF0, s28;
	(v2sf) =	vpush v2, $0xC;
	s1 =	sand.u32 $0x1FFFFFF0, s29;
	s2 =	spop (v2sf)  }
.LBB2_16:
0x2f6: {  	_ =	sdelay $0x1  }
0x2f7: {  	[tilespmem:s31], [sflag:$0x1] =	stream.linear.gather [hbm4b:s6+s17], $0x80, $0x38;
	[tilespmem:$0x10600] =	vst v63  }
0x2f8: {  	s26 =	sadd.s32 $0xC880, s18;
	s5 =	sadd.s32 s4, s5  }
0x2f9: {  	[tilespmem:s26], [sflag:$0x2] =	stream.linear.gather [hbm4b:s5+s17], $0x80, $0x38;
	[tilespmem:$0x10600] =	vst v63  }
0x2fa: {  	(v2sf) =	vpush v2, $0xD;
	s0 =	sadd.s32 s3, s0  }
0x2fb: {  	[tilespmem:s8], [sflag:$0x1] =	stream.linear.gather [hbm4b:s0+s17], $0x80, $0x38;
	[tilespmem:$0x10600] =	vst v63  }
0x2fc: {  	s1 =	sadd.s32 s4, s1;
	s2 =	sand.u32 $0x1FFFFFF0, s2  }
0x2fd: {  	[tilespmem:s19], [sflag:$0x2] =	stream.linear.gather [hbm4b:s1+s17], $0x80, $0x38;
	[tilespmem:$0x10600] =	vst v63  }
0x2fe: {  	s8 =	sadd.s32 $0x4980, s18;
	s1 =	sadd.s32 s3, s2;
	s7 =	spop (v2sf);
	(v2sf) =	vpush v2, $0xE  }
0x2ff: {  	[tilespmem:s8], [sflag:$0x1] =	stream.linear.gather [hbm4b:s1+s17], $0x80, $0x38;
	[tilespmem:$0x10600] =	vst v63  }
0x300: {  	s28 =	sand.u32 $0x1FFFFFF0, s7;
	s29 =	spop (v2sf);
	(v2sf) =	vpush v2, $0xF  }
0x301: {  	s7 =	sand.u32 $0x1FFFFFF0, s29;
	s19 =	spop (v2sf);
	s21 =	sadd.s32 s4, s28  }
0x302: {  	[tilespmem:s16], [sflag:$0x2] =	stream.linear.gather [hbm4b:s21+s17], $0x80, $0x38;
	[tilespmem:$0x10600] =	vst v63  }
0x303: {  	s23 =	sand.u32 $0x1FFFFFF0, s19;
	s26 =	spop (v2sf);
	s28 =	sadd.s32 s3, s7  }
0x304: {  	[tilespmem:s9], [sflag:$0x1] =	stream.linear.gather [hbm4b:s28+s17], $0x80, $0x38;
	[tilespmem:$0x10600] =	vst v63  }
0x305: {  	s29 =	sand.u32 $0x1FFFFFF0, s26;
	s6 =	spop (v2sf);
	s7 =	sadd.s32 s4, s23  }
0x306: {  	[tilespmem:s25], [sflag:$0x2] =	stream.linear.gather [hbm4b:s7+s17], $0x80, $0x38;
	[tilespmem:$0x10600] =	vst v63  }
0x307: {  	s8 =	sand.u32 $0x1FFFFFF0, s6;
	s9 =	spop (v2sf);
	s16 =	sadd.s32 s3, s29  }
0x308: {  	[tilespmem:s15], [sflag:$0x1] =	stream.linear.gather [hbm4b:s16+s17], $0x80, $0x38;
	[tilespmem:$0x10600] =	vst v63  }
0x309: {  	s19 =	sand.u32 $0x1FFFFFF0, s9;
	s21 =	spop (v2sf);
	s23 =	sadd.s32 s4, s8  }
0x30a: {  	[tilespmem:s10], [sflag:$0x2] =	stream.linear.gather [hbm4b:s23+s17], $0x80, $0x38;
	[tilespmem:$0x10600] =	vst v63  }
0x30b: {  	s25 =	sand.u32 $0x1FFFFFF0, s21;
	s28 =	sadd.s32 s3, s19  }
0x30c: {  	[tilespmem:s20], [sflag:$0x1] =	stream.linear.gather [hbm4b:s28+s17], $0x80, $0x38;
	[tilespmem:$0x10600] =	vst v63  }
0x30d: {  	s7 =	sadd.s32 $0xCB00, s18;
	s1 =	sadd.s32 s4, s25;
	s26 =	spop (v2sf)  }
0x30e: {  	[tilespmem:s7], [sflag:$0x2] =	stream.linear.gather [hbm4b:s1+s17], $0x80, $0x38;
	[tilespmem:$0x10600] =	vst v63  }
0x30f: {  	s29 =	sand.u32 $0x1FFFFFF0, s26;
	s6 =	spop (v2sf)  }
0x310: {  	s8 =	sadd.s32 $0x4B80, s18;
	s5 =	sand.u32 $0x1FFFFFF0, s6;
	s9 =	sadd.s32 s3, s29  }
0x311: {  	[tilespmem:s8], [sflag:$0x1] =	stream.linear.gather [hbm4b:s9+s17], $0x80, $0x38;
	[tilespmem:$0x10600] =	vst v63  }
0x312: {  	s15 =	sand.u32 $0xE0, s30;
	s10 =	sadd.s32 $0xCB80, s18;
	s16 =	sadd.s32 s4, s5  }
0x313: {  	[tilespmem:s10], [sflag:$0x2] =	stream.linear.gather [hbm4b:s16+s17], $0x80, $0x38;
	[tilespmem:$0x10600] =	vst v63  }
0x314: {  	v2 =	vld [tilespmem:s15+$0x300];
	_ =	sdelay $0x4  }
0x315: {  	v4 =	vshll.u32 v2, $0x4  }
0x316: {  	(v2sf) =	vpush v4, $0x1  }
0x317: {  	(v2sf) =	vpush v4, $0x3  }
0x318: {  	(v2sf) =	vpush v4, $0x0  }
0x319: {  	p0 =	sne.s32 s24, $0xE000;
	s30 =	sadd.s32 $0x20, s30;
	s18 =	sshra.s32 s24, $0x2;
	(v2sf) =	vpush v4, $0x4  }
0x31a: {  	s0 =	sadd.s32 $0xC400, s18;
	s19 =	sadd.s32 $0xC680, s18;
	s21 =	sadd.s32 $0x4680, s18;
	(v2sf) =	vpush v4, $0x2  }
0x31b: {  	s25 =	sadd.s32 $0x4480, s18;
	s23 =	sadd.s32 $0x4600, s18;
	[dreg:$0x7] =	wrdreg s19  }
0x31c: {  	s31 =	sadd.s32 $0x4880, s18;
	s2 =	sadd.s32 $0xC700, s18;
	[dreg:$0xd] =	wrdreg s21;
	(v2sf) =	vpush v4, $0x5  }
0x31d: {  	s20 =	sadd.s32 $0xC600, s18;
	[smem:$0x7EB] =	sst s23;
	s21 =	sadd.s32 $0x20, s22  }
0x31e: {  	s28 =	sadd.s32 $0x4A80, s18;
	s19 =	sadd.s32 $0xC900, s18;
	[dreg:$0x13] =	wrdreg s20;
	(v2sf) =	vpush v4, $0x6  }
0x31f: {  	s23 =	sadd.s32 $0x4800, s18;
	[smem:$0x7EC] =	sst s28;
	s20 =	sadd.s32 $0xC780, s18;
	(v2sf) =	vpush v4, $0x7  }
0x320: {  	[dreg:$0x1a] =	wrdreg s23;
	s7 =	sadd.s32 $0x4500, s18;
	s1 =	sadd.s32 $0xC480, s18  }
0x321: {  	[smem:$0x7EE] =	sst s20;
	s26 =	sadd.s32 $0x4400, s18;
	s29 =	sadd.s32 $0xCA80, s18;
	(v2sf) =	vpush v4, $0x8  }
0x322: {  	s5 =	sadd.s32 $0x2000, s24;
	s24 =	sadd.s32 $0xC580, s18;
	[dreg:$0x1d] =	wrdreg s29  }
0x323: {  	s6 =	sadd.s32 $0x4B00, s18;
	s8 =	sadd.s32 $0xC800, s18;
	[smem:$0x7EA] =	sst s24  }
0x324: {  	s9 =	sadd.s32 $0x4A00, s18;
	s29 =	sadd.s32 $0x4780, s18;
	[dreg:$0x10] =	wrdreg s8;
	(v2sf) =	vpush v4, $0x9  }
0x325: {  	s24 =	sadd.s32 $0xC980, s18;
	[smem:$0x7ED] =	sst s29;
	s28 =	spop (v2sf)  }
0x326: {  	s16 =	sadd.s32 $0x4580, s18;
	s15 =	sadd.s32 $0x4900, s18;
	s8 =	spop (v2sf)  }
0x327: {  	[dreg:$0x17] =	wrdreg s15;
	s15 =	sand.u32 $0x1FFFFFF0, s28;
	s23 =	spop (v2sf)  }
0x328: {  	(v2sf) =	vpush v4, $0xA;
	s28 =	sand.u32 $0x1FFFFFF0, s8;
	s29 =	sand.u32 $0x1FFFFFF0, s23;
	s20 =	spop (v2sf)  }
0x329: {  	s29 =	sadd.s32 s3, s29;
	s8 =	sand.u32 $0x1FFFFFF0, s20;
	s20 =	spop (v2sf)  }
0x32a: {  	v3 =	vld [tilespmem:s22+$0x0];
	[tilespmem:s26], [sflag:$0x1] =	stream.linear.gather [hbm4b:s29+s17], $0x80, $0x38  }
0x32b: {  	s10 =	sadd.s32 $0xC500, s18;
	s15 =	sadd.s32 s4, s15;
	s29 =	spop (v2sf)  }
0x32c: {  	(v2sf) =	vpush v4, $0xB;
	[tilespmem:s0], [sflag:$0x2] =	stream.linear.gather [hbm4b:s15+s17], $0x80, $0x38;
	[tilespmem:$0x10600] =	vst v63  }
0x32d: {  	s20 =	sand.u32 $0x1FFFFFF0, s20;
	s15 =	sand.u32 $0x1FFFFFF0, s29;
	s29 =	spop (v2sf)  }
0x32e: {  	s22 =	sadd.s32 $0xCA00, s18;
	(v2sf) =	vpush v4, $0xC;
	s20 =	sadd.s32 s3, s20;
	s26 =	spop (v2sf)  }
0x32f: {  	(v2sf) =	vpush v4, $0xD;
	[tilespmem:s25], [sflag:$0x1] =	stream.linear.gather [hbm4b:s20+s17], $0x80, $0x38;
	[tilespmem:$0x10600] =	vst v63  }
0x330: {  	s23 =	sadd.s32 $0x4700, s18;
	s20 =	sand.u32 $0x1FFFFFF0, s29;
	s29 =	spop (v2sf)  }
0x331: {  	s25 =	sadd.s32 s4, s28;
	s28 =	sadd.s32 s3, s8;
	s8 =	sand.u32 $0x1FFFFFF0, s29  }
0x332: {  	v2 =	vshll.u32 v3, $0x4;
	[tilespmem:s1], [sflag:$0x2] =	stream.linear.gather [hbm4b:s25+s17], $0x80, $0x38;
	[tilespmem:$0x10600] =	vst v63  }
0x333: {  	(v2sf) =	vpush v2, $0x0;
	s1 =	sand.u32 $0x1FFFFFF0, s26;
	s25 =	smov.u32 s22;
	s26 =	spop (v2sf)  }
0x334: {  	[tilespmem:s7], [sflag:$0x1] =	stream.linear.gather [hbm4b:s28+s17], $0x80, $0x38;
	[tilespmem:$0x10600] =	vst v63  }
0x335: {  	(v2sf) =	vpush v4, $0xE;
	s22 =	smov.u32 s21;
	s21 =	sadd.s32 s4, s15;
	s15 =	sand.u32 $0x1FFFFFF0, s26  }
0x336: {  	[tilespmem:s10], [sflag:$0x2] =	stream.linear.gather [hbm4b:s21+s17], $0x80, $0x38;
	[tilespmem:$0x10600] =	vst v63  }
0x337: {  	(v2sf) =	vpush v2, $0x1;
	s26 =	sadd.s32 s3, s8;
	s28 =	sadd.s32 s3, s20;
	s29 =	spop (v2sf)  }
0x338: {  	[tilespmem:s16], [sflag:$0x1] =	stream.linear.gather [hbm4b:s28+s17], $0x80, $0x38;
	[tilespmem:$0x10600] =	vst v63  }
0x339: {  	(v2sf) =	vpush v4, $0xF;
	s7 =	sadd.s32 s4, s1;
	s21 =	sld [smem:$0x7EA];
	s1 =	sand.u32 $0x1FFFFFF0, s29  }
0x33a: {  	s16 =	smov.u32 s24;
	s24 =	smov.u32 s5;
	s29 =	sld [smem:$0x7EB]  }
0x33b: {  	s5 =	sadd.s32 s4, s15;
	s15 =	sld [smem:$0x7EC];
	s10 =	spop (v2sf)  }
0x33c: {  	[tilespmem:s21], [sflag:$0x2] =	stream.linear.gather [hbm4b:s7+s17], $0x80, $0x38;
	[tilespmem:$0x10600] =	vst v63  }
0x33d: {  	s20 =	smov.u32 s6;
	s28 =	spop (v2sf);
	s21 =	rddreg [dreg:$0x13]  }
0x33e: {  	(v2sf) =	vpush v2, $0x2;
	s8 =	sand.u32 $0x1FFFFFF0, s10;
	s10 =	rddreg [dreg:$0x1d];
	s6 =	spop (v2sf)  }
0x33f: {  	(v2sf) =	vpush v2, $0x3;
	[tilespmem:s29], [sflag:$0x1] =	stream.linear.gather [hbm4b:s26+s17], $0x80, $0x38;
	[tilespmem:$0x10600] =	vst v63  }
0x340: {  	s7 =	sand.u32 $0x1FFFFFF0, s28;
	s26 =	sadd.s32 s3, s1;
	s1 =	sand.u32 $0x1FFFFFF0, s6  }
0x341: {  	(v2sf) =	vpush v2, $0x4;
	[tilespmem:s21], [sflag:$0x2] =	stream.linear.gather [hbm4b:s5+s17], $0x80, $0x38;
	[tilespmem:$0x10600] =	vst v63  }
0x342: {  	s29 =	rddreg [dreg:$0xd];
	s28 =	spop (v2sf);
	s5 =	sadd.s32 s4, s8  }
0x343: {  	(v2sf) =	vpush v2, $0x5;
	[tilespmem:s29], [sflag:$0x1] =	stream.linear.gather [hbm4b:s26+s17], $0x80, $0x38;
	[tilespmem:$0x10600] =	vst v63  }
0x344: {  	s8 =	sand.u32 $0x1FFFFFF0, s28;
	s6 =	spop (v2sf);
	s21 =	rddreg [dreg:$0x7]  }
0x345: {  	(v2sf) =	vpush v2, $0x6;
	[tilespmem:s21], [sflag:$0x2] =	stream.linear.gather [hbm4b:s5+s17], $0x80, $0x38;
	[tilespmem:$0x10600] =	vst v63  }
0x346: {  	s28 =	sand.u32 $0x1FFFFFF0, s6;
	s26 =	sadd.s32 s3, s7;
	s29 =	spop (v2sf)  }
0x347: {  	[tilespmem:s23], [sflag:$0x1] =	stream.linear.gather [hbm4b:s26+s17], $0x80, $0x38;
	[tilespmem:$0x10600] =	vst v63  }
0x348: {  	s6 =	spop (v2sf);
	s5 =	sadd.s32 s4, s1;
	s26 =	sld [smem:$0x7ED]  }
0x349: {  	[tilespmem:s2], [sflag:$0x2] =	stream.linear.gather [hbm4b:s5+s17], $0x80, $0x38;
	[tilespmem:$0x10600] =	vst v63  }
0x34a: {  	s7 =	sadd.s32 s3, s28;
	s1 =	sand.u32 $0x1FFFFFF0, s29;
	s21 =	sand.u32 $0x1FFFFFF0, s6  }
0x34b: {  	[tilespmem:s26], [sflag:$0x1] =	stream.linear.gather [hbm4b:s7+s17], $0x80, $0x38;
	[tilespmem:$0x10600] =	vst v63  }
0x34c: {  	s28 =	sadd.s32 s4, s21;
	s21 =	sadd.s32 s3, s8;
	s7 =	sld [smem:$0x7EE]  }
0x34d: {  	s8 =	rddreg [dreg:$0x17];
	s1 =	sadd.s32 s4, s1;
	s23 =	spop (v2sf)  }
0x34e: {  	s2 =	sand.u32 $0x1FFFFFF0, s23;
	s29 =	spop (v2sf);
	s26 =	rddreg [dreg:$0x1a]  }
0x34f: {  	(v2sf) =	vpush v2, $0x7;
	[tilespmem:s7], [sflag:$0x2] =	stream.linear.gather [hbm4b:s28+s17], $0x80, $0x38;
	[tilespmem:$0x10600] =	vst v63  }
.Ltmp7:
0x350: {  	(v2sf) =	vpush v2, $0x8;
	s6 =	sadd.s32 s3, s2;
	s23 =	spop (v2sf);
	(pc) =	sbr.rel @p0 .LBB2_16-.Ltmp7, $4  }
0x351: {  	(v2sf) =	vpush v2, $0x9;
	[tilespmem:s26], [sflag:$0x1] =	stream.linear.gather [hbm4b:s21+s17], $0x80, $0x38;
	[tilespmem:$0x10600] =	vst v63  }
0x352: {  	(v2sf) =	vpush v2, $0xA;
	s5 =	sand.u32 $0x1FFFFFF0, s29;
	s29 =	rddreg [dreg:$0x10];
	s28 =	spop (v2sf)  }
0x353: {  	(v2sf) =	vpush v2, $0xB;
	[tilespmem:s29], [sflag:$0x2] =	stream.linear.gather [hbm4b:s1+s17], $0x80, $0x38;
	[tilespmem:$0x10600] =	vst v63  }
0x354: {  	s0 =	sand.u32 $0x1FFFFFF0, s23;
	(v2sf) =	vpush v2, $0xC;
	s2 =	spop (v2sf);
	s1 =	sand.u32 $0x1FFFFFF0, s28  }
0x355: {  	_ =	sdelay $0x1  }
0x356: {  	[tilespmem:s31], [sflag:$0x1] =	stream.linear.gather [hbm4b:s6+s17], $0x80, $0x38;
	[tilespmem:$0x10600] =	vst v63  }
0x357: {  	s26 =	sadd.s32 $0xC880, s18;
	s5 =	sadd.s32 s4, s5  }
0x358: {  	[tilespmem:s26], [sflag:$0x2] =	stream.linear.gather [hbm4b:s5+s17], $0x80, $0x38;
	[tilespmem:$0x10600] =	vst v63  }
0x359: {  	(v2sf) =	vpush v2, $0xD;
	s0 =	sadd.s32 s3, s0  }
0x35a: {  	[tilespmem:s8], [sflag:$0x1] =	stream.linear.gather [hbm4b:s0+s17], $0x80, $0x38;
	[tilespmem:$0x10600] =	vst v63  }
0x35b: {  	s1 =	sadd.s32 s4, s1;
	s2 =	sand.u32 $0x1FFFFFF0, s2  }
0x35c: {  	[tilespmem:s19], [sflag:$0x2] =	stream.linear.gather [hbm4b:s1+s17], $0x80, $0x38;
	[tilespmem:$0x10600] =	vst v63  }
0x35d: {  	s30 =	sadd.s32 $0x4980, s18;
	s2 =	sadd.s32 s3, s2;
	s7 =	spop (v2sf);
	(v2sf) =	vpush v2, $0xE  }
0x35e: {  	[tilespmem:s30], [sflag:$0x1] =	stream.linear.gather [hbm4b:s2+s17], $0x80, $0x38;
	[tilespmem:$0x10600] =	vst v63  }
0x35f: {  	s28 =	sand.u32 $0x1FFFFFF0, s7;
	s29 =	spop (v2sf);
	(v2sf) =	vpush v2, $0xF  }
0x360: {  	s31 =	spop (v2sf);
	s0 =	sand.u32 $0x1FFFFFF0, s29;
	s5 =	sadd.s32 s4, s28  }
0x361: {  	[tilespmem:s16], [sflag:$0x2] =	stream.linear.gather [hbm4b:s5+s17], $0x80, $0x38;
	[tilespmem:$0x10600] =	vst v63  }
0x362: {  	s7 =	spop (v2sf);
	s8 =	sand.u32 $0x1FFFFFF0, s31;
	s0 =	sadd.s32 s3, s0  }
0x363: {  	[tilespmem:s9], [sflag:$0x1] =	stream.linear.gather [hbm4b:s0+s17], $0x80, $0x38;
	[tilespmem:$0x10600] =	vst v63  }
0x364: {  	s16 =	spop (v2sf);
	s19 =	sand.u32 $0x1FFFFFF0, s7;
	s1 =	sadd.s32 s4, s8  }
0x365: {  	[tilespmem:s25], [sflag:$0x2] =	stream.linear.gather [hbm4b:s1+s17], $0x80, $0x38;
	[tilespmem:$0x10600] =	vst v63  }
0x366: {  	s21 =	spop (v2sf);
	s22 =	sand.u32 $0x1FFFFFF0, s16;
	s0 =	sadd.s32 s3, s19  }
0x367: {  	[tilespmem:s15], [sflag:$0x1] =	stream.linear.gather [hbm4b:s0+s17], $0x80, $0x38;
	[tilespmem:$0x10600] =	vst v63  }
0x368: {  	s23 =	spop (v2sf);
	s24 =	sand.u32 $0x1FFFFFF0, s21;
	s1 =	sadd.s32 s4, s22  }
0x369: {  	[tilespmem:s10], [sflag:$0x2] =	stream.linear.gather [hbm4b:s1+s17], $0x80, $0x38;
	[tilespmem:$0x10600] =	vst v63  }
0x36a: {  	s26 =	sand.u32 $0x1FFFFFF0, s23;
	s0 =	sadd.s32 s3, s24  }
0x36b: {  	[tilespmem:s20], [sflag:$0x1] =	stream.linear.gather [hbm4b:s0+s17], $0x80, $0x38;
	[tilespmem:$0x10600] =	vst v63  }
0x36c: {  	s29 =	sadd.s32 $0xCB00, s18;
	s1 =	sadd.s32 s4, s26;
	s25 =	spop (v2sf)  }
0x36d: {  	[tilespmem:s29], [sflag:$0x2] =	stream.linear.gather [hbm4b:s1+s17], $0x80, $0x38;
	[tilespmem:$0x10600] =	vst v63  }
0x36e: {  	s2 =	sand.u32 $0x1FFFFFF0, s25;
	s28 =	spop (v2sf)  }
0x36f: {  	s30 =	sadd.s32 $0x4B80, s18;
	s0 =	sand.u32 $0x1FFFFFF0, s28;
	s2 =	sadd.s32 s3, s2  }
0x370: {  	[tilespmem:s30], [sflag:$0x1] =	stream.linear.gather [hbm4b:s2+s17], $0x80, $0x38;
	[tilespmem:$0x10600] =	vst v63  }
0x371: {  	s31 =	sadd.s32 $0xCB80, s18;
	s15 =	simm.s32 $0x0;
	s0 =	sadd.s32 s4, s0  }
0x372: {  	[tilespmem:s31], [sflag:$0x2] =	stream.linear.gather [hbm4b:s0+s17], $0x80, $0x38;
	[tilespmem:$0x10600] =	vst v63  }
.LBB2_18:
0x373: {  	s0 =	sshll.u32 s17, $0x4  }
0x374: {  	s1 =	simm.s32 $0x0;
	v2 =	vmov s0  }
0x375: {  	v3 =	vadd.s32 s1, v0;
	v2 =	vshll.u32 v2, $0x7  }
0x376: {  	s24 =	simm.s32 $0x1;
	v3 =	vand.u32 $0x1F, v3;
	v2 =	vor.u32 v1, v2  }
0x377: {  	v4 =	vadd.s32 s24, v0;
	v3 =	vor.u32 v2, v3  }
0x378: {  	s25 =	simm.s32 $0x2;
	v4 =	vand.u32 $0x1F, v4  }
0x379: {  	v5 =	vadd.s32 s25, v0;
	v4 =	vor.u32 v2, v4  }
0x37a: {  	s26 =	simm.s32 $0x3;
	v5 =	vand.u32 $0x1F, v5  }
0x37b: {  	v6 =	vadd.s32 s26, v0;
	v5 =	vor.u32 v2, v5  }
0x37c: {  	s28 =	simm.s32 $0x4;
	v6 =	vand.u32 $0x1F, v6;
	v7 =	vld.idx.msk [tilespmem:v3+s11+$0x0], $0xffff  }
0x37d: {  	v8 =	vadd.s32 s28, v0;
	v11 =	vor.u32 v2, v6;
	v10 =	vld.idx.msk [tilespmem:v3+s12+$0x0], $0xffff  }
0x37e: {  	s29 =	simm.s32 $0x5;
	v3 =	vand.u32 $0x1F, v8;
	v13 =	vld.idx.msk [tilespmem:v4+s11+$0x0], $0xffff  }
0x37f: {  	v6 =	vadd.s32 s29, v0;
	v15 =	vld.idx.msk [tilespmem:v4+s12+$0x0], $0xffff;
	v8 =	vor.u32 v2, v3  }
0x380: {  	s30 =	simm.s32 $0x6;
	v4 =	vand.u32 $0x1F, v6;
	v9 =	vld.idx.msk [tilespmem:v5+s12+$0x0], $0xffff  }
0x381: {  	v3 =	vld.idx.msk [tilespmem:v5+s11+$0x0], $0xffff;
	v6 =	vor.u32 v2, v4;
	v5 =	vadd.s32 s30, v0  }
0x382: {  	s31 =	simm.s32 $0x7;
	v4 =	vld.idx.msk [tilespmem:v11+s11+$0x0], $0xffff;
	v5 =	vand.u32 $0x1F, v5  }
0x383: {  	v12 =	vadd.s32 s31, v0;
	s1 =	simm.s32 $0x8;
	v11 =	vld.idx.msk [tilespmem:v11+s12+$0x0], $0xffff;
	v7 =	vmul.f32 v10, v7;
	v10 =	vor.u32 v2, v5  }
0x384: {  	v14 =	vimm.f32 $0.0e+00;
	v16 =	vand.u32 $0x1F, v12;
	v17 =	vadd.s32 s1, v0;
	v5 =	vld.idx.msk [tilespmem:v8+s11+$0x0], $0xffff  }
0x385: {  	s2 =	simm.s32 $0x9;
	v15 =	vmul.f32 v15, v13;
	v12 =	vld.idx.msk [tilespmem:v8+s12+$0x0], $0xffff;
	v8 =	vor.u32 v2, v16;
	v14 =	vadd.f32 v7, v14  }
0x386: {  	v13 =	vadd.s32 s2, v0;
	s2 =	simm.s32 $0xC;
	v16 =	vand.u32 $0x1F, v17;
	v7 =	vld.idx.msk [tilespmem:v6+s11+$0x0], $0xffff  }
.LBB2_19:
0x387: {  	p0 =	slt.u32 s2, $0x1C;
	v16 =	vor.u32 v2, v16;
	s5 =	sadd.s32 $0x2, s1;
	v17 =	vld.idx.msk [tilespmem:v6+s12+$0x0], $0xffff;
	v14 =	vadd.f32 v15, v14;
	v15 =	vmul.f32 v9, v3  }
0x388: {  	v6 =	vand.u32 $0x1F, v13;
	v13 =	vadd.s32 s5, v0;
	v3 =	vld.idx.msk [tilespmem:v10+s11+$0x0], $0xffff  }
0x389: {  	v6 =	vor.u32 v2, v6;
	s5 =	sadd.s32 $0x3, s1;
	s1 =	smov.u32 s2;
	v9 =	vld.idx.msk [tilespmem:v10+s12+$0x0], $0xffff;
	v14 =	vadd.f32 v15, v14;
	v15 =	vmul.f32 v11, v4  }
.Ltmp8:
0x38a: {  	v10 =	vand.u32 $0x1F, v13;
	v13 =	vadd.s32 s5, v0;
	v4 =	vld.idx.msk [tilespmem:v8+s11+$0x0], $0xffff;
	(pc) =	sbr.rel @p0 .LBB2_19-.Ltmp8, $4  }
0x38b: {  	v10 =	vor.u32 v2, v10;
	v18 =	vmul.f32 v12, v5;
	v11 =	vld.idx.msk [tilespmem:v8+s12+$0x0], $0xffff;
	v14 =	vadd.f32 v15, v14  }
0x38c: {  	v19 =	vadd.s32 s2, v0;
	v8 =	vand.u32 $0x1F, v13;
	v5 =	vld.idx.msk [tilespmem:v16+s11+$0x0], $0xffff  }
0x38d: {  	s5 =	sadd.s32 $0x1, s2;
	v8 =	vor.u32 v2, v8;
	v15 =	vmul.f32 v17, v7;
	v12 =	vld.idx.msk [tilespmem:v16+s12+$0x0], $0xffff;
	v14 =	vadd.f32 v18, v14  }
0x38e: {  	s2 =	sadd.s32 $0x4, s2;
	v13 =	vadd.s32 s5, v0;
	v16 =	vand.u32 $0x1F, v19;
	v7 =	vld.idx.msk [tilespmem:v6+s11+$0x0], $0xffff  }
0x38f: {  	_ =	sdelay $0x2  }
0x390: {  	v14 =	vadd.f32 v15, v14;
	v3 =	vmul.f32 v9, v3  }
0x391: {  	v46 =	vor.u32 v2, v16;
	v6 =	vld.idx.msk [tilespmem:v6+s12+$0x0], $0xffff  }
0x392: {  	s2 =	sadd.s32 $0x2, s1;
	v13 =	vand.u32 $0x1F, v13;
	v47 =	vld.idx.msk [tilespmem:v10+s11+$0x0], $0xffff;
	v4 =	vmul.f32 v11, v4;
	v3 =	vadd.f32 v3, v14  }
0x393: {  	v49 =	vld.idx.msk [tilespmem:v10+s12+$0x0], $0xffff;
	v48 =	vadd.s32 s2, v0;
	v13 =	vor.u32 v2, v13  }
0x394: {  	s31 =	sadd.s32 $0x3, s1;
	v50 =	vld.idx.msk [tilespmem:v8+s11+$0x0], $0xffff;
	v11 =	vand.u32 $0x1F, v48;
	v5 =	vmul.f32 v12, v5;
	v3 =	vadd.f32 v4, v3  }
0x395: {  	v52 =	vld.idx.msk [tilespmem:v8+s12+$0x0], $0xffff;
	v51 =	vadd.s32 s31, v0;
	v11 =	vor.u32 v2, v11  }
0x396: {  	v4 =	vand.u32 $0x1F, v51;
	v53 =	vld.idx.msk [tilespmem:v46+s11+$0x0], $0xffff;
	v54 =	vmul.f32 v6, v7;
	v3 =	vadd.f32 v5, v3  }
0x397: {  	v55 =	vld.idx.msk [tilespmem:v46+s12+$0x0], $0xffff;
	v2 =	vor.u32 v2, v4  }
0x398: {  	v57 =	vmul.f32 v49, v47;
	v56 =	vld.idx.msk [tilespmem:v13+s11+$0x0], $0xffff;
	v3 =	vadd.f32 v54, v3  }
0x399: {  	v58 =	vld.idx.msk [tilespmem:v13+s12+$0x0], $0xffff  }
0x39a: {  	v60 =	vmul.f32 v52, v50;
	v59 =	vld.idx.msk [tilespmem:v11+s11+$0x0], $0xffff;
	v3 =	vadd.f32 v57, v3  }
0x39b: {  	v61 =	vld.idx.msk [tilespmem:v11+s12+$0x0], $0xffff  }
0x39c: {  	v62 =	vld.idx.msk [tilespmem:v2+s11+$0x0], $0xffff;
	v6 =	vmul.f32 v55, v53;
	v3 =	vadd.f32 v60, v3  }
0x39d: {  	v2 =	vld.idx.msk [tilespmem:v2+s12+$0x0], $0xffff  }
0x39e: {  	v4 =	vmul.f32 v58, v56;
	v3 =	vadd.f32 v6, v3;
	_ =	sdelay $0x1  }
0x39f: {  	v63 =	vmul.f32 v61, v59;
	v3 =	vadd.f32 v4, v3;
	_ =	sdelay $0x1  }
0x3a0: {  	v2 =	vmul.f32 v2, v62;
	v3 =	vadd.f32 v63, v3;
	_ =	sdelay $0x1  }
0x3a1: {  	v2 =	vadd.f32 v2, v3;
	_ =	sdelay $0x1  }
0x3a2: {  	v2 =	vsub.f32 $0.0e+00, v2;
	_ =	sdelay $0x1  }
0x3a3: {  	v2 =	vmul.f32 $1.442695020e+00, v2;
	_ =	sdelay $0x1  }
0x3a4: {  	(erf) = vpow2.f32 v2;
	_ =	sdelay $0x8  }
0x3a5: {  	v2 =	vpop (erf)  }
0x3a6: {  	v2 =	vadd.f32 $1.000000000e+00, v2;
	_ =	sdelay $0x1  }
0x3a7: {  	(erf) = vrcp.f32 v2;
	_ =	sdelay $0x3  }
0x3a8: {  	s17 =	sadd.s32 $0x1, s17  }
0x3a9: {  	p0 =	sne.s32 s17, $0x8  }
.Ltmp9:
0x3aa: {  	_ = 	snop;
	(pc) =	sbr.rel @p0 .LBB2_18-.Ltmp9, $3  }
0x3ab: {  	_ =	sdelay $0x1  }
0x3ac: {  	s0 =	sand.u32 $0x3FFFFFF0, s0;
	v2 =	vpop (erf)  }
0x3ad: {  	[tilespmem:s0+$0x10500] =	vst v2  }
0x3ae: {  	s0 =	simm.s32 $0x1  }
0x3af: {  	_ =	swait.ge [sflag:s0], $0x4000  }
0x3b0: {  	[sflag:s0] =	ssyncset.done $0x0  }
0x3b1: {  	s31 =	simm.s32 $0x2;
	[sflag:s0] =	ssyncadd.s32 $0xFFFFC000  }
0x3b2: {  	_ =	swait.ge [sflag:s31], $0x4000  }
0x3b3: {  	[sflag:s31] =	ssyncset.done $0x0  }
0x3b4: {  	s17 =	simm.s32 $0x0;
	s18 =	simm.s32 $0x0;
	[sflag:s31] =	ssyncadd.s32 $0xFFFFC000  }
.LBB2_22:
0x3b5: {  	s0 =	sshll.u32 s18, $0x4  }
0x3b6: {  	v2 =	vmov s0  }
0x3b7: {  	v3 =	vadd.s32 s17, v0;
	v2 =	vshll.u32 v2, $0x7  }
0x3b8: {  	s1 =	simm.s32 $0x1;
	v3 =	vand.u32 $0x1F, v3;
	v2 =	vor.u32 v1, v2  }
0x3b9: {  	v4 =	vadd.s32 s1, v0;
	v3 =	vor.u32 v2, v3  }
0x3ba: {  	s25 =	simm.s32 $0x2;
	v4 =	vand.u32 $0x1F, v4  }
0x3bb: {  	v5 =	vadd.s32 s25, v0;
	v4 =	vor.u32 v2, v4  }
0x3bc: {  	s26 =	simm.s32 $0x3;
	v5 =	vand.u32 $0x1F, v5  }
0x3bd: {  	v6 =	vadd.s32 s26, v0;
	v5 =	vor.u32 v2, v5  }
0x3be: {  	s28 =	simm.s32 $0x4;
	v6 =	vand.u32 $0x1F, v6;
	v7 =	vld.idx.msk [tilespmem:v3+s13+$0x0], $0xffff  }
0x3bf: {  	v8 =	vadd.s32 s28, v0;
	v11 =	vor.u32 v2, v6;
	v10 =	vld.idx.msk [tilespmem:v3+s14+$0x0], $0xffff  }
0x3c0: {  	s29 =	simm.s32 $0x5;
	v3 =	vand.u32 $0x1F, v8;
	v13 =	vld.idx.msk [tilespmem:v4+s13+$0x0], $0xffff  }
0x3c1: {  	v6 =	vadd.s32 s29, v0;
	v15 =	vld.idx.msk [tilespmem:v4+s14+$0x0], $0xffff;
	v8 =	vor.u32 v2, v3  }
0x3c2: {  	s30 =	simm.s32 $0x6;
	v4 =	vand.u32 $0x1F, v6;
	v9 =	vld.idx.msk [tilespmem:v5+s14+$0x0], $0xffff  }
0x3c3: {  	v3 =	vld.idx.msk [tilespmem:v5+s13+$0x0], $0xffff;
	v6 =	vor.u32 v2, v4;
	v5 =	vadd.s32 s30, v0  }
0x3c4: {  	s31 =	simm.s32 $0x7;
	v4 =	vld.idx.msk [tilespmem:v11+s13+$0x0], $0xffff;
	v5 =	vand.u32 $0x1F, v5  }
0x3c5: {  	v12 =	vadd.s32 s31, v0;
	s1 =	simm.s32 $0x8;
	v11 =	vld.idx.msk [tilespmem:v11+s14+$0x0], $0xffff;
	v7 =	vmul.f32 v10, v7;
	v10 =	vor.u32 v2, v5  }
0x3c6: {  	v14 =	vimm.f32 $0.0e+00;
	v16 =	vand.u32 $0x1F, v12;
	v17 =	vadd.s32 s1, v0;
	v5 =	vld.idx.msk [tilespmem:v8+s13+$0x0], $0xffff  }
0x3c7: {  	s2 =	simm.s32 $0x9;
	v15 =	vmul.f32 v15, v13;
	v12 =	vld.idx.msk [tilespmem:v8+s14+$0x0], $0xffff;
	v8 =	vor.u32 v2, v16;
	v14 =	vadd.f32 v7, v14  }
0x3c8: {  	v13 =	vadd.s32 s2, v0;
	s2 =	simm.s32 $0xC;
	v16 =	vand.u32 $0x1F, v17;
	v7 =	vld.idx.msk [tilespmem:v6+s13+$0x0], $0xffff  }
.LBB2_23:
0x3c9: {  	p0 =	slt.u32 s2, $0x1C;
	v16 =	vor.u32 v2, v16;
	s5 =	sadd.s32 $0x2, s1;
	v17 =	vld.idx.msk [tilespmem:v6+s14+$0x0], $0xffff;
	v14 =	vadd.f32 v15, v14;
	v15 =	vmul.f32 v9, v3  }
0x3ca: {  	v6 =	vand.u32 $0x1F, v13;
	v13 =	vadd.s32 s5, v0;
	v3 =	vld.idx.msk [tilespmem:v10+s13+$0x0], $0xffff  }
0x3cb: {  	v6 =	vor.u32 v2, v6;
	s5 =	sadd.s32 $0x3, s1;
	s1 =	smov.u32 s2;
	v9 =	vld.idx.msk [tilespmem:v10+s14+$0x0], $0xffff;
	v14 =	vadd.f32 v15, v14;
	v15 =	vmul.f32 v11, v4  }
.Ltmp10:
0x3cc: {  	v10 =	vand.u32 $0x1F, v13;
	v13 =	vadd.s32 s5, v0;
	v4 =	vld.idx.msk [tilespmem:v8+s13+$0x0], $0xffff;
	(pc) =	sbr.rel @p0 .LBB2_23-.Ltmp10, $4  }
0x3cd: {  	v10 =	vor.u32 v2, v10;
	v18 =	vmul.f32 v12, v5;
	v11 =	vld.idx.msk [tilespmem:v8+s14+$0x0], $0xffff;
	v14 =	vadd.f32 v15, v14  }
0x3ce: {  	v19 =	vadd.s32 s2, v0;
	v8 =	vand.u32 $0x1F, v13;
	v5 =	vld.idx.msk [tilespmem:v16+s13+$0x0], $0xffff  }
0x3cf: {  	s5 =	sadd.s32 $0x1, s2;
	v8 =	vor.u32 v2, v8;
	v15 =	vmul.f32 v17, v7;
	v12 =	vld.idx.msk [tilespmem:v16+s14+$0x0], $0xffff;
	v14 =	vadd.f32 v18, v14  }
0x3d0: {  	s2 =	sadd.s32 $0x4, s2;
	v13 =	vadd.s32 s5, v0;
	v16 =	vand.u32 $0x1F, v19;
	v7 =	vld.idx.msk [tilespmem:v6+s13+$0x0], $0xffff  }
0x3d1: {  	_ =	sdelay $0x2  }
0x3d2: {  	v14 =	vadd.f32 v15, v14;
	v3 =	vmul.f32 v9, v3  }
0x3d3: {  	v46 =	vor.u32 v2, v16;
	v6 =	vld.idx.msk [tilespmem:v6+s14+$0x0], $0xffff  }
0x3d4: {  	s2 =	sadd.s32 $0x2, s1;
	v13 =	vand.u32 $0x1F, v13;
	v47 =	vld.idx.msk [tilespmem:v10+s13+$0x0], $0xffff;
	v4 =	vmul.f32 v11, v4;
	v3 =	vadd.f32 v3, v14  }
0x3d5: {  	v49 =	vld.idx.msk [tilespmem:v10+s14+$0x0], $0xffff;
	v48 =	vadd.s32 s2, v0;
	v13 =	vor.u32 v2, v13  }
0x3d6: {  	s31 =	sadd.s32 $0x3, s1;
	v50 =	vld.idx.msk [tilespmem:v8+s13+$0x0], $0xffff;
	v11 =	vand.u32 $0x1F, v48;
	v5 =	vmul.f32 v12, v5;
	v3 =	vadd.f32 v4, v3  }
0x3d7: {  	v52 =	vld.idx.msk [tilespmem:v8+s14+$0x0], $0xffff;
	v51 =	vadd.s32 s31, v0;
	v11 =	vor.u32 v2, v11  }
0x3d8: {  	v4 =	vand.u32 $0x1F, v51;
	v53 =	vld.idx.msk [tilespmem:v46+s13+$0x0], $0xffff;
	v54 =	vmul.f32 v6, v7;
	v3 =	vadd.f32 v5, v3  }
0x3d9: {  	v55 =	vld.idx.msk [tilespmem:v46+s14+$0x0], $0xffff;
	v2 =	vor.u32 v2, v4  }
0x3da: {  	v57 =	vmul.f32 v49, v47;
	v56 =	vld.idx.msk [tilespmem:v13+s13+$0x0], $0xffff;
	v3 =	vadd.f32 v54, v3  }
0x3db: {  	v58 =	vld.idx.msk [tilespmem:v13+s14+$0x0], $0xffff  }
0x3dc: {  	v60 =	vmul.f32 v52, v50;
	v59 =	vld.idx.msk [tilespmem:v11+s13+$0x0], $0xffff;
	v3 =	vadd.f32 v57, v3  }
0x3dd: {  	v61 =	vld.idx.msk [tilespmem:v11+s14+$0x0], $0xffff  }
0x3de: {  	v62 =	vld.idx.msk [tilespmem:v2+s13+$0x0], $0xffff;
	v6 =	vmul.f32 v55, v53;
	v3 =	vadd.f32 v60, v3  }
0x3df: {  	v2 =	vld.idx.msk [tilespmem:v2+s14+$0x0], $0xffff  }
0x3e0: {  	v4 =	vmul.f32 v58, v56;
	v3 =	vadd.f32 v6, v3;
	_ =	sdelay $0x1  }
0x3e1: {  	v63 =	vmul.f32 v61, v59;
	v3 =	vadd.f32 v4, v3;
	_ =	sdelay $0x1  }
0x3e2: {  	v2 =	vmul.f32 v2, v62;
	v3 =	vadd.f32 v63, v3;
	_ =	sdelay $0x1  }
0x3e3: {  	v2 =	vadd.f32 v2, v3;
	_ =	sdelay $0x1  }
0x3e4: {  	v2 =	vsub.f32 $0.0e+00, v2;
	_ =	sdelay $0x1  }
0x3e5: {  	v2 =	vmul.f32 $1.442695020e+00, v2;
	_ =	sdelay $0x1  }
0x3e6: {  	(erf) = vpow2.f32 v2;
	_ =	sdelay $0x8  }
0x3e7: {  	v2 =	vpop (erf)  }
0x3e8: {  	v2 =	vadd.f32 $1.000000000e+00, v2;
	_ =	sdelay $0x1  }
0x3e9: {  	(erf) = vrcp.f32 v2;
	_ =	sdelay $0x3  }
0x3ea: {  	s18 =	sadd.s32 $0x1, s18  }
0x3eb: {  	p0 =	sne.s32 s18, $0x8  }
.Ltmp11:
0x3ec: {  	_ = 	snop;
	(pc) =	sbr.rel @p0 .LBB2_22-.Ltmp11, $3  }
0x3ed: {  	_ =	sdelay $0x1  }
0x3ee: {  	s0 =	sand.u32 $0x3FFFFFF0, s0;
	v2 =	vpop (erf)  }
0x3ef: {  	[tilespmem:s0+$0x10580] =	vst v2  }
0x3f0: {  	s0 =	sld [smem:$0x7FC];
	_ =	sdelay $0x1  }
0x3f1: {  	s1 =	simm.s32 $0x10400  }
0x3f2: {  	[hbm4b:s0+s15] =	stream.linear.scatter [tilespmem:s1], [sflag:$0x3], $0x200, $0x38;
	[tilespmem:$0x10600] =	vst v63  }
0x3f3: {  	s1 =	simm.s32 $0x3  }
0x3f4: {  	_ =	swait.ge [sflag:s1], $0x200  }
0x3f5: {  	s2 =	sld [smem:$0x7FA]  }
0x3f6: {  	s31 =	sld [smem:$0x7FD];
	_ =	sdelay $0x1  }
0x3f7: {  	s2 =	sadd.s32 $0x1, s2  }
0x3f8: {  	p0 =	sne.s32 s2, s31  }
.Ltmp12:
0x3f9: {  	_ = 	snop;
	(pc) =	sbr.rel @p0 .LBB2_1-.Ltmp12, $3  }
0x3fa: {  	_ =	sdelay $0x1  }
0x3fb: {  	[sflag:s1] =	ssyncset.done $0x0  }
0x3fc: {  	[sflag:s1] =	ssyncadd.s32 $0xFFFFFE00  }
0x3fd: {  	_ =	sfence.sel $0x180000  }
0x3fe: {  	[bflag:$0x0] =	sbarrier.arrive $0xFFFF  }
0x3ff: {  	_ =	strace $0x90000047  }
0x400: {  	s0 =	stileid.u32;
	[bflag:$0x2] =	sbarrier.arrive $0xFFFF  }
0x401: {  	p0 =	sne.s32 s0, $0x0;
	s0 =	rddreg [dreg:$0x2]  }
0x402: {  	s0 =	sadd.s32 @!p0 $0x100000, s0  }
0x403: {  	[sflag:s0] =	ssyncadd.tile.s32 @!p0 $0x1;
	_ =	shalt  }
.Lfunc_end2:
_tile_overlayer_lowered:
.L_overlay_start_2:
0x404: {  	(tag) =	ssettag $0x2  }
0x405: {  	s0 =	rddreg [dreg:$0x0];
	s2 =	stileid.u32  }
0x406: {  	s1 =	rddreg [dreg:$0x1];
	p0 =	sne.s32 s2, $0x0  }
0x407: {  	s3 =	rddreg [dreg:$0x2];
	[bflag:$0x3] =	sbarrier.arrive $0xFFFF;
	s2 =	simm.s32 @!p0 $0x1C03  }
0x408: {  	[timem:s3], [sflag:s2] =	dma.local @!p0 [hbm:s0], s1  }
0x409: {  	s0 =	simm.s32 @!p0 $0x3  }
0x40a: {  	_ =	swait.ge @!p0 [sflag:s0], s1  }
0x40b: {  	s1 =	ssub.s32 @!p0 $0x0, s1;
	[sflag:s0] =	ssyncset.done @!p0 $0x0  }
0x40c: {  	[sflag:s0] =	ssyncadd.s32 @!p0 s1  }
0x40d: {  	[bflag:$0x3] =	sbarrier.arrive $0xFFFF  }
0x40e: {  	_ =	shalt  }

</sc_bundles>
